<compile_context>
chip_gen: v7x
topology: tpu7x:2x2x1
jax: 0.10.2.dev20260603
libtpu: 0.0.44.dev20260713+nightly
codegen_flags: <defaults>
</compile_context>

<pallas_src>
import functools

import jax
import jax.numpy as jnp
from jax import lax
from jax.experimental import pallas as pl
from jax.experimental.pallas import tpu as pltpu
from jax.experimental.pallas import tpu_sc as plsc

N = 10000
NP = 10240
E = 320000
D = 128
DO = 16
NC = 2
NS = 16
K = 80
NB = 125
NDB = 250
ROWS_T = 640
ROWS_W = 320

_f32 = jnp.float32
_i32 = jnp.int32


def _zeros16():
    return jnp.zeros((16,), _f32)


def _splat_i(val):
    return jnp.full((16,), val, dtype=_i32)


def _frsqrt(d):
    i = lax.bitcast_convert_type(d, _i32)
    i = jnp.full((16,), 0x5F3759DF, dtype=_i32) - (i >> 1)
    y = lax.bitcast_convert_type(i, _f32)
    for _ in range(3):
        y = y * (1.5 - 0.5 * d * y * y)
    return y


def _sc1_body(xw1a, xw1b, srcc, dstc, ewc,
              acc1, norm, invd,
              sbuf, dbuf, wbuf, nbuf, dloc, rowb, zbuf, t640, ibuf,
              acc_sh, deg_sh, dis_sh, semg, sems):
    c = lax.axis_index("c")
    s = lax.axis_index("s")
    w = c * NS + s
    ns0 = s * ROWS_T

    def _zrow(i, _):
        for u in range(4):
            zbuf[i, pl.ds(u * 16, 16)] = _zeros16()
        return 0
    lax.fori_loop(0, 128, _zrow, 0)

    def _z640(i, _):
        t640[pl.ds(i * 16, 16)] = _zeros16()
        return 0
    lax.fori_loop(0, 40, _z640, 0)

    pltpu.sync_copy(t640, deg_sh.at[pl.ds(ns0, ROWS_T)])
    plsc.subcore_barrier()

    for v in range(2):
        pltpu.sync_copy(dstc.at[2 * s + v], dbuf)
        pltpu.sync_copy(ewc.at[2 * s + v], wbuf)
        for g in range(5):
            def _fire(b, _):
                pltpu.async_copy(wbuf.at[b], deg_sh.at[dbuf.at[b]], sems,
                                 add=True)
                return 0
            lax.fori_loop(g * 25, (g + 1) * 25, _fire, 0)

            def _drain(b, _):
                pltpu.make_async_copy(wbuf.at[0], deg_sh.at[dbuf.at[0]],
                                      sems).wait()
                return 0
            lax.fori_loop(0, 25, _drain, 0)
    plsc.subcore_barrier()

    pltpu.sync_copy(deg_sh.at[pl.ds(ns0, ROWS_T)], t640)

    def _dis(k, _):
        d16 = t640[pl.ds(k * 16, 16)] + 1.0
        y = _frsqrt(d16)
        dloc[pl.ds(ns0 + k * 16, 16)] = y
        t640[pl.ds(k * 16, 16)] = y * y
        return 0
    lax.fori_loop(0, 40, _dis, 0)
    pltpu.sync_copy(dloc.at[pl.ds(ns0, ROWS_T)], dis_sh.at[pl.ds(ns0, ROWS_T)])

    @pl.when(c == 0)
    def _():
        pltpu.sync_copy(t640, invd.at[pl.ds(ns0, ROWS_T)])

    plsc.subcore_barrier()
    pltpu.sync_copy(dis_sh, dloc)

    pltpu.sync_copy(srcc.at[w], sbuf)
    pltpu.sync_copy(dstc.at[w], dbuf)
    pltpu.sync_copy(ewc.at[w], wbuf)

    def _norm(b, _):
        for u in range(5):
            sv = sbuf[b, pl.ds(u * 16, 16)]
            dv = dbuf[b, pl.ds(u * 16, 16)]
            wv = wbuf[b, pl.ds(u * 16, 16)]
            nv = plsc.load_gather(dloc, [sv]) * wv * plsc.load_gather(dloc, [dv])
            nbuf[b, pl.ds(u * 16, 16)] = nv
        return 0
    lax.fori_loop(0, NB, _norm, 0)
    pltpu.sync_copy(nbuf, norm.at[w])

    node0 = c * (NP // 2) + s * ROWS_W
    for half, xwh in ((0, xw1a), (1, xw1b)):
        for k in range(5):
            pltpu.sync_copy(zbuf, acc_sh.at[pl.ds(ns0 + k * 128, 128), :])
        plsc.subcore_barrier()

        def _edge_batch(b, _):
            pltpu.async_copy(xwh.at[sbuf.at[b]], rowb, semg).wait()

            def _scale(jj, _):
                sc = plsc.load_gather(nbuf, [_splat_i(b), _splat_i(jj)])
                for u in range(4):
                    rowb[jj, pl.ds(u * 16, 16)] = rowb[jj, pl.ds(u * 16, 16)] * sc
                return 0
            lax.fori_loop(0, K, _scale, 0)
            pltpu.async_copy(rowb, acc_sh.at[dbuf.at[b]], sems, add=True).wait()
            return 0
        lax.fori_loop(0, NB, _edge_batch, 0)

        for k in range(4):
            base = node0 + k * K
            pltpu.sync_copy(xwh.at[pl.ds(base, K), :], rowb)
            for u in range(5):
                ibuf[k, pl.ds(u * 16, 16)] = lax.iota(_i32, 16) + (base + u * 16)

            def _selfscale(jj, _):
                sp = plsc.load_gather(dloc, [_splat_i(base + jj)])
                sp = sp * sp
                for u in range(4):
                    rowb[jj, pl.ds(u * 16, 16)] = rowb[jj, pl.ds(u * 16, 16)] * sp
                return 0
            lax.fori_loop(0, K, _selfscale, 0)
            pltpu.async_copy(rowb, acc_sh.at[ibuf.at[k]], sems, add=True).wait()

        plsc.subcore_barrier()
        pltpu.sync_copy(acc_sh.at[pl.ds(ns0, ROWS_T), :],
                        acc1.at[c, half, pl.ds(ns0, ROWS_T), :])


def _sc2_body(hw2, srcc, dstc, normr, invd,
              acc2,
              sbuf, dbuf, nb2, ivloc, rowb, zb,
              acc_sh, semg, sems):
    c = lax.axis_index("c")
    s = lax.axis_index("s")
    w = c * NS + s
    ns0 = s * ROWS_T

    def _zrow(i, _):
        zb[i, :] = _zeros16()
        return 0
    lax.fori_loop(0, K, _zrow, 0)
    for k in range(8):
        pltpu.sync_copy(zb, acc_sh.at[pl.ds(ns0 + k * K, K), :])
    plsc.subcore_barrier()

    pltpu.sync_copy(srcc.at[w], sbuf)
    pltpu.sync_copy(dstc.at[w], dbuf)
    pltpu.sync_copy(normr.at[w], nb2)
    pltpu.sync_copy(invd, ivloc)

    def _edge_batch(b, _):
        pltpu.async_copy(hw2.at[sbuf.at[b]], rowb, semg).wait()

        def _scale(jj, _):
            sc = plsc.load_gather(nb2, [_splat_i(b), _splat_i(jj)])
            rowb[jj, :] = rowb[jj, :] * sc
            return 0
        lax.fori_loop(0, K, _scale, 0)
        pltpu.async_copy(rowb, acc_sh.at[dbuf.at[b]], sems, add=True).wait()
        return 0
    lax.fori_loop(0, NB, _edge_batch, 0)

    node0 = c * (NP // 2) + s * ROWS_W
    for k in range(4):
        base = node0 + k * K
        pltpu.sync_copy(hw2.at[pl.ds(base, K), :], rowb)
        for u in range(5):
            sbuf[k, pl.ds(u * 16, 16)] = lax.iota(_i32, 16) + (base + u * 16)

        def _selfscale(jj, _):
            sp = plsc.load_gather(ivloc, [_splat_i(base + jj)])
            rowb[jj, :] = rowb[jj, :] * sp
            return 0
        lax.fori_loop(0, K, _selfscale, 0)
        pltpu.async_copy(rowb, acc_sh.at[sbuf.at[k]], sems, add=True).wait()

    plsc.subcore_barrier()
    pltpu.sync_copy(acc_sh.at[pl.ds(ns0, ROWS_T), :],
                    acc2.at[c, pl.ds(ns0, ROWS_T), :])


_SC_MESH = plsc.VectorSubcoreMesh(core_axis_name="c", subcore_axis_name="s")
_SC_PARAMS = pltpu.CompilerParams(needs_layout_passes=False,
                                  use_tc_tiling_on_sc=False)

_sc1 = pl.kernel(
    _sc1_body,
    compiler_params=_SC_PARAMS,
    out_type=[
        jax.ShapeDtypeStruct((NC, 2, NP, D // 2), _f32),
        jax.ShapeDtypeStruct((NC * NS, NB, K), _f32),
        jax.ShapeDtypeStruct((NP,), _f32),
    ],
    mesh=_SC_MESH,
    scratch_types=[
        pltpu.VMEM((NB, K), _i32),
        pltpu.VMEM((NB, K), _i32),
        pltpu.VMEM((NB, K), _f32),
        pltpu.VMEM((NB, K), _f32),
        pltpu.VMEM((NP,), _f32),
        pltpu.VMEM((K, D // 2), _f32),
        pltpu.VMEM((128, D // 2), _f32),
        pltpu.VMEM((ROWS_T,), _f32),
        pltpu.VMEM((4, K), _i32),
        pltpu.VMEM_SHARED((NP, D // 2), _f32),
        pltpu.VMEM_SHARED((NP,), _f32),
        pltpu.VMEM_SHARED((NP,), _f32),
        pltpu.SemaphoreType.DMA,
        pltpu.SemaphoreType.DMA,
    ],
)

_sc2 = pl.kernel(
    _sc2_body,
    compiler_params=_SC_PARAMS,
    out_type=jax.ShapeDtypeStruct((NC, NP, DO), _f32),
    mesh=_SC_MESH,
    scratch_types=[
        pltpu.VMEM((NB, K), _i32),
        pltpu.VMEM((NB, K), _i32),
        pltpu.VMEM((NB, K), _f32),
        pltpu.VMEM((NP,), _f32),
        pltpu.VMEM((K, DO), _f32),
        pltpu.VMEM((K, DO), _f32),
        pltpu.VMEM_SHARED((NP, DO), _f32),
        pltpu.SemaphoreType.DMA,
        pltpu.SemaphoreType.DMA,
    ],
)


_BLK = 512
_NBLK = NP // _BLK


def _mm_body(x_ref, w_ref, oa_ref, ob_ref):
    xw = jnp.dot(x_ref[...], w_ref[...], preferred_element_type=_f32)
    oa_ref[...] = xw[:, : D // 2]
    ob_ref[...] = xw[:, D // 2:]


def _tc_xw1(xp, W1):
    return pl.pallas_call(
        _mm_body,
        grid=(_NBLK,),
        in_specs=[
            pl.BlockSpec((_BLK, D), lambda i: (i, 0)),
            pl.BlockSpec((D, D), lambda i: (0, 0)),
        ],
        out_specs=[
            pl.BlockSpec((_BLK, D // 2), lambda i: (i, 0)),
            pl.BlockSpec((_BLK, D // 2), lambda i: (i, 0)),
        ],
        out_shape=[
            jax.ShapeDtypeStruct((NP, D // 2), _f32),
            jax.ShapeDtypeStruct((NP, D // 2), _f32),
        ],
    )(xp, W1)


def _relu_mm_body(acc_ref, b1_ref, w2_ref, o_ref):
    ha = jnp.maximum(acc_ref[0, 0] + acc_ref[1, 0] + b1_ref[:, : D // 2], 0.0)
    hb = jnp.maximum(acc_ref[0, 1] + acc_ref[1, 1] + b1_ref[:, D // 2:], 0.0)
    o_ref[...] = (
        jnp.dot(ha, w2_ref[: D // 2], preferred_element_type=_f32)
        + jnp.dot(hb, w2_ref[D // 2:], preferred_element_type=_f32)
    )


def _tc_hw2(acc1, b1r, W2p):
    return pl.pallas_call(
        _relu_mm_body,
        grid=(_NBLK,),
        in_specs=[
            pl.BlockSpec((NC, 2, _BLK, D // 2), lambda i: (0, 0, i, 0)),
            pl.BlockSpec((1, D), lambda i: (0, 0)),
            pl.BlockSpec((D, DO), lambda i: (0, 0)),
        ],
        out_specs=pl.BlockSpec((_BLK, DO), lambda i: (i, 0)),
        out_shape=jax.ShapeDtypeStruct((NP, DO), _f32),
    )(acc1, b1r, W2p)


def _sum_body(acc_ref, b2_ref, o_ref):
    o_ref[...] = acc_ref[0] + acc_ref[1] + b2_ref[...]


def _tc_out(acc2, b2r):
    return pl.pallas_call(
        _sum_body,
        grid=(_NBLK,),
        in_specs=[
            pl.BlockSpec((NC, _BLK, DO), lambda i: (0, i, 0)),
            pl.BlockSpec((1, DO), lambda i: (0, 0)),
        ],
        out_specs=pl.BlockSpec((_BLK, DO), lambda i: (i, 0)),
        out_shape=jax.ShapeDtypeStruct((NP, DO), _f32),
    )(acc2, b2r)


@jax.jit
def kernel(x, edge_index, edge_weight, W1, b1, W2, b2):
    src = edge_index[0]
    dst = edge_index[1]
    srcc = src.reshape(NC * NS, NB, K)
    dstc = dst.reshape(NC * NS, NB, K)
    ewc = edge_weight.reshape(NC * NS, NB, K)
    xp = jnp.pad(x, ((0, NP - N), (0, 0)))

    xw1a, xw1b = _tc_xw1(xp, W1)
    acc1, norm, invd = _sc1(xw1a, xw1b, srcc, dstc, ewc)

    hw2 = _tc_hw2(acc1, b1.reshape(1, D), jnp.pad(W2, ((0, 0), (0, DO - 5))))
    acc2 = _sc2(hw2, srcc, dstc, norm, invd)

    outp = _tc_out(acc2, jnp.pad(b2, (0, DO - 5)).reshape(1, DO))
    return outp[:N, :5]

# --- scband reference (transcript-rebuilt; emitter-appended) ---
"""Pipeline reference for scband-graph-conditional-encoder-7086696038791 (READ-ONLY COPY).

The authoritative reference and input builder live on the scoring server;
editing this copy changes nothing except your own understanding.
"""

import jax, jax.numpy as jnp
import numpy as np

N_NODES = 10000
N_EDGES = 320000
D_IN = 128
D_HID = 128
N_FACTORS = 5


def gcn_conv(x, edge_index, edge_weight, W, b):
    # PyG-style GCNConv: add self-loops, symmetric normalization, then
    # out = D^{-1/2} (A + I) D^{-1/2} (x @ W) + b
    N = x.shape[0]
    src = edge_index[0]
    dst = edge_index[1]
    loop = jnp.arange(N, dtype=src.dtype)
    src2 = jnp.concatenate([src, loop])
    dst2 = jnp.concatenate([dst, loop])
    ew2 = jnp.concatenate([edge_weight, jnp.ones((N,), dtype=edge_weight.dtype)])
    deg = jnp.zeros((N,), dtype=x.dtype).at[dst2].add(ew2)
    deg_inv_sqrt = jnp.where(deg > 0, jax.lax.rsqrt(jnp.where(deg > 0, deg, 1.0)), 0.0)
    norm = deg_inv_sqrt[src2] * ew2 * deg_inv_sqrt[dst2]
    xw = x @ W
    msg = xw[src2] * norm[:, None]
    out = jnp.zeros((N, W.shape[1]), dtype=x.dtype).at[dst2].add(msg)
    return out + b


def setup_inputs(seed: int = 0) -> dict:
    key = jax.random.key(seed)
    k1, k2, k3, k4, k5, k6, k7 = jax.random.split(key, 7)
    x = jax.random.normal(k1, (N_NODES, D_IN), dtype=jnp.float32)
    edge_index = jax.random.randint(k2, (2, N_EDGES), 0, N_NODES).astype(jnp.int32)
    edge_weight = jax.random.uniform(k3, (N_EDGES,), dtype=jnp.float32)
    W1 = jax.random.normal(k4, (D_IN, D_HID), dtype=jnp.float32) * (1.0 / np.sqrt(D_IN))
    b1 = jnp.zeros((D_HID,), dtype=jnp.float32)
    W2 = jax.random.normal(k5, (D_HID, N_FACTORS), dtype=jnp.float32) * (1.0 / np.sqrt(D_HID))
    b2 = jnp.zeros((N_FACTORS,), dtype=jnp.float32)
    return {"x": x, "edge_index": edge_index, "edge_weight": edge_weight,
            "W1": W1, "b1": b1, "W2": W2, "b2": b2}


def reference(x, edge_index, edge_weight, W1, b1, W2, b2):
    # conv1 -> ReLU -> (dropout is identity at inference) -> conv2
    h = gcn_conv(x, edge_index, edge_weight, W1, b1)
    h = jax.nn.relu(h)
    out = gcn_conv(h, edge_index, edge_weight, W2, b2)
    return out

if __name__ == "__main__":
    import jax
    _d = setup_inputs()
    print(jax.jit(kernel)(*tuple(_d.values())))

</pallas_src>

<mosaic_0001>
#map = affine_map<(d0, d1) -> (0, 0)>
#map1 = affine_map<(d0, d1) -> (0, 0, 0)>
#map2 = affine_map<(d0, d1) -> (0, 0, 0, 0)>
#map3 = affine_map<(d0, d1) -> (0)>
module attributes {stable_mosaic.version = 14 : i64} {
  func.func @_sc1_body(%arg0: i32, %arg1: i32, %arg2: memref<10240x64xf32, #tpu.memory_space<hbm>>, %arg3: memref<10240x64xf32, #tpu.memory_space<hbm>>, %arg4: memref<32x125x80xi32, #tpu.memory_space<hbm>>, %arg5: memref<32x125x80xi32, #tpu.memory_space<hbm>>, %arg6: memref<32x125x80xf32, #tpu.memory_space<hbm>>, %arg7: memref<2x2x10240x64xf32, #tpu.memory_space<hbm>>, %arg8: memref<32x125x80xf32, #tpu.memory_space<hbm>>, %arg9: memref<10240xf32, #tpu.memory_space<hbm>>, %arg10: memref<125x80xi32, #tpu.memory_space<vmem>>, %arg11: memref<125x80xi32, #tpu.memory_space<vmem>>, %arg12: memref<125x80xf32, #tpu.memory_space<vmem>>, %arg13: memref<125x80xf32, #tpu.memory_space<vmem>>, %arg14: memref<10240xf32, #tpu.memory_space<vmem>>, %arg15: memref<80x64xf32, #tpu.memory_space<vmem>>, %arg16: memref<128x64xf32, #tpu.memory_space<vmem>>, %arg17: memref<640xf32, #tpu.memory_space<vmem>>, %arg18: memref<4x80xi32, #tpu.memory_space<vmem>>, %arg19: memref<10240x64xf32, #tpu.memory_space<vmem_shared>>, %arg20: memref<10240xf32, #tpu.memory_space<vmem_shared>>, %arg21: memref<10240xf32, #tpu.memory_space<vmem_shared>>, %arg22: memref<!tpu.dma_semaphore, #tpu.memory_space<semaphore_mem>>, %arg23: memref<!tpu.dma_semaphore, #tpu.memory_space<semaphore_mem>>) attributes {dimension_semantics = [#tpu.dimension_semantics<core_parallel>, #tpu.dimension_semantics<subcore_parallel>], iteration_bounds = array<i64: 2, 16>, scalar_prefetch = 0 : i64, scratch_operands = 14 : i64, tpu.core_type = #tpu.core_type<sc_vector_subcore>, window_params = [{transform_indices = #map}, {transform_indices = #map}, {transform_indices = #map1}, {transform_indices = #map1}, {transform_indices = #map1}, {transform_indices = #map2}, {transform_indices = #map1}, {transform_indices = #map3}]} {
    %mul3A = arith.constant 16 : i32
    %mul3A_0 = arith.muli %arg0, %mul3A : i32
    %add3A = arith.addi %mul3A_0, %arg1 : i32
    %mul3A_1 = arith.constant 640 : i32
    %mul3A_2 = arith.muli %arg1, %mul3A_1 : i32
    %scan3A = arith.constant 0 : i32
    %scan3A_3 = arith.constant 0 : i32
    %scan3A_4 = arith.constant 128 : i32
    %scan3A_5 = arith.addi %scan3A_3, %scan3A_4 : i32
    %scan3A_6 = arith.constant 1 : i32
    %scan3A_7 = scf.for %scan3A_774 = %scan3A_3 to %scan3A_5 step %scan3A_6 iter_args(%scan3A_775 = %scan3A) -> (i32)  : i32 {
      %broadcast_in_dim3A = arith.constant 0.000000e+00 : f32
      %broadcast_in_dim3A_776 = vector.broadcast %broadcast_in_dim3A : f32 to vector<16xf32>
      %swap3A_777 = arith.index_cast %scan3A_774 : i32 to index
      %swap3A_778 = arith.constant 0 : index
      %swap3A_779 = tpu.vector_load %arg16[%swap3A_777, %swap3A_778] {strides = array<i32>} : memref<128x64xf32, #tpu.memory_space<vmem>>, vector<16xf32>,
      tpu.vector_store %arg16[%swap3A_777, %swap3A_778], %broadcast_in_dim3A_776 {strides = array<i32>} : memref<128x64xf32, #tpu.memory_space<vmem>>, vector<16xf32>,
      %broadcast_in_dim3A_780 = arith.constant 0.000000e+00 : f32
      %broadcast_in_dim3A_781 = vector.broadcast %broadcast_in_dim3A_780 : f32 to vector<16xf32>
      %swap3A_782 = arith.index_cast %scan3A_774 : i32 to index
      %swap3A_783 = arith.constant 16 : index
      %swap3A_784 = tpu.vector_load %arg16[%swap3A_782, %swap3A_783] {strides = array<i32>} : memref<128x64xf32, #tpu.memory_space<vmem>>, vector<16xf32>,
      tpu.vector_store %arg16[%swap3A_782, %swap3A_783], %broadcast_in_dim3A_781 {strides = array<i32>} : memref<128x64xf32, #tpu.memory_space<vmem>>, vector<16xf32>,
      %broadcast_in_dim3A_785 = arith.constant 0.000000e+00 : f32
      %broadcast_in_dim3A_786 = vector.broadcast %broadcast_in_dim3A_785 : f32 to vector<16xf32>
      %swap3A_787 = arith.index_cast %scan3A_774 : i32 to index
      %swap3A_788 = arith.constant 32 : index
      %swap3A_789 = tpu.vector_load %arg16[%swap3A_787, %swap3A_788] {strides = array<i32>} : memref<128x64xf32, #tpu.memory_space<vmem>>, vector<16xf32>,
      tpu.vector_store %arg16[%swap3A_787, %swap3A_788], %broadcast_in_dim3A_786 {strides = array<i32>} : memref<128x64xf32, #tpu.memory_space<vmem>>, vector<16xf32>,
      %broadcast_in_dim3A_790 = arith.constant 0.000000e+00 : f32
      %broadcast_in_dim3A_791 = vector.broadcast %broadcast_in_dim3A_790 : f32 to vector<16xf32>
      %swap3A_792 = arith.index_cast %scan3A_774 : i32 to index
      %swap3A_793 = arith.constant 48 : index
      %swap3A_794 = tpu.vector_load %arg16[%swap3A_792, %swap3A_793] {strides = array<i32>} : memref<128x64xf32, #tpu.memory_space<vmem>>, vector<16xf32>,
      tpu.vector_store %arg16[%swap3A_792, %swap3A_793], %broadcast_in_dim3A_791 {strides = array<i32>} : memref<128x64xf32, #tpu.memory_space<vmem>>, vector<16xf32>,
      %scan3A_795 = arith.constant 0 : i32
      scf.yield %scan3A_795 : i32
    }
    %scan3A_8 = arith.constant 128 : i32
    %scan3A_9 = arith.constant 0 : i32
    %scan3A_10 = arith.constant 0 : i32
    %scan3A_11 = arith.constant 40 : i32
    %scan3A_12 = arith.addi %scan3A_10, %scan3A_11 : i32
    %scan3A_13 = arith.constant 1 : i32
    %scan3A_14 = scf.for %scan3A_774 = %scan3A_10 to %scan3A_12 step %scan3A_13 iter_args(%scan3A_775 = %scan3A_9) -> (i32)  : i32 {
      %broadcast_in_dim3A = arith.constant 0.000000e+00 : f32
      %broadcast_in_dim3A_776 = vector.broadcast %broadcast_in_dim3A : f32 to vector<16xf32>
      %mul3A_777 = arith.constant 16 : i32
      %mul3A_778 = arith.muli %scan3A_774, %mul3A_777 : i32
      %swap3A_779 = arith.index_cast %mul3A_778 : i32 to index
      %swap3A_780 = tpu.vector_load %arg17[%swap3A_779] {strides = array<i32>} : memref<640xf32, #tpu.memory_space<vmem>>, vector<16xf32>,
      tpu.vector_store %arg17[%swap3A_779], %broadcast_in_dim3A_776 {strides = array<i32>} : memref<640xf32, #tpu.memory_space<vmem>>, vector<16xf32>,
      %scan3A_781 = arith.constant 0 : i32
      scf.yield %scan3A_781 : i32
    }
    %scan3A_15 = arith.constant 40 : i32
    "tpu.region"() ({
      %run_scoped3A_774 = tpu.sem_alloc : memref<!tpu.dma_semaphore, #tpu.memory_space<semaphore_mem>>
      %dma_start3A_775 = tpu.memref_slice %arg20[%mul3A_2] : memref<10240xf32, #tpu.memory_space<vmem_shared>> -> memref<640xf32, #tpu.memory_space<vmem_shared>>
      %dma_start3A_776 = tpu.memref_slice %arg20[%mul3A_2] : memref<10240xf32, #tpu.memory_space<vmem_shared>> -> memref<640xf32, #tpu.memory_space<vmem_shared>>
      tpu.enqueue_dma source(%arg17 : memref<640xf32, #tpu.memory_space<vmem>>) target(%dma_start3A_776 : memref<640xf32, #tpu.memory_space<vmem_shared>>) target_semaphore(%run_scoped3A_774 : memref<!tpu.dma_semaphore, #tpu.memory_space<semaphore_mem>>)
      %dma_wait3A_777 = tpu.memref_slice %arg20[%mul3A_2] : memref<10240xf32, #tpu.memory_space<vmem_shared>> -> memref<640xf32, #tpu.memory_space<vmem_shared>>
      %dma_wait3A_778 = tpu.memref_slice %arg20[%mul3A_2] : memref<10240xf32, #tpu.memory_space<vmem_shared>> -> memref<640xf32, #tpu.memory_space<vmem_shared>>
      tpu.wait_dma2 semaphore(%run_scoped3A_774 : memref<!tpu.dma_semaphore, #tpu.memory_space<semaphore_mem>>) src(%arg17 : memref<640xf32, #tpu.memory_space<vmem>>) dst(%dma_wait3A_778 : memref<640xf32, #tpu.memory_space<vmem_shared>>)
      tpu.yield
    }) : () -> ()
    %barrier3A = arith.constant 0 : index
    tpu.barrier barrier_id(%barrier3A)
    %mul3A_16 = arith.constant 2 : i32
    %mul3A_17 = arith.muli %mul3A_16, %arg1 : i32
    %add3A_18 = arith.constant 0 : i32
    %add3A_19 = arith.addi %mul3A_17, %add3A_18 : i32
    "tpu.region"() ({
      %run_scoped3A_774 = tpu.sem_alloc : memref<!tpu.dma_semaphore, #tpu.memory_space<semaphore_mem>>
      %dma_start3A_775 = arith.constant 0 : i32
      %dma_start3A_776 = arith.constant 0 : i32
      %dma_start3A_777 = tpu.memref_slice %arg5[%add3A_19, %dma_start3A_775, %dma_start3A_776] : memref<32x125x80xi32, #tpu.memory_space<hbm>> -> memref<1x125x80xi32, #tpu.memory_space<hbm>>
      %dma_start3A_778 = tpu.memref_squeeze %dma_start3A_777 : memref<1x125x80xi32, #tpu.memory_space<hbm>> -> memref<125x80xi32, #tpu.memory_space<hbm>>
      %dma_start3A_779 = arith.constant 0 : i32
      %dma_start3A_780 = arith.constant 0 : i32
      %dma_start3A_781 = tpu.memref_slice %arg5[%add3A_19, %dma_start3A_779, %dma_start3A_780] : memref<32x125x80xi32, #tpu.memory_space<hbm>> -> memref<1x125x80xi32, #tpu.memory_space<hbm>>
      %dma_start3A_782 = tpu.memref_squeeze %dma_start3A_781 : memref<1x125x80xi32, #tpu.memory_space<hbm>> -> memref<125x80xi32, #tpu.memory_space<hbm>>
      tpu.enqueue_dma source(%dma_start3A_782 : memref<125x80xi32, #tpu.memory_space<hbm>>) target(%arg11 : memref<125x80xi32, #tpu.memory_space<vmem>>) target_semaphore(%run_scoped3A_774 : memref<!tpu.dma_semaphore, #tpu.memory_space<semaphore_mem>>)
      %dma_wait3A_783 = arith.constant 0 : i32
      %dma_wait3A_784 = arith.constant 0 : i32
      %dma_wait3A_785 = tpu.memref_slice %arg5[%add3A_19, %dma_wait3A_783, %dma_wait3A_784] : memref<32x125x80xi32, #tpu.memory_space<hbm>> -> memref<1x125x80xi32, #tpu.memory_space<hbm>>
      %dma_wait3A_786 = tpu.memref_squeeze %dma_wait3A_785 : memref<1x125x80xi32, #tpu.memory_space<hbm>> -> memref<125x80xi32, #tpu.memory_space<hbm>>
      %dma_wait3A_787 = arith.constant 0 : i32
      %dma_wait3A_788 = arith.constant 0 : i32
      %dma_wait3A_789 = tpu.memref_slice %arg5[%add3A_19, %dma_wait3A_787, %dma_wait3A_788] : memref<32x125x80xi32, #tpu.memory_space<hbm>> -> memref<1x125x80xi32, #tpu.memory_space<hbm>>
      %dma_wait3A_790 = tpu.memref_squeeze %dma_wait3A_789 : memref<1x125x80xi32, #tpu.memory_space<hbm>> -> memref<125x80xi32, #tpu.memory_space<hbm>>
      tpu.wait_dma2 semaphore(%run_scoped3A_774 : memref<!tpu.dma_semaphore, #tpu.memory_space<semaphore_mem>>) src(%dma_wait3A_790 : memref<125x80xi32, #tpu.memory_space<hbm>>) dst(%arg11 : memref<125x80xi32, #tpu.memory_space<vmem>>)
      tpu.yield
    }) : () -> ()
    %mul3A_20 = arith.constant 2 : i32
    %mul3A_21 = arith.muli %mul3A_20, %arg1 : i32
    %add3A_22 = arith.constant 0 : i32
    %add3A_23 = arith.addi %mul3A_21, %add3A_22 : i32
    "tpu.region"() ({
      %run_scoped3A_774 = tpu.sem_alloc : memref<!tpu.dma_semaphore, #tpu.memory_space<semaphore_mem>>
      %dma_start3A_775 = arith.constant 0 : i32
      %dma_start3A_776 = arith.constant 0 : i32
      %dma_start3A_777 = tpu.memref_slice %arg6[%add3A_23, %dma_start3A_775, %dma_start3A_776] : memref<32x125x80xf32, #tpu.memory_space<hbm>> -> memref<1x125x80xf32, #tpu.memory_space<hbm>>
      %dma_start3A_778 = tpu.memref_squeeze %dma_start3A_777 : memref<1x125x80xf32, #tpu.memory_space<hbm>> -> memref<125x80xf32, #tpu.memory_space<hbm>>
      %dma_start3A_779 = arith.constant 0 : i32
      %dma_start3A_780 = arith.constant 0 : i32
      %dma_start3A_781 = tpu.memref_slice %arg6[%add3A_23, %dma_start3A_779, %dma_start3A_780] : memref<32x125x80xf32, #tpu.memory_space<hbm>> -> memref<1x125x80xf32, #tpu.memory_space<hbm>>
      %dma_start3A_782 = tpu.memref_squeeze %dma_start3A_781 : memref<1x125x80xf32, #tpu.memory_space<hbm>> -> memref<125x80xf32, #tpu.memory_space<hbm>>
      tpu.enqueue_dma source(%dma_start3A_782 : memref<125x80xf32, #tpu.memory_space<hbm>>) target(%arg12 : memref<125x80xf32, #tpu.memory_space<vmem>>) target_semaphore(%run_scoped3A_774 : memref<!tpu.dma_semaphore, #tpu.memory_space<semaphore_mem>>)
      %dma_wait3A_783 = arith.constant 0 : i32
      %dma_wait3A_784 = arith.constant 0 : i32
      %dma_wait3A_785 = tpu.memref_slice %arg6[%add3A_23, %dma_wait3A_783, %dma_wait3A_784] : memref<32x125x80xf32, #tpu.memory_space<hbm>> -> memref<1x125x80xf32, #tpu.memory_space<hbm>>
      %dma_wait3A_786 = tpu.memref_squeeze %dma_wait3A_785 : memref<1x125x80xf32, #tpu.memory_space<hbm>> -> memref<125x80xf32, #tpu.memory_space<hbm>>
      %dma_wait3A_787 = arith.constant 0 : i32
      %dma_wait3A_788 = arith.constant 0 : i32
      %dma_wait3A_789 = tpu.memref_slice %arg6[%add3A_23, %dma_wait3A_787, %dma_wait3A_788] : memref<32x125x80xf32, #tpu.memory_space<hbm>> -> memref<1x125x80xf32, #tpu.memory_space<hbm>>
      %dma_wait3A_790 = tpu.memref_squeeze %dma_wait3A_789 : memref<1x125x80xf32, #tpu.memory_space<hbm>> -> memref<125x80xf32, #tpu.memory_space<hbm>>
      tpu.wait_dma2 semaphore(%run_scoped3A_774 : memref<!tpu.dma_semaphore, #tpu.memory_space<semaphore_mem>>) src(%dma_wait3A_790 : memref<125x80xf32, #tpu.memory_space<hbm>>) dst(%arg12 : memref<125x80xf32, #tpu.memory_space<vmem>>)
      tpu.yield
    }) : () -> ()
    %scan3A_24 = arith.constant 0 : i32
    %scan3A_25 = arith.constant 0 : i32
    %scan3A_26 = arith.constant 25 : i32
    %scan3A_27 = arith.addi %scan3A_25, %scan3A_26 : i32
    %scan3A_28 = arith.constant 1 : i32
    %scan3A_29 = scf.for %scan3A_774 = %scan3A_25 to %scan3A_27 step %scan3A_28 iter_args(%scan3A_775 = %scan3A_24) -> (i32)  : i32 {
      %dma_start3A_776 = arith.constant 0 : i32
      %dma_start3A_777 = tpu.memref_slice %arg12[%scan3A_774, %dma_start3A_776] : memref<125x80xf32, #tpu.memory_space<vmem>> -> memref<1x80xf32, #tpu.memory_space<vmem>>
      %dma_start3A_778 = tpu.memref_squeeze %dma_start3A_777 : memref<1x80xf32, #tpu.memory_space<vmem>> -> memref<80xf32, #tpu.memory_space<vmem>>
      %dma_start3A_779 = arith.constant 0 : i32
      %dma_start3A_780 = tpu.memref_slice %arg11[%scan3A_774, %dma_start3A_779] : memref<125x80xi32, #tpu.memory_space<vmem>> -> memref<1x80xi32, #tpu.memory_space<vmem>>
      %dma_start3A_781 = tpu.memref_squeeze %dma_start3A_780 : memref<1x80xi32, #tpu.memory_space<vmem>> -> memref<80xi32, #tpu.memory_space<vmem>>
      %dma_start3A_782 = arith.constant 0 : i32
      %dma_start3A_783 = tpu.memref_slice %arg20[%dma_start3A_782] : memref<10240xf32, #tpu.memory_space<vmem_shared>> -> memref<10240xf32, #tpu.memory_space<vmem_shared>>
      tpu.enqueue_indirect_dma source(%dma_start3A_778 : memref<80xf32, #tpu.memory_space<vmem>>) target(%dma_start3A_783 : memref<10240xf32, #tpu.memory_space<vmem_shared>>) offsets(%dma_start3A_781 : memref<80xi32, #tpu.memory_space<vmem>>) semaphore(%arg23 : memref<!tpu.dma_semaphore, #tpu.memory_space<semaphore_mem>>) {add = true}
      %scan3A_784 = arith.constant 0 : i32
      scf.yield %scan3A_784 : i32
    }
    %scan3A_30 = arith.constant 25 : i32
    %scan3A_31 = arith.constant 0 : i32
    %scan3A_32 = arith.constant 0 : i32
    %scan3A_33 = arith.constant 25 : i32
    %scan3A_34 = arith.addi %scan3A_32, %scan3A_33 : i32
    %scan3A_35 = arith.constant 1 : i32
    %scan3A_36 = scf.for %scan3A_774 = %scan3A_32 to %scan3A_34 step %scan3A_35 iter_args(%scan3A_775 = %scan3A_31) -> (i32)  : i32 {
      %dma_wait3A_776 = arith.constant 0 : i32
      %dma_wait3A_777 = arith.constant 0 : i32
      %dma_wait3A_778 = arith.constant 0 : i32
      %dma_wait3A_779 = tpu.memref_slice %arg12[%dma_wait3A_776, %dma_wait3A_778] : memref<125x80xf32, #tpu.memory_space<vmem>> -> memref<1x80xf32, #tpu.memory_space<vmem>>
      %dma_wait3A_780 = tpu.memref_squeeze %dma_wait3A_779 : memref<1x80xf32, #tpu.memory_space<vmem>> -> memref<80xf32, #tpu.memory_space<vmem>>
      %dma_wait3A_781 = arith.constant 0 : i32
      %dma_wait3A_782 = tpu.memref_slice %arg11[%dma_wait3A_777, %dma_wait3A_781] : memref<125x80xi32, #tpu.memory_space<vmem>> -> memref<1x80xi32, #tpu.memory_space<vmem>>
      %dma_wait3A_783 = tpu.memref_squeeze %dma_wait3A_782 : memref<1x80xi32, #tpu.memory_space<vmem>> -> memref<80xi32, #tpu.memory_space<vmem>>
      %dma_wait3A_784 = arith.constant 0 : i32
      %dma_wait3A_785 = tpu.memref_slice %arg20[%dma_wait3A_784] : memref<10240xf32, #tpu.memory_space<vmem_shared>> -> memref<10240xf32, #tpu.memory_space<vmem_shared>>
      tpu.wait_indirect_dma semaphore(%arg23 : memref<!tpu.dma_semaphore, #tpu.memory_space<semaphore_mem>>) src(%dma_wait3A_780 : memref<80xf32, #tpu.memory_space<vmem>>) dst(%dma_wait3A_785 : memref<10240xf32, #tpu.memory_space<vmem_shared>>)
      %scan3A_786 = arith.constant 0 : i32
      scf.yield %scan3A_786 : i32
    }
    %scan3A_37 = arith.constant 25 : i32
    %scan3A_38 = arith.constant 0 : i32
    %scan3A_39 = arith.constant 25 : i32
    %scan3A_40 = arith.constant 25 : i32
    %scan3A_41 = arith.addi %scan3A_39, %scan3A_40 : i32
    %scan3A_42 = arith.constant 1 : i32
    %scan3A_43 = scf.for %scan3A_774 = %scan3A_39 to %scan3A_41 step %scan3A_42 iter_args(%scan3A_775 = %scan3A_38) -> (i32)  : i32 {
      %dma_start3A_776 = arith.constant 0 : i32
      %dma_start3A_777 = tpu.memref_slice %arg12[%scan3A_774, %dma_start3A_776] : memref<125x80xf32, #tpu.memory_space<vmem>> -> memref<1x80xf32, #tpu.memory_space<vmem>>
      %dma_start3A_778 = tpu.memref_squeeze %dma_start3A_777 : memref<1x80xf32, #tpu.memory_space<vmem>> -> memref<80xf32, #tpu.memory_space<vmem>>
      %dma_start3A_779 = arith.constant 0 : i32
      %dma_start3A_780 = tpu.memref_slice %arg11[%scan3A_774, %dma_start3A_779] : memref<125x80xi32, #tpu.memory_space<vmem>> -> memref<1x80xi32, #tpu.memory_space<vmem>>
      %dma_start3A_781 = tpu.memref_squeeze %dma_start3A_780 : memref<1x80xi32, #tpu.memory_space<vmem>> -> memref<80xi32, #tpu.memory_space<vmem>>
      %dma_start3A_782 = arith.constant 0 : i32
      %dma_start3A_783 = tpu.memref_slice %arg20[%dma_start3A_782] : memref<10240xf32, #tpu.memory_space<vmem_shared>> -> memref<10240xf32, #tpu.memory_space<vmem_shared>>
      tpu.enqueue_indirect_dma source(%dma_start3A_778 : memref<80xf32, #tpu.memory_space<vmem>>) target(%dma_start3A_783 : memref<10240xf32, #tpu.memory_space<vmem_shared>>) offsets(%dma_start3A_781 : memref<80xi32, #tpu.memory_space<vmem>>) semaphore(%arg23 : memref<!tpu.dma_semaphore, #tpu.memory_space<semaphore_mem>>) {add = true}
      %scan3A_784 = arith.constant 0 : i32
      scf.yield %scan3A_784 : i32
    }
    %scan3A_44 = arith.constant 25 : i32
    %scan3A_45 = arith.constant 0 : i32
    %scan3A_46 = arith.constant 0 : i32
    %scan3A_47 = arith.constant 25 : i32
    %scan3A_48 = arith.addi %scan3A_46, %scan3A_47 : i32
    %scan3A_49 = arith.constant 1 : i32
    %scan3A_50 = scf.for %scan3A_774 = %scan3A_46 to %scan3A_48 step %scan3A_49 iter_args(%scan3A_775 = %scan3A_45) -> (i32)  : i32 {
      %dma_wait3A_776 = arith.constant 0 : i32
      %dma_wait3A_777 = arith.constant 0 : i32
      %dma_wait3A_778 = arith.constant 0 : i32
      %dma_wait3A_779 = tpu.memref_slice %arg12[%dma_wait3A_776, %dma_wait3A_778] : memref<125x80xf32, #tpu.memory_space<vmem>> -> memref<1x80xf32, #tpu.memory_space<vmem>>
      %dma_wait3A_780 = tpu.memref_squeeze %dma_wait3A_779 : memref<1x80xf32, #tpu.memory_space<vmem>> -> memref<80xf32, #tpu.memory_space<vmem>>
      %dma_wait3A_781 = arith.constant 0 : i32
      %dma_wait3A_782 = tpu.memref_slice %arg11[%dma_wait3A_777, %dma_wait3A_781] : memref<125x80xi32, #tpu.memory_space<vmem>> -> memref<1x80xi32, #tpu.memory_space<vmem>>
      %dma_wait3A_783 = tpu.memref_squeeze %dma_wait3A_782 : memref<1x80xi32, #tpu.memory_space<vmem>> -> memref<80xi32, #tpu.memory_space<vmem>>
      %dma_wait3A_784 = arith.constant 0 : i32
      %dma_wait3A_785 = tpu.memref_slice %arg20[%dma_wait3A_784] : memref<10240xf32, #tpu.memory_space<vmem_shared>> -> memref<10240xf32, #tpu.memory_space<vmem_shared>>
      tpu.wait_indirect_dma semaphore(%arg23 : memref<!tpu.dma_semaphore, #tpu.memory_space<semaphore_mem>>) src(%dma_wait3A_780 : memref<80xf32, #tpu.memory_space<vmem>>) dst(%dma_wait3A_785 : memref<10240xf32, #tpu.memory_space<vmem_shared>>)
      %scan3A_786 = arith.constant 0 : i32
      scf.yield %scan3A_786 : i32
    }
    %scan3A_51 = arith.constant 25 : i32
    %scan3A_52 = arith.constant 0 : i32
    %scan3A_53 = arith.constant 50 : i32
    %scan3A_54 = arith.constant 25 : i32
    %scan3A_55 = arith.addi %scan3A_53, %scan3A_54 : i32
    %scan3A_56 = arith.constant 1 : i32
    %scan3A_57 = scf.for %scan3A_774 = %scan3A_53 to %scan3A_55 step %scan3A_56 iter_args(%scan3A_775 = %scan3A_52) -> (i32)  : i32 {
      %dma_start3A_776 = arith.constant 0 : i32
      %dma_start3A_777 = tpu.memref_slice %arg12[%scan3A_774, %dma_start3A_776] : memref<125x80xf32, #tpu.memory_space<vmem>> -> memref<1x80xf32, #tpu.memory_space<vmem>>
      %dma_start3A_778 = tpu.memref_squeeze %dma_start3A_777 : memref<1x80xf32, #tpu.memory_space<vmem>> -> memref<80xf32, #tpu.memory_space<vmem>>
      %dma_start3A_779 = arith.constant 0 : i32
      %dma_start3A_780 = tpu.memref_slice %arg11[%scan3A_774, %dma_start3A_779] : memref<125x80xi32, #tpu.memory_space<vmem>> -> memref<1x80xi32, #tpu.memory_space<vmem>>
      %dma_start3A_781 = tpu.memref_squeeze %dma_start3A_780 : memref<1x80xi32, #tpu.memory_space<vmem>> -> memref<80xi32, #tpu.memory_space<vmem>>
      %dma_start3A_782 = arith.constant 0 : i32
      %dma_start3A_783 = tpu.memref_slice %arg20[%dma_start3A_782] : memref<10240xf32, #tpu.memory_space<vmem_shared>> -> memref<10240xf32, #tpu.memory_space<vmem_shared>>
      tpu.enqueue_indirect_dma source(%dma_start3A_778 : memref<80xf32, #tpu.memory_space<vmem>>) target(%dma_start3A_783 : memref<10240xf32, #tpu.memory_space<vmem_shared>>) offsets(%dma_start3A_781 : memref<80xi32, #tpu.memory_space<vmem>>) semaphore(%arg23 : memref<!tpu.dma_semaphore, #tpu.memory_space<semaphore_mem>>) {add = true}
      %scan3A_784 = arith.constant 0 : i32
      scf.yield %scan3A_784 : i32
    }
    %scan3A_58 = arith.constant 25 : i32
    %scan3A_59 = arith.constant 0 : i32
    %scan3A_60 = arith.constant 0 : i32
    %scan3A_61 = arith.constant 25 : i32
    %scan3A_62 = arith.addi %scan3A_60, %scan3A_61 : i32
    %scan3A_63 = arith.constant 1 : i32
    %scan3A_64 = scf.for %scan3A_774 = %scan3A_60 to %scan3A_62 step %scan3A_63 iter_args(%scan3A_775 = %scan3A_59) -> (i32)  : i32 {
      %dma_wait3A_776 = arith.constant 0 : i32
      %dma_wait3A_777 = arith.constant 0 : i32
      %dma_wait3A_778 = arith.constant 0 : i32
      %dma_wait3A_779 = tpu.memref_slice %arg12[%dma_wait3A_776, %dma_wait3A_778] : memref<125x80xf32, #tpu.memory_space<vmem>> -> memref<1x80xf32, #tpu.memory_space<vmem>>
      %dma_wait3A_780 = tpu.memref_squeeze %dma_wait3A_779 : memref<1x80xf32, #tpu.memory_space<vmem>> -> memref<80xf32, #tpu.memory_space<vmem>>
      %dma_wait3A_781 = arith.constant 0 : i32
      %dma_wait3A_782 = tpu.memref_slice %arg11[%dma_wait3A_777, %dma_wait3A_781] : memref<125x80xi32, #tpu.memory_space<vmem>> -> memref<1x80xi32, #tpu.memory_space<vmem>>
      %dma_wait3A_783 = tpu.memref_squeeze %dma_wait3A_782 : memref<1x80xi32, #tpu.memory_space<vmem>> -> memref<80xi32, #tpu.memory_space<vmem>>
      %dma_wait3A_784 = arith.constant 0 : i32
      %dma_wait3A_785 = tpu.memref_slice %arg20[%dma_wait3A_784] : memref<10240xf32, #tpu.memory_space<vmem_shared>> -> memref<10240xf32, #tpu.memory_space<vmem_shared>>
      tpu.wait_indirect_dma semaphore(%arg23 : memref<!tpu.dma_semaphore, #tpu.memory_space<semaphore_mem>>) src(%dma_wait3A_780 : memref<80xf32, #tpu.memory_space<vmem>>) dst(%dma_wait3A_785 : memref<10240xf32, #tpu.memory_space<vmem_shared>>)
      %scan3A_786 = arith.constant 0 : i32
      scf.yield %scan3A_786 : i32
    }
    %scan3A_65 = arith.constant 25 : i32
    %scan3A_66 = arith.constant 0 : i32
    %scan3A_67 = arith.constant 75 : i32
    %scan3A_68 = arith.constant 25 : i32
    %scan3A_69 = arith.addi %scan3A_67, %scan3A_68 : i32
    %scan3A_70 = arith.constant 1 : i32
    %scan3A_71 = scf.for %scan3A_774 = %scan3A_67 to %scan3A_69 step %scan3A_70 iter_args(%scan3A_775 = %scan3A_66) -> (i32)  : i32 {
      %dma_start3A_776 = arith.constant 0 : i32
      %dma_start3A_777 = tpu.memref_slice %arg12[%scan3A_774, %dma_start3A_776] : memref<125x80xf32, #tpu.memory_space<vmem>> -> memref<1x80xf32, #tpu.memory_space<vmem>>
      %dma_start3A_778 = tpu.memref_squeeze %dma_start3A_777 : memref<1x80xf32, #tpu.memory_space<vmem>> -> memref<80xf32, #tpu.memory_space<vmem>>
      %dma_start3A_779 = arith.constant 0 : i32
      %dma_start3A_780 = tpu.memref_slice %arg11[%scan3A_774, %dma_start3A_779] : memref<125x80xi32, #tpu.memory_space<vmem>> -> memref<1x80xi32, #tpu.memory_space<vmem>>
      %dma_start3A_781 = tpu.memref_squeeze %dma_start3A_780 : memref<1x80xi32, #tpu.memory_space<vmem>> -> memref<80xi32, #tpu.memory_space<vmem>>
      %dma_start3A_782 = arith.constant 0 : i32
      %dma_start3A_783 = tpu.memref_slice %arg20[%dma_start3A_782] : memref<10240xf32, #tpu.memory_space<vmem_shared>> -> memref<10240xf32, #tpu.memory_space<vmem_shared>>
      tpu.enqueue_indirect_dma source(%dma_start3A_778 : memref<80xf32, #tpu.memory_space<vmem>>) target(%dma_start3A_783 : memref<10240xf32, #tpu.memory_space<vmem_shared>>) offsets(%dma_start3A_781 : memref<80xi32, #tpu.memory_space<vmem>>) semaphore(%arg23 : memref<!tpu.dma_semaphore, #tpu.memory_space<semaphore_mem>>) {add = true}
      %scan3A_784 = arith.constant 0 : i32
      scf.yield %scan3A_784 : i32
    }
    %scan3A_72 = arith.constant 25 : i32
    %scan3A_73 = arith.constant 0 : i32
    %scan3A_74 = arith.constant 0 : i32
    %scan3A_75 = arith.constant 25 : i32
    %scan3A_76 = arith.addi %scan3A_74, %scan3A_75 : i32
    %scan3A_77 = arith.constant 1 : i32
    %scan3A_78 = scf.for %scan3A_774 = %scan3A_74 to %scan3A_76 step %scan3A_77 iter_args(%scan3A_775 = %scan3A_73) -> (i32)  : i32 {
      %dma_wait3A_776 = arith.constant 0 : i32
      %dma_wait3A_777 = arith.constant 0 : i32
      %dma_wait3A_778 = arith.constant 0 : i32
      %dma_wait3A_779 = tpu.memref_slice %arg12[%dma_wait3A_776, %dma_wait3A_778] : memref<125x80xf32, #tpu.memory_space<vmem>> -> memref<1x80xf32, #tpu.memory_space<vmem>>
      %dma_wait3A_780 = tpu.memref_squeeze %dma_wait3A_779 : memref<1x80xf32, #tpu.memory_space<vmem>> -> memref<80xf32, #tpu.memory_space<vmem>>
      %dma_wait3A_781 = arith.constant 0 : i32
      %dma_wait3A_782 = tpu.memref_slice %arg11[%dma_wait3A_777, %dma_wait3A_781] : memref<125x80xi32, #tpu.memory_space<vmem>> -> memref<1x80xi32, #tpu.memory_space<vmem>>
      %dma_wait3A_783 = tpu.memref_squeeze %dma_wait3A_782 : memref<1x80xi32, #tpu.memory_space<vmem>> -> memref<80xi32, #tpu.memory_space<vmem>>
      %dma_wait3A_784 = arith.constant 0 : i32
      %dma_wait3A_785 = tpu.memref_slice %arg20[%dma_wait3A_784] : memref<10240xf32, #tpu.memory_space<vmem_shared>> -> memref<10240xf32, #tpu.memory_space<vmem_shared>>
      tpu.wait_indirect_dma semaphore(%arg23 : memref<!tpu.dma_semaphore, #tpu.memory_space<semaphore_mem>>) src(%dma_wait3A_780 : memref<80xf32, #tpu.memory_space<vmem>>) dst(%dma_wait3A_785 : memref<10240xf32, #tpu.memory_space<vmem_shared>>)
      %scan3A_786 = arith.constant 0 : i32
      scf.yield %scan3A_786 : i32
    }
    %scan3A_79 = arith.constant 25 : i32
    %scan3A_80 = arith.constant 0 : i32
    %scan3A_81 = arith.constant 100 : i32
    %scan3A_82 = arith.constant 25 : i32
    %scan3A_83 = arith.addi %scan3A_81, %scan3A_82 : i32
    %scan3A_84 = arith.constant 1 : i32
    %scan3A_85 = scf.for %scan3A_774 = %scan3A_81 to %scan3A_83 step %scan3A_84 iter_args(%scan3A_775 = %scan3A_80) -> (i32)  : i32 {
      %dma_start3A_776 = arith.constant 0 : i32
      %dma_start3A_777 = tpu.memref_slice %arg12[%scan3A_774, %dma_start3A_776] : memref<125x80xf32, #tpu.memory_space<vmem>> -> memref<1x80xf32, #tpu.memory_space<vmem>>
      %dma_start3A_778 = tpu.memref_squeeze %dma_start3A_777 : memref<1x80xf32, #tpu.memory_space<vmem>> -> memref<80xf32, #tpu.memory_space<vmem>>
      %dma_start3A_779 = arith.constant 0 : i32
      %dma_start3A_780 = tpu.memref_slice %arg11[%scan3A_774, %dma_start3A_779] : memref<125x80xi32, #tpu.memory_space<vmem>> -> memref<1x80xi32, #tpu.memory_space<vmem>>
      %dma_start3A_781 = tpu.memref_squeeze %dma_start3A_780 : memref<1x80xi32, #tpu.memory_space<vmem>> -> memref<80xi32, #tpu.memory_space<vmem>>
      %dma_start3A_782 = arith.constant 0 : i32
      %dma_start3A_783 = tpu.memref_slice %arg20[%dma_start3A_782] : memref<10240xf32, #tpu.memory_space<vmem_shared>> -> memref<10240xf32, #tpu.memory_space<vmem_shared>>
      tpu.enqueue_indirect_dma source(%dma_start3A_778 : memref<80xf32, #tpu.memory_space<vmem>>) target(%dma_start3A_783 : memref<10240xf32, #tpu.memory_space<vmem_shared>>) offsets(%dma_start3A_781 : memref<80xi32, #tpu.memory_space<vmem>>) semaphore(%arg23 : memref<!tpu.dma_semaphore, #tpu.memory_space<semaphore_mem>>) {add = true}
      %scan3A_784 = arith.constant 0 : i32
      scf.yield %scan3A_784 : i32
    }
    %scan3A_86 = arith.constant 25 : i32
    %scan3A_87 = arith.constant 0 : i32
    %scan3A_88 = arith.constant 0 : i32
    %scan3A_89 = arith.constant 25 : i32
    %scan3A_90 = arith.addi %scan3A_88, %scan3A_89 : i32
    %scan3A_91 = arith.constant 1 : i32
    %scan3A_92 = scf.for %scan3A_774 = %scan3A_88 to %scan3A_90 step %scan3A_91 iter_args(%scan3A_775 = %scan3A_87) -> (i32)  : i32 {
      %dma_wait3A_776 = arith.constant 0 : i32
      %dma_wait3A_777 = arith.constant 0 : i32
      %dma_wait3A_778 = arith.constant 0 : i32
      %dma_wait3A_779 = tpu.memref_slice %arg12[%dma_wait3A_776, %dma_wait3A_778] : memref<125x80xf32, #tpu.memory_space<vmem>> -> memref<1x80xf32, #tpu.memory_space<vmem>>
      %dma_wait3A_780 = tpu.memref_squeeze %dma_wait3A_779 : memref<1x80xf32, #tpu.memory_space<vmem>> -> memref<80xf32, #tpu.memory_space<vmem>>
      %dma_wait3A_781 = arith.constant 0 : i32
      %dma_wait3A_782 = tpu.memref_slice %arg11[%dma_wait3A_777, %dma_wait3A_781] : memref<125x80xi32, #tpu.memory_space<vmem>> -> memref<1x80xi32, #tpu.memory_space<vmem>>
      %dma_wait3A_783 = tpu.memref_squeeze %dma_wait3A_782 : memref<1x80xi32, #tpu.memory_space<vmem>> -> memref<80xi32, #tpu.memory_space<vmem>>
      %dma_wait3A_784 = arith.constant 0 : i32
      %dma_wait3A_785 = tpu.memref_slice %arg20[%dma_wait3A_784] : memref<10240xf32, #tpu.memory_space<vmem_shared>> -> memref<10240xf32, #tpu.memory_space<vmem_shared>>
      tpu.wait_indirect_dma semaphore(%arg23 : memref<!tpu.dma_semaphore, #tpu.memory_space<semaphore_mem>>) src(%dma_wait3A_780 : memref<80xf32, #tpu.memory_space<vmem>>) dst(%dma_wait3A_785 : memref<10240xf32, #tpu.memory_space<vmem_shared>>)
      %scan3A_786 = arith.constant 0 : i32
      scf.yield %scan3A_786 : i32
    }
    %scan3A_93 = arith.constant 25 : i32
    %mul3A_94 = arith.constant 2 : i32
    %mul3A_95 = arith.muli %mul3A_94, %arg1 : i32
    %add3A_96 = arith.constant 1 : i32
    %add3A_97 = arith.addi %mul3A_95, %add3A_96 : i32
    "tpu.region"() ({
      %run_scoped3A_774 = tpu.sem_alloc : memref<!tpu.dma_semaphore, #tpu.memory_space<semaphore_mem>>
      %dma_start3A_775 = arith.constant 0 : i32
      %dma_start3A_776 = arith.constant 0 : i32
      %dma_start3A_777 = tpu.memref_slice %arg5[%add3A_97, %dma_start3A_775, %dma_start3A_776] : memref<32x125x80xi32, #tpu.memory_space<hbm>> -> memref<1x125x80xi32, #tpu.memory_space<hbm>>
      %dma_start3A_778 = tpu.memref_squeeze %dma_start3A_777 : memref<1x125x80xi32, #tpu.memory_space<hbm>> -> memref<125x80xi32, #tpu.memory_space<hbm>>
      %dma_start3A_779 = arith.constant 0 : i32
      %dma_start3A_780 = arith.constant 0 : i32
      %dma_start3A_781 = tpu.memref_slice %arg5[%add3A_97, %dma_start3A_779, %dma_start3A_780] : memref<32x125x80xi32, #tpu.memory_space<hbm>> -> memref<1x125x80xi32, #tpu.memory_space<hbm>>
      %dma_start3A_782 = tpu.memref_squeeze %dma_start3A_781 : memref<1x125x80xi32, #tpu.memory_space<hbm>> -> memref<125x80xi32, #tpu.memory_space<hbm>>
      tpu.enqueue_dma source(%dma_start3A_782 : memref<125x80xi32, #tpu.memory_space<hbm>>) target(%arg11 : memref<125x80xi32, #tpu.memory_space<vmem>>) target_semaphore(%run_scoped3A_774 : memref<!tpu.dma_semaphore, #tpu.memory_space<semaphore_mem>>)
      %dma_wait3A_783 = arith.constant 0 : i32
      %dma_wait3A_784 = arith.constant 0 : i32
      %dma_wait3A_785 = tpu.memref_slice %arg5[%add3A_97, %dma_wait3A_783, %dma_wait3A_784] : memref<32x125x80xi32, #tpu.memory_space<hbm>> -> memref<1x125x80xi32, #tpu.memory_space<hbm>>
      %dma_wait3A_786 = tpu.memref_squeeze %dma_wait3A_785 : memref<1x125x80xi32, #tpu.memory_space<hbm>> -> memref<125x80xi32, #tpu.memory_space<hbm>>
      %dma_wait3A_787 = arith.constant 0 : i32
      %dma_wait3A_788 = arith.constant 0 : i32
      %dma_wait3A_789 = tpu.memref_slice %arg5[%add3A_97, %dma_wait3A_787, %dma_wait3A_788] : memref<32x125x80xi32, #tpu.memory_space<hbm>> -> memref<1x125x80xi32, #tpu.memory_space<hbm>>
      %dma_wait3A_790 = tpu.memref_squeeze %dma_wait3A_789 : memref<1x125x80xi32, #tpu.memory_space<hbm>> -> memref<125x80xi32, #tpu.memory_space<hbm>>
      tpu.wait_dma2 semaphore(%run_scoped3A_774 : memref<!tpu.dma_semaphore, #tpu.memory_space<semaphore_mem>>) src(%dma_wait3A_790 : memref<125x80xi32, #tpu.memory_space<hbm>>) dst(%arg11 : memref<125x80xi32, #tpu.memory_space<vmem>>)
      tpu.yield
    }) : () -> ()
    %mul3A_98 = arith.constant 2 : i32
    %mul3A_99 = arith.muli %mul3A_98, %arg1 : i32
    %add3A_100 = arith.constant 1 : i32
    %add3A_101 = arith.addi %mul3A_99, %add3A_100 : i32
    "tpu.region"() ({
      %run_scoped3A_774 = tpu.sem_alloc : memref<!tpu.dma_semaphore, #tpu.memory_space<semaphore_mem>>
      %dma_start3A_775 = arith.constant 0 : i32
      %dma_start3A_776 = arith.constant 0 : i32
      %dma_start3A_777 = tpu.memref_slice %arg6[%add3A_101, %dma_start3A_775, %dma_start3A_776] : memref<32x125x80xf32, #tpu.memory_space<hbm>> -> memref<1x125x80xf32, #tpu.memory_space<hbm>>
      %dma_start3A_778 = tpu.memref_squeeze %dma_start3A_777 : memref<1x125x80xf32, #tpu.memory_space<hbm>> -> memref<125x80xf32, #tpu.memory_space<hbm>>
      %dma_start3A_779 = arith.constant 0 : i32
      %dma_start3A_780 = arith.constant 0 : i32
      %dma_start3A_781 = tpu.memref_slice %arg6[%add3A_101, %dma_start3A_779, %dma_start3A_780] : memref<32x125x80xf32, #tpu.memory_space<hbm>> -> memref<1x125x80xf32, #tpu.memory_space<hbm>>
      %dma_start3A_782 = tpu.memref_squeeze %dma_start3A_781 : memref<1x125x80xf32, #tpu.memory_space<hbm>> -> memref<125x80xf32, #tpu.memory_space<hbm>>
      tpu.enqueue_dma source(%dma_start3A_782 : memref<125x80xf32, #tpu.memory_space<hbm>>) target(%arg12 : memref<125x80xf32, #tpu.memory_space<vmem>>) target_semaphore(%run_scoped3A_774 : memref<!tpu.dma_semaphore, #tpu.memory_space<semaphore_mem>>)
      %dma_wait3A_783 = arith.constant 0 : i32
      %dma_wait3A_784 = arith.constant 0 : i32
      %dma_wait3A_785 = tpu.memref_slice %arg6[%add3A_101, %dma_wait3A_783, %dma_wait3A_784] : memref<32x125x80xf32, #tpu.memory_space<hbm>> -> memref<1x125x80xf32, #tpu.memory_space<hbm>>
      %dma_wait3A_786 = tpu.memref_squeeze %dma_wait3A_785 : memref<1x125x80xf32, #tpu.memory_space<hbm>> -> memref<125x80xf32, #tpu.memory_space<hbm>>
      %dma_wait3A_787 = arith.constant 0 : i32
      %dma_wait3A_788 = arith.constant 0 : i32
      %dma_wait3A_789 = tpu.memref_slice %arg6[%add3A_101, %dma_wait3A_787, %dma_wait3A_788] : memref<32x125x80xf32, #tpu.memory_space<hbm>> -> memref<1x125x80xf32, #tpu.memory_space<hbm>>
      %dma_wait3A_790 = tpu.memref_squeeze %dma_wait3A_789 : memref<1x125x80xf32, #tpu.memory_space<hbm>> -> memref<125x80xf32, #tpu.memory_space<hbm>>
      tpu.wait_dma2 semaphore(%run_scoped3A_774 : memref<!tpu.dma_semaphore, #tpu.memory_space<semaphore_mem>>) src(%dma_wait3A_790 : memref<125x80xf32, #tpu.memory_space<hbm>>) dst(%arg12 : memref<125x80xf32, #tpu.memory_space<vmem>>)
      tpu.yield
    }) : () -> ()
    %scan3A_102 = arith.constant 0 : i32
    %scan3A_103 = arith.constant 0 : i32
    %scan3A_104 = arith.constant 25 : i32
    %scan3A_105 = arith.addi %scan3A_103, %scan3A_104 : i32
    %scan3A_106 = arith.constant 1 : i32
    %scan3A_107 = scf.for %scan3A_774 = %scan3A_103 to %scan3A_105 step %scan3A_106 iter_args(%scan3A_775 = %scan3A_102) -> (i32)  : i32 {
      %dma_start3A_776 = arith.constant 0 : i32
      %dma_start3A_777 = tpu.memref_slice %arg12[%scan3A_774, %dma_start3A_776] : memref<125x80xf32, #tpu.memory_space<vmem>> -> memref<1x80xf32, #tpu.memory_space<vmem>>
      %dma_start3A_778 = tpu.memref_squeeze %dma_start3A_777 : memref<1x80xf32, #tpu.memory_space<vmem>> -> memref<80xf32, #tpu.memory_space<vmem>>
      %dma_start3A_779 = arith.constant 0 : i32
      %dma_start3A_780 = tpu.memref_slice %arg11[%scan3A_774, %dma_start3A_779] : memref<125x80xi32, #tpu.memory_space<vmem>> -> memref<1x80xi32, #tpu.memory_space<vmem>>
      %dma_start3A_781 = tpu.memref_squeeze %dma_start3A_780 : memref<1x80xi32, #tpu.memory_space<vmem>> -> memref<80xi32, #tpu.memory_space<vmem>>
      %dma_start3A_782 = arith.constant 0 : i32
      %dma_start3A_783 = tpu.memref_slice %arg20[%dma_start3A_782] : memref<10240xf32, #tpu.memory_space<vmem_shared>> -> memref<10240xf32, #tpu.memory_space<vmem_shared>>
      tpu.enqueue_indirect_dma source(%dma_start3A_778 : memref<80xf32, #tpu.memory_space<vmem>>) target(%dma_start3A_783 : memref<10240xf32, #tpu.memory_space<vmem_shared>>) offsets(%dma_start3A_781 : memref<80xi32, #tpu.memory_space<vmem>>) semaphore(%arg23 : memref<!tpu.dma_semaphore, #tpu.memory_space<semaphore_mem>>) {add = true}
      %scan3A_784 = arith.constant 0 : i32
      scf.yield %scan3A_784 : i32
    }
    %scan3A_108 = arith.constant 25 : i32
    %scan3A_109 = arith.constant 0 : i32
    %scan3A_110 = arith.constant 0 : i32
    %scan3A_111 = arith.constant 25 : i32
    %scan3A_112 = arith.addi %scan3A_110, %scan3A_111 : i32
    %scan3A_113 = arith.constant 1 : i32
    %scan3A_114 = scf.for %scan3A_774 = %scan3A_110 to %scan3A_112 step %scan3A_113 iter_args(%scan3A_775 = %scan3A_109) -> (i32)  : i32 {
      %dma_wait3A_776 = arith.constant 0 : i32
      %dma_wait3A_777 = arith.constant 0 : i32
      %dma_wait3A_778 = arith.constant 0 : i32
      %dma_wait3A_779 = tpu.memref_slice %arg12[%dma_wait3A_776, %dma_wait3A_778] : memref<125x80xf32, #tpu.memory_space<vmem>> -> memref<1x80xf32, #tpu.memory_space<vmem>>
      %dma_wait3A_780 = tpu.memref_squeeze %dma_wait3A_779 : memref<1x80xf32, #tpu.memory_space<vmem>> -> memref<80xf32, #tpu.memory_space<vmem>>
      %dma_wait3A_781 = arith.constant 0 : i32
      %dma_wait3A_782 = tpu.memref_slice %arg11[%dma_wait3A_777, %dma_wait3A_781] : memref<125x80xi32, #tpu.memory_space<vmem>> -> memref<1x80xi32, #tpu.memory_space<vmem>>
      %dma_wait3A_783 = tpu.memref_squeeze %dma_wait3A_782 : memref<1x80xi32, #tpu.memory_space<vmem>> -> memref<80xi32, #tpu.memory_space<vmem>>
      %dma_wait3A_784 = arith.constant 0 : i32
      %dma_wait3A_785 = tpu.memref_slice %arg20[%dma_wait3A_784] : memref<10240xf32, #tpu.memory_space<vmem_shared>> -> memref<10240xf32, #tpu.memory_space<vmem_shared>>
      tpu.wait_indirect_dma semaphore(%arg23 : memref<!tpu.dma_semaphore, #tpu.memory_space<semaphore_mem>>) src(%dma_wait3A_780 : memref<80xf32, #tpu.memory_space<vmem>>) dst(%dma_wait3A_785 : memref<10240xf32, #tpu.memory_space<vmem_shared>>)
      %scan3A_786 = arith.constant 0 : i32
      scf.yield %scan3A_786 : i32
    }
    %scan3A_115 = arith.constant 25 : i32
    %scan3A_116 = arith.constant 0 : i32
    %scan3A_117 = arith.constant 25 : i32
    %scan3A_118 = arith.constant 25 : i32
    %scan3A_119 = arith.addi %scan3A_117, %scan3A_118 : i32
    %scan3A_120 = arith.constant 1 : i32
    %scan3A_121 = scf.for %scan3A_774 = %scan3A_117 to %scan3A_119 step %scan3A_120 iter_args(%scan3A_775 = %scan3A_116) -> (i32)  : i32 {
      %dma_start3A_776 = arith.constant 0 : i32
      %dma_start3A_777 = tpu.memref_slice %arg12[%scan3A_774, %dma_start3A_776] : memref<125x80xf32, #tpu.memory_space<vmem>> -> memref<1x80xf32, #tpu.memory_space<vmem>>
      %dma_start3A_778 = tpu.memref_squeeze %dma_start3A_777 : memref<1x80xf32, #tpu.memory_space<vmem>> -> memref<80xf32, #tpu.memory_space<vmem>>
      %dma_start3A_779 = arith.constant 0 : i32
      %dma_start3A_780 = tpu.memref_slice %arg11[%scan3A_774, %dma_start3A_779] : memref<125x80xi32, #tpu.memory_space<vmem>> -> memref<1x80xi32, #tpu.memory_space<vmem>>
      %dma_start3A_781 = tpu.memref_squeeze %dma_start3A_780 : memref<1x80xi32, #tpu.memory_space<vmem>> -> memref<80xi32, #tpu.memory_space<vmem>>
      %dma_start3A_782 = arith.constant 0 : i32
      %dma_start3A_783 = tpu.memref_slice %arg20[%dma_start3A_782] : memref<10240xf32, #tpu.memory_space<vmem_shared>> -> memref<10240xf32, #tpu.memory_space<vmem_shared>>
      tpu.enqueue_indirect_dma source(%dma_start3A_778 : memref<80xf32, #tpu.memory_space<vmem>>) target(%dma_start3A_783 : memref<10240xf32, #tpu.memory_space<vmem_shared>>) offsets(%dma_start3A_781 : memref<80xi32, #tpu.memory_space<vmem>>) semaphore(%arg23 : memref<!tpu.dma_semaphore, #tpu.memory_space<semaphore_mem>>) {add = true}
      %scan3A_784 = arith.constant 0 : i32
      scf.yield %scan3A_784 : i32
    }
    %scan3A_122 = arith.constant 25 : i32
    %scan3A_123 = arith.constant 0 : i32
    %scan3A_124 = arith.constant 0 : i32
    %scan3A_125 = arith.constant 25 : i32
    %scan3A_126 = arith.addi %scan3A_124, %scan3A_125 : i32
    %scan3A_127 = arith.constant 1 : i32
    %scan3A_128 = scf.for %scan3A_774 = %scan3A_124 to %scan3A_126 step %scan3A_127 iter_args(%scan3A_775 = %scan3A_123) -> (i32)  : i32 {
      %dma_wait3A_776 = arith.constant 0 : i32
      %dma_wait3A_777 = arith.constant 0 : i32
      %dma_wait3A_778 = arith.constant 0 : i32
      %dma_wait3A_779 = tpu.memref_slice %arg12[%dma_wait3A_776, %dma_wait3A_778] : memref<125x80xf32, #tpu.memory_space<vmem>> -> memref<1x80xf32, #tpu.memory_space<vmem>>
      %dma_wait3A_780 = tpu.memref_squeeze %dma_wait3A_779 : memref<1x80xf32, #tpu.memory_space<vmem>> -> memref<80xf32, #tpu.memory_space<vmem>>
      %dma_wait3A_781 = arith.constant 0 : i32
      %dma_wait3A_782 = tpu.memref_slice %arg11[%dma_wait3A_777, %dma_wait3A_781] : memref<125x80xi32, #tpu.memory_space<vmem>> -> memref<1x80xi32, #tpu.memory_space<vmem>>
      %dma_wait3A_783 = tpu.memref_squeeze %dma_wait3A_782 : memref<1x80xi32, #tpu.memory_space<vmem>> -> memref<80xi32, #tpu.memory_space<vmem>>
      %dma_wait3A_784 = arith.constant 0 : i32
      %dma_wait3A_785 = tpu.memref_slice %arg20[%dma_wait3A_784] : memref<10240xf32, #tpu.memory_space<vmem_shared>> -> memref<10240xf32, #tpu.memory_space<vmem_shared>>
      tpu.wait_indirect_dma semaphore(%arg23 : memref<!tpu.dma_semaphore, #tpu.memory_space<semaphore_mem>>) src(%dma_wait3A_780 : memref<80xf32, #tpu.memory_space<vmem>>) dst(%dma_wait3A_785 : memref<10240xf32, #tpu.memory_space<vmem_shared>>)
      %scan3A_786 = arith.constant 0 : i32
      scf.yield %scan3A_786 : i32
    }
    %scan3A_129 = arith.constant 25 : i32
    %scan3A_130 = arith.constant 0 : i32
    %scan3A_131 = arith.constant 50 : i32
    %scan3A_132 = arith.constant 25 : i32
    %scan3A_133 = arith.addi %scan3A_131, %scan3A_132 : i32
    %scan3A_134 = arith.constant 1 : i32
    %scan3A_135 = scf.for %scan3A_774 = %scan3A_131 to %scan3A_133 step %scan3A_134 iter_args(%scan3A_775 = %scan3A_130) -> (i32)  : i32 {
      %dma_start3A_776 = arith.constant 0 : i32
      %dma_start3A_777 = tpu.memref_slice %arg12[%scan3A_774, %dma_start3A_776] : memref<125x80xf32, #tpu.memory_space<vmem>> -> memref<1x80xf32, #tpu.memory_space<vmem>>
      %dma_start3A_778 = tpu.memref_squeeze %dma_start3A_777 : memref<1x80xf32, #tpu.memory_space<vmem>> -> memref<80xf32, #tpu.memory_space<vmem>>
      %dma_start3A_779 = arith.constant 0 : i32
      %dma_start3A_780 = tpu.memref_slice %arg11[%scan3A_774, %dma_start3A_779] : memref<125x80xi32, #tpu.memory_space<vmem>> -> memref<1x80xi32, #tpu.memory_space<vmem>>
      %dma_start3A_781 = tpu.memref_squeeze %dma_start3A_780 : memref<1x80xi32, #tpu.memory_space<vmem>> -> memref<80xi32, #tpu.memory_space<vmem>>
      %dma_start3A_782 = arith.constant 0 : i32
      %dma_start3A_783 = tpu.memref_slice %arg20[%dma_start3A_782] : memref<10240xf32, #tpu.memory_space<vmem_shared>> -> memref<10240xf32, #tpu.memory_space<vmem_shared>>
      tpu.enqueue_indirect_dma source(%dma_start3A_778 : memref<80xf32, #tpu.memory_space<vmem>>) target(%dma_start3A_783 : memref<10240xf32, #tpu.memory_space<vmem_shared>>) offsets(%dma_start3A_781 : memref<80xi32, #tpu.memory_space<vmem>>) semaphore(%arg23 : memref<!tpu.dma_semaphore, #tpu.memory_space<semaphore_mem>>) {add = true}
      %scan3A_784 = arith.constant 0 : i32
      scf.yield %scan3A_784 : i32
    }
    %scan3A_136 = arith.constant 25 : i32
    %scan3A_137 = arith.constant 0 : i32
    %scan3A_138 = arith.constant 0 : i32
    %scan3A_139 = arith.constant 25 : i32
    %scan3A_140 = arith.addi %scan3A_138, %scan3A_139 : i32
    %scan3A_141 = arith.constant 1 : i32
    %scan3A_142 = scf.for %scan3A_774 = %scan3A_138 to %scan3A_140 step %scan3A_141 iter_args(%scan3A_775 = %scan3A_137) -> (i32)  : i32 {
      %dma_wait3A_776 = arith.constant 0 : i32
      %dma_wait3A_777 = arith.constant 0 : i32
      %dma_wait3A_778 = arith.constant 0 : i32
      %dma_wait3A_779 = tpu.memref_slice %arg12[%dma_wait3A_776, %dma_wait3A_778] : memref<125x80xf32, #tpu.memory_space<vmem>> -> memref<1x80xf32, #tpu.memory_space<vmem>>
      %dma_wait3A_780 = tpu.memref_squeeze %dma_wait3A_779 : memref<1x80xf32, #tpu.memory_space<vmem>> -> memref<80xf32, #tpu.memory_space<vmem>>
      %dma_wait3A_781 = arith.constant 0 : i32
      %dma_wait3A_782 = tpu.memref_slice %arg11[%dma_wait3A_777, %dma_wait3A_781] : memref<125x80xi32, #tpu.memory_space<vmem>> -> memref<1x80xi32, #tpu.memory_space<vmem>>
      %dma_wait3A_783 = tpu.memref_squeeze %dma_wait3A_782 : memref<1x80xi32, #tpu.memory_space<vmem>> -> memref<80xi32, #tpu.memory_space<vmem>>
      %dma_wait3A_784 = arith.constant 0 : i32
      %dma_wait3A_785 = tpu.memref_slice %arg20[%dma_wait3A_784] : memref<10240xf32, #tpu.memory_space<vmem_shared>> -> memref<10240xf32, #tpu.memory_space<vmem_shared>>
      tpu.wait_indirect_dma semaphore(%arg23 : memref<!tpu.dma_semaphore, #tpu.memory_space<semaphore_mem>>) src(%dma_wait3A_780 : memref<80xf32, #tpu.memory_space<vmem>>) dst(%dma_wait3A_785 : memref<10240xf32, #tpu.memory_space<vmem_shared>>)
      %scan3A_786 = arith.constant 0 : i32
      scf.yield %scan3A_786 : i32
    }
    %scan3A_143 = arith.constant 25 : i32
    %scan3A_144 = arith.constant 0 : i32
    %scan3A_145 = arith.constant 75 : i32
    %scan3A_146 = arith.constant 25 : i32
    %scan3A_147 = arith.addi %scan3A_145, %scan3A_146 : i32
    %scan3A_148 = arith.constant 1 : i32
    %scan3A_149 = scf.for %scan3A_774 = %scan3A_145 to %scan3A_147 step %scan3A_148 iter_args(%scan3A_775 = %scan3A_144) -> (i32)  : i32 {
      %dma_start3A_776 = arith.constant 0 : i32
      %dma_start3A_777 = tpu.memref_slice %arg12[%scan3A_774, %dma_start3A_776] : memref<125x80xf32, #tpu.memory_space<vmem>> -> memref<1x80xf32, #tpu.memory_space<vmem>>
      %dma_start3A_778 = tpu.memref_squeeze %dma_start3A_777 : memref<1x80xf32, #tpu.memory_space<vmem>> -> memref<80xf32, #tpu.memory_space<vmem>>
      %dma_start3A_779 = arith.constant 0 : i32
      %dma_start3A_780 = tpu.memref_slice %arg11[%scan3A_774, %dma_start3A_779] : memref<125x80xi32, #tpu.memory_space<vmem>> -> memref<1x80xi32, #tpu.memory_space<vmem>>
      %dma_start3A_781 = tpu.memref_squeeze %dma_start3A_780 : memref<1x80xi32, #tpu.memory_space<vmem>> -> memref<80xi32, #tpu.memory_space<vmem>>
      %dma_start3A_782 = arith.constant 0 : i32
      %dma_start3A_783 = tpu.memref_slice %arg20[%dma_start3A_782] : memref<10240xf32, #tpu.memory_space<vmem_shared>> -> memref<10240xf32, #tpu.memory_space<vmem_shared>>
      tpu.enqueue_indirect_dma source(%dma_start3A_778 : memref<80xf32, #tpu.memory_space<vmem>>) target(%dma_start3A_783 : memref<10240xf32, #tpu.memory_space<vmem_shared>>) offsets(%dma_start3A_781 : memref<80xi32, #tpu.memory_space<vmem>>) semaphore(%arg23 : memref<!tpu.dma_semaphore, #tpu.memory_space<semaphore_mem>>) {add = true}
      %scan3A_784 = arith.constant 0 : i32
      scf.yield %scan3A_784 : i32
    }
    %scan3A_150 = arith.constant 25 : i32
    %scan3A_151 = arith.constant 0 : i32
    %scan3A_152 = arith.constant 0 : i32
    %scan3A_153 = arith.constant 25 : i32
    %scan3A_154 = arith.addi %scan3A_152, %scan3A_153 : i32
    %scan3A_155 = arith.constant 1 : i32
    %scan3A_156 = scf.for %scan3A_774 = %scan3A_152 to %scan3A_154 step %scan3A_155 iter_args(%scan3A_775 = %scan3A_151) -> (i32)  : i32 {
      %dma_wait3A_776 = arith.constant 0 : i32
      %dma_wait3A_777 = arith.constant 0 : i32
      %dma_wait3A_778 = arith.constant 0 : i32
      %dma_wait3A_779 = tpu.memref_slice %arg12[%dma_wait3A_776, %dma_wait3A_778] : memref<125x80xf32, #tpu.memory_space<vmem>> -> memref<1x80xf32, #tpu.memory_space<vmem>>
      %dma_wait3A_780 = tpu.memref_squeeze %dma_wait3A_779 : memref<1x80xf32, #tpu.memory_space<vmem>> -> memref<80xf32, #tpu.memory_space<vmem>>
      %dma_wait3A_781 = arith.constant 0 : i32
      %dma_wait3A_782 = tpu.memref_slice %arg11[%dma_wait3A_777, %dma_wait3A_781] : memref<125x80xi32, #tpu.memory_space<vmem>> -> memref<1x80xi32, #tpu.memory_space<vmem>>
      %dma_wait3A_783 = tpu.memref_squeeze %dma_wait3A_782 : memref<1x80xi32, #tpu.memory_space<vmem>> -> memref<80xi32, #tpu.memory_space<vmem>>
      %dma_wait3A_784 = arith.constant 0 : i32
      %dma_wait3A_785 = tpu.memref_slice %arg20[%dma_wait3A_784] : memref<10240xf32, #tpu.memory_space<vmem_shared>> -> memref<10240xf32, #tpu.memory_space<vmem_shared>>
      tpu.wait_indirect_dma semaphore(%arg23 : memref<!tpu.dma_semaphore, #tpu.memory_space<semaphore_mem>>) src(%dma_wait3A_780 : memref<80xf32, #tpu.memory_space<vmem>>) dst(%dma_wait3A_785 : memref<10240xf32, #tpu.memory_space<vmem_shared>>)
      %scan3A_786 = arith.constant 0 : i32
      scf.yield %scan3A_786 : i32
    }
    %scan3A_157 = arith.constant 25 : i32
    %scan3A_158 = arith.constant 0 : i32
    %scan3A_159 = arith.constant 100 : i32
    %scan3A_160 = arith.constant 25 : i32
    %scan3A_161 = arith.addi %scan3A_159, %scan3A_160 : i32
    %scan3A_162 = arith.constant 1 : i32
    %scan3A_163 = scf.for %scan3A_774 = %scan3A_159 to %scan3A_161 step %scan3A_162 iter_args(%scan3A_775 = %scan3A_158) -> (i32)  : i32 {
      %dma_start3A_776 = arith.constant 0 : i32
      %dma_start3A_777 = tpu.memref_slice %arg12[%scan3A_774, %dma_start3A_776] : memref<125x80xf32, #tpu.memory_space<vmem>> -> memref<1x80xf32, #tpu.memory_space<vmem>>
      %dma_start3A_778 = tpu.memref_squeeze %dma_start3A_777 : memref<1x80xf32, #tpu.memory_space<vmem>> -> memref<80xf32, #tpu.memory_space<vmem>>
      %dma_start3A_779 = arith.constant 0 : i32
      %dma_start3A_780 = tpu.memref_slice %arg11[%scan3A_774, %dma_start3A_779] : memref<125x80xi32, #tpu.memory_space<vmem>> -> memref<1x80xi32, #tpu.memory_space<vmem>>
      %dma_start3A_781 = tpu.memref_squeeze %dma_start3A_780 : memref<1x80xi32, #tpu.memory_space<vmem>> -> memref<80xi32, #tpu.memory_space<vmem>>
      %dma_start3A_782 = arith.constant 0 : i32
      %dma_start3A_783 = tpu.memref_slice %arg20[%dma_start3A_782] : memref<10240xf32, #tpu.memory_space<vmem_shared>> -> memref<10240xf32, #tpu.memory_space<vmem_shared>>
      tpu.enqueue_indirect_dma source(%dma_start3A_778 : memref<80xf32, #tpu.memory_space<vmem>>) target(%dma_start3A_783 : memref<10240xf32, #tpu.memory_space<vmem_shared>>) offsets(%dma_start3A_781 : memref<80xi32, #tpu.memory_space<vmem>>) semaphore(%arg23 : memref<!tpu.dma_semaphore, #tpu.memory_space<semaphore_mem>>) {add = true}
      %scan3A_784 = arith.constant 0 : i32
      scf.yield %scan3A_784 : i32
    }
    %scan3A_164 = arith.constant 25 : i32
    %scan3A_165 = arith.constant 0 : i32
    %scan3A_166 = arith.constant 0 : i32
    %scan3A_167 = arith.constant 25 : i32
    %scan3A_168 = arith.addi %scan3A_166, %scan3A_167 : i32
    %scan3A_169 = arith.constant 1 : i32
    %scan3A_170 = scf.for %scan3A_774 = %scan3A_166 to %scan3A_168 step %scan3A_169 iter_args(%scan3A_775 = %scan3A_165) -> (i32)  : i32 {
      %dma_wait3A_776 = arith.constant 0 : i32
      %dma_wait3A_777 = arith.constant 0 : i32
      %dma_wait3A_778 = arith.constant 0 : i32
      %dma_wait3A_779 = tpu.memref_slice %arg12[%dma_wait3A_776, %dma_wait3A_778] : memref<125x80xf32, #tpu.memory_space<vmem>> -> memref<1x80xf32, #tpu.memory_space<vmem>>
      %dma_wait3A_780 = tpu.memref_squeeze %dma_wait3A_779 : memref<1x80xf32, #tpu.memory_space<vmem>> -> memref<80xf32, #tpu.memory_space<vmem>>
      %dma_wait3A_781 = arith.constant 0 : i32
      %dma_wait3A_782 = tpu.memref_slice %arg11[%dma_wait3A_777, %dma_wait3A_781] : memref<125x80xi32, #tpu.memory_space<vmem>> -> memref<1x80xi32, #tpu.memory_space<vmem>>
      %dma_wait3A_783 = tpu.memref_squeeze %dma_wait3A_782 : memref<1x80xi32, #tpu.memory_space<vmem>> -> memref<80xi32, #tpu.memory_space<vmem>>
      %dma_wait3A_784 = arith.constant 0 : i32
      %dma_wait3A_785 = tpu.memref_slice %arg20[%dma_wait3A_784] : memref<10240xf32, #tpu.memory_space<vmem_shared>> -> memref<10240xf32, #tpu.memory_space<vmem_shared>>
      tpu.wait_indirect_dma semaphore(%arg23 : memref<!tpu.dma_semaphore, #tpu.memory_space<semaphore_mem>>) src(%dma_wait3A_780 : memref<80xf32, #tpu.memory_space<vmem>>) dst(%dma_wait3A_785 : memref<10240xf32, #tpu.memory_space<vmem_shared>>)
      %scan3A_786 = arith.constant 0 : i32
      scf.yield %scan3A_786 : i32
    }
    %scan3A_171 = arith.constant 25 : i32
    %barrier3A_172 = arith.constant 0 : index
    tpu.barrier barrier_id(%barrier3A_172)
    "tpu.region"() ({
      %run_scoped3A_774 = tpu.sem_alloc : memref<!tpu.dma_semaphore, #tpu.memory_space<semaphore_mem>>
      %dma_start3A_775 = tpu.memref_slice %arg20[%mul3A_2] : memref<10240xf32, #tpu.memory_space<vmem_shared>> -> memref<640xf32, #tpu.memory_space<vmem_shared>>
      %dma_start3A_776 = tpu.memref_slice %arg20[%mul3A_2] : memref<10240xf32, #tpu.memory_space<vmem_shared>> -> memref<640xf32, #tpu.memory_space<vmem_shared>>
      tpu.enqueue_dma source(%dma_start3A_776 : memref<640xf32, #tpu.memory_space<vmem_shared>>) target(%arg17 : memref<640xf32, #tpu.memory_space<vmem>>) target_semaphore(%run_scoped3A_774 : memref<!tpu.dma_semaphore, #tpu.memory_space<semaphore_mem>>)
      %dma_wait3A_777 = tpu.memref_slice %arg20[%mul3A_2] : memref<10240xf32, #tpu.memory_space<vmem_shared>> -> memref<640xf32, #tpu.memory_space<vmem_shared>>
      %dma_wait3A_778 = tpu.memref_slice %arg20[%mul3A_2] : memref<10240xf32, #tpu.memory_space<vmem_shared>> -> memref<640xf32, #tpu.memory_space<vmem_shared>>
      tpu.wait_dma2 semaphore(%run_scoped3A_774 : memref<!tpu.dma_semaphore, #tpu.memory_space<semaphore_mem>>) src(%dma_wait3A_778 : memref<640xf32, #tpu.memory_space<vmem_shared>>) dst(%arg17 : memref<640xf32, #tpu.memory_space<vmem>>)
      tpu.yield
    }) : () -> ()
    %scan3A_173 = arith.constant 0 : i32
    %scan3A_174 = arith.constant 0 : i32
    %scan3A_175 = arith.constant 40 : i32
    %scan3A_176 = arith.addi %scan3A_174, %scan3A_175 : i32
    %scan3A_177 = arith.constant 1 : i32
    %scan3A_178 = scf.for %scan3A_774 = %scan3A_174 to %scan3A_176 step %scan3A_177 iter_args(%scan3A_775 = %scan3A_173) -> (i32)  : i32 {
      %mul3A_776 = arith.constant 16 : i32
      %mul3A_777 = arith.muli %scan3A_774, %mul3A_776 : i32
      %get3A = arith.index_cast %mul3A_777 : i32 to index
      %get3A_778 = tpu.vector_load %arg17[%get3A] {strides = array<i32>} : memref<640xf32, #tpu.memory_space<vmem>>, vector<16xf32>,
      %add3A_779 = arith.constant 1.000000e+00 : f32
      %add3A_780 = vector.broadcast %add3A_779 : f32 to vector<16xf32>
      %add3A_781 = arith.addf %get3A_778, %add3A_780 : vector<16xf32>
      %bitcast_convert_type3A = tpu.bitcast %add3A_781 : vector<16xf32> -> vector<16xi32>
      %broadcast_in_dim3A = arith.constant 1597463007 : i32
      %broadcast_in_dim3A_782 = vector.broadcast %broadcast_in_dim3A : i32 to vector<16xi32>
      %shift_right_arithmetic3A = arith.constant 1 : i32
      %shift_right_arithmetic3A_783 = vector.broadcast %shift_right_arithmetic3A : i32 to vector<16xi32>
      %shift_right_arithmetic3A_784 = arith.shrsi %bitcast_convert_type3A, %shift_right_arithmetic3A_783 : vector<16xi32>
      %sub3A = arith.subi %broadcast_in_dim3A_782, %shift_right_arithmetic3A_784 : vector<16xi32>
      %bitcast_convert_type3A_785 = tpu.bitcast %sub3A : vector<16xi32> -> vector<16xf32>
      %mul3A_786 = arith.constant 5.000000e-01 : f32
      %mul3A_787 = vector.broadcast %mul3A_786 : f32 to vector<16xf32>
      %mul3A_788 = arith.mulf %mul3A_787, %add3A_781 : vector<16xf32>
      %mul3A_789 = arith.mulf %mul3A_788, %bitcast_convert_type3A_785 : vector<16xf32>
      %mul3A_790 = arith.mulf %mul3A_789, %bitcast_convert_type3A_785 : vector<16xf32>
      %sub3A_791 = arith.constant 1.500000e+00 : f32
      %sub3A_792 = vector.broadcast %sub3A_791 : f32 to vector<16xf32>
      %sub3A_793 = arith.subf %sub3A_792, %mul3A_790 : vector<16xf32>
      %mul3A_794 = arith.mulf %bitcast_convert_type3A_785, %sub3A_793 : vector<16xf32>
      %mul3A_795 = arith.constant 5.000000e-01 : f32
      %mul3A_796 = vector.broadcast %mul3A_795 : f32 to vector<16xf32>
      %mul3A_797 = arith.mulf %mul3A_796, %add3A_781 : vector<16xf32>
      %mul3A_798 = arith.mulf %mul3A_797, %mul3A_794 : vector<16xf32>
      %mul3A_799 = arith.mulf %mul3A_798, %mul3A_794 : vector<16xf32>
      %sub3A_800 = arith.constant 1.500000e+00 : f32
      %sub3A_801 = vector.broadcast %sub3A_800 : f32 to vector<16xf32>
      %sub3A_802 = arith.subf %sub3A_801, %mul3A_799 : vector<16xf32>
      %mul3A_803 = arith.mulf %mul3A_794, %sub3A_802 : vector<16xf32>
      %mul3A_804 = arith.constant 5.000000e-01 : f32
      %mul3A_805 = vector.broadcast %mul3A_804 : f32 to vector<16xf32>
      %mul3A_806 = arith.mulf %mul3A_805, %add3A_781 : vector<16xf32>
      %mul3A_807 = arith.mulf %mul3A_806, %mul3A_803 : vector<16xf32>
      %mul3A_808 = arith.mulf %mul3A_807, %mul3A_803 : vector<16xf32>
      %sub3A_809 = arith.constant 1.500000e+00 : f32
      %sub3A_810 = vector.broadcast %sub3A_809 : f32 to vector<16xf32>
      %sub3A_811 = arith.subf %sub3A_810, %mul3A_808 : vector<16xf32>
      %mul3A_812 = arith.mulf %mul3A_803, %sub3A_811 : vector<16xf32>
      %mul3A_813 = arith.constant 16 : i32
      %mul3A_814 = arith.muli %scan3A_774, %mul3A_813 : i32
      %add3A_815 = arith.addi %mul3A_2, %mul3A_814 : i32
      %swap3A_816 = arith.index_cast %add3A_815 : i32 to index
      %swap3A_817 = tpu.vector_load %arg14[%swap3A_816] {strides = array<i32>} : memref<10240xf32, #tpu.memory_space<vmem>>, vector<16xf32>,
      tpu.vector_store %arg14[%swap3A_816], %mul3A_812 {strides = array<i32>} : memref<10240xf32, #tpu.memory_space<vmem>>, vector<16xf32>,
      %mul3A_818 = arith.mulf %mul3A_812, %mul3A_812 : vector<16xf32>
      %mul3A_819 = arith.constant 16 : i32
      %mul3A_820 = arith.muli %scan3A_774, %mul3A_819 : i32
      %swap3A_821 = arith.index_cast %mul3A_820 : i32 to index
      %swap3A_822 = tpu.vector_load %arg17[%swap3A_821] {strides = array<i32>} : memref<640xf32, #tpu.memory_space<vmem>>, vector<16xf32>,
      tpu.vector_store %arg17[%swap3A_821], %mul3A_818 {strides = array<i32>} : memref<640xf32, #tpu.memory_space<vmem>>, vector<16xf32>,
      %scan3A_823 = arith.constant 0 : i32
      scf.yield %scan3A_823 : i32
    }
    %scan3A_179 = arith.constant 40 : i32
    "tpu.region"() ({
      %run_scoped3A_774 = tpu.sem_alloc : memref<!tpu.dma_semaphore, #tpu.memory_space<semaphore_mem>>
      %dma_start3A_775 = tpu.memref_slice %arg14[%mul3A_2] : memref<10240xf32, #tpu.memory_space<vmem>> -> memref<640xf32, #tpu.memory_space<vmem>>
      %dma_start3A_776 = tpu.memref_slice %arg21[%mul3A_2] : memref<10240xf32, #tpu.memory_space<vmem_shared>> -> memref<640xf32, #tpu.memory_space<vmem_shared>>
      %dma_start3A_777 = tpu.memref_slice %arg21[%mul3A_2] : memref<10240xf32, #tpu.memory_space<vmem_shared>> -> memref<640xf32, #tpu.memory_space<vmem_shared>>
      %dma_start3A_778 = tpu.memref_slice %arg14[%mul3A_2] : memref<10240xf32, #tpu.memory_space<vmem>> -> memref<640xf32, #tpu.memory_space<vmem>>
      tpu.enqueue_dma source(%dma_start3A_778 : memref<640xf32, #tpu.memory_space<vmem>>) target(%dma_start3A_777 : memref<640xf32, #tpu.memory_space<vmem_shared>>) target_semaphore(%run_scoped3A_774 : memref<!tpu.dma_semaphore, #tpu.memory_space<semaphore_mem>>)
      %dma_wait3A_779 = tpu.memref_slice %arg14[%mul3A_2] : memref<10240xf32, #tpu.memory_space<vmem>> -> memref<640xf32, #tpu.memory_space<vmem>>
      %dma_wait3A_780 = tpu.memref_slice %arg21[%mul3A_2] : memref<10240xf32, #tpu.memory_space<vmem_shared>> -> memref<640xf32, #tpu.memory_space<vmem_shared>>
      %dma_wait3A_781 = tpu.memref_slice %arg21[%mul3A_2] : memref<10240xf32, #tpu.memory_space<vmem_shared>> -> memref<640xf32, #tpu.memory_space<vmem_shared>>
      %dma_wait3A_782 = tpu.memref_slice %arg14[%mul3A_2] : memref<10240xf32, #tpu.memory_space<vmem>> -> memref<640xf32, #tpu.memory_space<vmem>>
      tpu.wait_dma2 semaphore(%run_scoped3A_774 : memref<!tpu.dma_semaphore, #tpu.memory_space<semaphore_mem>>) src(%dma_wait3A_782 : memref<640xf32, #tpu.memory_space<vmem>>) dst(%dma_wait3A_781 : memref<640xf32, #tpu.memory_space<vmem_shared>>)
      tpu.yield
    }) : () -> ()
    %eq3A = arith.constant 0 : i32
    %eq3A_180 = arith.cmpi eq, %arg0, %eq3A : i32
    %convert_element_type3A = arith.extui %eq3A_180 : i1 to i32
    %cond3A = arith.constant 0 : i32
    %cond3A_181 = arith.cmpi ne, %convert_element_type3A, %cond3A : i32
    scf.if %cond3A_181 {
      "tpu.region"() ({
        %run_scoped3A_774 = tpu.sem_alloc : memref<!tpu.dma_semaphore, #tpu.memory_space<semaphore_mem>>
        %dma_start3A_775 = tpu.memref_slice %arg9[%mul3A_2] : memref<10240xf32, #tpu.memory_space<hbm>> -> memref<640xf32, #tpu.memory_space<hbm>>
        %dma_start3A_776 = tpu.memref_slice %arg9[%mul3A_2] : memref<10240xf32, #tpu.memory_space<hbm>> -> memref<640xf32, #tpu.memory_space<hbm>>
        tpu.enqueue_dma source(%arg17 : memref<640xf32, #tpu.memory_space<vmem>>) target(%dma_start3A_776 : memref<640xf32, #tpu.memory_space<hbm>>) target_semaphore(%run_scoped3A_774 : memref<!tpu.dma_semaphore, #tpu.memory_space<semaphore_mem>>)
        %dma_wait3A_777 = tpu.memref_slice %arg9[%mul3A_2] : memref<10240xf32, #tpu.memory_space<hbm>> -> memref<640xf32, #tpu.memory_space<hbm>>
        %dma_wait3A_778 = tpu.memref_slice %arg9[%mul3A_2] : memref<10240xf32, #tpu.memory_space<hbm>> -> memref<640xf32, #tpu.memory_space<hbm>>
        tpu.wait_dma2 semaphore(%run_scoped3A_774 : memref<!tpu.dma_semaphore, #tpu.memory_space<semaphore_mem>>) src(%arg17 : memref<640xf32, #tpu.memory_space<vmem>>) dst(%dma_wait3A_778 : memref<640xf32, #tpu.memory_space<hbm>>)
        tpu.yield
      }) : () -> ()
    } else {
    }
    %barrier3A_182 = arith.constant 0 : index
    tpu.barrier barrier_id(%barrier3A_182)
    "tpu.region"() ({
      %run_scoped3A_774 = tpu.sem_alloc : memref<!tpu.dma_semaphore, #tpu.memory_space<semaphore_mem>>
      tpu.enqueue_dma source(%arg21 : memref<10240xf32, #tpu.memory_space<vmem_shared>>) target(%arg14 : memref<10240xf32, #tpu.memory_space<vmem>>) target_semaphore(%run_scoped3A_774 : memref<!tpu.dma_semaphore, #tpu.memory_space<semaphore_mem>>)
      tpu.wait_dma2 semaphore(%run_scoped3A_774 : memref<!tpu.dma_semaphore, #tpu.memory_space<semaphore_mem>>) src(%arg21 : memref<10240xf32, #tpu.memory_space<vmem_shared>>) dst(%arg14 : memref<10240xf32, #tpu.memory_space<vmem>>)
      tpu.yield
    }) : () -> ()
    "tpu.region"() ({
      %run_scoped3A_774 = tpu.sem_alloc : memref<!tpu.dma_semaphore, #tpu.memory_space<semaphore_mem>>
      %dma_start3A_775 = arith.constant 0 : i32
      %dma_start3A_776 = arith.constant 0 : i32
      %dma_start3A_777 = tpu.memref_slice %arg4[%add3A, %dma_start3A_775, %dma_start3A_776] : memref<32x125x80xi32, #tpu.memory_space<hbm>> -> memref<1x125x80xi32, #tpu.memory_space<hbm>>
      %dma_start3A_778 = tpu.memref_squeeze %dma_start3A_777 : memref<1x125x80xi32, #tpu.memory_space<hbm>> -> memref<125x80xi32, #tpu.memory_space<hbm>>
      %dma_start3A_779 = arith.constant 0 : i32
      %dma_start3A_780 = arith.constant 0 : i32
      %dma_start3A_781 = tpu.memref_slice %arg4[%add3A, %dma_start3A_779, %dma_start3A_780] : memref<32x125x80xi32, #tpu.memory_space<hbm>> -> memref<1x125x80xi32, #tpu.memory_space<hbm>>
      %dma_start3A_782 = tpu.memref_squeeze %dma_start3A_781 : memref<1x125x80xi32, #tpu.memory_space<hbm>> -> memref<125x80xi32, #tpu.memory_space<hbm>>
      tpu.enqueue_dma source(%dma_start3A_782 : memref<125x80xi32, #tpu.memory_space<hbm>>) target(%arg10 : memref<125x80xi32, #tpu.memory_space<vmem>>) target_semaphore(%run_scoped3A_774 : memref<!tpu.dma_semaphore, #tpu.memory_space<semaphore_mem>>)
      %dma_wait3A_783 = arith.constant 0 : i32
      %dma_wait3A_784 = arith.constant 0 : i32
      %dma_wait3A_785 = tpu.memref_slice %arg4[%add3A, %dma_wait3A_783, %dma_wait3A_784] : memref<32x125x80xi32, #tpu.memory_space<hbm>> -> memref<1x125x80xi32, #tpu.memory_space<hbm>>
      %dma_wait3A_786 = tpu.memref_squeeze %dma_wait3A_785 : memref<1x125x80xi32, #tpu.memory_space<hbm>> -> memref<125x80xi32, #tpu.memory_space<hbm>>
      %dma_wait3A_787 = arith.constant 0 : i32
      %dma_wait3A_788 = arith.constant 0 : i32
      %dma_wait3A_789 = tpu.memref_slice %arg4[%add3A, %dma_wait3A_787, %dma_wait3A_788] : memref<32x125x80xi32, #tpu.memory_space<hbm>> -> memref<1x125x80xi32, #tpu.memory_space<hbm>>
      %dma_wait3A_790 = tpu.memref_squeeze %dma_wait3A_789 : memref<1x125x80xi32, #tpu.memory_space<hbm>> -> memref<125x80xi32, #tpu.memory_space<hbm>>
      tpu.wait_dma2 semaphore(%run_scoped3A_774 : memref<!tpu.dma_semaphore, #tpu.memory_space<semaphore_mem>>) src(%dma_wait3A_790 : memref<125x80xi32, #tpu.memory_space<hbm>>) dst(%arg10 : memref<125x80xi32, #tpu.memory_space<vmem>>)
      tpu.yield
    }) : () -> ()
    "tpu.region"() ({
      %run_scoped3A_774 = tpu.sem_alloc : memref<!tpu.dma_semaphore, #tpu.memory_space<semaphore_mem>>
      %dma_start3A_775 = arith.constant 0 : i32
      %dma_start3A_776 = arith.constant 0 : i32
      %dma_start3A_777 = tpu.memref_slice %arg5[%add3A, %dma_start3A_775, %dma_start3A_776] : memref<32x125x80xi32, #tpu.memory_space<hbm>> -> memref<1x125x80xi32, #tpu.memory_space<hbm>>
      %dma_start3A_778 = tpu.memref_squeeze %dma_start3A_777 : memref<1x125x80xi32, #tpu.memory_space<hbm>> -> memref<125x80xi32, #tpu.memory_space<hbm>>
      %dma_start3A_779 = arith.constant 0 : i32
      %dma_start3A_780 = arith.constant 0 : i32
      %dma_start3A_781 = tpu.memref_slice %arg5[%add3A, %dma_start3A_779, %dma_start3A_780] : memref<32x125x80xi32, #tpu.memory_space<hbm>> -> memref<1x125x80xi32, #tpu.memory_space<hbm>>
      %dma_start3A_782 = tpu.memref_squeeze %dma_start3A_781 : memref<1x125x80xi32, #tpu.memory_space<hbm>> -> memref<125x80xi32, #tpu.memory_space<hbm>>
      tpu.enqueue_dma source(%dma_start3A_782 : memref<125x80xi32, #tpu.memory_space<hbm>>) target(%arg11 : memref<125x80xi32, #tpu.memory_space<vmem>>) target_semaphore(%run_scoped3A_774 : memref<!tpu.dma_semaphore, #tpu.memory_space<semaphore_mem>>)
      %dma_wait3A_783 = arith.constant 0 : i32
      %dma_wait3A_784 = arith.constant 0 : i32
      %dma_wait3A_785 = tpu.memref_slice %arg5[%add3A, %dma_wait3A_783, %dma_wait3A_784] : memref<32x125x80xi32, #tpu.memory_space<hbm>> -> memref<1x125x80xi32, #tpu.memory_space<hbm>>
      %dma_wait3A_786 = tpu.memref_squeeze %dma_wait3A_785 : memref<1x125x80xi32, #tpu.memory_space<hbm>> -> memref<125x80xi32, #tpu.memory_space<hbm>>
      %dma_wait3A_787 = arith.constant 0 : i32
      %dma_wait3A_788 = arith.constant 0 : i32
      %dma_wait3A_789 = tpu.memref_slice %arg5[%add3A, %dma_wait3A_787, %dma_wait3A_788] : memref<32x125x80xi32, #tpu.memory_space<hbm>> -> memref<1x125x80xi32, #tpu.memory_space<hbm>>
      %dma_wait3A_790 = tpu.memref_squeeze %dma_wait3A_789 : memref<1x125x80xi32, #tpu.memory_space<hbm>> -> memref<125x80xi32, #tpu.memory_space<hbm>>
      tpu.wait_dma2 semaphore(%run_scoped3A_774 : memref<!tpu.dma_semaphore, #tpu.memory_space<semaphore_mem>>) src(%dma_wait3A_790 : memref<125x80xi32, #tpu.memory_space<hbm>>) dst(%arg11 : memref<125x80xi32, #tpu.memory_space<vmem>>)
      tpu.yield
    }) : () -> ()
    "tpu.region"() ({
      %run_scoped3A_774 = tpu.sem_alloc : memref<!tpu.dma_semaphore, #tpu.memory_space<semaphore_mem>>
      %dma_start3A_775 = arith.constant 0 : i32
      %dma_start3A_776 = arith.constant 0 : i32
      %dma_start3A_777 = tpu.memref_slice %arg6[%add3A, %dma_start3A_775, %dma_start3A_776] : memref<32x125x80xf32, #tpu.memory_space<hbm>> -> memref<1x125x80xf32, #tpu.memory_space<hbm>>
      %dma_start3A_778 = tpu.memref_squeeze %dma_start3A_777 : memref<1x125x80xf32, #tpu.memory_space<hbm>> -> memref<125x80xf32, #tpu.memory_space<hbm>>
      %dma_start3A_779 = arith.constant 0 : i32
      %dma_start3A_780 = arith.constant 0 : i32
      %dma_start3A_781 = tpu.memref_slice %arg6[%add3A, %dma_start3A_779, %dma_start3A_780] : memref<32x125x80xf32, #tpu.memory_space<hbm>> -> memref<1x125x80xf32, #tpu.memory_space<hbm>>
      %dma_start3A_782 = tpu.memref_squeeze %dma_start3A_781 : memref<1x125x80xf32, #tpu.memory_space<hbm>> -> memref<125x80xf32, #tpu.memory_space<hbm>>
      tpu.enqueue_dma source(%dma_start3A_782 : memref<125x80xf32, #tpu.memory_space<hbm>>) target(%arg12 : memref<125x80xf32, #tpu.memory_space<vmem>>) target_semaphore(%run_scoped3A_774 : memref<!tpu.dma_semaphore, #tpu.memory_space<semaphore_mem>>)
      %dma_wait3A_783 = arith.constant 0 : i32
      %dma_wait3A_784 = arith.constant 0 : i32
      %dma_wait3A_785 = tpu.memref_slice %arg6[%add3A, %dma_wait3A_783, %dma_wait3A_784] : memref<32x125x80xf32, #tpu.memory_space<hbm>> -> memref<1x125x80xf32, #tpu.memory_space<hbm>>
      %dma_wait3A_786 = tpu.memref_squeeze %dma_wait3A_785 : memref<1x125x80xf32, #tpu.memory_space<hbm>> -> memref<125x80xf32, #tpu.memory_space<hbm>>
      %dma_wait3A_787 = arith.constant 0 : i32
      %dma_wait3A_788 = arith.constant 0 : i32
      %dma_wait3A_789 = tpu.memref_slice %arg6[%add3A, %dma_wait3A_787, %dma_wait3A_788] : memref<32x125x80xf32, #tpu.memory_space<hbm>> -> memref<1x125x80xf32, #tpu.memory_space<hbm>>
      %dma_wait3A_790 = tpu.memref_squeeze %dma_wait3A_789 : memref<1x125x80xf32, #tpu.memory_space<hbm>> -> memref<125x80xf32, #tpu.memory_space<hbm>>
      tpu.wait_dma2 semaphore(%run_scoped3A_774 : memref<!tpu.dma_semaphore, #tpu.memory_space<semaphore_mem>>) src(%dma_wait3A_790 : memref<125x80xf32, #tpu.memory_space<hbm>>) dst(%arg12 : memref<125x80xf32, #tpu.memory_space<vmem>>)
      tpu.yield
    }) : () -> ()
    %scan3A_183 = arith.constant 0 : i32
    %scan3A_184 = arith.constant 0 : i32
    %scan3A_185 = arith.constant 125 : i32
    %scan3A_186 = arith.addi %scan3A_184, %scan3A_185 : i32
    %scan3A_187 = arith.constant 1 : i32
    %scan3A_188 = scf.for %scan3A_774 = %scan3A_184 to %scan3A_186 step %scan3A_187 iter_args(%scan3A_775 = %scan3A_183) -> (i32)  : i32 {
      %get3A = arith.index_cast %scan3A_774 : i32 to index
      %get3A_776 = arith.constant 0 : index
      %get3A_777 = tpu.vector_load %arg10[%get3A, %get3A_776] {strides = array<i32>} : memref<125x80xi32, #tpu.memory_space<vmem>>, vector<16xi32>,
      %get3A_778 = arith.index_cast %scan3A_774 : i32 to index
      %get3A_779 = arith.constant 0 : index
      %get3A_780 = tpu.vector_load %arg11[%get3A_778, %get3A_779] {strides = array<i32>} : memref<125x80xi32, #tpu.memory_space<vmem>>, vector<16xi32>,
      %get3A_781 = arith.index_cast %scan3A_774 : i32 to index
      %get3A_782 = arith.constant 0 : index
      %get3A_783 = tpu.vector_load %arg12[%get3A_781, %get3A_782] {strides = array<i32>} : memref<125x80xf32, #tpu.memory_space<vmem>>, vector<16xf32>,
      %gather3A = tpu.vector_load_idx %arg14[%get3A_777] : memref<10240xf32, #tpu.memory_space<vmem>>[vector<16xi32>], vector<16xf32>,
      %mul3A_784 = arith.mulf %gather3A, %get3A_783 : vector<16xf32>
      %gather3A_785 = tpu.vector_load_idx %arg14[%get3A_780] : memref<10240xf32, #tpu.memory_space<vmem>>[vector<16xi32>], vector<16xf32>,
      %mul3A_786 = arith.mulf %mul3A_784, %gather3A_785 : vector<16xf32>
      %swap3A_787 = arith.index_cast %scan3A_774 : i32 to index
      %swap3A_788 = arith.constant 0 : index
      %swap3A_789 = tpu.vector_load %arg13[%swap3A_787, %swap3A_788] {strides = array<i32>} : memref<125x80xf32, #tpu.memory_space<vmem>>, vector<16xf32>,
      tpu.vector_store %arg13[%swap3A_787, %swap3A_788], %mul3A_786 {strides = array<i32>} : memref<125x80xf32, #tpu.memory_space<vmem>>, vector<16xf32>,
      %get3A_790 = arith.index_cast %scan3A_774 : i32 to index
      %get3A_791 = arith.constant 16 : index
      %get3A_792 = tpu.vector_load %arg10[%get3A_790, %get3A_791] {strides = array<i32>} : memref<125x80xi32, #tpu.memory_space<vmem>>, vector<16xi32>,
      %get3A_793 = arith.index_cast %scan3A_774 : i32 to index
      %get3A_794 = arith.constant 16 : index
      %get3A_795 = tpu.vector_load %arg11[%get3A_793, %get3A_794] {strides = array<i32>} : memref<125x80xi32, #tpu.memory_space<vmem>>, vector<16xi32>,
      %get3A_796 = arith.index_cast %scan3A_774 : i32 to index
      %get3A_797 = arith.constant 16 : index
      %get3A_798 = tpu.vector_load %arg12[%get3A_796, %get3A_797] {strides = array<i32>} : memref<125x80xf32, #tpu.memory_space<vmem>>, vector<16xf32>,
      %gather3A_799 = tpu.vector_load_idx %arg14[%get3A_792] : memref<10240xf32, #tpu.memory_space<vmem>>[vector<16xi32>], vector<16xf32>,
      %mul3A_800 = arith.mulf %gather3A_799, %get3A_798 : vector<16xf32>
      %gather3A_801 = tpu.vector_load_idx %arg14[%get3A_795] : memref<10240xf32, #tpu.memory_space<vmem>>[vector<16xi32>], vector<16xf32>,
      %mul3A_802 = arith.mulf %mul3A_800, %gather3A_801 : vector<16xf32>
      %swap3A_803 = arith.index_cast %scan3A_774 : i32 to index
      %swap3A_804 = arith.constant 16 : index
      %swap3A_805 = tpu.vector_load %arg13[%swap3A_803, %swap3A_804] {strides = array<i32>} : memref<125x80xf32, #tpu.memory_space<vmem>>, vector<16xf32>,
      tpu.vector_store %arg13[%swap3A_803, %swap3A_804], %mul3A_802 {strides = array<i32>} : memref<125x80xf32, #tpu.memory_space<vmem>>, vector<16xf32>,
      %get3A_806 = arith.index_cast %scan3A_774 : i32 to index
      %get3A_807 = arith.constant 32 : index
      %get3A_808 = tpu.vector_load %arg10[%get3A_806, %get3A_807] {strides = array<i32>} : memref<125x80xi32, #tpu.memory_space<vmem>>, vector<16xi32>,
      %get3A_809 = arith.index_cast %scan3A_774 : i32 to index
      %get3A_810 = arith.constant 32 : index
      %get3A_811 = tpu.vector_load %arg11[%get3A_809, %get3A_810] {strides = array<i32>} : memref<125x80xi32, #tpu.memory_space<vmem>>, vector<16xi32>,
      %get3A_812 = arith.index_cast %scan3A_774 : i32 to index
      %get3A_813 = arith.constant 32 : index
      %get3A_814 = tpu.vector_load %arg12[%get3A_812, %get3A_813] {strides = array<i32>} : memref<125x80xf32, #tpu.memory_space<vmem>>, vector<16xf32>,
      %gather3A_815 = tpu.vector_load_idx %arg14[%get3A_808] : memref<10240xf32, #tpu.memory_space<vmem>>[vector<16xi32>], vector<16xf32>,
      %mul3A_816 = arith.mulf %gather3A_815, %get3A_814 : vector<16xf32>
      %gather3A_817 = tpu.vector_load_idx %arg14[%get3A_811] : memref<10240xf32, #tpu.memory_space<vmem>>[vector<16xi32>], vector<16xf32>,
      %mul3A_818 = arith.mulf %mul3A_816, %gather3A_817 : vector<16xf32>
      %swap3A_819 = arith.index_cast %scan3A_774 : i32 to index
      %swap3A_820 = arith.constant 32 : index
      %swap3A_821 = tpu.vector_load %arg13[%swap3A_819, %swap3A_820] {strides = array<i32>} : memref<125x80xf32, #tpu.memory_space<vmem>>, vector<16xf32>,
      tpu.vector_store %arg13[%swap3A_819, %swap3A_820], %mul3A_818 {strides = array<i32>} : memref<125x80xf32, #tpu.memory_space<vmem>>, vector<16xf32>,
      %get3A_822 = arith.index_cast %scan3A_774 : i32 to index
      %get3A_823 = arith.constant 48 : index
      %get3A_824 = tpu.vector_load %arg10[%get3A_822, %get3A_823] {strides = array<i32>} : memref<125x80xi32, #tpu.memory_space<vmem>>, vector<16xi32>,
      %get3A_825 = arith.index_cast %scan3A_774 : i32 to index
      %get3A_826 = arith.constant 48 : index
      %get3A_827 = tpu.vector_load %arg11[%get3A_825, %get3A_826] {strides = array<i32>} : memref<125x80xi32, #tpu.memory_space<vmem>>, vector<16xi32>,
      %get3A_828 = arith.index_cast %scan3A_774 : i32 to index
      %get3A_829 = arith.constant 48 : index
      %get3A_830 = tpu.vector_load %arg12[%get3A_828, %get3A_829] {strides = array<i32>} : memref<125x80xf32, #tpu.memory_space<vmem>>, vector<16xf32>,
      %gather3A_831 = tpu.vector_load_idx %arg14[%get3A_824] : memref<10240xf32, #tpu.memory_space<vmem>>[vector<16xi32>], vector<16xf32>,
      %mul3A_832 = arith.mulf %gather3A_831, %get3A_830 : vector<16xf32>
      %gather3A_833 = tpu.vector_load_idx %arg14[%get3A_827] : memref<10240xf32, #tpu.memory_space<vmem>>[vector<16xi32>], vector<16xf32>,
      %mul3A_834 = arith.mulf %mul3A_832, %gather3A_833 : vector<16xf32>
      %swap3A_835 = arith.index_cast %scan3A_774 : i32 to index
      %swap3A_836 = arith.constant 48 : index
      %swap3A_837 = tpu.vector_load %arg13[%swap3A_835, %swap3A_836] {strides = array<i32>} : memref<125x80xf32, #tpu.memory_space<vmem>>, vector<16xf32>,
      tpu.vector_store %arg13[%swap3A_835, %swap3A_836], %mul3A_834 {strides = array<i32>} : memref<125x80xf32, #tpu.memory_space<vmem>>, vector<16xf32>,
      %get3A_838 = arith.index_cast %scan3A_774 : i32 to index
      %get3A_839 = arith.constant 64 : index
      %get3A_840 = tpu.vector_load %arg10[%get3A_838, %get3A_839] {strides = array<i32>} : memref<125x80xi32, #tpu.memory_space<vmem>>, vector<16xi32>,
      %get3A_841 = arith.index_cast %scan3A_774 : i32 to index
      %get3A_842 = arith.constant 64 : index
      %get3A_843 = tpu.vector_load %arg11[%get3A_841, %get3A_842] {strides = array<i32>} : memref<125x80xi32, #tpu.memory_space<vmem>>, vector<16xi32>,
      %get3A_844 = arith.index_cast %scan3A_774 : i32 to index
      %get3A_845 = arith.constant 64 : index
      %get3A_846 = tpu.vector_load %arg12[%get3A_844, %get3A_845] {strides = array<i32>} : memref<125x80xf32, #tpu.memory_space<vmem>>, vector<16xf32>,
      %gather3A_847 = tpu.vector_load_idx %arg14[%get3A_840] : memref<10240xf32, #tpu.memory_space<vmem>>[vector<16xi32>], vector<16xf32>,
      %mul3A_848 = arith.mulf %gather3A_847, %get3A_846 : vector<16xf32>
      %gather3A_849 = tpu.vector_load_idx %arg14[%get3A_843] : memref<10240xf32, #tpu.memory_space<vmem>>[vector<16xi32>], vector<16xf32>,
      %mul3A_850 = arith.mulf %mul3A_848, %gather3A_849 : vector<16xf32>
      %swap3A_851 = arith.index_cast %scan3A_774 : i32 to index
      %swap3A_852 = arith.constant 64 : index
      %swap3A_853 = tpu.vector_load %arg13[%swap3A_851, %swap3A_852] {strides = array<i32>} : memref<125x80xf32, #tpu.memory_space<vmem>>, vector<16xf32>,
      tpu.vector_store %arg13[%swap3A_851, %swap3A_852], %mul3A_850 {strides = array<i32>} : memref<125x80xf32, #tpu.memory_space<vmem>>, vector<16xf32>,
      %scan3A_854 = arith.constant 0 : i32
      scf.yield %scan3A_854 : i32
    }
    %scan3A_189 = arith.constant 125 : i32
    "tpu.region"() ({
      %run_scoped3A_774 = tpu.sem_alloc : memref<!tpu.dma_semaphore, #tpu.memory_space<semaphore_mem>>
      %dma_start3A_775 = arith.constant 0 : i32
      %dma_start3A_776 = arith.constant 0 : i32
      %dma_start3A_777 = tpu.memref_slice %arg8[%add3A, %dma_start3A_775, %dma_start3A_776] : memref<32x125x80xf32, #tpu.memory_space<hbm>> -> memref<1x125x80xf32, #tpu.memory_space<hbm>>
      %dma_start3A_778 = tpu.memref_squeeze %dma_start3A_777 : memref<1x125x80xf32, #tpu.memory_space<hbm>> -> memref<125x80xf32, #tpu.memory_space<hbm>>
      %dma_start3A_779 = arith.constant 0 : i32
      %dma_start3A_780 = arith.constant 0 : i32
      %dma_start3A_781 = tpu.memref_slice %arg8[%add3A, %dma_start3A_779, %dma_start3A_780] : memref<32x125x80xf32, #tpu.memory_space<hbm>> -> memref<1x125x80xf32, #tpu.memory_space<hbm>>
      %dma_start3A_782 = tpu.memref_squeeze %dma_start3A_781 : memref<1x125x80xf32, #tpu.memory_space<hbm>> -> memref<125x80xf32, #tpu.memory_space<hbm>>
      tpu.enqueue_dma source(%arg13 : memref<125x80xf32, #tpu.memory_space<vmem>>) target(%dma_start3A_782 : memref<125x80xf32, #tpu.memory_space<hbm>>) target_semaphore(%run_scoped3A_774 : memref<!tpu.dma_semaphore, #tpu.memory_space<semaphore_mem>>)
      %dma_wait3A_783 = arith.constant 0 : i32
      %dma_wait3A_784 = arith.constant 0 : i32
      %dma_wait3A_785 = tpu.memref_slice %arg8[%add3A, %dma_wait3A_783, %dma_wait3A_784] : memref<32x125x80xf32, #tpu.memory_space<hbm>> -> memref<1x125x80xf32, #tpu.memory_space<hbm>>
      %dma_wait3A_786 = tpu.memref_squeeze %dma_wait3A_785 : memref<1x125x80xf32, #tpu.memory_space<hbm>> -> memref<125x80xf32, #tpu.memory_space<hbm>>
      %dma_wait3A_787 = arith.constant 0 : i32
      %dma_wait3A_788 = arith.constant 0 : i32
      %dma_wait3A_789 = tpu.memref_slice %arg8[%add3A, %dma_wait3A_787, %dma_wait3A_788] : memref<32x125x80xf32, #tpu.memory_space<hbm>> -> memref<1x125x80xf32, #tpu.memory_space<hbm>>
      %dma_wait3A_790 = tpu.memref_squeeze %dma_wait3A_789 : memref<1x125x80xf32, #tpu.memory_space<hbm>> -> memref<125x80xf32, #tpu.memory_space<hbm>>
      tpu.wait_dma2 semaphore(%run_scoped3A_774 : memref<!tpu.dma_semaphore, #tpu.memory_space<semaphore_mem>>) src(%arg13 : memref<125x80xf32, #tpu.memory_space<vmem>>) dst(%dma_wait3A_790 : memref<125x80xf32, #tpu.memory_space<hbm>>)
      tpu.yield
    }) : () -> ()
    %mul3A_190 = arith.constant 5120 : i32
    %mul3A_191 = arith.muli %arg0, %mul3A_190 : i32
    %mul3A_192 = arith.constant 320 : i32
    %mul3A_193 = arith.muli %arg1, %mul3A_192 : i32
    %add3A_194 = arith.addi %mul3A_191, %mul3A_193 : i32
    %add3A_195 = arith.constant 0 : i32
    %add3A_196 = arith.addi %mul3A_2, %add3A_195 : i32
    "tpu.region"() ({
      %run_scoped3A_774 = tpu.sem_alloc : memref<!tpu.dma_semaphore, #tpu.memory_space<semaphore_mem>>
      %dma_start3A_775 = arith.constant 0 : i32
      %dma_start3A_776 = tpu.memref_slice %arg19[%add3A_196, %dma_start3A_775] : memref<10240x64xf32, #tpu.memory_space<vmem_shared>> -> memref<128x64xf32, #tpu.memory_space<vmem_shared>>
      %dma_start3A_777 = arith.constant 0 : i32
      %dma_start3A_778 = tpu.memref_slice %arg19[%add3A_196, %dma_start3A_777] : memref<10240x64xf32, #tpu.memory_space<vmem_shared>> -> memref<128x64xf32, #tpu.memory_space<vmem_shared>>
      tpu.enqueue_dma source(%arg16 : memref<128x64xf32, #tpu.memory_space<vmem>>) target(%dma_start3A_778 : memref<128x64xf32, #tpu.memory_space<vmem_shared>>) target_semaphore(%run_scoped3A_774 : memref<!tpu.dma_semaphore, #tpu.memory_space<semaphore_mem>>)
      %dma_wait3A_779 = arith.constant 0 : i32
      %dma_wait3A_780 = tpu.memref_slice %arg19[%add3A_196, %dma_wait3A_779] : memref<10240x64xf32, #tpu.memory_space<vmem_shared>> -> memref<128x64xf32, #tpu.memory_space<vmem_shared>>
      %dma_wait3A_781 = arith.constant 0 : i32
      %dma_wait3A_782 = tpu.memref_slice %arg19[%add3A_196, %dma_wait3A_781] : memref<10240x64xf32, #tpu.memory_space<vmem_shared>> -> memref<128x64xf32, #tpu.memory_space<vmem_shared>>
      tpu.wait_dma2 semaphore(%run_scoped3A_774 : memref<!tpu.dma_semaphore, #tpu.memory_space<semaphore_mem>>) src(%arg16 : memref<128x64xf32, #tpu.memory_space<vmem>>) dst(%dma_wait3A_782 : memref<128x64xf32, #tpu.memory_space<vmem_shared>>)
      tpu.yield
    }) : () -> ()
    %add3A_197 = arith.constant 128 : i32
    %add3A_198 = arith.addi %mul3A_2, %add3A_197 : i32
    "tpu.region"() ({
      %run_scoped3A_774 = tpu.sem_alloc : memref<!tpu.dma_semaphore, #tpu.memory_space<semaphore_mem>>
      %dma_start3A_775 = arith.constant 0 : i32
      %dma_start3A_776 = tpu.memref_slice %arg19[%add3A_198, %dma_start3A_775] : memref<10240x64xf32, #tpu.memory_space<vmem_shared>> -> memref<128x64xf32, #tpu.memory_space<vmem_shared>>
      %dma_start3A_777 = arith.constant 0 : i32
      %dma_start3A_778 = tpu.memref_slice %arg19[%add3A_198, %dma_start3A_777] : memref<10240x64xf32, #tpu.memory_space<vmem_shared>> -> memref<128x64xf32, #tpu.memory_space<vmem_shared>>
      tpu.enqueue_dma source(%arg16 : memref<128x64xf32, #tpu.memory_space<vmem>>) target(%dma_start3A_778 : memref<128x64xf32, #tpu.memory_space<vmem_shared>>) target_semaphore(%run_scoped3A_774 : memref<!tpu.dma_semaphore, #tpu.memory_space<semaphore_mem>>)
      %dma_wait3A_779 = arith.constant 0 : i32
      %dma_wait3A_780 = tpu.memref_slice %arg19[%add3A_198, %dma_wait3A_779] : memref<10240x64xf32, #tpu.memory_space<vmem_shared>> -> memref<128x64xf32, #tpu.memory_space<vmem_shared>>
      %dma_wait3A_781 = arith.constant 0 : i32
      %dma_wait3A_782 = tpu.memref_slice %arg19[%add3A_198, %dma_wait3A_781] : memref<10240x64xf32, #tpu.memory_space<vmem_shared>> -> memref<128x64xf32, #tpu.memory_space<vmem_shared>>
      tpu.wait_dma2 semaphore(%run_scoped3A_774 : memref<!tpu.dma_semaphore, #tpu.memory_space<semaphore_mem>>) src(%arg16 : memref<128x64xf32, #tpu.memory_space<vmem>>) dst(%dma_wait3A_782 : memref<128x64xf32, #tpu.memory_space<vmem_shared>>)
      tpu.yield
    }) : () -> ()
    %add3A_199 = arith.constant 256 : i32
    %add3A_200 = arith.addi %mul3A_2, %add3A_199 : i32
    "tpu.region"() ({
      %run_scoped3A_774 = tpu.sem_alloc : memref<!tpu.dma_semaphore, #tpu.memory_space<semaphore_mem>>
      %dma_start3A_775 = arith.constant 0 : i32
      %dma_start3A_776 = tpu.memref_slice %arg19[%add3A_200, %dma_start3A_775] : memref<10240x64xf32, #tpu.memory_space<vmem_shared>> -> memref<128x64xf32, #tpu.memory_space<vmem_shared>>
      %dma_start3A_777 = arith.constant 0 : i32
      %dma_start3A_778 = tpu.memref_slice %arg19[%add3A_200, %dma_start3A_777] : memref<10240x64xf32, #tpu.memory_space<vmem_shared>> -> memref<128x64xf32, #tpu.memory_space<vmem_shared>>
      tpu.enqueue_dma source(%arg16 : memref<128x64xf32, #tpu.memory_space<vmem>>) target(%dma_start3A_778 : memref<128x64xf32, #tpu.memory_space<vmem_shared>>) target_semaphore(%run_scoped3A_774 : memref<!tpu.dma_semaphore, #tpu.memory_space<semaphore_mem>>)
      %dma_wait3A_779 = arith.constant 0 : i32
      %dma_wait3A_780 = tpu.memref_slice %arg19[%add3A_200, %dma_wait3A_779] : memref<10240x64xf32, #tpu.memory_space<vmem_shared>> -> memref<128x64xf32, #tpu.memory_space<vmem_shared>>
      %dma_wait3A_781 = arith.constant 0 : i32
      %dma_wait3A_782 = tpu.memref_slice %arg19[%add3A_200, %dma_wait3A_781] : memref<10240x64xf32, #tpu.memory_space<vmem_shared>> -> memref<128x64xf32, #tpu.memory_space<vmem_shared>>
      tpu.wait_dma2 semaphore(%run_scoped3A_774 : memref<!tpu.dma_semaphore, #tpu.memory_space<semaphore_mem>>) src(%arg16 : memref<128x64xf32, #tpu.memory_space<vmem>>) dst(%dma_wait3A_782 : memref<128x64xf32, #tpu.memory_space<vmem_shared>>)
      tpu.yield
    }) : () -> ()
    %add3A_201 = arith.constant 384 : i32
    %add3A_202 = arith.addi %mul3A_2, %add3A_201 : i32
    "tpu.region"() ({
      %run_scoped3A_774 = tpu.sem_alloc : memref<!tpu.dma_semaphore, #tpu.memory_space<semaphore_mem>>
      %dma_start3A_775 = arith.constant 0 : i32
      %dma_start3A_776 = tpu.memref_slice %arg19[%add3A_202, %dma_start3A_775] : memref<10240x64xf32, #tpu.memory_space<vmem_shared>> -> memref<128x64xf32, #tpu.memory_space<vmem_shared>>
      %dma_start3A_777 = arith.constant 0 : i32
      %dma_start3A_778 = tpu.memref_slice %arg19[%add3A_202, %dma_start3A_777] : memref<10240x64xf32, #tpu.memory_space<vmem_shared>> -> memref<128x64xf32, #tpu.memory_space<vmem_shared>>
      tpu.enqueue_dma source(%arg16 : memref<128x64xf32, #tpu.memory_space<vmem>>) target(%dma_start3A_778 : memref<128x64xf32, #tpu.memory_space<vmem_shared>>) target_semaphore(%run_scoped3A_774 : memref<!tpu.dma_semaphore, #tpu.memory_space<semaphore_mem>>)
      %dma_wait3A_779 = arith.constant 0 : i32
      %dma_wait3A_780 = tpu.memref_slice %arg19[%add3A_202, %dma_wait3A_779] : memref<10240x64xf32, #tpu.memory_space<vmem_shared>> -> memref<128x64xf32, #tpu.memory_space<vmem_shared>>
      %dma_wait3A_781 = arith.constant 0 : i32
      %dma_wait3A_782 = tpu.memref_slice %arg19[%add3A_202, %dma_wait3A_781] : memref<10240x64xf32, #tpu.memory_space<vmem_shared>> -> memref<128x64xf32, #tpu.memory_space<vmem_shared>>
      tpu.wait_dma2 semaphore(%run_scoped3A_774 : memref<!tpu.dma_semaphore, #tpu.memory_space<semaphore_mem>>) src(%arg16 : memref<128x64xf32, #tpu.memory_space<vmem>>) dst(%dma_wait3A_782 : memref<128x64xf32, #tpu.memory_space<vmem_shared>>)
      tpu.yield
    }) : () -> ()
    %add3A_203 = arith.constant 512 : i32
    %add3A_204 = arith.addi %mul3A_2, %add3A_203 : i32
    "tpu.region"() ({
      %run_scoped3A_774 = tpu.sem_alloc : memref<!tpu.dma_semaphore, #tpu.memory_space<semaphore_mem>>
      %dma_start3A_775 = arith.constant 0 : i32
      %dma_start3A_776 = tpu.memref_slice %arg19[%add3A_204, %dma_start3A_775] : memref<10240x64xf32, #tpu.memory_space<vmem_shared>> -> memref<128x64xf32, #tpu.memory_space<vmem_shared>>
      %dma_start3A_777 = arith.constant 0 : i32
      %dma_start3A_778 = tpu.memref_slice %arg19[%add3A_204, %dma_start3A_777] : memref<10240x64xf32, #tpu.memory_space<vmem_shared>> -> memref<128x64xf32, #tpu.memory_space<vmem_shared>>
      tpu.enqueue_dma source(%arg16 : memref<128x64xf32, #tpu.memory_space<vmem>>) target(%dma_start3A_778 : memref<128x64xf32, #tpu.memory_space<vmem_shared>>) target_semaphore(%run_scoped3A_774 : memref<!tpu.dma_semaphore, #tpu.memory_space<semaphore_mem>>)
      %dma_wait3A_779 = arith.constant 0 : i32
      %dma_wait3A_780 = tpu.memref_slice %arg19[%add3A_204, %dma_wait3A_779] : memref<10240x64xf32, #tpu.memory_space<vmem_shared>> -> memref<128x64xf32, #tpu.memory_space<vmem_shared>>
      %dma_wait3A_781 = arith.constant 0 : i32
      %dma_wait3A_782 = tpu.memref_slice %arg19[%add3A_204, %dma_wait3A_781] : memref<10240x64xf32, #tpu.memory_space<vmem_shared>> -> memref<128x64xf32, #tpu.memory_space<vmem_shared>>
      tpu.wait_dma2 semaphore(%run_scoped3A_774 : memref<!tpu.dma_semaphore, #tpu.memory_space<semaphore_mem>>) src(%arg16 : memref<128x64xf32, #tpu.memory_space<vmem>>) dst(%dma_wait3A_782 : memref<128x64xf32, #tpu.memory_space<vmem_shared>>)
      tpu.yield
    }) : () -> ()
    %barrier3A_205 = arith.constant 0 : index
    tpu.barrier barrier_id(%barrier3A_205)
    %scan3A_206 = arith.constant 0 : i32
    %scan3A_207 = arith.constant 0 : i32
    %scan3A_208 = arith.constant 125 : i32
    %scan3A_209 = arith.addi %scan3A_207, %scan3A_208 : i32
    %scan3A_210 = arith.constant 1 : i32
    %scan3A_211 = scf.for %scan3A_774 = %scan3A_207 to %scan3A_209 step %scan3A_210 iter_args(%scan3A_775 = %scan3A_206) -> (i32)  : i32 {
      %dma_start3A_776 = arith.constant 0 : i32
      %dma_start3A_777 = tpu.memref_slice %arg10[%scan3A_774, %dma_start3A_776] : memref<125x80xi32, #tpu.memory_space<vmem>> -> memref<1x80xi32, #tpu.memory_space<vmem>>
      %dma_start3A_778 = tpu.memref_squeeze %dma_start3A_777 : memref<1x80xi32, #tpu.memory_space<vmem>> -> memref<80xi32, #tpu.memory_space<vmem>>
      %dma_start3A_779 = arith.constant 0 : i32
      %dma_start3A_780 = arith.constant 0 : i32
      %dma_start3A_781 = tpu.memref_slice %arg2[%dma_start3A_779, %dma_start3A_780] : memref<10240x64xf32, #tpu.memory_space<hbm>> -> memref<10240x64xf32, #tpu.memory_space<hbm>>
      tpu.enqueue_indirect_dma source(%dma_start3A_781 : memref<10240x64xf32, #tpu.memory_space<hbm>>) target(%arg15 : memref<80x64xf32, #tpu.memory_space<vmem>>) offsets(%dma_start3A_778 : memref<80xi32, #tpu.memory_space<vmem>>) semaphore(%arg22 : memref<!tpu.dma_semaphore, #tpu.memory_space<semaphore_mem>>)
      %dma_wait3A_782 = arith.constant 0 : i32
      %dma_wait3A_783 = tpu.memref_slice %arg10[%scan3A_774, %dma_wait3A_782] : memref<125x80xi32, #tpu.memory_space<vmem>> -> memref<1x80xi32, #tpu.memory_space<vmem>>
      %dma_wait3A_784 = tpu.memref_squeeze %dma_wait3A_783 : memref<1x80xi32, #tpu.memory_space<vmem>> -> memref<80xi32, #tpu.memory_space<vmem>>
      %dma_wait3A_785 = arith.constant 0 : i32
      %dma_wait3A_786 = arith.constant 0 : i32
      %dma_wait3A_787 = tpu.memref_slice %arg2[%dma_wait3A_785, %dma_wait3A_786] : memref<10240x64xf32, #tpu.memory_space<hbm>> -> memref<10240x64xf32, #tpu.memory_space<hbm>>
      tpu.wait_indirect_dma semaphore(%arg22 : memref<!tpu.dma_semaphore, #tpu.memory_space<semaphore_mem>>) src(%dma_wait3A_787 : memref<10240x64xf32, #tpu.memory_space<hbm>>) dst(%arg15 : memref<80x64xf32, #tpu.memory_space<vmem>>)
      %scan3A_788 = arith.constant 0 : i32
      %scan3A_789 = arith.constant 0 : i32
      %scan3A_790 = arith.constant 80 : i32
      %scan3A_791 = arith.addi %scan3A_789, %scan3A_790 : i32
      %scan3A_792 = arith.constant 1 : i32
      %scan3A_793 = scf.for %scan3A_808 = %scan3A_789 to %scan3A_791 step %scan3A_792 iter_args(%scan3A_809 = %scan3A_788) -> (i32)  : i32 {
        %broadcast_in_dim3A = vector.broadcast %scan3A_774 : i32 to vector<16xi32>
        %broadcast_in_dim3A_810 = vector.broadcast %scan3A_808 : i32 to vector<16xi32>
        %gather3A = tpu.vector_load_idx %arg13[%broadcast_in_dim3A, %broadcast_in_dim3A_810] : memref<125x80xf32, #tpu.memory_space<vmem>>[vector<16xi32>, vector<16xi32>], vector<16xf32>,
        %get3A = arith.index_cast %scan3A_808 : i32 to index
        %get3A_811 = arith.constant 0 : index
        %get3A_812 = tpu.vector_load %arg15[%get3A, %get3A_811] {strides = array<i32>} : memref<80x64xf32, #tpu.memory_space<vmem>>, vector<16xf32>,
        %mul3A_813 = arith.mulf %get3A_812, %gather3A : vector<16xf32>
        %swap3A_814 = arith.index_cast %scan3A_808 : i32 to index
        %swap3A_815 = arith.constant 0 : index
        %swap3A_816 = tpu.vector_load %arg15[%swap3A_814, %swap3A_815] {strides = array<i32>} : memref<80x64xf32, #tpu.memory_space<vmem>>, vector<16xf32>,
        tpu.vector_store %arg15[%swap3A_814, %swap3A_815], %mul3A_813 {strides = array<i32>} : memref<80x64xf32, #tpu.memory_space<vmem>>, vector<16xf32>,
        %get3A_817 = arith.index_cast %scan3A_808 : i32 to index
        %get3A_818 = arith.constant 16 : index
        %get3A_819 = tpu.vector_load %arg15[%get3A_817, %get3A_818] {strides = array<i32>} : memref<80x64xf32, #tpu.memory_space<vmem>>, vector<16xf32>,
        %mul3A_820 = arith.mulf %get3A_819, %gather3A : vector<16xf32>
        %swap3A_821 = arith.index_cast %scan3A_808 : i32 to index
        %swap3A_822 = arith.constant 16 : index
        %swap3A_823 = tpu.vector_load %arg15[%swap3A_821, %swap3A_822] {strides = array<i32>} : memref<80x64xf32, #tpu.memory_space<vmem>>, vector<16xf32>,
        tpu.vector_store %arg15[%swap3A_821, %swap3A_822], %mul3A_820 {strides = array<i32>} : memref<80x64xf32, #tpu.memory_space<vmem>>, vector<16xf32>,
        %get3A_824 = arith.index_cast %scan3A_808 : i32 to index
        %get3A_825 = arith.constant 32 : index
        %get3A_826 = tpu.vector_load %arg15[%get3A_824, %get3A_825] {strides = array<i32>} : memref<80x64xf32, #tpu.memory_space<vmem>>, vector<16xf32>,
        %mul3A_827 = arith.mulf %get3A_826, %gather3A : vector<16xf32>
        %swap3A_828 = arith.index_cast %scan3A_808 : i32 to index
        %swap3A_829 = arith.constant 32 : index
        %swap3A_830 = tpu.vector_load %arg15[%swap3A_828, %swap3A_829] {strides = array<i32>} : memref<80x64xf32, #tpu.memory_space<vmem>>, vector<16xf32>,
        tpu.vector_store %arg15[%swap3A_828, %swap3A_829], %mul3A_827 {strides = array<i32>} : memref<80x64xf32, #tpu.memory_space<vmem>>, vector<16xf32>,
        %get3A_831 = arith.index_cast %scan3A_808 : i32 to index
        %get3A_832 = arith.constant 48 : index
        %get3A_833 = tpu.vector_load %arg15[%get3A_831, %get3A_832] {strides = array<i32>} : memref<80x64xf32, #tpu.memory_space<vmem>>, vector<16xf32>,
        %mul3A_834 = arith.mulf %get3A_833, %gather3A : vector<16xf32>
        %swap3A_835 = arith.index_cast %scan3A_808 : i32 to index
        %swap3A_836 = arith.constant 48 : index
        %swap3A_837 = tpu.vector_load %arg15[%swap3A_835, %swap3A_836] {strides = array<i32>} : memref<80x64xf32, #tpu.memory_space<vmem>>, vector<16xf32>,
        tpu.vector_store %arg15[%swap3A_835, %swap3A_836], %mul3A_834 {strides = array<i32>} : memref<80x64xf32, #tpu.memory_space<vmem>>, vector<16xf32>,
        %scan3A_838 = arith.constant 0 : i32
        scf.yield %scan3A_838 : i32
      }
      %scan3A_794 = arith.constant 80 : i32
      %dma_start3A_795 = arith.constant 0 : i32
      %dma_start3A_796 = tpu.memref_slice %arg11[%scan3A_774, %dma_start3A_795] : memref<125x80xi32, #tpu.memory_space<vmem>> -> memref<1x80xi32, #tpu.memory_space<vmem>>
      %dma_start3A_797 = tpu.memref_squeeze %dma_start3A_796 : memref<1x80xi32, #tpu.memory_space<vmem>> -> memref<80xi32, #tpu.memory_space<vmem>>
      %dma_start3A_798 = arith.constant 0 : i32
      %dma_start3A_799 = arith.constant 0 : i32
      %dma_start3A_800 = tpu.memref_slice %arg19[%dma_start3A_798, %dma_start3A_799] : memref<10240x64xf32, #tpu.memory_space<vmem_shared>> -> memref<10240x64xf32, #tpu.memory_space<vmem_shared>>
      tpu.enqueue_indirect_dma source(%arg15 : memref<80x64xf32, #tpu.memory_space<vmem>>) target(%dma_start3A_800 : memref<10240x64xf32, #tpu.memory_space<vmem_shared>>) offsets(%dma_start3A_797 : memref<80xi32, #tpu.memory_space<vmem>>) semaphore(%arg23 : memref<!tpu.dma_semaphore, #tpu.memory_space<semaphore_mem>>) {add = true}
      %dma_wait3A_801 = arith.constant 0 : i32
      %dma_wait3A_802 = tpu.memref_slice %arg11[%scan3A_774, %dma_wait3A_801] : memref<125x80xi32, #tpu.memory_space<vmem>> -> memref<1x80xi32, #tpu.memory_space<vmem>>
      %dma_wait3A_803 = tpu.memref_squeeze %dma_wait3A_802 : memref<1x80xi32, #tpu.memory_space<vmem>> -> memref<80xi32, #tpu.memory_space<vmem>>
      %dma_wait3A_804 = arith.constant 0 : i32
      %dma_wait3A_805 = arith.constant 0 : i32
      %dma_wait3A_806 = tpu.memref_slice %arg19[%dma_wait3A_804, %dma_wait3A_805] : memref<10240x64xf32, #tpu.memory_space<vmem_shared>> -> memref<10240x64xf32, #tpu.memory_space<vmem_shared>>
      tpu.wait_indirect_dma semaphore(%arg23 : memref<!tpu.dma_semaphore, #tpu.memory_space<semaphore_mem>>) src(%arg15 : memref<80x64xf32, #tpu.memory_space<vmem>>) dst(%dma_wait3A_806 : memref<10240x64xf32, #tpu.memory_space<vmem_shared>>)
      %scan3A_807 = arith.constant 0 : i32
      scf.yield %scan3A_807 : i32
    }
    %scan3A_212 = arith.constant 125 : i32
    %add3A_213 = arith.constant 0 : i32
    %add3A_214 = arith.addi %add3A_194, %add3A_213 : i32
    "tpu.region"() ({
      %run_scoped3A_774 = tpu.sem_alloc : memref<!tpu.dma_semaphore, #tpu.memory_space<semaphore_mem>>
      %dma_start3A_775 = arith.constant 0 : i32
      %dma_start3A_776 = tpu.memref_slice %arg2[%add3A_214, %dma_start3A_775] : memref<10240x64xf32, #tpu.memory_space<hbm>> -> memref<80x64xf32, #tpu.memory_space<hbm>>
      %dma_start3A_777 = arith.constant 0 : i32
      %dma_start3A_778 = tpu.memref_slice %arg2[%add3A_214, %dma_start3A_777] : memref<10240x64xf32, #tpu.memory_space<hbm>> -> memref<80x64xf32, #tpu.memory_space<hbm>>
      tpu.enqueue_dma source(%dma_start3A_778 : memref<80x64xf32, #tpu.memory_space<hbm>>) target(%arg15 : memref<80x64xf32, #tpu.memory_space<vmem>>) target_semaphore(%run_scoped3A_774 : memref<!tpu.dma_semaphore, #tpu.memory_space<semaphore_mem>>)
      %dma_wait3A_779 = arith.constant 0 : i32
      %dma_wait3A_780 = tpu.memref_slice %arg2[%add3A_214, %dma_wait3A_779] : memref<10240x64xf32, #tpu.memory_space<hbm>> -> memref<80x64xf32, #tpu.memory_space<hbm>>
      %dma_wait3A_781 = arith.constant 0 : i32
      %dma_wait3A_782 = tpu.memref_slice %arg2[%add3A_214, %dma_wait3A_781] : memref<10240x64xf32, #tpu.memory_space<hbm>> -> memref<80x64xf32, #tpu.memory_space<hbm>>
      tpu.wait_dma2 semaphore(%run_scoped3A_774 : memref<!tpu.dma_semaphore, #tpu.memory_space<semaphore_mem>>) src(%dma_wait3A_782 : memref<80x64xf32, #tpu.memory_space<hbm>>) dst(%arg15 : memref<80x64xf32, #tpu.memory_space<vmem>>)
      tpu.yield
    }) : () -> ()
    %iota3A = tpu.iota {dimensions = array<i32: 0>} : vector<16xi32>
    %add3A_215 = arith.constant 0 : i32
    %add3A_216 = arith.addi %add3A_214, %add3A_215 : i32
    %add3A_217 = vector.broadcast %add3A_216 : i32 to vector<16xi32>
    %add3A_218 = arith.addi %iota3A, %add3A_217 : vector<16xi32>
    %swap3A = arith.constant 0 : i32
    %swap3A_219 = arith.index_cast %swap3A : i32 to index
    %swap3A_220 = arith.constant 0 : index
    %swap3A_221 = tpu.vector_load %arg18[%swap3A_219, %swap3A_220] {strides = array<i32>} : memref<4x80xi32, #tpu.memory_space<vmem>>, vector<16xi32>,
    tpu.vector_store %arg18[%swap3A_219, %swap3A_220], %add3A_218 {strides = array<i32>} : memref<4x80xi32, #tpu.memory_space<vmem>>, vector<16xi32>,
    %iota3A_222 = tpu.iota {dimensions = array<i32: 0>} : vector<16xi32>
    %add3A_223 = arith.constant 16 : i32
    %add3A_224 = arith.addi %add3A_214, %add3A_223 : i32
    %add3A_225 = vector.broadcast %add3A_224 : i32 to vector<16xi32>
    %add3A_226 = arith.addi %iota3A_222, %add3A_225 : vector<16xi32>
    %swap3A_227 = arith.constant 0 : i32
    %swap3A_228 = arith.index_cast %swap3A_227 : i32 to index
    %swap3A_229 = arith.constant 16 : index
    %swap3A_230 = tpu.vector_load %arg18[%swap3A_228, %swap3A_229] {strides = array<i32>} : memref<4x80xi32, #tpu.memory_space<vmem>>, vector<16xi32>,
    tpu.vector_store %arg18[%swap3A_228, %swap3A_229], %add3A_226 {strides = array<i32>} : memref<4x80xi32, #tpu.memory_space<vmem>>, vector<16xi32>,
    %iota3A_231 = tpu.iota {dimensions = array<i32: 0>} : vector<16xi32>
    %add3A_232 = arith.constant 32 : i32
    %add3A_233 = arith.addi %add3A_214, %add3A_232 : i32
    %add3A_234 = vector.broadcast %add3A_233 : i32 to vector<16xi32>
    %add3A_235 = arith.addi %iota3A_231, %add3A_234 : vector<16xi32>
    %swap3A_236 = arith.constant 0 : i32
    %swap3A_237 = arith.index_cast %swap3A_236 : i32 to index
    %swap3A_238 = arith.constant 32 : index
    %swap3A_239 = tpu.vector_load %arg18[%swap3A_237, %swap3A_238] {strides = array<i32>} : memref<4x80xi32, #tpu.memory_space<vmem>>, vector<16xi32>,
    tpu.vector_store %arg18[%swap3A_237, %swap3A_238], %add3A_235 {strides = array<i32>} : memref<4x80xi32, #tpu.memory_space<vmem>>, vector<16xi32>,
    %iota3A_240 = tpu.iota {dimensions = array<i32: 0>} : vector<16xi32>
    %add3A_241 = arith.constant 48 : i32
    %add3A_242 = arith.addi %add3A_214, %add3A_241 : i32
    %add3A_243 = vector.broadcast %add3A_242 : i32 to vector<16xi32>
    %add3A_244 = arith.addi %iota3A_240, %add3A_243 : vector<16xi32>
    %swap3A_245 = arith.constant 0 : i32
    %swap3A_246 = arith.index_cast %swap3A_245 : i32 to index
    %swap3A_247 = arith.constant 48 : index
    %swap3A_248 = tpu.vector_load %arg18[%swap3A_246, %swap3A_247] {strides = array<i32>} : memref<4x80xi32, #tpu.memory_space<vmem>>, vector<16xi32>,
    tpu.vector_store %arg18[%swap3A_246, %swap3A_247], %add3A_244 {strides = array<i32>} : memref<4x80xi32, #tpu.memory_space<vmem>>, vector<16xi32>,
    %iota3A_249 = tpu.iota {dimensions = array<i32: 0>} : vector<16xi32>
    %add3A_250 = arith.constant 64 : i32
    %add3A_251 = arith.addi %add3A_214, %add3A_250 : i32
    %add3A_252 = vector.broadcast %add3A_251 : i32 to vector<16xi32>
    %add3A_253 = arith.addi %iota3A_249, %add3A_252 : vector<16xi32>
    %swap3A_254 = arith.constant 0 : i32
    %swap3A_255 = arith.index_cast %swap3A_254 : i32 to index
    %swap3A_256 = arith.constant 64 : index
    %swap3A_257 = tpu.vector_load %arg18[%swap3A_255, %swap3A_256] {strides = array<i32>} : memref<4x80xi32, #tpu.memory_space<vmem>>, vector<16xi32>,
    tpu.vector_store %arg18[%swap3A_255, %swap3A_256], %add3A_253 {strides = array<i32>} : memref<4x80xi32, #tpu.memory_space<vmem>>, vector<16xi32>,
    %scan3A_258 = arith.constant 0 : i32
    %scan3A_259 = arith.constant 0 : i32
    %scan3A_260 = arith.constant 80 : i32
    %scan3A_261 = arith.addi %scan3A_259, %scan3A_260 : i32
    %scan3A_262 = arith.constant 1 : i32
    %scan3A_263 = scf.for %scan3A_774 = %scan3A_259 to %scan3A_261 step %scan3A_262 iter_args(%scan3A_775 = %scan3A_258) -> (i32)  : i32 {
      %add3A_776 = arith.addi %add3A_214, %scan3A_774 : i32
      %broadcast_in_dim3A = vector.broadcast %add3A_776 : i32 to vector<16xi32>
      %gather3A = tpu.vector_load_idx %arg14[%broadcast_in_dim3A] : memref<10240xf32, #tpu.memory_space<vmem>>[vector<16xi32>], vector<16xf32>,
      %mul3A_777 = arith.mulf %gather3A, %gather3A : vector<16xf32>
      %get3A = arith.index_cast %scan3A_774 : i32 to index
      %get3A_778 = arith.constant 0 : index
      %get3A_779 = tpu.vector_load %arg15[%get3A, %get3A_778] {strides = array<i32>} : memref<80x64xf32, #tpu.memory_space<vmem>>, vector<16xf32>,
      %mul3A_780 = arith.mulf %get3A_779, %mul3A_777 : vector<16xf32>
      %swap3A_781 = arith.index_cast %scan3A_774 : i32 to index
      %swap3A_782 = arith.constant 0 : index
      %swap3A_783 = tpu.vector_load %arg15[%swap3A_781, %swap3A_782] {strides = array<i32>} : memref<80x64xf32, #tpu.memory_space<vmem>>, vector<16xf32>,
      tpu.vector_store %arg15[%swap3A_781, %swap3A_782], %mul3A_780 {strides = array<i32>} : memref<80x64xf32, #tpu.memory_space<vmem>>, vector<16xf32>,
      %get3A_784 = arith.index_cast %scan3A_774 : i32 to index
      %get3A_785 = arith.constant 16 : index
      %get3A_786 = tpu.vector_load %arg15[%get3A_784, %get3A_785] {strides = array<i32>} : memref<80x64xf32, #tpu.memory_space<vmem>>, vector<16xf32>,
      %mul3A_787 = arith.mulf %get3A_786, %mul3A_777 : vector<16xf32>
      %swap3A_788 = arith.index_cast %scan3A_774 : i32 to index
      %swap3A_789 = arith.constant 16 : index
      %swap3A_790 = tpu.vector_load %arg15[%swap3A_788, %swap3A_789] {strides = array<i32>} : memref<80x64xf32, #tpu.memory_space<vmem>>, vector<16xf32>,
      tpu.vector_store %arg15[%swap3A_788, %swap3A_789], %mul3A_787 {strides = array<i32>} : memref<80x64xf32, #tpu.memory_space<vmem>>, vector<16xf32>,
      %get3A_791 = arith.index_cast %scan3A_774 : i32 to index
      %get3A_792 = arith.constant 32 : index
      %get3A_793 = tpu.vector_load %arg15[%get3A_791, %get3A_792] {strides = array<i32>} : memref<80x64xf32, #tpu.memory_space<vmem>>, vector<16xf32>,
      %mul3A_794 = arith.mulf %get3A_793, %mul3A_777 : vector<16xf32>
      %swap3A_795 = arith.index_cast %scan3A_774 : i32 to index
      %swap3A_796 = arith.constant 32 : index
      %swap3A_797 = tpu.vector_load %arg15[%swap3A_795, %swap3A_796] {strides = array<i32>} : memref<80x64xf32, #tpu.memory_space<vmem>>, vector<16xf32>,
      tpu.vector_store %arg15[%swap3A_795, %swap3A_796], %mul3A_794 {strides = array<i32>} : memref<80x64xf32, #tpu.memory_space<vmem>>, vector<16xf32>,
      %get3A_798 = arith.index_cast %scan3A_774 : i32 to index
      %get3A_799 = arith.constant 48 : index
      %get3A_800 = tpu.vector_load %arg15[%get3A_798, %get3A_799] {strides = array<i32>} : memref<80x64xf32, #tpu.memory_space<vmem>>, vector<16xf32>,
      %mul3A_801 = arith.mulf %get3A_800, %mul3A_777 : vector<16xf32>
      %swap3A_802 = arith.index_cast %scan3A_774 : i32 to index
      %swap3A_803 = arith.constant 48 : index
      %swap3A_804 = tpu.vector_load %arg15[%swap3A_802, %swap3A_803] {strides = array<i32>} : memref<80x64xf32, #tpu.memory_space<vmem>>, vector<16xf32>,
      tpu.vector_store %arg15[%swap3A_802, %swap3A_803], %mul3A_801 {strides = array<i32>} : memref<80x64xf32, #tpu.memory_space<vmem>>, vector<16xf32>,
      %scan3A_805 = arith.constant 0 : i32
      scf.yield %scan3A_805 : i32
    }
    %scan3A_264 = arith.constant 80 : i32
    %dma_start3A = arith.constant 0 : i32
    %dma_start3A_265 = arith.constant 0 : i32
    %dma_start3A_266 = tpu.memref_slice %arg18[%dma_start3A, %dma_start3A_265] : memref<4x80xi32, #tpu.memory_space<vmem>> -> memref<1x80xi32, #tpu.memory_space<vmem>>
    %dma_start3A_267 = tpu.memref_squeeze %dma_start3A_266 : memref<1x80xi32, #tpu.memory_space<vmem>> -> memref<80xi32, #tpu.memory_space<vmem>>
    %dma_start3A_268 = arith.constant 0 : i32
    %dma_start3A_269 = arith.constant 0 : i32
    %dma_start3A_270 = tpu.memref_slice %arg19[%dma_start3A_268, %dma_start3A_269] : memref<10240x64xf32, #tpu.memory_space<vmem_shared>> -> memref<10240x64xf32, #tpu.memory_space<vmem_shared>>
    tpu.enqueue_indirect_dma source(%arg15 : memref<80x64xf32, #tpu.memory_space<vmem>>) target(%dma_start3A_270 : memref<10240x64xf32, #tpu.memory_space<vmem_shared>>) offsets(%dma_start3A_267 : memref<80xi32, #tpu.memory_space<vmem>>) semaphore(%arg23 : memref<!tpu.dma_semaphore, #tpu.memory_space<semaphore_mem>>) {add = true}
    %dma_wait3A = arith.constant 0 : i32
    %dma_wait3A_271 = arith.constant 0 : i32
    %dma_wait3A_272 = tpu.memref_slice %arg18[%dma_wait3A, %dma_wait3A_271] : memref<4x80xi32, #tpu.memory_space<vmem>> -> memref<1x80xi32, #tpu.memory_space<vmem>>
    %dma_wait3A_273 = tpu.memref_squeeze %dma_wait3A_272 : memref<1x80xi32, #tpu.memory_space<vmem>> -> memref<80xi32, #tpu.memory_space<vmem>>
    %dma_wait3A_274 = arith.constant 0 : i32
    %dma_wait3A_275 = arith.constant 0 : i32
    %dma_wait3A_276 = tpu.memref_slice %arg19[%dma_wait3A_274, %dma_wait3A_275] : memref<10240x64xf32, #tpu.memory_space<vmem_shared>> -> memref<10240x64xf32, #tpu.memory_space<vmem_shared>>
    tpu.wait_indirect_dma semaphore(%arg23 : memref<!tpu.dma_semaphore, #tpu.memory_space<semaphore_mem>>) src(%arg15 : memref<80x64xf32, #tpu.memory_space<vmem>>) dst(%dma_wait3A_276 : memref<10240x64xf32, #tpu.memory_space<vmem_shared>>)
    %add3A_277 = arith.constant 80 : i32
    %add3A_278 = arith.addi %add3A_194, %add3A_277 : i32
    "tpu.region"() ({
      %run_scoped3A_774 = tpu.sem_alloc : memref<!tpu.dma_semaphore, #tpu.memory_space<semaphore_mem>>
      %dma_start3A_775 = arith.constant 0 : i32
      %dma_start3A_776 = tpu.memref_slice %arg2[%add3A_278, %dma_start3A_775] : memref<10240x64xf32, #tpu.memory_space<hbm>> -> memref<80x64xf32, #tpu.memory_space<hbm>>
      %dma_start3A_777 = arith.constant 0 : i32
      %dma_start3A_778 = tpu.memref_slice %arg2[%add3A_278, %dma_start3A_777] : memref<10240x64xf32, #tpu.memory_space<hbm>> -> memref<80x64xf32, #tpu.memory_space<hbm>>
      tpu.enqueue_dma source(%dma_start3A_778 : memref<80x64xf32, #tpu.memory_space<hbm>>) target(%arg15 : memref<80x64xf32, #tpu.memory_space<vmem>>) target_semaphore(%run_scoped3A_774 : memref<!tpu.dma_semaphore, #tpu.memory_space<semaphore_mem>>)
      %dma_wait3A_779 = arith.constant 0 : i32
      %dma_wait3A_780 = tpu.memref_slice %arg2[%add3A_278, %dma_wait3A_779] : memref<10240x64xf32, #tpu.memory_space<hbm>> -> memref<80x64xf32, #tpu.memory_space<hbm>>
      %dma_wait3A_781 = arith.constant 0 : i32
      %dma_wait3A_782 = tpu.memref_slice %arg2[%add3A_278, %dma_wait3A_781] : memref<10240x64xf32, #tpu.memory_space<hbm>> -> memref<80x64xf32, #tpu.memory_space<hbm>>
      tpu.wait_dma2 semaphore(%run_scoped3A_774 : memref<!tpu.dma_semaphore, #tpu.memory_space<semaphore_mem>>) src(%dma_wait3A_782 : memref<80x64xf32, #tpu.memory_space<hbm>>) dst(%arg15 : memref<80x64xf32, #tpu.memory_space<vmem>>)
      tpu.yield
    }) : () -> ()
    %iota3A_279 = tpu.iota {dimensions = array<i32: 0>} : vector<16xi32>
    %add3A_280 = arith.constant 0 : i32
    %add3A_281 = arith.addi %add3A_278, %add3A_280 : i32
    %add3A_282 = vector.broadcast %add3A_281 : i32 to vector<16xi32>
    %add3A_283 = arith.addi %iota3A_279, %add3A_282 : vector<16xi32>
    %swap3A_284 = arith.constant 1 : i32
    %swap3A_285 = arith.index_cast %swap3A_284 : i32 to index
    %swap3A_286 = arith.constant 0 : index
    %swap3A_287 = tpu.vector_load %arg18[%swap3A_285, %swap3A_286] {strides = array<i32>} : memref<4x80xi32, #tpu.memory_space<vmem>>, vector<16xi32>,
    tpu.vector_store %arg18[%swap3A_285, %swap3A_286], %add3A_283 {strides = array<i32>} : memref<4x80xi32, #tpu.memory_space<vmem>>, vector<16xi32>,
    %iota3A_288 = tpu.iota {dimensions = array<i32: 0>} : vector<16xi32>
    %add3A_289 = arith.constant 16 : i32
    %add3A_290 = arith.addi %add3A_278, %add3A_289 : i32
    %add3A_291 = vector.broadcast %add3A_290 : i32 to vector<16xi32>
    %add3A_292 = arith.addi %iota3A_288, %add3A_291 : vector<16xi32>
    %swap3A_293 = arith.constant 1 : i32
    %swap3A_294 = arith.index_cast %swap3A_293 : i32 to index
    %swap3A_295 = arith.constant 16 : index
    %swap3A_296 = tpu.vector_load %arg18[%swap3A_294, %swap3A_295] {strides = array<i32>} : memref<4x80xi32, #tpu.memory_space<vmem>>, vector<16xi32>,
    tpu.vector_store %arg18[%swap3A_294, %swap3A_295], %add3A_292 {strides = array<i32>} : memref<4x80xi32, #tpu.memory_space<vmem>>, vector<16xi32>,
    %iota3A_297 = tpu.iota {dimensions = array<i32: 0>} : vector<16xi32>
    %add3A_298 = arith.constant 32 : i32
    %add3A_299 = arith.addi %add3A_278, %add3A_298 : i32
    %add3A_300 = vector.broadcast %add3A_299 : i32 to vector<16xi32>
    %add3A_301 = arith.addi %iota3A_297, %add3A_300 : vector<16xi32>
    %swap3A_302 = arith.constant 1 : i32
    %swap3A_303 = arith.index_cast %swap3A_302 : i32 to index
    %swap3A_304 = arith.constant 32 : index
    %swap3A_305 = tpu.vector_load %arg18[%swap3A_303, %swap3A_304] {strides = array<i32>} : memref<4x80xi32, #tpu.memory_space<vmem>>, vector<16xi32>,
    tpu.vector_store %arg18[%swap3A_303, %swap3A_304], %add3A_301 {strides = array<i32>} : memref<4x80xi32, #tpu.memory_space<vmem>>, vector<16xi32>,
    %iota3A_306 = tpu.iota {dimensions = array<i32: 0>} : vector<16xi32>
    %add3A_307 = arith.constant 48 : i32
    %add3A_308 = arith.addi %add3A_278, %add3A_307 : i32
    %add3A_309 = vector.broadcast %add3A_308 : i32 to vector<16xi32>
    %add3A_310 = arith.addi %iota3A_306, %add3A_309 : vector<16xi32>
    %swap3A_311 = arith.constant 1 : i32
    %swap3A_312 = arith.index_cast %swap3A_311 : i32 to index
    %swap3A_313 = arith.constant 48 : index
    %swap3A_314 = tpu.vector_load %arg18[%swap3A_312, %swap3A_313] {strides = array<i32>} : memref<4x80xi32, #tpu.memory_space<vmem>>, vector<16xi32>,
    tpu.vector_store %arg18[%swap3A_312, %swap3A_313], %add3A_310 {strides = array<i32>} : memref<4x80xi32, #tpu.memory_space<vmem>>, vector<16xi32>,
    %iota3A_315 = tpu.iota {dimensions = array<i32: 0>} : vector<16xi32>
    %add3A_316 = arith.constant 64 : i32
    %add3A_317 = arith.addi %add3A_278, %add3A_316 : i32
    %add3A_318 = vector.broadcast %add3A_317 : i32 to vector<16xi32>
    %add3A_319 = arith.addi %iota3A_315, %add3A_318 : vector<16xi32>
    %swap3A_320 = arith.constant 1 : i32
    %swap3A_321 = arith.index_cast %swap3A_320 : i32 to index
    %swap3A_322 = arith.constant 64 : index
    %swap3A_323 = tpu.vector_load %arg18[%swap3A_321, %swap3A_322] {strides = array<i32>} : memref<4x80xi32, #tpu.memory_space<vmem>>, vector<16xi32>,
    tpu.vector_store %arg18[%swap3A_321, %swap3A_322], %add3A_319 {strides = array<i32>} : memref<4x80xi32, #tpu.memory_space<vmem>>, vector<16xi32>,
    %scan3A_324 = arith.constant 0 : i32
    %scan3A_325 = arith.constant 0 : i32
    %scan3A_326 = arith.constant 80 : i32
    %scan3A_327 = arith.addi %scan3A_325, %scan3A_326 : i32
    %scan3A_328 = arith.constant 1 : i32
    %scan3A_329 = scf.for %scan3A_774 = %scan3A_325 to %scan3A_327 step %scan3A_328 iter_args(%scan3A_775 = %scan3A_324) -> (i32)  : i32 {
      %add3A_776 = arith.addi %add3A_278, %scan3A_774 : i32
      %broadcast_in_dim3A = vector.broadcast %add3A_776 : i32 to vector<16xi32>
      %gather3A = tpu.vector_load_idx %arg14[%broadcast_in_dim3A] : memref<10240xf32, #tpu.memory_space<vmem>>[vector<16xi32>], vector<16xf32>,
      %mul3A_777 = arith.mulf %gather3A, %gather3A : vector<16xf32>
      %get3A = arith.index_cast %scan3A_774 : i32 to index
      %get3A_778 = arith.constant 0 : index
      %get3A_779 = tpu.vector_load %arg15[%get3A, %get3A_778] {strides = array<i32>} : memref<80x64xf32, #tpu.memory_space<vmem>>, vector<16xf32>,
      %mul3A_780 = arith.mulf %get3A_779, %mul3A_777 : vector<16xf32>
      %swap3A_781 = arith.index_cast %scan3A_774 : i32 to index
      %swap3A_782 = arith.constant 0 : index
      %swap3A_783 = tpu.vector_load %arg15[%swap3A_781, %swap3A_782] {strides = array<i32>} : memref<80x64xf32, #tpu.memory_space<vmem>>, vector<16xf32>,
      tpu.vector_store %arg15[%swap3A_781, %swap3A_782], %mul3A_780 {strides = array<i32>} : memref<80x64xf32, #tpu.memory_space<vmem>>, vector<16xf32>,
      %get3A_784 = arith.index_cast %scan3A_774 : i32 to index
      %get3A_785 = arith.constant 16 : index
      %get3A_786 = tpu.vector_load %arg15[%get3A_784, %get3A_785] {strides = array<i32>} : memref<80x64xf32, #tpu.memory_space<vmem>>, vector<16xf32>,
      %mul3A_787 = arith.mulf %get3A_786, %mul3A_777 : vector<16xf32>
      %swap3A_788 = arith.index_cast %scan3A_774 : i32 to index
      %swap3A_789 = arith.constant 16 : index
      %swap3A_790 = tpu.vector_load %arg15[%swap3A_788, %swap3A_789] {strides = array<i32>} : memref<80x64xf32, #tpu.memory_space<vmem>>, vector<16xf32>,
      tpu.vector_store %arg15[%swap3A_788, %swap3A_789], %mul3A_787 {strides = array<i32>} : memref<80x64xf32, #tpu.memory_space<vmem>>, vector<16xf32>,
      %get3A_791 = arith.index_cast %scan3A_774 : i32 to index
      %get3A_792 = arith.constant 32 : index
      %get3A_793 = tpu.vector_load %arg15[%get3A_791, %get3A_792] {strides = array<i32>} : memref<80x64xf32, #tpu.memory_space<vmem>>, vector<16xf32>,
      %mul3A_794 = arith.mulf %get3A_793, %mul3A_777 : vector<16xf32>
      %swap3A_795 = arith.index_cast %scan3A_774 : i32 to index
      %swap3A_796 = arith.constant 32 : index
      %swap3A_797 = tpu.vector_load %arg15[%swap3A_795, %swap3A_796] {strides = array<i32>} : memref<80x64xf32, #tpu.memory_space<vmem>>, vector<16xf32>,
      tpu.vector_store %arg15[%swap3A_795, %swap3A_796], %mul3A_794 {strides = array<i32>} : memref<80x64xf32, #tpu.memory_space<vmem>>, vector<16xf32>,
      %get3A_798 = arith.index_cast %scan3A_774 : i32 to index
      %get3A_799 = arith.constant 48 : index
      %get3A_800 = tpu.vector_load %arg15[%get3A_798, %get3A_799] {strides = array<i32>} : memref<80x64xf32, #tpu.memory_space<vmem>>, vector<16xf32>,
      %mul3A_801 = arith.mulf %get3A_800, %mul3A_777 : vector<16xf32>
      %swap3A_802 = arith.index_cast %scan3A_774 : i32 to index
      %swap3A_803 = arith.constant 48 : index
      %swap3A_804 = tpu.vector_load %arg15[%swap3A_802, %swap3A_803] {strides = array<i32>} : memref<80x64xf32, #tpu.memory_space<vmem>>, vector<16xf32>,
      tpu.vector_store %arg15[%swap3A_802, %swap3A_803], %mul3A_801 {strides = array<i32>} : memref<80x64xf32, #tpu.memory_space<vmem>>, vector<16xf32>,
      %scan3A_805 = arith.constant 0 : i32
      scf.yield %scan3A_805 : i32
    }
    %scan3A_330 = arith.constant 80 : i32
    %dma_start3A_331 = arith.constant 1 : i32
    %dma_start3A_332 = arith.constant 0 : i32
    %dma_start3A_333 = tpu.memref_slice %arg18[%dma_start3A_331, %dma_start3A_332] : memref<4x80xi32, #tpu.memory_space<vmem>> -> memref<1x80xi32, #tpu.memory_space<vmem>>
    %dma_start3A_334 = tpu.memref_squeeze %dma_start3A_333 : memref<1x80xi32, #tpu.memory_space<vmem>> -> memref<80xi32, #tpu.memory_space<vmem>>
    %dma_start3A_335 = arith.constant 0 : i32
    %dma_start3A_336 = arith.constant 0 : i32
    %dma_start3A_337 = tpu.memref_slice %arg19[%dma_start3A_335, %dma_start3A_336] : memref<10240x64xf32, #tpu.memory_space<vmem_shared>> -> memref<10240x64xf32, #tpu.memory_space<vmem_shared>>
    tpu.enqueue_indirect_dma source(%arg15 : memref<80x64xf32, #tpu.memory_space<vmem>>) target(%dma_start3A_337 : memref<10240x64xf32, #tpu.memory_space<vmem_shared>>) offsets(%dma_start3A_334 : memref<80xi32, #tpu.memory_space<vmem>>) semaphore(%arg23 : memref<!tpu.dma_semaphore, #tpu.memory_space<semaphore_mem>>) {add = true}
    %dma_wait3A_338 = arith.constant 1 : i32
    %dma_wait3A_339 = arith.constant 0 : i32
    %dma_wait3A_340 = tpu.memref_slice %arg18[%dma_wait3A_338, %dma_wait3A_339] : memref<4x80xi32, #tpu.memory_space<vmem>> -> memref<1x80xi32, #tpu.memory_space<vmem>>
    %dma_wait3A_341 = tpu.memref_squeeze %dma_wait3A_340 : memref<1x80xi32, #tpu.memory_space<vmem>> -> memref<80xi32, #tpu.memory_space<vmem>>
    %dma_wait3A_342 = arith.constant 0 : i32
    %dma_wait3A_343 = arith.constant 0 : i32
    %dma_wait3A_344 = tpu.memref_slice %arg19[%dma_wait3A_342, %dma_wait3A_343] : memref<10240x64xf32, #tpu.memory_space<vmem_shared>> -> memref<10240x64xf32, #tpu.memory_space<vmem_shared>>
    tpu.wait_indirect_dma semaphore(%arg23 : memref<!tpu.dma_semaphore, #tpu.memory_space<semaphore_mem>>) src(%arg15 : memref<80x64xf32, #tpu.memory_space<vmem>>) dst(%dma_wait3A_344 : memref<10240x64xf32, #tpu.memory_space<vmem_shared>>)
    %add3A_345 = arith.constant 160 : i32
    %add3A_346 = arith.addi %add3A_194, %add3A_345 : i32
    "tpu.region"() ({
      %run_scoped3A_774 = tpu.sem_alloc : memref<!tpu.dma_semaphore, #tpu.memory_space<semaphore_mem>>
      %dma_start3A_775 = arith.constant 0 : i32
      %dma_start3A_776 = tpu.memref_slice %arg2[%add3A_346, %dma_start3A_775] : memref<10240x64xf32, #tpu.memory_space<hbm>> -> memref<80x64xf32, #tpu.memory_space<hbm>>
      %dma_start3A_777 = arith.constant 0 : i32
      %dma_start3A_778 = tpu.memref_slice %arg2[%add3A_346, %dma_start3A_777] : memref<10240x64xf32, #tpu.memory_space<hbm>> -> memref<80x64xf32, #tpu.memory_space<hbm>>
      tpu.enqueue_dma source(%dma_start3A_778 : memref<80x64xf32, #tpu.memory_space<hbm>>) target(%arg15 : memref<80x64xf32, #tpu.memory_space<vmem>>) target_semaphore(%run_scoped3A_774 : memref<!tpu.dma_semaphore, #tpu.memory_space<semaphore_mem>>)
      %dma_wait3A_779 = arith.constant 0 : i32
      %dma_wait3A_780 = tpu.memref_slice %arg2[%add3A_346, %dma_wait3A_779] : memref<10240x64xf32, #tpu.memory_space<hbm>> -> memref<80x64xf32, #tpu.memory_space<hbm>>
      %dma_wait3A_781 = arith.constant 0 : i32
      %dma_wait3A_782 = tpu.memref_slice %arg2[%add3A_346, %dma_wait3A_781] : memref<10240x64xf32, #tpu.memory_space<hbm>> -> memref<80x64xf32, #tpu.memory_space<hbm>>
      tpu.wait_dma2 semaphore(%run_scoped3A_774 : memref<!tpu.dma_semaphore, #tpu.memory_space<semaphore_mem>>) src(%dma_wait3A_782 : memref<80x64xf32, #tpu.memory_space<hbm>>) dst(%arg15 : memref<80x64xf32, #tpu.memory_space<vmem>>)
      tpu.yield
    }) : () -> ()
    %iota3A_347 = tpu.iota {dimensions = array<i32: 0>} : vector<16xi32>
    %add3A_348 = arith.constant 0 : i32
    %add3A_349 = arith.addi %add3A_346, %add3A_348 : i32
    %add3A_350 = vector.broadcast %add3A_349 : i32 to vector<16xi32>
    %add3A_351 = arith.addi %iota3A_347, %add3A_350 : vector<16xi32>
    %swap3A_352 = arith.constant 2 : i32
    %swap3A_353 = arith.index_cast %swap3A_352 : i32 to index
    %swap3A_354 = arith.constant 0 : index
    %swap3A_355 = tpu.vector_load %arg18[%swap3A_353, %swap3A_354] {strides = array<i32>} : memref<4x80xi32, #tpu.memory_space<vmem>>, vector<16xi32>,
    tpu.vector_store %arg18[%swap3A_353, %swap3A_354], %add3A_351 {strides = array<i32>} : memref<4x80xi32, #tpu.memory_space<vmem>>, vector<16xi32>,
    %iota3A_356 = tpu.iota {dimensions = array<i32: 0>} : vector<16xi32>
    %add3A_357 = arith.constant 16 : i32
    %add3A_358 = arith.addi %add3A_346, %add3A_357 : i32
    %add3A_359 = vector.broadcast %add3A_358 : i32 to vector<16xi32>
    %add3A_360 = arith.addi %iota3A_356, %add3A_359 : vector<16xi32>
    %swap3A_361 = arith.constant 2 : i32
    %swap3A_362 = arith.index_cast %swap3A_361 : i32 to index
    %swap3A_363 = arith.constant 16 : index
    %swap3A_364 = tpu.vector_load %arg18[%swap3A_362, %swap3A_363] {strides = array<i32>} : memref<4x80xi32, #tpu.memory_space<vmem>>, vector<16xi32>,
    tpu.vector_store %arg18[%swap3A_362, %swap3A_363], %add3A_360 {strides = array<i32>} : memref<4x80xi32, #tpu.memory_space<vmem>>, vector<16xi32>,
    %iota3A_365 = tpu.iota {dimensions = array<i32: 0>} : vector<16xi32>
    %add3A_366 = arith.constant 32 : i32
    %add3A_367 = arith.addi %add3A_346, %add3A_366 : i32
    %add3A_368 = vector.broadcast %add3A_367 : i32 to vector<16xi32>
    %add3A_369 = arith.addi %iota3A_365, %add3A_368 : vector<16xi32>
    %swap3A_370 = arith.constant 2 : i32
    %swap3A_371 = arith.index_cast %swap3A_370 : i32 to index
    %swap3A_372 = arith.constant 32 : index
    %swap3A_373 = tpu.vector_load %arg18[%swap3A_371, %swap3A_372] {strides = array<i32>} : memref<4x80xi32, #tpu.memory_space<vmem>>, vector<16xi32>,
    tpu.vector_store %arg18[%swap3A_371, %swap3A_372], %add3A_369 {strides = array<i32>} : memref<4x80xi32, #tpu.memory_space<vmem>>, vector<16xi32>,
    %iota3A_374 = tpu.iota {dimensions = array<i32: 0>} : vector<16xi32>
    %add3A_375 = arith.constant 48 : i32
    %add3A_376 = arith.addi %add3A_346, %add3A_375 : i32
    %add3A_377 = vector.broadcast %add3A_376 : i32 to vector<16xi32>
    %add3A_378 = arith.addi %iota3A_374, %add3A_377 : vector<16xi32>
    %swap3A_379 = arith.constant 2 : i32
    %swap3A_380 = arith.index_cast %swap3A_379 : i32 to index
    %swap3A_381 = arith.constant 48 : index
    %swap3A_382 = tpu.vector_load %arg18[%swap3A_380, %swap3A_381] {strides = array<i32>} : memref<4x80xi32, #tpu.memory_space<vmem>>, vector<16xi32>,
    tpu.vector_store %arg18[%swap3A_380, %swap3A_381], %add3A_378 {strides = array<i32>} : memref<4x80xi32, #tpu.memory_space<vmem>>, vector<16xi32>,
    %iota3A_383 = tpu.iota {dimensions = array<i32: 0>} : vector<16xi32>
    %add3A_384 = arith.constant 64 : i32
    %add3A_385 = arith.addi %add3A_346, %add3A_384 : i32
    %add3A_386 = vector.broadcast %add3A_385 : i32 to vector<16xi32>
    %add3A_387 = arith.addi %iota3A_383, %add3A_386 : vector<16xi32>
    %swap3A_388 = arith.constant 2 : i32
    %swap3A_389 = arith.index_cast %swap3A_388 : i32 to index
    %swap3A_390 = arith.constant 64 : index
    %swap3A_391 = tpu.vector_load %arg18[%swap3A_389, %swap3A_390] {strides = array<i32>} : memref<4x80xi32, #tpu.memory_space<vmem>>, vector<16xi32>,
    tpu.vector_store %arg18[%swap3A_389, %swap3A_390], %add3A_387 {strides = array<i32>} : memref<4x80xi32, #tpu.memory_space<vmem>>, vector<16xi32>,
    %scan3A_392 = arith.constant 0 : i32
    %scan3A_393 = arith.constant 0 : i32
    %scan3A_394 = arith.constant 80 : i32
    %scan3A_395 = arith.addi %scan3A_393, %scan3A_394 : i32
    %scan3A_396 = arith.constant 1 : i32
    %scan3A_397 = scf.for %scan3A_774 = %scan3A_393 to %scan3A_395 step %scan3A_396 iter_args(%scan3A_775 = %scan3A_392) -> (i32)  : i32 {
      %add3A_776 = arith.addi %add3A_346, %scan3A_774 : i32
      %broadcast_in_dim3A = vector.broadcast %add3A_776 : i32 to vector<16xi32>
      %gather3A = tpu.vector_load_idx %arg14[%broadcast_in_dim3A] : memref<10240xf32, #tpu.memory_space<vmem>>[vector<16xi32>], vector<16xf32>,
      %mul3A_777 = arith.mulf %gather3A, %gather3A : vector<16xf32>
      %get3A = arith.index_cast %scan3A_774 : i32 to index
      %get3A_778 = arith.constant 0 : index
      %get3A_779 = tpu.vector_load %arg15[%get3A, %get3A_778] {strides = array<i32>} : memref<80x64xf32, #tpu.memory_space<vmem>>, vector<16xf32>,
      %mul3A_780 = arith.mulf %get3A_779, %mul3A_777 : vector<16xf32>
      %swap3A_781 = arith.index_cast %scan3A_774 : i32 to index
      %swap3A_782 = arith.constant 0 : index
      %swap3A_783 = tpu.vector_load %arg15[%swap3A_781, %swap3A_782] {strides = array<i32>} : memref<80x64xf32, #tpu.memory_space<vmem>>, vector<16xf32>,
      tpu.vector_store %arg15[%swap3A_781, %swap3A_782], %mul3A_780 {strides = array<i32>} : memref<80x64xf32, #tpu.memory_space<vmem>>, vector<16xf32>,
      %get3A_784 = arith.index_cast %scan3A_774 : i32 to index
      %get3A_785 = arith.constant 16 : index
      %get3A_786 = tpu.vector_load %arg15[%get3A_784, %get3A_785] {strides = array<i32>} : memref<80x64xf32, #tpu.memory_space<vmem>>, vector<16xf32>,
      %mul3A_787 = arith.mulf %get3A_786, %mul3A_777 : vector<16xf32>
      %swap3A_788 = arith.index_cast %scan3A_774 : i32 to index
      %swap3A_789 = arith.constant 16 : index
      %swap3A_790 = tpu.vector_load %arg15[%swap3A_788, %swap3A_789] {strides = array<i32>} : memref<80x64xf32, #tpu.memory_space<vmem>>, vector<16xf32>,
      tpu.vector_store %arg15[%swap3A_788, %swap3A_789], %mul3A_787 {strides = array<i32>} : memref<80x64xf32, #tpu.memory_space<vmem>>, vector<16xf32>,
      %get3A_791 = arith.index_cast %scan3A_774 : i32 to index
      %get3A_792 = arith.constant 32 : index
      %get3A_793 = tpu.vector_load %arg15[%get3A_791, %get3A_792] {strides = array<i32>} : memref<80x64xf32, #tpu.memory_space<vmem>>, vector<16xf32>,
      %mul3A_794 = arith.mulf %get3A_793, %mul3A_777 : vector<16xf32>
      %swap3A_795 = arith.index_cast %scan3A_774 : i32 to index
      %swap3A_796 = arith.constant 32 : index
      %swap3A_797 = tpu.vector_load %arg15[%swap3A_795, %swap3A_796] {strides = array<i32>} : memref<80x64xf32, #tpu.memory_space<vmem>>, vector<16xf32>,
      tpu.vector_store %arg15[%swap3A_795, %swap3A_796], %mul3A_794 {strides = array<i32>} : memref<80x64xf32, #tpu.memory_space<vmem>>, vector<16xf32>,
      %get3A_798 = arith.index_cast %scan3A_774 : i32 to index
      %get3A_799 = arith.constant 48 : index
      %get3A_800 = tpu.vector_load %arg15[%get3A_798, %get3A_799] {strides = array<i32>} : memref<80x64xf32, #tpu.memory_space<vmem>>, vector<16xf32>,
      %mul3A_801 = arith.mulf %get3A_800, %mul3A_777 : vector<16xf32>
      %swap3A_802 = arith.index_cast %scan3A_774 : i32 to index
      %swap3A_803 = arith.constant 48 : index
      %swap3A_804 = tpu.vector_load %arg15[%swap3A_802, %swap3A_803] {strides = array<i32>} : memref<80x64xf32, #tpu.memory_space<vmem>>, vector<16xf32>,
      tpu.vector_store %arg15[%swap3A_802, %swap3A_803], %mul3A_801 {strides = array<i32>} : memref<80x64xf32, #tpu.memory_space<vmem>>, vector<16xf32>,
      %scan3A_805 = arith.constant 0 : i32
      scf.yield %scan3A_805 : i32
    }
    %scan3A_398 = arith.constant 80 : i32
    %dma_start3A_399 = arith.constant 2 : i32
    %dma_start3A_400 = arith.constant 0 : i32
    %dma_start3A_401 = tpu.memref_slice %arg18[%dma_start3A_399, %dma_start3A_400] : memref<4x80xi32, #tpu.memory_space<vmem>> -> memref<1x80xi32, #tpu.memory_space<vmem>>
    %dma_start3A_402 = tpu.memref_squeeze %dma_start3A_401 : memref<1x80xi32, #tpu.memory_space<vmem>> -> memref<80xi32, #tpu.memory_space<vmem>>
    %dma_start3A_403 = arith.constant 0 : i32
    %dma_start3A_404 = arith.constant 0 : i32
    %dma_start3A_405 = tpu.memref_slice %arg19[%dma_start3A_403, %dma_start3A_404] : memref<10240x64xf32, #tpu.memory_space<vmem_shared>> -> memref<10240x64xf32, #tpu.memory_space<vmem_shared>>
    tpu.enqueue_indirect_dma source(%arg15 : memref<80x64xf32, #tpu.memory_space<vmem>>) target(%dma_start3A_405 : memref<10240x64xf32, #tpu.memory_space<vmem_shared>>) offsets(%dma_start3A_402 : memref<80xi32, #tpu.memory_space<vmem>>) semaphore(%arg23 : memref<!tpu.dma_semaphore, #tpu.memory_space<semaphore_mem>>) {add = true}
    %dma_wait3A_406 = arith.constant 2 : i32
    %dma_wait3A_407 = arith.constant 0 : i32
    %dma_wait3A_408 = tpu.memref_slice %arg18[%dma_wait3A_406, %dma_wait3A_407] : memref<4x80xi32, #tpu.memory_space<vmem>> -> memref<1x80xi32, #tpu.memory_space<vmem>>
    %dma_wait3A_409 = tpu.memref_squeeze %dma_wait3A_408 : memref<1x80xi32, #tpu.memory_space<vmem>> -> memref<80xi32, #tpu.memory_space<vmem>>
    %dma_wait3A_410 = arith.constant 0 : i32
    %dma_wait3A_411 = arith.constant 0 : i32
    %dma_wait3A_412 = tpu.memref_slice %arg19[%dma_wait3A_410, %dma_wait3A_411] : memref<10240x64xf32, #tpu.memory_space<vmem_shared>> -> memref<10240x64xf32, #tpu.memory_space<vmem_shared>>
    tpu.wait_indirect_dma semaphore(%arg23 : memref<!tpu.dma_semaphore, #tpu.memory_space<semaphore_mem>>) src(%arg15 : memref<80x64xf32, #tpu.memory_space<vmem>>) dst(%dma_wait3A_412 : memref<10240x64xf32, #tpu.memory_space<vmem_shared>>)
    %add3A_413 = arith.constant 240 : i32
    %add3A_414 = arith.addi %add3A_194, %add3A_413 : i32
    "tpu.region"() ({
      %run_scoped3A_774 = tpu.sem_alloc : memref<!tpu.dma_semaphore, #tpu.memory_space<semaphore_mem>>
      %dma_start3A_775 = arith.constant 0 : i32
      %dma_start3A_776 = tpu.memref_slice %arg2[%add3A_414, %dma_start3A_775] : memref<10240x64xf32, #tpu.memory_space<hbm>> -> memref<80x64xf32, #tpu.memory_space<hbm>>
      %dma_start3A_777 = arith.constant 0 : i32
      %dma_start3A_778 = tpu.memref_slice %arg2[%add3A_414, %dma_start3A_777] : memref<10240x64xf32, #tpu.memory_space<hbm>> -> memref<80x64xf32, #tpu.memory_space<hbm>>
      tpu.enqueue_dma source(%dma_start3A_778 : memref<80x64xf32, #tpu.memory_space<hbm>>) target(%arg15 : memref<80x64xf32, #tpu.memory_space<vmem>>) target_semaphore(%run_scoped3A_774 : memref<!tpu.dma_semaphore, #tpu.memory_space<semaphore_mem>>)
      %dma_wait3A_779 = arith.constant 0 : i32
      %dma_wait3A_780 = tpu.memref_slice %arg2[%add3A_414, %dma_wait3A_779] : memref<10240x64xf32, #tpu.memory_space<hbm>> -> memref<80x64xf32, #tpu.memory_space<hbm>>
      %dma_wait3A_781 = arith.constant 0 : i32
      %dma_wait3A_782 = tpu.memref_slice %arg2[%add3A_414, %dma_wait3A_781] : memref<10240x64xf32, #tpu.memory_space<hbm>> -> memref<80x64xf32, #tpu.memory_space<hbm>>
      tpu.wait_dma2 semaphore(%run_scoped3A_774 : memref<!tpu.dma_semaphore, #tpu.memory_space<semaphore_mem>>) src(%dma_wait3A_782 : memref<80x64xf32, #tpu.memory_space<hbm>>) dst(%arg15 : memref<80x64xf32, #tpu.memory_space<vmem>>)
      tpu.yield
    }) : () -> ()
    %iota3A_415 = tpu.iota {dimensions = array<i32: 0>} : vector<16xi32>
    %add3A_416 = arith.constant 0 : i32
    %add3A_417 = arith.addi %add3A_414, %add3A_416 : i32
    %add3A_418 = vector.broadcast %add3A_417 : i32 to vector<16xi32>
    %add3A_419 = arith.addi %iota3A_415, %add3A_418 : vector<16xi32>
    %swap3A_420 = arith.constant 3 : i32
    %swap3A_421 = arith.index_cast %swap3A_420 : i32 to index
    %swap3A_422 = arith.constant 0 : index
    %swap3A_423 = tpu.vector_load %arg18[%swap3A_421, %swap3A_422] {strides = array<i32>} : memref<4x80xi32, #tpu.memory_space<vmem>>, vector<16xi32>,
    tpu.vector_store %arg18[%swap3A_421, %swap3A_422], %add3A_419 {strides = array<i32>} : memref<4x80xi32, #tpu.memory_space<vmem>>, vector<16xi32>,
    %iota3A_424 = tpu.iota {dimensions = array<i32: 0>} : vector<16xi32>
    %add3A_425 = arith.constant 16 : i32
    %add3A_426 = arith.addi %add3A_414, %add3A_425 : i32
    %add3A_427 = vector.broadcast %add3A_426 : i32 to vector<16xi32>
    %add3A_428 = arith.addi %iota3A_424, %add3A_427 : vector<16xi32>
    %swap3A_429 = arith.constant 3 : i32
    %swap3A_430 = arith.index_cast %swap3A_429 : i32 to index
    %swap3A_431 = arith.constant 16 : index
    %swap3A_432 = tpu.vector_load %arg18[%swap3A_430, %swap3A_431] {strides = array<i32>} : memref<4x80xi32, #tpu.memory_space<vmem>>, vector<16xi32>,
    tpu.vector_store %arg18[%swap3A_430, %swap3A_431], %add3A_428 {strides = array<i32>} : memref<4x80xi32, #tpu.memory_space<vmem>>, vector<16xi32>,
    %iota3A_433 = tpu.iota {dimensions = array<i32: 0>} : vector<16xi32>
    %add3A_434 = arith.constant 32 : i32
    %add3A_435 = arith.addi %add3A_414, %add3A_434 : i32
    %add3A_436 = vector.broadcast %add3A_435 : i32 to vector<16xi32>
    %add3A_437 = arith.addi %iota3A_433, %add3A_436 : vector<16xi32>
    %swap3A_438 = arith.constant 3 : i32
    %swap3A_439 = arith.index_cast %swap3A_438 : i32 to index
    %swap3A_440 = arith.constant 32 : index
    %swap3A_441 = tpu.vector_load %arg18[%swap3A_439, %swap3A_440] {strides = array<i32>} : memref<4x80xi32, #tpu.memory_space<vmem>>, vector<16xi32>,
    tpu.vector_store %arg18[%swap3A_439, %swap3A_440], %add3A_437 {strides = array<i32>} : memref<4x80xi32, #tpu.memory_space<vmem>>, vector<16xi32>,
    %iota3A_442 = tpu.iota {dimensions = array<i32: 0>} : vector<16xi32>
    %add3A_443 = arith.constant 48 : i32
    %add3A_444 = arith.addi %add3A_414, %add3A_443 : i32
    %add3A_445 = vector.broadcast %add3A_444 : i32 to vector<16xi32>
    %add3A_446 = arith.addi %iota3A_442, %add3A_445 : vector<16xi32>
    %swap3A_447 = arith.constant 3 : i32
    %swap3A_448 = arith.index_cast %swap3A_447 : i32 to index
    %swap3A_449 = arith.constant 48 : index
    %swap3A_450 = tpu.vector_load %arg18[%swap3A_448, %swap3A_449] {strides = array<i32>} : memref<4x80xi32, #tpu.memory_space<vmem>>, vector<16xi32>,
    tpu.vector_store %arg18[%swap3A_448, %swap3A_449], %add3A_446 {strides = array<i32>} : memref<4x80xi32, #tpu.memory_space<vmem>>, vector<16xi32>,
    %iota3A_451 = tpu.iota {dimensions = array<i32: 0>} : vector<16xi32>
    %add3A_452 = arith.constant 64 : i32
    %add3A_453 = arith.addi %add3A_414, %add3A_452 : i32
    %add3A_454 = vector.broadcast %add3A_453 : i32 to vector<16xi32>
    %add3A_455 = arith.addi %iota3A_451, %add3A_454 : vector<16xi32>
    %swap3A_456 = arith.constant 3 : i32
    %swap3A_457 = arith.index_cast %swap3A_456 : i32 to index
    %swap3A_458 = arith.constant 64 : index
    %swap3A_459 = tpu.vector_load %arg18[%swap3A_457, %swap3A_458] {strides = array<i32>} : memref<4x80xi32, #tpu.memory_space<vmem>>, vector<16xi32>,
    tpu.vector_store %arg18[%swap3A_457, %swap3A_458], %add3A_455 {strides = array<i32>} : memref<4x80xi32, #tpu.memory_space<vmem>>, vector<16xi32>,
    %scan3A_460 = arith.constant 0 : i32
    %scan3A_461 = arith.constant 0 : i32
    %scan3A_462 = arith.constant 80 : i32
    %scan3A_463 = arith.addi %scan3A_461, %scan3A_462 : i32
    %scan3A_464 = arith.constant 1 : i32
    %scan3A_465 = scf.for %scan3A_774 = %scan3A_461 to %scan3A_463 step %scan3A_464 iter_args(%scan3A_775 = %scan3A_460) -> (i32)  : i32 {
      %add3A_776 = arith.addi %add3A_414, %scan3A_774 : i32
      %broadcast_in_dim3A = vector.broadcast %add3A_776 : i32 to vector<16xi32>
      %gather3A = tpu.vector_load_idx %arg14[%broadcast_in_dim3A] : memref<10240xf32, #tpu.memory_space<vmem>>[vector<16xi32>], vector<16xf32>,
      %mul3A_777 = arith.mulf %gather3A, %gather3A : vector<16xf32>
      %get3A = arith.index_cast %scan3A_774 : i32 to index
      %get3A_778 = arith.constant 0 : index
      %get3A_779 = tpu.vector_load %arg15[%get3A, %get3A_778] {strides = array<i32>} : memref<80x64xf32, #tpu.memory_space<vmem>>, vector<16xf32>,
      %mul3A_780 = arith.mulf %get3A_779, %mul3A_777 : vector<16xf32>
      %swap3A_781 = arith.index_cast %scan3A_774 : i32 to index
      %swap3A_782 = arith.constant 0 : index
      %swap3A_783 = tpu.vector_load %arg15[%swap3A_781, %swap3A_782] {strides = array<i32>} : memref<80x64xf32, #tpu.memory_space<vmem>>, vector<16xf32>,
      tpu.vector_store %arg15[%swap3A_781, %swap3A_782], %mul3A_780 {strides = array<i32>} : memref<80x64xf32, #tpu.memory_space<vmem>>, vector<16xf32>,
      %get3A_784 = arith.index_cast %scan3A_774 : i32 to index
      %get3A_785 = arith.constant 16 : index
      %get3A_786 = tpu.vector_load %arg15[%get3A_784, %get3A_785] {strides = array<i32>} : memref<80x64xf32, #tpu.memory_space<vmem>>, vector<16xf32>,
      %mul3A_787 = arith.mulf %get3A_786, %mul3A_777 : vector<16xf32>
      %swap3A_788 = arith.index_cast %scan3A_774 : i32 to index
      %swap3A_789 = arith.constant 16 : index
      %swap3A_790 = tpu.vector_load %arg15[%swap3A_788, %swap3A_789] {strides = array<i32>} : memref<80x64xf32, #tpu.memory_space<vmem>>, vector<16xf32>,
      tpu.vector_store %arg15[%swap3A_788, %swap3A_789], %mul3A_787 {strides = array<i32>} : memref<80x64xf32, #tpu.memory_space<vmem>>, vector<16xf32>,
      %get3A_791 = arith.index_cast %scan3A_774 : i32 to index
      %get3A_792 = arith.constant 32 : index
      %get3A_793 = tpu.vector_load %arg15[%get3A_791, %get3A_792] {strides = array<i32>} : memref<80x64xf32, #tpu.memory_space<vmem>>, vector<16xf32>,
      %mul3A_794 = arith.mulf %get3A_793, %mul3A_777 : vector<16xf32>
      %swap3A_795 = arith.index_cast %scan3A_774 : i32 to index
      %swap3A_796 = arith.constant 32 : index
      %swap3A_797 = tpu.vector_load %arg15[%swap3A_795, %swap3A_796] {strides = array<i32>} : memref<80x64xf32, #tpu.memory_space<vmem>>, vector<16xf32>,
      tpu.vector_store %arg15[%swap3A_795, %swap3A_796], %mul3A_794 {strides = array<i32>} : memref<80x64xf32, #tpu.memory_space<vmem>>, vector<16xf32>,
      %get3A_798 = arith.index_cast %scan3A_774 : i32 to index
      %get3A_799 = arith.constant 48 : index
      %get3A_800 = tpu.vector_load %arg15[%get3A_798, %get3A_799] {strides = array<i32>} : memref<80x64xf32, #tpu.memory_space<vmem>>, vector<16xf32>,
      %mul3A_801 = arith.mulf %get3A_800, %mul3A_777 : vector<16xf32>
      %swap3A_802 = arith.index_cast %scan3A_774 : i32 to index
      %swap3A_803 = arith.constant 48 : index
      %swap3A_804 = tpu.vector_load %arg15[%swap3A_802, %swap3A_803] {strides = array<i32>} : memref<80x64xf32, #tpu.memory_space<vmem>>, vector<16xf32>,
      tpu.vector_store %arg15[%swap3A_802, %swap3A_803], %mul3A_801 {strides = array<i32>} : memref<80x64xf32, #tpu.memory_space<vmem>>, vector<16xf32>,
      %scan3A_805 = arith.constant 0 : i32
      scf.yield %scan3A_805 : i32
    }
    %scan3A_466 = arith.constant 80 : i32
    %dma_start3A_467 = arith.constant 3 : i32
    %dma_start3A_468 = arith.constant 0 : i32
    %dma_start3A_469 = tpu.memref_slice %arg18[%dma_start3A_467, %dma_start3A_468] : memref<4x80xi32, #tpu.memory_space<vmem>> -> memref<1x80xi32, #tpu.memory_space<vmem>>
    %dma_start3A_470 = tpu.memref_squeeze %dma_start3A_469 : memref<1x80xi32, #tpu.memory_space<vmem>> -> memref<80xi32, #tpu.memory_space<vmem>>
    %dma_start3A_471 = arith.constant 0 : i32
    %dma_start3A_472 = arith.constant 0 : i32
    %dma_start3A_473 = tpu.memref_slice %arg19[%dma_start3A_471, %dma_start3A_472] : memref<10240x64xf32, #tpu.memory_space<vmem_shared>> -> memref<10240x64xf32, #tpu.memory_space<vmem_shared>>
    tpu.enqueue_indirect_dma source(%arg15 : memref<80x64xf32, #tpu.memory_space<vmem>>) target(%dma_start3A_473 : memref<10240x64xf32, #tpu.memory_space<vmem_shared>>) offsets(%dma_start3A_470 : memref<80xi32, #tpu.memory_space<vmem>>) semaphore(%arg23 : memref<!tpu.dma_semaphore, #tpu.memory_space<semaphore_mem>>) {add = true}
    %dma_wait3A_474 = arith.constant 3 : i32
    %dma_wait3A_475 = arith.constant 0 : i32
    %dma_wait3A_476 = tpu.memref_slice %arg18[%dma_wait3A_474, %dma_wait3A_475] : memref<4x80xi32, #tpu.memory_space<vmem>> -> memref<1x80xi32, #tpu.memory_space<vmem>>
    %dma_wait3A_477 = tpu.memref_squeeze %dma_wait3A_476 : memref<1x80xi32, #tpu.memory_space<vmem>> -> memref<80xi32, #tpu.memory_space<vmem>>
    %dma_wait3A_478 = arith.constant 0 : i32
    %dma_wait3A_479 = arith.constant 0 : i32
    %dma_wait3A_480 = tpu.memref_slice %arg19[%dma_wait3A_478, %dma_wait3A_479] : memref<10240x64xf32, #tpu.memory_space<vmem_shared>> -> memref<10240x64xf32, #tpu.memory_space<vmem_shared>>
    tpu.wait_indirect_dma semaphore(%arg23 : memref<!tpu.dma_semaphore, #tpu.memory_space<semaphore_mem>>) src(%arg15 : memref<80x64xf32, #tpu.memory_space<vmem>>) dst(%dma_wait3A_480 : memref<10240x64xf32, #tpu.memory_space<vmem_shared>>)
    %barrier3A_481 = arith.constant 0 : index
    tpu.barrier barrier_id(%barrier3A_481)
    %run_scoped3A = arith.constant 0 : i32
    "tpu.region"() ({
      %run_scoped3A_774 = tpu.sem_alloc : memref<!tpu.dma_semaphore, #tpu.memory_space<semaphore_mem>>
      %dma_start3A_775 = arith.constant 0 : i32
      %dma_start3A_776 = tpu.memref_slice %arg7[%arg0, %run_scoped3A, %mul3A_2, %dma_start3A_775] : memref<2x2x10240x64xf32, #tpu.memory_space<hbm>> -> memref<1x1x640x64xf32, #tpu.memory_space<hbm>>
      %dma_start3A_777 = tpu.memref_squeeze %dma_start3A_776 : memref<1x1x640x64xf32, #tpu.memory_space<hbm>> -> memref<640x64xf32, #tpu.memory_space<hbm>>
      %dma_start3A_778 = arith.constant 0 : i32
      %dma_start3A_779 = tpu.memref_slice %arg19[%mul3A_2, %dma_start3A_778] : memref<10240x64xf32, #tpu.memory_space<vmem_shared>> -> memref<640x64xf32, #tpu.memory_space<vmem_shared>>
      tpu.enqueue_dma source(%dma_start3A_779 : memref<640x64xf32, #tpu.memory_space<vmem_shared>>) target(%dma_start3A_777 : memref<640x64xf32, #tpu.memory_space<hbm>>) target_semaphore(%run_scoped3A_774 : memref<!tpu.dma_semaphore, #tpu.memory_space<semaphore_mem>>)
      %dma_wait3A_780 = arith.constant 0 : i32
      %dma_wait3A_781 = tpu.memref_slice %arg7[%arg0, %run_scoped3A, %mul3A_2, %dma_wait3A_780] : memref<2x2x10240x64xf32, #tpu.memory_space<hbm>> -> memref<1x1x640x64xf32, #tpu.memory_space<hbm>>
      %dma_wait3A_782 = tpu.memref_squeeze %dma_wait3A_781 : memref<1x1x640x64xf32, #tpu.memory_space<hbm>> -> memref<640x64xf32, #tpu.memory_space<hbm>>
      %dma_wait3A_783 = arith.constant 0 : i32
      %dma_wait3A_784 = tpu.memref_slice %arg19[%mul3A_2, %dma_wait3A_783] : memref<10240x64xf32, #tpu.memory_space<vmem_shared>> -> memref<640x64xf32, #tpu.memory_space<vmem_shared>>
      tpu.wait_dma2 semaphore(%run_scoped3A_774 : memref<!tpu.dma_semaphore, #tpu.memory_space<semaphore_mem>>) src(%dma_wait3A_784 : memref<640x64xf32, #tpu.memory_space<vmem_shared>>) dst(%dma_wait3A_782 : memref<640x64xf32, #tpu.memory_space<hbm>>)
      tpu.yield
    }) : () -> ()
    %add3A_482 = arith.constant 0 : i32
    %add3A_483 = arith.addi %mul3A_2, %add3A_482 : i32
    "tpu.region"() ({
      %run_scoped3A_774 = tpu.sem_alloc : memref<!tpu.dma_semaphore, #tpu.memory_space<semaphore_mem>>
      %dma_start3A_775 = arith.constant 0 : i32
      %dma_start3A_776 = tpu.memref_slice %arg19[%add3A_483, %dma_start3A_775] : memref<10240x64xf32, #tpu.memory_space<vmem_shared>> -> memref<128x64xf32, #tpu.memory_space<vmem_shared>>
      %dma_start3A_777 = arith.constant 0 : i32
      %dma_start3A_778 = tpu.memref_slice %arg19[%add3A_483, %dma_start3A_777] : memref<10240x64xf32, #tpu.memory_space<vmem_shared>> -> memref<128x64xf32, #tpu.memory_space<vmem_shared>>
      tpu.enqueue_dma source(%arg16 : memref<128x64xf32, #tpu.memory_space<vmem>>) target(%dma_start3A_778 : memref<128x64xf32, #tpu.memory_space<vmem_shared>>) target_semaphore(%run_scoped3A_774 : memref<!tpu.dma_semaphore, #tpu.memory_space<semaphore_mem>>)
      %dma_wait3A_779 = arith.constant 0 : i32
      %dma_wait3A_780 = tpu.memref_slice %arg19[%add3A_483, %dma_wait3A_779] : memref<10240x64xf32, #tpu.memory_space<vmem_shared>> -> memref<128x64xf32, #tpu.memory_space<vmem_shared>>
      %dma_wait3A_781 = arith.constant 0 : i32
      %dma_wait3A_782 = tpu.memref_slice %arg19[%add3A_483, %dma_wait3A_781] : memref<10240x64xf32, #tpu.memory_space<vmem_shared>> -> memref<128x64xf32, #tpu.memory_space<vmem_shared>>
      tpu.wait_dma2 semaphore(%run_scoped3A_774 : memref<!tpu.dma_semaphore, #tpu.memory_space<semaphore_mem>>) src(%arg16 : memref<128x64xf32, #tpu.memory_space<vmem>>) dst(%dma_wait3A_782 : memref<128x64xf32, #tpu.memory_space<vmem_shared>>)
      tpu.yield
    }) : () -> ()
    %add3A_484 = arith.constant 128 : i32
    %add3A_485 = arith.addi %mul3A_2, %add3A_484 : i32
    "tpu.region"() ({
      %run_scoped3A_774 = tpu.sem_alloc : memref<!tpu.dma_semaphore, #tpu.memory_space<semaphore_mem>>
      %dma_start3A_775 = arith.constant 0 : i32
      %dma_start3A_776 = tpu.memref_slice %arg19[%add3A_485, %dma_start3A_775] : memref<10240x64xf32, #tpu.memory_space<vmem_shared>> -> memref<128x64xf32, #tpu.memory_space<vmem_shared>>
      %dma_start3A_777 = arith.constant 0 : i32
      %dma_start3A_778 = tpu.memref_slice %arg19[%add3A_485, %dma_start3A_777] : memref<10240x64xf32, #tpu.memory_space<vmem_shared>> -> memref<128x64xf32, #tpu.memory_space<vmem_shared>>
      tpu.enqueue_dma source(%arg16 : memref<128x64xf32, #tpu.memory_space<vmem>>) target(%dma_start3A_778 : memref<128x64xf32, #tpu.memory_space<vmem_shared>>) target_semaphore(%run_scoped3A_774 : memref<!tpu.dma_semaphore, #tpu.memory_space<semaphore_mem>>)
      %dma_wait3A_779 = arith.constant 0 : i32
      %dma_wait3A_780 = tpu.memref_slice %arg19[%add3A_485, %dma_wait3A_779] : memref<10240x64xf32, #tpu.memory_space<vmem_shared>> -> memref<128x64xf32, #tpu.memory_space<vmem_shared>>
      %dma_wait3A_781 = arith.constant 0 : i32
      %dma_wait3A_782 = tpu.memref_slice %arg19[%add3A_485, %dma_wait3A_781] : memref<10240x64xf32, #tpu.memory_space<vmem_shared>> -> memref<128x64xf32, #tpu.memory_space<vmem_shared>>
      tpu.wait_dma2 semaphore(%run_scoped3A_774 : memref<!tpu.dma_semaphore, #tpu.memory_space<semaphore_mem>>) src(%arg16 : memref<128x64xf32, #tpu.memory_space<vmem>>) dst(%dma_wait3A_782 : memref<128x64xf32, #tpu.memory_space<vmem_shared>>)
      tpu.yield
    }) : () -> ()
    %add3A_486 = arith.constant 256 : i32
    %add3A_487 = arith.addi %mul3A_2, %add3A_486 : i32
    "tpu.region"() ({
      %run_scoped3A_774 = tpu.sem_alloc : memref<!tpu.dma_semaphore, #tpu.memory_space<semaphore_mem>>
      %dma_start3A_775 = arith.constant 0 : i32
      %dma_start3A_776 = tpu.memref_slice %arg19[%add3A_487, %dma_start3A_775] : memref<10240x64xf32, #tpu.memory_space<vmem_shared>> -> memref<128x64xf32, #tpu.memory_space<vmem_shared>>
      %dma_start3A_777 = arith.constant 0 : i32
      %dma_start3A_778 = tpu.memref_slice %arg19[%add3A_487, %dma_start3A_777] : memref<10240x64xf32, #tpu.memory_space<vmem_shared>> -> memref<128x64xf32, #tpu.memory_space<vmem_shared>>
      tpu.enqueue_dma source(%arg16 : memref<128x64xf32, #tpu.memory_space<vmem>>) target(%dma_start3A_778 : memref<128x64xf32, #tpu.memory_space<vmem_shared>>) target_semaphore(%run_scoped3A_774 : memref<!tpu.dma_semaphore, #tpu.memory_space<semaphore_mem>>)
      %dma_wait3A_779 = arith.constant 0 : i32
      %dma_wait3A_780 = tpu.memref_slice %arg19[%add3A_487, %dma_wait3A_779] : memref<10240x64xf32, #tpu.memory_space<vmem_shared>> -> memref<128x64xf32, #tpu.memory_space<vmem_shared>>
      %dma_wait3A_781 = arith.constant 0 : i32
      %dma_wait3A_782 = tpu.memref_slice %arg19[%add3A_487, %dma_wait3A_781] : memref<10240x64xf32, #tpu.memory_space<vmem_shared>> -> memref<128x64xf32, #tpu.memory_space<vmem_shared>>
      tpu.wait_dma2 semaphore(%run_scoped3A_774 : memref<!tpu.dma_semaphore, #tpu.memory_space<semaphore_mem>>) src(%arg16 : memref<128x64xf32, #tpu.memory_space<vmem>>) dst(%dma_wait3A_782 : memref<128x64xf32, #tpu.memory_space<vmem_shared>>)
      tpu.yield
    }) : () -> ()
    %add3A_488 = arith.constant 384 : i32
    %add3A_489 = arith.addi %mul3A_2, %add3A_488 : i32
    "tpu.region"() ({
      %run_scoped3A_774 = tpu.sem_alloc : memref<!tpu.dma_semaphore, #tpu.memory_space<semaphore_mem>>
      %dma_start3A_775 = arith.constant 0 : i32
      %dma_start3A_776 = tpu.memref_slice %arg19[%add3A_489, %dma_start3A_775] : memref<10240x64xf32, #tpu.memory_space<vmem_shared>> -> memref<128x64xf32, #tpu.memory_space<vmem_shared>>
      %dma_start3A_777 = arith.constant 0 : i32
      %dma_start3A_778 = tpu.memref_slice %arg19[%add3A_489, %dma_start3A_777] : memref<10240x64xf32, #tpu.memory_space<vmem_shared>> -> memref<128x64xf32, #tpu.memory_space<vmem_shared>>
      tpu.enqueue_dma source(%arg16 : memref<128x64xf32, #tpu.memory_space<vmem>>) target(%dma_start3A_778 : memref<128x64xf32, #tpu.memory_space<vmem_shared>>) target_semaphore(%run_scoped3A_774 : memref<!tpu.dma_semaphore, #tpu.memory_space<semaphore_mem>>)
      %dma_wait3A_779 = arith.constant 0 : i32
      %dma_wait3A_780 = tpu.memref_slice %arg19[%add3A_489, %dma_wait3A_779] : memref<10240x64xf32, #tpu.memory_space<vmem_shared>> -> memref<128x64xf32, #tpu.memory_space<vmem_shared>>
      %dma_wait3A_781 = arith.constant 0 : i32
      %dma_wait3A_782 = tpu.memref_slice %arg19[%add3A_489, %dma_wait3A_781] : memref<10240x64xf32, #tpu.memory_space<vmem_shared>> -> memref<128x64xf32, #tpu.memory_space<vmem_shared>>
      tpu.wait_dma2 semaphore(%run_scoped3A_774 : memref<!tpu.dma_semaphore, #tpu.memory_space<semaphore_mem>>) src(%arg16 : memref<128x64xf32, #tpu.memory_space<vmem>>) dst(%dma_wait3A_782 : memref<128x64xf32, #tpu.memory_space<vmem_shared>>)
      tpu.yield
    }) : () -> ()
    %add3A_490 = arith.constant 512 : i32
    %add3A_491 = arith.addi %mul3A_2, %add3A_490 : i32
    "tpu.region"() ({
      %run_scoped3A_774 = tpu.sem_alloc : memref<!tpu.dma_semaphore, #tpu.memory_space<semaphore_mem>>
      %dma_start3A_775 = arith.constant 0 : i32
      %dma_start3A_776 = tpu.memref_slice %arg19[%add3A_491, %dma_start3A_775] : memref<10240x64xf32, #tpu.memory_space<vmem_shared>> -> memref<128x64xf32, #tpu.memory_space<vmem_shared>>
      %dma_start3A_777 = arith.constant 0 : i32
      %dma_start3A_778 = tpu.memref_slice %arg19[%add3A_491, %dma_start3A_777] : memref<10240x64xf32, #tpu.memory_space<vmem_shared>> -> memref<128x64xf32, #tpu.memory_space<vmem_shared>>
      tpu.enqueue_dma source(%arg16 : memref<128x64xf32, #tpu.memory_space<vmem>>) target(%dma_start3A_778 : memref<128x64xf32, #tpu.memory_space<vmem_shared>>) target_semaphore(%run_scoped3A_774 : memref<!tpu.dma_semaphore, #tpu.memory_space<semaphore_mem>>)
      %dma_wait3A_779 = arith.constant 0 : i32
      %dma_wait3A_780 = tpu.memref_slice %arg19[%add3A_491, %dma_wait3A_779] : memref<10240x64xf32, #tpu.memory_space<vmem_shared>> -> memref<128x64xf32, #tpu.memory_space<vmem_shared>>
      %dma_wait3A_781 = arith.constant 0 : i32
      %dma_wait3A_782 = tpu.memref_slice %arg19[%add3A_491, %dma_wait3A_781] : memref<10240x64xf32, #tpu.memory_space<vmem_shared>> -> memref<128x64xf32, #tpu.memory_space<vmem_shared>>
      tpu.wait_dma2 semaphore(%run_scoped3A_774 : memref<!tpu.dma_semaphore, #tpu.memory_space<semaphore_mem>>) src(%arg16 : memref<128x64xf32, #tpu.memory_space<vmem>>) dst(%dma_wait3A_782 : memref<128x64xf32, #tpu.memory_space<vmem_shared>>)
      tpu.yield
    }) : () -> ()
    %barrier3A_492 = arith.constant 0 : index
    tpu.barrier barrier_id(%barrier3A_492)
    %scan3A_493 = arith.constant 0 : i32
    %scan3A_494 = arith.constant 0 : i32
    %scan3A_495 = arith.constant 125 : i32
    %scan3A_496 = arith.addi %scan3A_494, %scan3A_495 : i32
    %scan3A_497 = arith.constant 1 : i32
    %scan3A_498 = scf.for %scan3A_774 = %scan3A_494 to %scan3A_496 step %scan3A_497 iter_args(%scan3A_775 = %scan3A_493) -> (i32)  : i32 {
      %dma_start3A_776 = arith.constant 0 : i32
      %dma_start3A_777 = tpu.memref_slice %arg10[%scan3A_774, %dma_start3A_776] : memref<125x80xi32, #tpu.memory_space<vmem>> -> memref<1x80xi32, #tpu.memory_space<vmem>>
      %dma_start3A_778 = tpu.memref_squeeze %dma_start3A_777 : memref<1x80xi32, #tpu.memory_space<vmem>> -> memref<80xi32, #tpu.memory_space<vmem>>
      %dma_start3A_779 = arith.constant 0 : i32
      %dma_start3A_780 = arith.constant 0 : i32
      %dma_start3A_781 = tpu.memref_slice %arg3[%dma_start3A_779, %dma_start3A_780] : memref<10240x64xf32, #tpu.memory_space<hbm>> -> memref<10240x64xf32, #tpu.memory_space<hbm>>
      tpu.enqueue_indirect_dma source(%dma_start3A_781 : memref<10240x64xf32, #tpu.memory_space<hbm>>) target(%arg15 : memref<80x64xf32, #tpu.memory_space<vmem>>) offsets(%dma_start3A_778 : memref<80xi32, #tpu.memory_space<vmem>>) semaphore(%arg22 : memref<!tpu.dma_semaphore, #tpu.memory_space<semaphore_mem>>)
      %dma_wait3A_782 = arith.constant 0 : i32
      %dma_wait3A_783 = tpu.memref_slice %arg10[%scan3A_774, %dma_wait3A_782] : memref<125x80xi32, #tpu.memory_space<vmem>> -> memref<1x80xi32, #tpu.memory_space<vmem>>
      %dma_wait3A_784 = tpu.memref_squeeze %dma_wait3A_783 : memref<1x80xi32, #tpu.memory_space<vmem>> -> memref<80xi32, #tpu.memory_space<vmem>>
      %dma_wait3A_785 = arith.constant 0 : i32
      %dma_wait3A_786 = arith.constant 0 : i32
      %dma_wait3A_787 = tpu.memref_slice %arg3[%dma_wait3A_785, %dma_wait3A_786] : memref<10240x64xf32, #tpu.memory_space<hbm>> -> memref<10240x64xf32, #tpu.memory_space<hbm>>
      tpu.wait_indirect_dma semaphore(%arg22 : memref<!tpu.dma_semaphore, #tpu.memory_space<semaphore_mem>>) src(%dma_wait3A_787 : memref<10240x64xf32, #tpu.memory_space<hbm>>) dst(%arg15 : memref<80x64xf32, #tpu.memory_space<vmem>>)
      %scan3A_788 = arith.constant 0 : i32
      %scan3A_789 = arith.constant 0 : i32
      %scan3A_790 = arith.constant 80 : i32
      %scan3A_791 = arith.addi %scan3A_789, %scan3A_790 : i32
      %scan3A_792 = arith.constant 1 : i32
      %scan3A_793 = scf.for %scan3A_808 = %scan3A_789 to %scan3A_791 step %scan3A_792 iter_args(%scan3A_809 = %scan3A_788) -> (i32)  : i32 {
        %broadcast_in_dim3A = vector.broadcast %scan3A_774 : i32 to vector<16xi32>
        %broadcast_in_dim3A_810 = vector.broadcast %scan3A_808 : i32 to vector<16xi32>
        %gather3A = tpu.vector_load_idx %arg13[%broadcast_in_dim3A, %broadcast_in_dim3A_810] : memref<125x80xf32, #tpu.memory_space<vmem>>[vector<16xi32>, vector<16xi32>], vector<16xf32>,
        %get3A = arith.index_cast %scan3A_808 : i32 to index
        %get3A_811 = arith.constant 0 : index
        %get3A_812 = tpu.vector_load %arg15[%get3A, %get3A_811] {strides = array<i32>} : memref<80x64xf32, #tpu.memory_space<vmem>>, vector<16xf32>,
        %mul3A_813 = arith.mulf %get3A_812, %gather3A : vector<16xf32>
        %swap3A_814 = arith.index_cast %scan3A_808 : i32 to index
        %swap3A_815 = arith.constant 0 : index
        %swap3A_816 = tpu.vector_load %arg15[%swap3A_814, %swap3A_815] {strides = array<i32>} : memref<80x64xf32, #tpu.memory_space<vmem>>, vector<16xf32>,
        tpu.vector_store %arg15[%swap3A_814, %swap3A_815], %mul3A_813 {strides = array<i32>} : memref<80x64xf32, #tpu.memory_space<vmem>>, vector<16xf32>,
        %get3A_817 = arith.index_cast %scan3A_808 : i32 to index
        %get3A_818 = arith.constant 16 : index
        %get3A_819 = tpu.vector_load %arg15[%get3A_817, %get3A_818] {strides = array<i32>} : memref<80x64xf32, #tpu.memory_space<vmem>>, vector<16xf32>,
        %mul3A_820 = arith.mulf %get3A_819, %gather3A : vector<16xf32>
        %swap3A_821 = arith.index_cast %scan3A_808 : i32 to index
        %swap3A_822 = arith.constant 16 : index
        %swap3A_823 = tpu.vector_load %arg15[%swap3A_821, %swap3A_822] {strides = array<i32>} : memref<80x64xf32, #tpu.memory_space<vmem>>, vector<16xf32>,
        tpu.vector_store %arg15[%swap3A_821, %swap3A_822], %mul3A_820 {strides = array<i32>} : memref<80x64xf32, #tpu.memory_space<vmem>>, vector<16xf32>,
        %get3A_824 = arith.index_cast %scan3A_808 : i32 to index
        %get3A_825 = arith.constant 32 : index
        %get3A_826 = tpu.vector_load %arg15[%get3A_824, %get3A_825] {strides = array<i32>} : memref<80x64xf32, #tpu.memory_space<vmem>>, vector<16xf32>,
        %mul3A_827 = arith.mulf %get3A_826, %gather3A : vector<16xf32>
        %swap3A_828 = arith.index_cast %scan3A_808 : i32 to index
        %swap3A_829 = arith.constant 32 : index
        %swap3A_830 = tpu.vector_load %arg15[%swap3A_828, %swap3A_829] {strides = array<i32>} : memref<80x64xf32, #tpu.memory_space<vmem>>, vector<16xf32>,
        tpu.vector_store %arg15[%swap3A_828, %swap3A_829], %mul3A_827 {strides = array<i32>} : memref<80x64xf32, #tpu.memory_space<vmem>>, vector<16xf32>,
        %get3A_831 = arith.index_cast %scan3A_808 : i32 to index
        %get3A_832 = arith.constant 48 : index
        %get3A_833 = tpu.vector_load %arg15[%get3A_831, %get3A_832] {strides = array<i32>} : memref<80x64xf32, #tpu.memory_space<vmem>>, vector<16xf32>,
        %mul3A_834 = arith.mulf %get3A_833, %gather3A : vector<16xf32>
        %swap3A_835 = arith.index_cast %scan3A_808 : i32 to index
        %swap3A_836 = arith.constant 48 : index
        %swap3A_837 = tpu.vector_load %arg15[%swap3A_835, %swap3A_836] {strides = array<i32>} : memref<80x64xf32, #tpu.memory_space<vmem>>, vector<16xf32>,
        tpu.vector_store %arg15[%swap3A_835, %swap3A_836], %mul3A_834 {strides = array<i32>} : memref<80x64xf32, #tpu.memory_space<vmem>>, vector<16xf32>,
        %scan3A_838 = arith.constant 0 : i32
        scf.yield %scan3A_838 : i32
      }
      %scan3A_794 = arith.constant 80 : i32
      %dma_start3A_795 = arith.constant 0 : i32
      %dma_start3A_796 = tpu.memref_slice %arg11[%scan3A_774, %dma_start3A_795] : memref<125x80xi32, #tpu.memory_space<vmem>> -> memref<1x80xi32, #tpu.memory_space<vmem>>
      %dma_start3A_797 = tpu.memref_squeeze %dma_start3A_796 : memref<1x80xi32, #tpu.memory_space<vmem>> -> memref<80xi32, #tpu.memory_space<vmem>>
      %dma_start3A_798 = arith.constant 0 : i32
      %dma_start3A_799 = arith.constant 0 : i32
      %dma_start3A_800 = tpu.memref_slice %arg19[%dma_start3A_798, %dma_start3A_799] : memref<10240x64xf32, #tpu.memory_space<vmem_shared>> -> memref<10240x64xf32, #tpu.memory_space<vmem_shared>>
      tpu.enqueue_indirect_dma source(%arg15 : memref<80x64xf32, #tpu.memory_space<vmem>>) target(%dma_start3A_800 : memref<10240x64xf32, #tpu.memory_space<vmem_shared>>) offsets(%dma_start3A_797 : memref<80xi32, #tpu.memory_space<vmem>>) semaphore(%arg23 : memref<!tpu.dma_semaphore, #tpu.memory_space<semaphore_mem>>) {add = true}
      %dma_wait3A_801 = arith.constant 0 : i32
      %dma_wait3A_802 = tpu.memref_slice %arg11[%scan3A_774, %dma_wait3A_801] : memref<125x80xi32, #tpu.memory_space<vmem>> -> memref<1x80xi32, #tpu.memory_space<vmem>>
      %dma_wait3A_803 = tpu.memref_squeeze %dma_wait3A_802 : memref<1x80xi32, #tpu.memory_space<vmem>> -> memref<80xi32, #tpu.memory_space<vmem>>
      %dma_wait3A_804 = arith.constant 0 : i32
      %dma_wait3A_805 = arith.constant 0 : i32
      %dma_wait3A_806 = tpu.memref_slice %arg19[%dma_wait3A_804, %dma_wait3A_805] : memref<10240x64xf32, #tpu.memory_space<vmem_shared>> -> memref<10240x64xf32, #tpu.memory_space<vmem_shared>>
      tpu.wait_indirect_dma semaphore(%arg23 : memref<!tpu.dma_semaphore, #tpu.memory_space<semaphore_mem>>) src(%arg15 : memref<80x64xf32, #tpu.memory_space<vmem>>) dst(%dma_wait3A_806 : memref<10240x64xf32, #tpu.memory_space<vmem_shared>>)
      %scan3A_807 = arith.constant 0 : i32
      scf.yield %scan3A_807 : i32
    }
    %scan3A_499 = arith.constant 125 : i32
    %add3A_500 = arith.constant 0 : i32
    %add3A_501 = arith.addi %add3A_194, %add3A_500 : i32
    "tpu.region"() ({
      %run_scoped3A_774 = tpu.sem_alloc : memref<!tpu.dma_semaphore, #tpu.memory_space<semaphore_mem>>
      %dma_start3A_775 = arith.constant 0 : i32
      %dma_start3A_776 = tpu.memref_slice %arg3[%add3A_501, %dma_start3A_775] : memref<10240x64xf32, #tpu.memory_space<hbm>> -> memref<80x64xf32, #tpu.memory_space<hbm>>
      %dma_start3A_777 = arith.constant 0 : i32
      %dma_start3A_778 = tpu.memref_slice %arg3[%add3A_501, %dma_start3A_777] : memref<10240x64xf32, #tpu.memory_space<hbm>> -> memref<80x64xf32, #tpu.memory_space<hbm>>
      tpu.enqueue_dma source(%dma_start3A_778 : memref<80x64xf32, #tpu.memory_space<hbm>>) target(%arg15 : memref<80x64xf32, #tpu.memory_space<vmem>>) target_semaphore(%run_scoped3A_774 : memref<!tpu.dma_semaphore, #tpu.memory_space<semaphore_mem>>)
      %dma_wait3A_779 = arith.constant 0 : i32
      %dma_wait3A_780 = tpu.memref_slice %arg3[%add3A_501, %dma_wait3A_779] : memref<10240x64xf32, #tpu.memory_space<hbm>> -> memref<80x64xf32, #tpu.memory_space<hbm>>
      %dma_wait3A_781 = arith.constant 0 : i32
      %dma_wait3A_782 = tpu.memref_slice %arg3[%add3A_501, %dma_wait3A_781] : memref<10240x64xf32, #tpu.memory_space<hbm>> -> memref<80x64xf32, #tpu.memory_space<hbm>>
      tpu.wait_dma2 semaphore(%run_scoped3A_774 : memref<!tpu.dma_semaphore, #tpu.memory_space<semaphore_mem>>) src(%dma_wait3A_782 : memref<80x64xf32, #tpu.memory_space<hbm>>) dst(%arg15 : memref<80x64xf32, #tpu.memory_space<vmem>>)
      tpu.yield
    }) : () -> ()
    %iota3A_502 = tpu.iota {dimensions = array<i32: 0>} : vector<16xi32>
    %add3A_503 = arith.constant 0 : i32
    %add3A_504 = arith.addi %add3A_501, %add3A_503 : i32
    %add3A_505 = vector.broadcast %add3A_504 : i32 to vector<16xi32>
    %add3A_506 = arith.addi %iota3A_502, %add3A_505 : vector<16xi32>
    %swap3A_507 = arith.constant 0 : i32
    %swap3A_508 = arith.index_cast %swap3A_507 : i32 to index
    %swap3A_509 = arith.constant 0 : index
    %swap3A_510 = tpu.vector_load %arg18[%swap3A_508, %swap3A_509] {strides = array<i32>} : memref<4x80xi32, #tpu.memory_space<vmem>>, vector<16xi32>,
    tpu.vector_store %arg18[%swap3A_508, %swap3A_509], %add3A_506 {strides = array<i32>} : memref<4x80xi32, #tpu.memory_space<vmem>>, vector<16xi32>,
    %iota3A_511 = tpu.iota {dimensions = array<i32: 0>} : vector<16xi32>
    %add3A_512 = arith.constant 16 : i32
    %add3A_513 = arith.addi %add3A_501, %add3A_512 : i32
    %add3A_514 = vector.broadcast %add3A_513 : i32 to vector<16xi32>
    %add3A_515 = arith.addi %iota3A_511, %add3A_514 : vector<16xi32>
    %swap3A_516 = arith.constant 0 : i32
    %swap3A_517 = arith.index_cast %swap3A_516 : i32 to index
    %swap3A_518 = arith.constant 16 : index
    %swap3A_519 = tpu.vector_load %arg18[%swap3A_517, %swap3A_518] {strides = array<i32>} : memref<4x80xi32, #tpu.memory_space<vmem>>, vector<16xi32>,
    tpu.vector_store %arg18[%swap3A_517, %swap3A_518], %add3A_515 {strides = array<i32>} : memref<4x80xi32, #tpu.memory_space<vmem>>, vector<16xi32>,
    %iota3A_520 = tpu.iota {dimensions = array<i32: 0>} : vector<16xi32>
    %add3A_521 = arith.constant 32 : i32
    %add3A_522 = arith.addi %add3A_501, %add3A_521 : i32
    %add3A_523 = vector.broadcast %add3A_522 : i32 to vector<16xi32>
    %add3A_524 = arith.addi %iota3A_520, %add3A_523 : vector<16xi32>
    %swap3A_525 = arith.constant 0 : i32
    %swap3A_526 = arith.index_cast %swap3A_525 : i32 to index
    %swap3A_527 = arith.constant 32 : index
    %swap3A_528 = tpu.vector_load %arg18[%swap3A_526, %swap3A_527] {strides = array<i32>} : memref<4x80xi32, #tpu.memory_space<vmem>>, vector<16xi32>,
    tpu.vector_store %arg18[%swap3A_526, %swap3A_527], %add3A_524 {strides = array<i32>} : memref<4x80xi32, #tpu.memory_space<vmem>>, vector<16xi32>,
    %iota3A_529 = tpu.iota {dimensions = array<i32: 0>} : vector<16xi32>
    %add3A_530 = arith.constant 48 : i32
    %add3A_531 = arith.addi %add3A_501, %add3A_530 : i32
    %add3A_532 = vector.broadcast %add3A_531 : i32 to vector<16xi32>
    %add3A_533 = arith.addi %iota3A_529, %add3A_532 : vector<16xi32>
    %swap3A_534 = arith.constant 0 : i32
    %swap3A_535 = arith.index_cast %swap3A_534 : i32 to index
    %swap3A_536 = arith.constant 48 : index
    %swap3A_537 = tpu.vector_load %arg18[%swap3A_535, %swap3A_536] {strides = array<i32>} : memref<4x80xi32, #tpu.memory_space<vmem>>, vector<16xi32>,
    tpu.vector_store %arg18[%swap3A_535, %swap3A_536], %add3A_533 {strides = array<i32>} : memref<4x80xi32, #tpu.memory_space<vmem>>, vector<16xi32>,
    %iota3A_538 = tpu.iota {dimensions = array<i32: 0>} : vector<16xi32>
    %add3A_539 = arith.constant 64 : i32
    %add3A_540 = arith.addi %add3A_501, %add3A_539 : i32
    %add3A_541 = vector.broadcast %add3A_540 : i32 to vector<16xi32>
    %add3A_542 = arith.addi %iota3A_538, %add3A_541 : vector<16xi32>
    %swap3A_543 = arith.constant 0 : i32
    %swap3A_544 = arith.index_cast %swap3A_543 : i32 to index
    %swap3A_545 = arith.constant 64 : index
    %swap3A_546 = tpu.vector_load %arg18[%swap3A_544, %swap3A_545] {strides = array<i32>} : memref<4x80xi32, #tpu.memory_space<vmem>>, vector<16xi32>,
    tpu.vector_store %arg18[%swap3A_544, %swap3A_545], %add3A_542 {strides = array<i32>} : memref<4x80xi32, #tpu.memory_space<vmem>>, vector<16xi32>,
    %scan3A_547 = arith.constant 0 : i32
    %scan3A_548 = arith.constant 0 : i32
    %scan3A_549 = arith.constant 80 : i32
    %scan3A_550 = arith.addi %scan3A_548, %scan3A_549 : i32
    %scan3A_551 = arith.constant 1 : i32
    %scan3A_552 = scf.for %scan3A_774 = %scan3A_548 to %scan3A_550 step %scan3A_551 iter_args(%scan3A_775 = %scan3A_547) -> (i32)  : i32 {
      %add3A_776 = arith.addi %add3A_501, %scan3A_774 : i32
      %broadcast_in_dim3A = vector.broadcast %add3A_776 : i32 to vector<16xi32>
      %gather3A = tpu.vector_load_idx %arg14[%broadcast_in_dim3A] : memref<10240xf32, #tpu.memory_space<vmem>>[vector<16xi32>], vector<16xf32>,
      %mul3A_777 = arith.mulf %gather3A, %gather3A : vector<16xf32>
      %get3A = arith.index_cast %scan3A_774 : i32 to index
      %get3A_778 = arith.constant 0 : index
      %get3A_779 = tpu.vector_load %arg15[%get3A, %get3A_778] {strides = array<i32>} : memref<80x64xf32, #tpu.memory_space<vmem>>, vector<16xf32>,
      %mul3A_780 = arith.mulf %get3A_779, %mul3A_777 : vector<16xf32>
      %swap3A_781 = arith.index_cast %scan3A_774 : i32 to index
      %swap3A_782 = arith.constant 0 : index
      %swap3A_783 = tpu.vector_load %arg15[%swap3A_781, %swap3A_782] {strides = array<i32>} : memref<80x64xf32, #tpu.memory_space<vmem>>, vector<16xf32>,
      tpu.vector_store %arg15[%swap3A_781, %swap3A_782], %mul3A_780 {strides = array<i32>} : memref<80x64xf32, #tpu.memory_space<vmem>>, vector<16xf32>,
      %get3A_784 = arith.index_cast %scan3A_774 : i32 to index
      %get3A_785 = arith.constant 16 : index
      %get3A_786 = tpu.vector_load %arg15[%get3A_784, %get3A_785] {strides = array<i32>} : memref<80x64xf32, #tpu.memory_space<vmem>>, vector<16xf32>,
      %mul3A_787 = arith.mulf %get3A_786, %mul3A_777 : vector<16xf32>
      %swap3A_788 = arith.index_cast %scan3A_774 : i32 to index
      %swap3A_789 = arith.constant 16 : index
      %swap3A_790 = tpu.vector_load %arg15[%swap3A_788, %swap3A_789] {strides = array<i32>} : memref<80x64xf32, #tpu.memory_space<vmem>>, vector<16xf32>,
      tpu.vector_store %arg15[%swap3A_788, %swap3A_789], %mul3A_787 {strides = array<i32>} : memref<80x64xf32, #tpu.memory_space<vmem>>, vector<16xf32>,
      %get3A_791 = arith.index_cast %scan3A_774 : i32 to index
      %get3A_792 = arith.constant 32 : index
      %get3A_793 = tpu.vector_load %arg15[%get3A_791, %get3A_792] {strides = array<i32>} : memref<80x64xf32, #tpu.memory_space<vmem>>, vector<16xf32>,
      %mul3A_794 = arith.mulf %get3A_793, %mul3A_777 : vector<16xf32>
      %swap3A_795 = arith.index_cast %scan3A_774 : i32 to index
      %swap3A_796 = arith.constant 32 : index
      %swap3A_797 = tpu.vector_load %arg15[%swap3A_795, %swap3A_796] {strides = array<i32>} : memref<80x64xf32, #tpu.memory_space<vmem>>, vector<16xf32>,
      tpu.vector_store %arg15[%swap3A_795, %swap3A_796], %mul3A_794 {strides = array<i32>} : memref<80x64xf32, #tpu.memory_space<vmem>>, vector<16xf32>,
      %get3A_798 = arith.index_cast %scan3A_774 : i32 to index
      %get3A_799 = arith.constant 48 : index
      %get3A_800 = tpu.vector_load %arg15[%get3A_798, %get3A_799] {strides = array<i32>} : memref<80x64xf32, #tpu.memory_space<vmem>>, vector<16xf32>,
      %mul3A_801 = arith.mulf %get3A_800, %mul3A_777 : vector<16xf32>
      %swap3A_802 = arith.index_cast %scan3A_774 : i32 to index
      %swap3A_803 = arith.constant 48 : index
      %swap3A_804 = tpu.vector_load %arg15[%swap3A_802, %swap3A_803] {strides = array<i32>} : memref<80x64xf32, #tpu.memory_space<vmem>>, vector<16xf32>,
      tpu.vector_store %arg15[%swap3A_802, %swap3A_803], %mul3A_801 {strides = array<i32>} : memref<80x64xf32, #tpu.memory_space<vmem>>, vector<16xf32>,
      %scan3A_805 = arith.constant 0 : i32
      scf.yield %scan3A_805 : i32
    }
    %scan3A_553 = arith.constant 80 : i32
    %dma_start3A_554 = arith.constant 0 : i32
    %dma_start3A_555 = arith.constant 0 : i32
    %dma_start3A_556 = tpu.memref_slice %arg18[%dma_start3A_554, %dma_start3A_555] : memref<4x80xi32, #tpu.memory_space<vmem>> -> memref<1x80xi32, #tpu.memory_space<vmem>>
    %dma_start3A_557 = tpu.memref_squeeze %dma_start3A_556 : memref<1x80xi32, #tpu.memory_space<vmem>> -> memref<80xi32, #tpu.memory_space<vmem>>
    %dma_start3A_558 = arith.constant 0 : i32
    %dma_start3A_559 = arith.constant 0 : i32
    %dma_start3A_560 = tpu.memref_slice %arg19[%dma_start3A_558, %dma_start3A_559] : memref<10240x64xf32, #tpu.memory_space<vmem_shared>> -> memref<10240x64xf32, #tpu.memory_space<vmem_shared>>
    tpu.enqueue_indirect_dma source(%arg15 : memref<80x64xf32, #tpu.memory_space<vmem>>) target(%dma_start3A_560 : memref<10240x64xf32, #tpu.memory_space<vmem_shared>>) offsets(%dma_start3A_557 : memref<80xi32, #tpu.memory_space<vmem>>) semaphore(%arg23 : memref<!tpu.dma_semaphore, #tpu.memory_space<semaphore_mem>>) {add = true}
    %dma_wait3A_561 = arith.constant 0 : i32
    %dma_wait3A_562 = arith.constant 0 : i32
    %dma_wait3A_563 = tpu.memref_slice %arg18[%dma_wait3A_561, %dma_wait3A_562] : memref<4x80xi32, #tpu.memory_space<vmem>> -> memref<1x80xi32, #tpu.memory_space<vmem>>
    %dma_wait3A_564 = tpu.memref_squeeze %dma_wait3A_563 : memref<1x80xi32, #tpu.memory_space<vmem>> -> memref<80xi32, #tpu.memory_space<vmem>>
    %dma_wait3A_565 = arith.constant 0 : i32
    %dma_wait3A_566 = arith.constant 0 : i32
    %dma_wait3A_567 = tpu.memref_slice %arg19[%dma_wait3A_565, %dma_wait3A_566] : memref<10240x64xf32, #tpu.memory_space<vmem_shared>> -> memref<10240x64xf32, #tpu.memory_space<vmem_shared>>
    tpu.wait_indirect_dma semaphore(%arg23 : memref<!tpu.dma_semaphore, #tpu.memory_space<semaphore_mem>>) src(%arg15 : memref<80x64xf32, #tpu.memory_space<vmem>>) dst(%dma_wait3A_567 : memref<10240x64xf32, #tpu.memory_space<vmem_shared>>)
    %add3A_568 = arith.constant 80 : i32
    %add3A_569 = arith.addi %add3A_194, %add3A_568 : i32
    "tpu.region"() ({
      %run_scoped3A_774 = tpu.sem_alloc : memref<!tpu.dma_semaphore, #tpu.memory_space<semaphore_mem>>
      %dma_start3A_775 = arith.constant 0 : i32
      %dma_start3A_776 = tpu.memref_slice %arg3[%add3A_569, %dma_start3A_775] : memref<10240x64xf32, #tpu.memory_space<hbm>> -> memref<80x64xf32, #tpu.memory_space<hbm>>
      %dma_start3A_777 = arith.constant 0 : i32
      %dma_start3A_778 = tpu.memref_slice %arg3[%add3A_569, %dma_start3A_777] : memref<10240x64xf32, #tpu.memory_space<hbm>> -> memref<80x64xf32, #tpu.memory_space<hbm>>
      tpu.enqueue_dma source(%dma_start3A_778 : memref<80x64xf32, #tpu.memory_space<hbm>>) target(%arg15 : memref<80x64xf32, #tpu.memory_space<vmem>>) target_semaphore(%run_scoped3A_774 : memref<!tpu.dma_semaphore, #tpu.memory_space<semaphore_mem>>)
      %dma_wait3A_779 = arith.constant 0 : i32
      %dma_wait3A_780 = tpu.memref_slice %arg3[%add3A_569, %dma_wait3A_779] : memref<10240x64xf32, #tpu.memory_space<hbm>> -> memref<80x64xf32, #tpu.memory_space<hbm>>
      %dma_wait3A_781 = arith.constant 0 : i32
      %dma_wait3A_782 = tpu.memref_slice %arg3[%add3A_569, %dma_wait3A_781] : memref<10240x64xf32, #tpu.memory_space<hbm>> -> memref<80x64xf32, #tpu.memory_space<hbm>>
      tpu.wait_dma2 semaphore(%run_scoped3A_774 : memref<!tpu.dma_semaphore, #tpu.memory_space<semaphore_mem>>) src(%dma_wait3A_782 : memref<80x64xf32, #tpu.memory_space<hbm>>) dst(%arg15 : memref<80x64xf32, #tpu.memory_space<vmem>>)
      tpu.yield
    }) : () -> ()
    %iota3A_570 = tpu.iota {dimensions = array<i32: 0>} : vector<16xi32>
    %add3A_571 = arith.constant 0 : i32
    %add3A_572 = arith.addi %add3A_569, %add3A_571 : i32
    %add3A_573 = vector.broadcast %add3A_572 : i32 to vector<16xi32>
    %add3A_574 = arith.addi %iota3A_570, %add3A_573 : vector<16xi32>
    %swap3A_575 = arith.constant 1 : i32
    %swap3A_576 = arith.index_cast %swap3A_575 : i32 to index
    %swap3A_577 = arith.constant 0 : index
    %swap3A_578 = tpu.vector_load %arg18[%swap3A_576, %swap3A_577] {strides = array<i32>} : memref<4x80xi32, #tpu.memory_space<vmem>>, vector<16xi32>,
    tpu.vector_store %arg18[%swap3A_576, %swap3A_577], %add3A_574 {strides = array<i32>} : memref<4x80xi32, #tpu.memory_space<vmem>>, vector<16xi32>,
    %iota3A_579 = tpu.iota {dimensions = array<i32: 0>} : vector<16xi32>
    %add3A_580 = arith.constant 16 : i32
    %add3A_581 = arith.addi %add3A_569, %add3A_580 : i32
    %add3A_582 = vector.broadcast %add3A_581 : i32 to vector<16xi32>
    %add3A_583 = arith.addi %iota3A_579, %add3A_582 : vector<16xi32>
    %swap3A_584 = arith.constant 1 : i32
    %swap3A_585 = arith.index_cast %swap3A_584 : i32 to index
    %swap3A_586 = arith.constant 16 : index
    %swap3A_587 = tpu.vector_load %arg18[%swap3A_585, %swap3A_586] {strides = array<i32>} : memref<4x80xi32, #tpu.memory_space<vmem>>, vector<16xi32>,
    tpu.vector_store %arg18[%swap3A_585, %swap3A_586], %add3A_583 {strides = array<i32>} : memref<4x80xi32, #tpu.memory_space<vmem>>, vector<16xi32>,
    %iota3A_588 = tpu.iota {dimensions = array<i32: 0>} : vector<16xi32>
    %add3A_589 = arith.constant 32 : i32
    %add3A_590 = arith.addi %add3A_569, %add3A_589 : i32
    %add3A_591 = vector.broadcast %add3A_590 : i32 to vector<16xi32>
    %add3A_592 = arith.addi %iota3A_588, %add3A_591 : vector<16xi32>
    %swap3A_593 = arith.constant 1 : i32
    %swap3A_594 = arith.index_cast %swap3A_593 : i32 to index
    %swap3A_595 = arith.constant 32 : index
    %swap3A_596 = tpu.vector_load %arg18[%swap3A_594, %swap3A_595] {strides = array<i32>} : memref<4x80xi32, #tpu.memory_space<vmem>>, vector<16xi32>,
    tpu.vector_store %arg18[%swap3A_594, %swap3A_595], %add3A_592 {strides = array<i32>} : memref<4x80xi32, #tpu.memory_space<vmem>>, vector<16xi32>,
    %iota3A_597 = tpu.iota {dimensions = array<i32: 0>} : vector<16xi32>
    %add3A_598 = arith.constant 48 : i32
    %add3A_599 = arith.addi %add3A_569, %add3A_598 : i32
    %add3A_600 = vector.broadcast %add3A_599 : i32 to vector<16xi32>
    %add3A_601 = arith.addi %iota3A_597, %add3A_600 : vector<16xi32>
    %swap3A_602 = arith.constant 1 : i32
    %swap3A_603 = arith.index_cast %swap3A_602 : i32 to index
    %swap3A_604 = arith.constant 48 : index
    %swap3A_605 = tpu.vector_load %arg18[%swap3A_603, %swap3A_604] {strides = array<i32>} : memref<4x80xi32, #tpu.memory_space<vmem>>, vector<16xi32>,
    tpu.vector_store %arg18[%swap3A_603, %swap3A_604], %add3A_601 {strides = array<i32>} : memref<4x80xi32, #tpu.memory_space<vmem>>, vector<16xi32>,
    %iota3A_606 = tpu.iota {dimensions = array<i32: 0>} : vector<16xi32>
    %add3A_607 = arith.constant 64 : i32
    %add3A_608 = arith.addi %add3A_569, %add3A_607 : i32
    %add3A_609 = vector.broadcast %add3A_608 : i32 to vector<16xi32>
    %add3A_610 = arith.addi %iota3A_606, %add3A_609 : vector<16xi32>
    %swap3A_611 = arith.constant 1 : i32
    %swap3A_612 = arith.index_cast %swap3A_611 : i32 to index
    %swap3A_613 = arith.constant 64 : index
    %swap3A_614 = tpu.vector_load %arg18[%swap3A_612, %swap3A_613] {strides = array<i32>} : memref<4x80xi32, #tpu.memory_space<vmem>>, vector<16xi32>,
    tpu.vector_store %arg18[%swap3A_612, %swap3A_613], %add3A_610 {strides = array<i32>} : memref<4x80xi32, #tpu.memory_space<vmem>>, vector<16xi32>,
    %scan3A_615 = arith.constant 0 : i32
    %scan3A_616 = arith.constant 0 : i32
    %scan3A_617 = arith.constant 80 : i32
    %scan3A_618 = arith.addi %scan3A_616, %scan3A_617 : i32
    %scan3A_619 = arith.constant 1 : i32
    %scan3A_620 = scf.for %scan3A_774 = %scan3A_616 to %scan3A_618 step %scan3A_619 iter_args(%scan3A_775 = %scan3A_615) -> (i32)  : i32 {
      %add3A_776 = arith.addi %add3A_569, %scan3A_774 : i32
      %broadcast_in_dim3A = vector.broadcast %add3A_776 : i32 to vector<16xi32>
      %gather3A = tpu.vector_load_idx %arg14[%broadcast_in_dim3A] : memref<10240xf32, #tpu.memory_space<vmem>>[vector<16xi32>], vector<16xf32>,
      %mul3A_777 = arith.mulf %gather3A, %gather3A : vector<16xf32>
      %get3A = arith.index_cast %scan3A_774 : i32 to index
      %get3A_778 = arith.constant 0 : index
      %get3A_779 = tpu.vector_load %arg15[%get3A, %get3A_778] {strides = array<i32>} : memref<80x64xf32, #tpu.memory_space<vmem>>, vector<16xf32>,
      %mul3A_780 = arith.mulf %get3A_779, %mul3A_777 : vector<16xf32>
      %swap3A_781 = arith.index_cast %scan3A_774 : i32 to index
      %swap3A_782 = arith.constant 0 : index
      %swap3A_783 = tpu.vector_load %arg15[%swap3A_781, %swap3A_782] {strides = array<i32>} : memref<80x64xf32, #tpu.memory_space<vmem>>, vector<16xf32>,
      tpu.vector_store %arg15[%swap3A_781, %swap3A_782], %mul3A_780 {strides = array<i32>} : memref<80x64xf32, #tpu.memory_space<vmem>>, vector<16xf32>,
      %get3A_784 = arith.index_cast %scan3A_774 : i32 to index
      %get3A_785 = arith.constant 16 : index
      %get3A_786 = tpu.vector_load %arg15[%get3A_784, %get3A_785] {strides = array<i32>} : memref<80x64xf32, #tpu.memory_space<vmem>>, vector<16xf32>,
      %mul3A_787 = arith.mulf %get3A_786, %mul3A_777 : vector<16xf32>
      %swap3A_788 = arith.index_cast %scan3A_774 : i32 to index
      %swap3A_789 = arith.constant 16 : index
      %swap3A_790 = tpu.vector_load %arg15[%swap3A_788, %swap3A_789] {strides = array<i32>} : memref<80x64xf32, #tpu.memory_space<vmem>>, vector<16xf32>,
      tpu.vector_store %arg15[%swap3A_788, %swap3A_789], %mul3A_787 {strides = array<i32>} : memref<80x64xf32, #tpu.memory_space<vmem>>, vector<16xf32>,
      %get3A_791 = arith.index_cast %scan3A_774 : i32 to index
      %get3A_792 = arith.constant 32 : index
      %get3A_793 = tpu.vector_load %arg15[%get3A_791, %get3A_792] {strides = array<i32>} : memref<80x64xf32, #tpu.memory_space<vmem>>, vector<16xf32>,
      %mul3A_794 = arith.mulf %get3A_793, %mul3A_777 : vector<16xf32>
      %swap3A_795 = arith.index_cast %scan3A_774 : i32 to index
      %swap3A_796 = arith.constant 32 : index
      %swap3A_797 = tpu.vector_load %arg15[%swap3A_795, %swap3A_796] {strides = array<i32>} : memref<80x64xf32, #tpu.memory_space<vmem>>, vector<16xf32>,
      tpu.vector_store %arg15[%swap3A_795, %swap3A_796], %mul3A_794 {strides = array<i32>} : memref<80x64xf32, #tpu.memory_space<vmem>>, vector<16xf32>,
      %get3A_798 = arith.index_cast %scan3A_774 : i32 to index
      %get3A_799 = arith.constant 48 : index
      %get3A_800 = tpu.vector_load %arg15[%get3A_798, %get3A_799] {strides = array<i32>} : memref<80x64xf32, #tpu.memory_space<vmem>>, vector<16xf32>,
      %mul3A_801 = arith.mulf %get3A_800, %mul3A_777 : vector<16xf32>
      %swap3A_802 = arith.index_cast %scan3A_774 : i32 to index
      %swap3A_803 = arith.constant 48 : index
      %swap3A_804 = tpu.vector_load %arg15[%swap3A_802, %swap3A_803] {strides = array<i32>} : memref<80x64xf32, #tpu.memory_space<vmem>>, vector<16xf32>,
      tpu.vector_store %arg15[%swap3A_802, %swap3A_803], %mul3A_801 {strides = array<i32>} : memref<80x64xf32, #tpu.memory_space<vmem>>, vector<16xf32>,
      %scan3A_805 = arith.constant 0 : i32
      scf.yield %scan3A_805 : i32
    }
    %scan3A_621 = arith.constant 80 : i32
    %dma_start3A_622 = arith.constant 1 : i32
    %dma_start3A_623 = arith.constant 0 : i32
    %dma_start3A_624 = tpu.memref_slice %arg18[%dma_start3A_622, %dma_start3A_623] : memref<4x80xi32, #tpu.memory_space<vmem>> -> memref<1x80xi32, #tpu.memory_space<vmem>>
    %dma_start3A_625 = tpu.memref_squeeze %dma_start3A_624 : memref<1x80xi32, #tpu.memory_space<vmem>> -> memref<80xi32, #tpu.memory_space<vmem>>
    %dma_start3A_626 = arith.constant 0 : i32
    %dma_start3A_627 = arith.constant 0 : i32
    %dma_start3A_628 = tpu.memref_slice %arg19[%dma_start3A_626, %dma_start3A_627] : memref<10240x64xf32, #tpu.memory_space<vmem_shared>> -> memref<10240x64xf32, #tpu.memory_space<vmem_shared>>
    tpu.enqueue_indirect_dma source(%arg15 : memref<80x64xf32, #tpu.memory_space<vmem>>) target(%dma_start3A_628 : memref<10240x64xf32, #tpu.memory_space<vmem_shared>>) offsets(%dma_start3A_625 : memref<80xi32, #tpu.memory_space<vmem>>) semaphore(%arg23 : memref<!tpu.dma_semaphore, #tpu.memory_space<semaphore_mem>>) {add = true}
    %dma_wait3A_629 = arith.constant 1 : i32
    %dma_wait3A_630 = arith.constant 0 : i32
    %dma_wait3A_631 = tpu.memref_slice %arg18[%dma_wait3A_629, %dma_wait3A_630] : memref<4x80xi32, #tpu.memory_space<vmem>> -> memref<1x80xi32, #tpu.memory_space<vmem>>
    %dma_wait3A_632 = tpu.memref_squeeze %dma_wait3A_631 : memref<1x80xi32, #tpu.memory_space<vmem>> -> memref<80xi32, #tpu.memory_space<vmem>>
    %dma_wait3A_633 = arith.constant 0 : i32
    %dma_wait3A_634 = arith.constant 0 : i32
    %dma_wait3A_635 = tpu.memref_slice %arg19[%dma_wait3A_633, %dma_wait3A_634] : memref<10240x64xf32, #tpu.memory_space<vmem_shared>> -> memref<10240x64xf32, #tpu.memory_space<vmem_shared>>
    tpu.wait_indirect_dma semaphore(%arg23 : memref<!tpu.dma_semaphore, #tpu.memory_space<semaphore_mem>>) src(%arg15 : memref<80x64xf32, #tpu.memory_space<vmem>>) dst(%dma_wait3A_635 : memref<10240x64xf32, #tpu.memory_space<vmem_shared>>)
    %add3A_636 = arith.constant 160 : i32
    %add3A_637 = arith.addi %add3A_194, %add3A_636 : i32
    "tpu.region"() ({
      %run_scoped3A_774 = tpu.sem_alloc : memref<!tpu.dma_semaphore, #tpu.memory_space<semaphore_mem>>
      %dma_start3A_775 = arith.constant 0 : i32
      %dma_start3A_776 = tpu.memref_slice %arg3[%add3A_637, %dma_start3A_775] : memref<10240x64xf32, #tpu.memory_space<hbm>> -> memref<80x64xf32, #tpu.memory_space<hbm>>
      %dma_start3A_777 = arith.constant 0 : i32
      %dma_start3A_778 = tpu.memref_slice %arg3[%add3A_637, %dma_start3A_777] : memref<10240x64xf32, #tpu.memory_space<hbm>> -> memref<80x64xf32, #tpu.memory_space<hbm>>
      tpu.enqueue_dma source(%dma_start3A_778 : memref<80x64xf32, #tpu.memory_space<hbm>>) target(%arg15 : memref<80x64xf32, #tpu.memory_space<vmem>>) target_semaphore(%run_scoped3A_774 : memref<!tpu.dma_semaphore, #tpu.memory_space<semaphore_mem>>)
      %dma_wait3A_779 = arith.constant 0 : i32
      %dma_wait3A_780 = tpu.memref_slice %arg3[%add3A_637, %dma_wait3A_779] : memref<10240x64xf32, #tpu.memory_space<hbm>> -> memref<80x64xf32, #tpu.memory_space<hbm>>
      %dma_wait3A_781 = arith.constant 0 : i32
      %dma_wait3A_782 = tpu.memref_slice %arg3[%add3A_637, %dma_wait3A_781] : memref<10240x64xf32, #tpu.memory_space<hbm>> -> memref<80x64xf32, #tpu.memory_space<hbm>>
      tpu.wait_dma2 semaphore(%run_scoped3A_774 : memref<!tpu.dma_semaphore, #tpu.memory_space<semaphore_mem>>) src(%dma_wait3A_782 : memref<80x64xf32, #tpu.memory_space<hbm>>) dst(%arg15 : memref<80x64xf32, #tpu.memory_space<vmem>>)
      tpu.yield
    }) : () -> ()
    %iota3A_638 = tpu.iota {dimensions = array<i32: 0>} : vector<16xi32>
    %add3A_639 = arith.constant 0 : i32
    %add3A_640 = arith.addi %add3A_637, %add3A_639 : i32
    %add3A_641 = vector.broadcast %add3A_640 : i32 to vector<16xi32>
    %add3A_642 = arith.addi %iota3A_638, %add3A_641 : vector<16xi32>
    %swap3A_643 = arith.constant 2 : i32
    %swap3A_644 = arith.index_cast %swap3A_643 : i32 to index
    %swap3A_645 = arith.constant 0 : index
    %swap3A_646 = tpu.vector_load %arg18[%swap3A_644, %swap3A_645] {strides = array<i32>} : memref<4x80xi32, #tpu.memory_space<vmem>>, vector<16xi32>,
    tpu.vector_store %arg18[%swap3A_644, %swap3A_645], %add3A_642 {strides = array<i32>} : memref<4x80xi32, #tpu.memory_space<vmem>>, vector<16xi32>,
    %iota3A_647 = tpu.iota {dimensions = array<i32: 0>} : vector<16xi32>
    %add3A_648 = arith.constant 16 : i32
    %add3A_649 = arith.addi %add3A_637, %add3A_648 : i32
    %add3A_650 = vector.broadcast %add3A_649 : i32 to vector<16xi32>
    %add3A_651 = arith.addi %iota3A_647, %add3A_650 : vector<16xi32>
    %swap3A_652 = arith.constant 2 : i32
    %swap3A_653 = arith.index_cast %swap3A_652 : i32 to index
    %swap3A_654 = arith.constant 16 : index
    %swap3A_655 = tpu.vector_load %arg18[%swap3A_653, %swap3A_654] {strides = array<i32>} : memref<4x80xi32, #tpu.memory_space<vmem>>, vector<16xi32>,
    tpu.vector_store %arg18[%swap3A_653, %swap3A_654], %add3A_651 {strides = array<i32>} : memref<4x80xi32, #tpu.memory_space<vmem>>, vector<16xi32>,
    %iota3A_656 = tpu.iota {dimensions = array<i32: 0>} : vector<16xi32>
    %add3A_657 = arith.constant 32 : i32
    %add3A_658 = arith.addi %add3A_637, %add3A_657 : i32
    %add3A_659 = vector.broadcast %add3A_658 : i32 to vector<16xi32>
    %add3A_660 = arith.addi %iota3A_656, %add3A_659 : vector<16xi32>
    %swap3A_661 = arith.constant 2 : i32
    %swap3A_662 = arith.index_cast %swap3A_661 : i32 to index
    %swap3A_663 = arith.constant 32 : index
    %swap3A_664 = tpu.vector_load %arg18[%swap3A_662, %swap3A_663] {strides = array<i32>} : memref<4x80xi32, #tpu.memory_space<vmem>>, vector<16xi32>,
    tpu.vector_store %arg18[%swap3A_662, %swap3A_663], %add3A_660 {strides = array<i32>} : memref<4x80xi32, #tpu.memory_space<vmem>>, vector<16xi32>,
    %iota3A_665 = tpu.iota {dimensions = array<i32: 0>} : vector<16xi32>
    %add3A_666 = arith.constant 48 : i32
    %add3A_667 = arith.addi %add3A_637, %add3A_666 : i32
    %add3A_668 = vector.broadcast %add3A_667 : i32 to vector<16xi32>
    %add3A_669 = arith.addi %iota3A_665, %add3A_668 : vector<16xi32>
    %swap3A_670 = arith.constant 2 : i32
    %swap3A_671 = arith.index_cast %swap3A_670 : i32 to index
    %swap3A_672 = arith.constant 48 : index
    %swap3A_673 = tpu.vector_load %arg18[%swap3A_671, %swap3A_672] {strides = array<i32>} : memref<4x80xi32, #tpu.memory_space<vmem>>, vector<16xi32>,
    tpu.vector_store %arg18[%swap3A_671, %swap3A_672], %add3A_669 {strides = array<i32>} : memref<4x80xi32, #tpu.memory_space<vmem>>, vector<16xi32>,
    %iota3A_674 = tpu.iota {dimensions = array<i32: 0>} : vector<16xi32>
    %add3A_675 = arith.constant 64 : i32
    %add3A_676 = arith.addi %add3A_637, %add3A_675 : i32
    %add3A_677 = vector.broadcast %add3A_676 : i32 to vector<16xi32>
    %add3A_678 = arith.addi %iota3A_674, %add3A_677 : vector<16xi32>
    %swap3A_679 = arith.constant 2 : i32
    %swap3A_680 = arith.index_cast %swap3A_679 : i32 to index
    %swap3A_681 = arith.constant 64 : index
    %swap3A_682 = tpu.vector_load %arg18[%swap3A_680, %swap3A_681] {strides = array<i32>} : memref<4x80xi32, #tpu.memory_space<vmem>>, vector<16xi32>,
    tpu.vector_store %arg18[%swap3A_680, %swap3A_681], %add3A_678 {strides = array<i32>} : memref<4x80xi32, #tpu.memory_space<vmem>>, vector<16xi32>,
    %scan3A_683 = arith.constant 0 : i32
    %scan3A_684 = arith.constant 0 : i32
    %scan3A_685 = arith.constant 80 : i32
    %scan3A_686 = arith.addi %scan3A_684, %scan3A_685 : i32
    %scan3A_687 = arith.constant 1 : i32
    %scan3A_688 = scf.for %scan3A_774 = %scan3A_684 to %scan3A_686 step %scan3A_687 iter_args(%scan3A_775 = %scan3A_683) -> (i32)  : i32 {
      %add3A_776 = arith.addi %add3A_637, %scan3A_774 : i32
      %broadcast_in_dim3A = vector.broadcast %add3A_776 : i32 to vector<16xi32>
      %gather3A = tpu.vector_load_idx %arg14[%broadcast_in_dim3A] : memref<10240xf32, #tpu.memory_space<vmem>>[vector<16xi32>], vector<16xf32>,
      %mul3A_777 = arith.mulf %gather3A, %gather3A : vector<16xf32>
      %get3A = arith.index_cast %scan3A_774 : i32 to index
      %get3A_778 = arith.constant 0 : index
      %get3A_779 = tpu.vector_load %arg15[%get3A, %get3A_778] {strides = array<i32>} : memref<80x64xf32, #tpu.memory_space<vmem>>, vector<16xf32>,
      %mul3A_780 = arith.mulf %get3A_779, %mul3A_777 : vector<16xf32>
      %swap3A_781 = arith.index_cast %scan3A_774 : i32 to index
      %swap3A_782 = arith.constant 0 : index
      %swap3A_783 = tpu.vector_load %arg15[%swap3A_781, %swap3A_782] {strides = array<i32>} : memref<80x64xf32, #tpu.memory_space<vmem>>, vector<16xf32>,
      tpu.vector_store %arg15[%swap3A_781, %swap3A_782], %mul3A_780 {strides = array<i32>} : memref<80x64xf32, #tpu.memory_space<vmem>>, vector<16xf32>,
      %get3A_784 = arith.index_cast %scan3A_774 : i32 to index
      %get3A_785 = arith.constant 16 : index
      %get3A_786 = tpu.vector_load %arg15[%get3A_784, %get3A_785] {strides = array<i32>} : memref<80x64xf32, #tpu.memory_space<vmem>>, vector<16xf32>,
      %mul3A_787 = arith.mulf %get3A_786, %mul3A_777 : vector<16xf32>
      %swap3A_788 = arith.index_cast %scan3A_774 : i32 to index
      %swap3A_789 = arith.constant 16 : index
      %swap3A_790 = tpu.vector_load %arg15[%swap3A_788, %swap3A_789] {strides = array<i32>} : memref<80x64xf32, #tpu.memory_space<vmem>>, vector<16xf32>,
      tpu.vector_store %arg15[%swap3A_788, %swap3A_789], %mul3A_787 {strides = array<i32>} : memref<80x64xf32, #tpu.memory_space<vmem>>, vector<16xf32>,
      %get3A_791 = arith.index_cast %scan3A_774 : i32 to index
      %get3A_792 = arith.constant 32 : index
      %get3A_793 = tpu.vector_load %arg15[%get3A_791, %get3A_792] {strides = array<i32>} : memref<80x64xf32, #tpu.memory_space<vmem>>, vector<16xf32>,
      %mul3A_794 = arith.mulf %get3A_793, %mul3A_777 : vector<16xf32>
      %swap3A_795 = arith.index_cast %scan3A_774 : i32 to index
      %swap3A_796 = arith.constant 32 : index
      %swap3A_797 = tpu.vector_load %arg15[%swap3A_795, %swap3A_796] {strides = array<i32>} : memref<80x64xf32, #tpu.memory_space<vmem>>, vector<16xf32>,
      tpu.vector_store %arg15[%swap3A_795, %swap3A_796], %mul3A_794 {strides = array<i32>} : memref<80x64xf32, #tpu.memory_space<vmem>>, vector<16xf32>,
      %get3A_798 = arith.index_cast %scan3A_774 : i32 to index
      %get3A_799 = arith.constant 48 : index
      %get3A_800 = tpu.vector_load %arg15[%get3A_798, %get3A_799] {strides = array<i32>} : memref<80x64xf32, #tpu.memory_space<vmem>>, vector<16xf32>,
      %mul3A_801 = arith.mulf %get3A_800, %mul3A_777 : vector<16xf32>
      %swap3A_802 = arith.index_cast %scan3A_774 : i32 to index
      %swap3A_803 = arith.constant 48 : index
      %swap3A_804 = tpu.vector_load %arg15[%swap3A_802, %swap3A_803] {strides = array<i32>} : memref<80x64xf32, #tpu.memory_space<vmem>>, vector<16xf32>,
      tpu.vector_store %arg15[%swap3A_802, %swap3A_803], %mul3A_801 {strides = array<i32>} : memref<80x64xf32, #tpu.memory_space<vmem>>, vector<16xf32>,
      %scan3A_805 = arith.constant 0 : i32
      scf.yield %scan3A_805 : i32
    }
    %scan3A_689 = arith.constant 80 : i32
    %dma_start3A_690 = arith.constant 2 : i32
    %dma_start3A_691 = arith.constant 0 : i32
    %dma_start3A_692 = tpu.memref_slice %arg18[%dma_start3A_690, %dma_start3A_691] : memref<4x80xi32, #tpu.memory_space<vmem>> -> memref<1x80xi32, #tpu.memory_space<vmem>>
    %dma_start3A_693 = tpu.memref_squeeze %dma_start3A_692 : memref<1x80xi32, #tpu.memory_space<vmem>> -> memref<80xi32, #tpu.memory_space<vmem>>
    %dma_start3A_694 = arith.constant 0 : i32
    %dma_start3A_695 = arith.constant 0 : i32
    %dma_start3A_696 = tpu.memref_slice %arg19[%dma_start3A_694, %dma_start3A_695] : memref<10240x64xf32, #tpu.memory_space<vmem_shared>> -> memref<10240x64xf32, #tpu.memory_space<vmem_shared>>
    tpu.enqueue_indirect_dma source(%arg15 : memref<80x64xf32, #tpu.memory_space<vmem>>) target(%dma_start3A_696 : memref<10240x64xf32, #tpu.memory_space<vmem_shared>>) offsets(%dma_start3A_693 : memref<80xi32, #tpu.memory_space<vmem>>) semaphore(%arg23 : memref<!tpu.dma_semaphore, #tpu.memory_space<semaphore_mem>>) {add = true}
    %dma_wait3A_697 = arith.constant 2 : i32
    %dma_wait3A_698 = arith.constant 0 : i32
    %dma_wait3A_699 = tpu.memref_slice %arg18[%dma_wait3A_697, %dma_wait3A_698] : memref<4x80xi32, #tpu.memory_space<vmem>> -> memref<1x80xi32, #tpu.memory_space<vmem>>
    %dma_wait3A_700 = tpu.memref_squeeze %dma_wait3A_699 : memref<1x80xi32, #tpu.memory_space<vmem>> -> memref<80xi32, #tpu.memory_space<vmem>>
    %dma_wait3A_701 = arith.constant 0 : i32
    %dma_wait3A_702 = arith.constant 0 : i32
    %dma_wait3A_703 = tpu.memref_slice %arg19[%dma_wait3A_701, %dma_wait3A_702] : memref<10240x64xf32, #tpu.memory_space<vmem_shared>> -> memref<10240x64xf32, #tpu.memory_space<vmem_shared>>
    tpu.wait_indirect_dma semaphore(%arg23 : memref<!tpu.dma_semaphore, #tpu.memory_space<semaphore_mem>>) src(%arg15 : memref<80x64xf32, #tpu.memory_space<vmem>>) dst(%dma_wait3A_703 : memref<10240x64xf32, #tpu.memory_space<vmem_shared>>)
    %add3A_704 = arith.constant 240 : i32
    %add3A_705 = arith.addi %add3A_194, %add3A_704 : i32
    "tpu.region"() ({
      %run_scoped3A_774 = tpu.sem_alloc : memref<!tpu.dma_semaphore, #tpu.memory_space<semaphore_mem>>
      %dma_start3A_775 = arith.constant 0 : i32
      %dma_start3A_776 = tpu.memref_slice %arg3[%add3A_705, %dma_start3A_775] : memref<10240x64xf32, #tpu.memory_space<hbm>> -> memref<80x64xf32, #tpu.memory_space<hbm>>
      %dma_start3A_777 = arith.constant 0 : i32
      %dma_start3A_778 = tpu.memref_slice %arg3[%add3A_705, %dma_start3A_777] : memref<10240x64xf32, #tpu.memory_space<hbm>> -> memref<80x64xf32, #tpu.memory_space<hbm>>
      tpu.enqueue_dma source(%dma_start3A_778 : memref<80x64xf32, #tpu.memory_space<hbm>>) target(%arg15 : memref<80x64xf32, #tpu.memory_space<vmem>>) target_semaphore(%run_scoped3A_774 : memref<!tpu.dma_semaphore, #tpu.memory_space<semaphore_mem>>)
      %dma_wait3A_779 = arith.constant 0 : i32
      %dma_wait3A_780 = tpu.memref_slice %arg3[%add3A_705, %dma_wait3A_779] : memref<10240x64xf32, #tpu.memory_space<hbm>> -> memref<80x64xf32, #tpu.memory_space<hbm>>
      %dma_wait3A_781 = arith.constant 0 : i32
      %dma_wait3A_782 = tpu.memref_slice %arg3[%add3A_705, %dma_wait3A_781] : memref<10240x64xf32, #tpu.memory_space<hbm>> -> memref<80x64xf32, #tpu.memory_space<hbm>>
      tpu.wait_dma2 semaphore(%run_scoped3A_774 : memref<!tpu.dma_semaphore, #tpu.memory_space<semaphore_mem>>) src(%dma_wait3A_782 : memref<80x64xf32, #tpu.memory_space<hbm>>) dst(%arg15 : memref<80x64xf32, #tpu.memory_space<vmem>>)
      tpu.yield
    }) : () -> ()
    %iota3A_706 = tpu.iota {dimensions = array<i32: 0>} : vector<16xi32>
    %add3A_707 = arith.constant 0 : i32
    %add3A_708 = arith.addi %add3A_705, %add3A_707 : i32
    %add3A_709 = vector.broadcast %add3A_708 : i32 to vector<16xi32>
    %add3A_710 = arith.addi %iota3A_706, %add3A_709 : vector<16xi32>
    %swap3A_711 = arith.constant 3 : i32
    %swap3A_712 = arith.index_cast %swap3A_711 : i32 to index
    %swap3A_713 = arith.constant 0 : index
    %swap3A_714 = tpu.vector_load %arg18[%swap3A_712, %swap3A_713] {strides = array<i32>} : memref<4x80xi32, #tpu.memory_space<vmem>>, vector<16xi32>,
    tpu.vector_store %arg18[%swap3A_712, %swap3A_713], %add3A_710 {strides = array<i32>} : memref<4x80xi32, #tpu.memory_space<vmem>>, vector<16xi32>,
    %iota3A_715 = tpu.iota {dimensions = array<i32: 0>} : vector<16xi32>
    %add3A_716 = arith.constant 16 : i32
    %add3A_717 = arith.addi %add3A_705, %add3A_716 : i32
    %add3A_718 = vector.broadcast %add3A_717 : i32 to vector<16xi32>
    %add3A_719 = arith.addi %iota3A_715, %add3A_718 : vector<16xi32>
    %swap3A_720 = arith.constant 3 : i32
    %swap3A_721 = arith.index_cast %swap3A_720 : i32 to index
    %swap3A_722 = arith.constant 16 : index
    %swap3A_723 = tpu.vector_load %arg18[%swap3A_721, %swap3A_722] {strides = array<i32>} : memref<4x80xi32, #tpu.memory_space<vmem>>, vector<16xi32>,
    tpu.vector_store %arg18[%swap3A_721, %swap3A_722], %add3A_719 {strides = array<i32>} : memref<4x80xi32, #tpu.memory_space<vmem>>, vector<16xi32>,
    %iota3A_724 = tpu.iota {dimensions = array<i32: 0>} : vector<16xi32>
    %add3A_725 = arith.constant 32 : i32
    %add3A_726 = arith.addi %add3A_705, %add3A_725 : i32
    %add3A_727 = vector.broadcast %add3A_726 : i32 to vector<16xi32>
    %add3A_728 = arith.addi %iota3A_724, %add3A_727 : vector<16xi32>
    %swap3A_729 = arith.constant 3 : i32
    %swap3A_730 = arith.index_cast %swap3A_729 : i32 to index
    %swap3A_731 = arith.constant 32 : index
    %swap3A_732 = tpu.vector_load %arg18[%swap3A_730, %swap3A_731] {strides = array<i32>} : memref<4x80xi32, #tpu.memory_space<vmem>>, vector<16xi32>,
    tpu.vector_store %arg18[%swap3A_730, %swap3A_731], %add3A_728 {strides = array<i32>} : memref<4x80xi32, #tpu.memory_space<vmem>>, vector<16xi32>,
    %iota3A_733 = tpu.iota {dimensions = array<i32: 0>} : vector<16xi32>
    %add3A_734 = arith.constant 48 : i32
    %add3A_735 = arith.addi %add3A_705, %add3A_734 : i32
    %add3A_736 = vector.broadcast %add3A_735 : i32 to vector<16xi32>
    %add3A_737 = arith.addi %iota3A_733, %add3A_736 : vector<16xi32>
    %swap3A_738 = arith.constant 3 : i32
    %swap3A_739 = arith.index_cast %swap3A_738 : i32 to index
    %swap3A_740 = arith.constant 48 : index
    %swap3A_741 = tpu.vector_load %arg18[%swap3A_739, %swap3A_740] {strides = array<i32>} : memref<4x80xi32, #tpu.memory_space<vmem>>, vector<16xi32>,
    tpu.vector_store %arg18[%swap3A_739, %swap3A_740], %add3A_737 {strides = array<i32>} : memref<4x80xi32, #tpu.memory_space<vmem>>, vector<16xi32>,
    %iota3A_742 = tpu.iota {dimensions = array<i32: 0>} : vector<16xi32>
    %add3A_743 = arith.constant 64 : i32
    %add3A_744 = arith.addi %add3A_705, %add3A_743 : i32
    %add3A_745 = vector.broadcast %add3A_744 : i32 to vector<16xi32>
    %add3A_746 = arith.addi %iota3A_742, %add3A_745 : vector<16xi32>
    %swap3A_747 = arith.constant 3 : i32
    %swap3A_748 = arith.index_cast %swap3A_747 : i32 to index
    %swap3A_749 = arith.constant 64 : index
    %swap3A_750 = tpu.vector_load %arg18[%swap3A_748, %swap3A_749] {strides = array<i32>} : memref<4x80xi32, #tpu.memory_space<vmem>>, vector<16xi32>,
    tpu.vector_store %arg18[%swap3A_748, %swap3A_749], %add3A_746 {strides = array<i32>} : memref<4x80xi32, #tpu.memory_space<vmem>>, vector<16xi32>,
    %scan3A_751 = arith.constant 0 : i32
    %scan3A_752 = arith.constant 0 : i32
    %scan3A_753 = arith.constant 80 : i32
    %scan3A_754 = arith.addi %scan3A_752, %scan3A_753 : i32
    %scan3A_755 = arith.constant 1 : i32
    %scan3A_756 = scf.for %scan3A_774 = %scan3A_752 to %scan3A_754 step %scan3A_755 iter_args(%scan3A_775 = %scan3A_751) -> (i32)  : i32 {
      %add3A_776 = arith.addi %add3A_705, %scan3A_774 : i32
      %broadcast_in_dim3A = vector.broadcast %add3A_776 : i32 to vector<16xi32>
      %gather3A = tpu.vector_load_idx %arg14[%broadcast_in_dim3A] : memref<10240xf32, #tpu.memory_space<vmem>>[vector<16xi32>], vector<16xf32>,
      %mul3A_777 = arith.mulf %gather3A, %gather3A : vector<16xf32>
      %get3A = arith.index_cast %scan3A_774 : i32 to index
      %get3A_778 = arith.constant 0 : index
      %get3A_779 = tpu.vector_load %arg15[%get3A, %get3A_778] {strides = array<i32>} : memref<80x64xf32, #tpu.memory_space<vmem>>, vector<16xf32>,
      %mul3A_780 = arith.mulf %get3A_779, %mul3A_777 : vector<16xf32>
      %swap3A_781 = arith.index_cast %scan3A_774 : i32 to index
      %swap3A_782 = arith.constant 0 : index
      %swap3A_783 = tpu.vector_load %arg15[%swap3A_781, %swap3A_782] {strides = array<i32>} : memref<80x64xf32, #tpu.memory_space<vmem>>, vector<16xf32>,
      tpu.vector_store %arg15[%swap3A_781, %swap3A_782], %mul3A_780 {strides = array<i32>} : memref<80x64xf32, #tpu.memory_space<vmem>>, vector<16xf32>,
      %get3A_784 = arith.index_cast %scan3A_774 : i32 to index
      %get3A_785 = arith.constant 16 : index
      %get3A_786 = tpu.vector_load %arg15[%get3A_784, %get3A_785] {strides = array<i32>} : memref<80x64xf32, #tpu.memory_space<vmem>>, vector<16xf32>,
      %mul3A_787 = arith.mulf %get3A_786, %mul3A_777 : vector<16xf32>
      %swap3A_788 = arith.index_cast %scan3A_774 : i32 to index
      %swap3A_789 = arith.constant 16 : index
      %swap3A_790 = tpu.vector_load %arg15[%swap3A_788, %swap3A_789] {strides = array<i32>} : memref<80x64xf32, #tpu.memory_space<vmem>>, vector<16xf32>,
      tpu.vector_store %arg15[%swap3A_788, %swap3A_789], %mul3A_787 {strides = array<i32>} : memref<80x64xf32, #tpu.memory_space<vmem>>, vector<16xf32>,
      %get3A_791 = arith.index_cast %scan3A_774 : i32 to index
      %get3A_792 = arith.constant 32 : index
      %get3A_793 = tpu.vector_load %arg15[%get3A_791, %get3A_792] {strides = array<i32>} : memref<80x64xf32, #tpu.memory_space<vmem>>, vector<16xf32>,
      %mul3A_794 = arith.mulf %get3A_793, %mul3A_777 : vector<16xf32>
      %swap3A_795 = arith.index_cast %scan3A_774 : i32 to index
      %swap3A_796 = arith.constant 32 : index
      %swap3A_797 = tpu.vector_load %arg15[%swap3A_795, %swap3A_796] {strides = array<i32>} : memref<80x64xf32, #tpu.memory_space<vmem>>, vector<16xf32>,
      tpu.vector_store %arg15[%swap3A_795, %swap3A_796], %mul3A_794 {strides = array<i32>} : memref<80x64xf32, #tpu.memory_space<vmem>>, vector<16xf32>,
      %get3A_798 = arith.index_cast %scan3A_774 : i32 to index
      %get3A_799 = arith.constant 48 : index
      %get3A_800 = tpu.vector_load %arg15[%get3A_798, %get3A_799] {strides = array<i32>} : memref<80x64xf32, #tpu.memory_space<vmem>>, vector<16xf32>,
      %mul3A_801 = arith.mulf %get3A_800, %mul3A_777 : vector<16xf32>
      %swap3A_802 = arith.index_cast %scan3A_774 : i32 to index
      %swap3A_803 = arith.constant 48 : index
      %swap3A_804 = tpu.vector_load %arg15[%swap3A_802, %swap3A_803] {strides = array<i32>} : memref<80x64xf32, #tpu.memory_space<vmem>>, vector<16xf32>,
      tpu.vector_store %arg15[%swap3A_802, %swap3A_803], %mul3A_801 {strides = array<i32>} : memref<80x64xf32, #tpu.memory_space<vmem>>, vector<16xf32>,
      %scan3A_805 = arith.constant 0 : i32
      scf.yield %scan3A_805 : i32
    }
    %scan3A_757 = arith.constant 80 : i32
    %dma_start3A_758 = arith.constant 3 : i32
    %dma_start3A_759 = arith.constant 0 : i32
    %dma_start3A_760 = tpu.memref_slice %arg18[%dma_start3A_758, %dma_start3A_759] : memref<4x80xi32, #tpu.memory_space<vmem>> -> memref<1x80xi32, #tpu.memory_space<vmem>>
    %dma_start3A_761 = tpu.memref_squeeze %dma_start3A_760 : memref<1x80xi32, #tpu.memory_space<vmem>> -> memref<80xi32, #tpu.memory_space<vmem>>
    %dma_start3A_762 = arith.constant 0 : i32
    %dma_start3A_763 = arith.constant 0 : i32
    %dma_start3A_764 = tpu.memref_slice %arg19[%dma_start3A_762, %dma_start3A_763] : memref<10240x64xf32, #tpu.memory_space<vmem_shared>> -> memref<10240x64xf32, #tpu.memory_space<vmem_shared>>
    tpu.enqueue_indirect_dma source(%arg15 : memref<80x64xf32, #tpu.memory_space<vmem>>) target(%dma_start3A_764 : memref<10240x64xf32, #tpu.memory_space<vmem_shared>>) offsets(%dma_start3A_761 : memref<80xi32, #tpu.memory_space<vmem>>) semaphore(%arg23 : memref<!tpu.dma_semaphore, #tpu.memory_space<semaphore_mem>>) {add = true}
    %dma_wait3A_765 = arith.constant 3 : i32
    %dma_wait3A_766 = arith.constant 0 : i32
    %dma_wait3A_767 = tpu.memref_slice %arg18[%dma_wait3A_765, %dma_wait3A_766] : memref<4x80xi32, #tpu.memory_space<vmem>> -> memref<1x80xi32, #tpu.memory_space<vmem>>
    %dma_wait3A_768 = tpu.memref_squeeze %dma_wait3A_767 : memref<1x80xi32, #tpu.memory_space<vmem>> -> memref<80xi32, #tpu.memory_space<vmem>>
    %dma_wait3A_769 = arith.constant 0 : i32
    %dma_wait3A_770 = arith.constant 0 : i32
    %dma_wait3A_771 = tpu.memref_slice %arg19[%dma_wait3A_769, %dma_wait3A_770] : memref<10240x64xf32, #tpu.memory_space<vmem_shared>> -> memref<10240x64xf32, #tpu.memory_space<vmem_shared>>
    tpu.wait_indirect_dma semaphore(%arg23 : memref<!tpu.dma_semaphore, #tpu.memory_space<semaphore_mem>>) src(%arg15 : memref<80x64xf32, #tpu.memory_space<vmem>>) dst(%dma_wait3A_771 : memref<10240x64xf32, #tpu.memory_space<vmem_shared>>)
    %barrier3A_772 = arith.constant 0 : index
    tpu.barrier barrier_id(%barrier3A_772)
    %run_scoped3A_773 = arith.constant 1 : i32
    "tpu.region"() ({
      %run_scoped3A_774 = tpu.sem_alloc : memref<!tpu.dma_semaphore, #tpu.memory_space<semaphore_mem>>
      %dma_start3A_775 = arith.constant 0 : i32
      %dma_start3A_776 = tpu.memref_slice %arg7[%arg0, %run_scoped3A_773, %mul3A_2, %dma_start3A_775] : memref<2x2x10240x64xf32, #tpu.memory_space<hbm>> -> memref<1x1x640x64xf32, #tpu.memory_space<hbm>>
      %dma_start3A_777 = tpu.memref_squeeze %dma_start3A_776 : memref<1x1x640x64xf32, #tpu.memory_space<hbm>> -> memref<640x64xf32, #tpu.memory_space<hbm>>
      %dma_start3A_778 = arith.constant 0 : i32
      %dma_start3A_779 = tpu.memref_slice %arg19[%mul3A_2, %dma_start3A_778] : memref<10240x64xf32, #tpu.memory_space<vmem_shared>> -> memref<640x64xf32, #tpu.memory_space<vmem_shared>>
      tpu.enqueue_dma source(%dma_start3A_779 : memref<640x64xf32, #tpu.memory_space<vmem_shared>>) target(%dma_start3A_777 : memref<640x64xf32, #tpu.memory_space<hbm>>) target_semaphore(%run_scoped3A_774 : memref<!tpu.dma_semaphore, #tpu.memory_space<semaphore_mem>>)
      %dma_wait3A_780 = arith.constant 0 : i32
      %dma_wait3A_781 = tpu.memref_slice %arg7[%arg0, %run_scoped3A_773, %mul3A_2, %dma_wait3A_780] : memref<2x2x10240x64xf32, #tpu.memory_space<hbm>> -> memref<1x1x640x64xf32, #tpu.memory_space<hbm>>
      %dma_wait3A_782 = tpu.memref_squeeze %dma_wait3A_781 : memref<1x1x640x64xf32, #tpu.memory_space<hbm>> -> memref<640x64xf32, #tpu.memory_space<hbm>>
      %dma_wait3A_783 = arith.constant 0 : i32
      %dma_wait3A_784 = tpu.memref_slice %arg19[%mul3A_2, %dma_wait3A_783] : memref<10240x64xf32, #tpu.memory_space<vmem_shared>> -> memref<640x64xf32, #tpu.memory_space<vmem_shared>>
      tpu.wait_dma2 semaphore(%run_scoped3A_774 : memref<!tpu.dma_semaphore, #tpu.memory_space<semaphore_mem>>) src(%dma_wait3A_784 : memref<640x64xf32, #tpu.memory_space<vmem_shared>>) dst(%dma_wait3A_782 : memref<640x64xf32, #tpu.memory_space<hbm>>)
      tpu.yield
    }) : () -> ()
    return
  }
}

#map = affine_map<(d0, d1) -> (0, 0)>
#map1 = affine_map<(d0, d1) -> (0, 0, 0)>
#map2 = affine_map<(d0, d1) -> (0)>
module attributes {stable_mosaic.version = 14 : i64} {
  func.func @_sc2_body(%arg0: i32, %arg1: i32, %arg2: memref<10240x16xf32, #tpu.memory_space<hbm>>, %arg3: memref<32x125x80xi32, #tpu.memory_space<hbm>>, %arg4: memref<32x125x80xi32, #tpu.memory_space<hbm>>, %arg5: memref<32x125x80xf32, #tpu.memory_space<hbm>>, %arg6: memref<10240xf32, #tpu.memory_space<hbm>>, %arg7: memref<2x10240x16xf32, #tpu.memory_space<hbm>>, %arg8: memref<125x80xi32, #tpu.memory_space<vmem>>, %arg9: memref<125x80xi32, #tpu.memory_space<vmem>>, %arg10: memref<125x80xf32, #tpu.memory_space<vmem>>, %arg11: memref<10240xf32, #tpu.memory_space<vmem>>, %arg12: memref<80x16xf32, #tpu.memory_space<vmem>>, %arg13: memref<80x16xf32, #tpu.memory_space<vmem>>, %arg14: memref<10240x16xf32, #tpu.memory_space<vmem_shared>>, %arg15: memref<!tpu.dma_semaphore, #tpu.memory_space<semaphore_mem>>, %arg16: memref<!tpu.dma_semaphore, #tpu.memory_space<semaphore_mem>>) attributes {dimension_semantics = [#tpu.dimension_semantics<core_parallel>, #tpu.dimension_semantics<subcore_parallel>], iteration_bounds = array<i64: 2, 16>, scalar_prefetch = 0 : i64, scratch_operands = 9 : i64, tpu.core_type = #tpu.core_type<sc_vector_subcore>, window_params = [{transform_indices = #map}, {transform_indices = #map1}, {transform_indices = #map1}, {transform_indices = #map1}, {transform_indices = #map2}, {transform_indices = #map1}]} {
    %mul3A = arith.constant 16 : i32
    %mul3A_0 = arith.muli %arg0, %mul3A : i32
    %add3A = arith.addi %mul3A_0, %arg1 : i32
    %mul3A_1 = arith.constant 640 : i32
    %mul3A_2 = arith.muli %arg1, %mul3A_1 : i32
    %scan3A = arith.constant 0 : i32
    %scan3A_3 = arith.constant 0 : i32
    %scan3A_4 = arith.constant 80 : i32
    %scan3A_5 = arith.addi %scan3A_3, %scan3A_4 : i32
    %scan3A_6 = arith.constant 1 : i32
    %scan3A_7 = scf.for %scan3A_306 = %scan3A_3 to %scan3A_5 step %scan3A_6 iter_args(%scan3A_307 = %scan3A) -> (i32)  : i32 {
      %broadcast_in_dim3A = arith.constant 0.000000e+00 : f32
      %broadcast_in_dim3A_308 = vector.broadcast %broadcast_in_dim3A : f32 to vector<16xf32>
      %swap3A_309 = arith.index_cast %scan3A_306 : i32 to index
      %swap3A_310 = arith.constant 0 : index
      %swap3A_311 = tpu.vector_load %arg13[%swap3A_309, %swap3A_310] {strides = array<i32>} : memref<80x16xf32, #tpu.memory_space<vmem>>, vector<16xf32>,
      tpu.vector_store %arg13[%swap3A_309, %swap3A_310], %broadcast_in_dim3A_308 {strides = array<i32>} : memref<80x16xf32, #tpu.memory_space<vmem>>, vector<16xf32>,
      %scan3A_312 = arith.constant 0 : i32
      scf.yield %scan3A_312 : i32
    }
    %scan3A_8 = arith.constant 80 : i32
    %add3A_9 = arith.constant 0 : i32
    %add3A_10 = arith.addi %mul3A_2, %add3A_9 : i32
    "tpu.region"() ({
      %run_scoped3A = tpu.sem_alloc : memref<!tpu.dma_semaphore, #tpu.memory_space<semaphore_mem>>
      %dma_start3A_306 = arith.constant 0 : i32
      %dma_start3A_307 = tpu.memref_slice %arg14[%add3A_10, %dma_start3A_306] : memref<10240x16xf32, #tpu.memory_space<vmem_shared>> -> memref<80x16xf32, #tpu.memory_space<vmem_shared>>
      %dma_start3A_308 = arith.constant 0 : i32
      %dma_start3A_309 = tpu.memref_slice %arg14[%add3A_10, %dma_start3A_308] : memref<10240x16xf32, #tpu.memory_space<vmem_shared>> -> memref<80x16xf32, #tpu.memory_space<vmem_shared>>
      tpu.enqueue_dma source(%arg13 : memref<80x16xf32, #tpu.memory_space<vmem>>) target(%dma_start3A_309 : memref<80x16xf32, #tpu.memory_space<vmem_shared>>) target_semaphore(%run_scoped3A : memref<!tpu.dma_semaphore, #tpu.memory_space<semaphore_mem>>)
      %dma_wait3A_310 = arith.constant 0 : i32
      %dma_wait3A_311 = tpu.memref_slice %arg14[%add3A_10, %dma_wait3A_310] : memref<10240x16xf32, #tpu.memory_space<vmem_shared>> -> memref<80x16xf32, #tpu.memory_space<vmem_shared>>
      %dma_wait3A_312 = arith.constant 0 : i32
      %dma_wait3A_313 = tpu.memref_slice %arg14[%add3A_10, %dma_wait3A_312] : memref<10240x16xf32, #tpu.memory_space<vmem_shared>> -> memref<80x16xf32, #tpu.memory_space<vmem_shared>>
      tpu.wait_dma2 semaphore(%run_scoped3A : memref<!tpu.dma_semaphore, #tpu.memory_space<semaphore_mem>>) src(%arg13 : memref<80x16xf32, #tpu.memory_space<vmem>>) dst(%dma_wait3A_313 : memref<80x16xf32, #tpu.memory_space<vmem_shared>>)
      tpu.yield
    }) : () -> ()
    %add3A_11 = arith.constant 80 : i32
    %add3A_12 = arith.addi %mul3A_2, %add3A_11 : i32
    "tpu.region"() ({
      %run_scoped3A = tpu.sem_alloc : memref<!tpu.dma_semaphore, #tpu.memory_space<semaphore_mem>>
      %dma_start3A_306 = arith.constant 0 : i32
      %dma_start3A_307 = tpu.memref_slice %arg14[%add3A_12, %dma_start3A_306] : memref<10240x16xf32, #tpu.memory_space<vmem_shared>> -> memref<80x16xf32, #tpu.memory_space<vmem_shared>>
      %dma_start3A_308 = arith.constant 0 : i32
      %dma_start3A_309 = tpu.memref_slice %arg14[%add3A_12, %dma_start3A_308] : memref<10240x16xf32, #tpu.memory_space<vmem_shared>> -> memref<80x16xf32, #tpu.memory_space<vmem_shared>>
      tpu.enqueue_dma source(%arg13 : memref<80x16xf32, #tpu.memory_space<vmem>>) target(%dma_start3A_309 : memref<80x16xf32, #tpu.memory_space<vmem_shared>>) target_semaphore(%run_scoped3A : memref<!tpu.dma_semaphore, #tpu.memory_space<semaphore_mem>>)
      %dma_wait3A_310 = arith.constant 0 : i32
      %dma_wait3A_311 = tpu.memref_slice %arg14[%add3A_12, %dma_wait3A_310] : memref<10240x16xf32, #tpu.memory_space<vmem_shared>> -> memref<80x16xf32, #tpu.memory_space<vmem_shared>>
      %dma_wait3A_312 = arith.constant 0 : i32
      %dma_wait3A_313 = tpu.memref_slice %arg14[%add3A_12, %dma_wait3A_312] : memref<10240x16xf32, #tpu.memory_space<vmem_shared>> -> memref<80x16xf32, #tpu.memory_space<vmem_shared>>
      tpu.wait_dma2 semaphore(%run_scoped3A : memref<!tpu.dma_semaphore, #tpu.memory_space<semaphore_mem>>) src(%arg13 : memref<80x16xf32, #tpu.memory_space<vmem>>) dst(%dma_wait3A_313 : memref<80x16xf32, #tpu.memory_space<vmem_shared>>)
      tpu.yield
    }) : () -> ()
    %add3A_13 = arith.constant 160 : i32
    %add3A_14 = arith.addi %mul3A_2, %add3A_13 : i32
    "tpu.region"() ({
      %run_scoped3A = tpu.sem_alloc : memref<!tpu.dma_semaphore, #tpu.memory_space<semaphore_mem>>
      %dma_start3A_306 = arith.constant 0 : i32
      %dma_start3A_307 = tpu.memref_slice %arg14[%add3A_14, %dma_start3A_306] : memref<10240x16xf32, #tpu.memory_space<vmem_shared>> -> memref<80x16xf32, #tpu.memory_space<vmem_shared>>
      %dma_start3A_308 = arith.constant 0 : i32
      %dma_start3A_309 = tpu.memref_slice %arg14[%add3A_14, %dma_start3A_308] : memref<10240x16xf32, #tpu.memory_space<vmem_shared>> -> memref<80x16xf32, #tpu.memory_space<vmem_shared>>
      tpu.enqueue_dma source(%arg13 : memref<80x16xf32, #tpu.memory_space<vmem>>) target(%dma_start3A_309 : memref<80x16xf32, #tpu.memory_space<vmem_shared>>) target_semaphore(%run_scoped3A : memref<!tpu.dma_semaphore, #tpu.memory_space<semaphore_mem>>)
      %dma_wait3A_310 = arith.constant 0 : i32
      %dma_wait3A_311 = tpu.memref_slice %arg14[%add3A_14, %dma_wait3A_310] : memref<10240x16xf32, #tpu.memory_space<vmem_shared>> -> memref<80x16xf32, #tpu.memory_space<vmem_shared>>
      %dma_wait3A_312 = arith.constant 0 : i32
      %dma_wait3A_313 = tpu.memref_slice %arg14[%add3A_14, %dma_wait3A_312] : memref<10240x16xf32, #tpu.memory_space<vmem_shared>> -> memref<80x16xf32, #tpu.memory_space<vmem_shared>>
      tpu.wait_dma2 semaphore(%run_scoped3A : memref<!tpu.dma_semaphore, #tpu.memory_space<semaphore_mem>>) src(%arg13 : memref<80x16xf32, #tpu.memory_space<vmem>>) dst(%dma_wait3A_313 : memref<80x16xf32, #tpu.memory_space<vmem_shared>>)
      tpu.yield
    }) : () -> ()
    %add3A_15 = arith.constant 240 : i32
    %add3A_16 = arith.addi %mul3A_2, %add3A_15 : i32
    "tpu.region"() ({
      %run_scoped3A = tpu.sem_alloc : memref<!tpu.dma_semaphore, #tpu.memory_space<semaphore_mem>>
      %dma_start3A_306 = arith.constant 0 : i32
      %dma_start3A_307 = tpu.memref_slice %arg14[%add3A_16, %dma_start3A_306] : memref<10240x16xf32, #tpu.memory_space<vmem_shared>> -> memref<80x16xf32, #tpu.memory_space<vmem_shared>>
      %dma_start3A_308 = arith.constant 0 : i32
      %dma_start3A_309 = tpu.memref_slice %arg14[%add3A_16, %dma_start3A_308] : memref<10240x16xf32, #tpu.memory_space<vmem_shared>> -> memref<80x16xf32, #tpu.memory_space<vmem_shared>>
      tpu.enqueue_dma source(%arg13 : memref<80x16xf32, #tpu.memory_space<vmem>>) target(%dma_start3A_309 : memref<80x16xf32, #tpu.memory_space<vmem_shared>>) target_semaphore(%run_scoped3A : memref<!tpu.dma_semaphore, #tpu.memory_space<semaphore_mem>>)
      %dma_wait3A_310 = arith.constant 0 : i32
      %dma_wait3A_311 = tpu.memref_slice %arg14[%add3A_16, %dma_wait3A_310] : memref<10240x16xf32, #tpu.memory_space<vmem_shared>> -> memref<80x16xf32, #tpu.memory_space<vmem_shared>>
      %dma_wait3A_312 = arith.constant 0 : i32
      %dma_wait3A_313 = tpu.memref_slice %arg14[%add3A_16, %dma_wait3A_312] : memref<10240x16xf32, #tpu.memory_space<vmem_shared>> -> memref<80x16xf32, #tpu.memory_space<vmem_shared>>
      tpu.wait_dma2 semaphore(%run_scoped3A : memref<!tpu.dma_semaphore, #tpu.memory_space<semaphore_mem>>) src(%arg13 : memref<80x16xf32, #tpu.memory_space<vmem>>) dst(%dma_wait3A_313 : memref<80x16xf32, #tpu.memory_space<vmem_shared>>)
      tpu.yield
    }) : () -> ()
    %add3A_17 = arith.constant 320 : i32
    %add3A_18 = arith.addi %mul3A_2, %add3A_17 : i32
    "tpu.region"() ({
      %run_scoped3A = tpu.sem_alloc : memref<!tpu.dma_semaphore, #tpu.memory_space<semaphore_mem>>
      %dma_start3A_306 = arith.constant 0 : i32
      %dma_start3A_307 = tpu.memref_slice %arg14[%add3A_18, %dma_start3A_306] : memref<10240x16xf32, #tpu.memory_space<vmem_shared>> -> memref<80x16xf32, #tpu.memory_space<vmem_shared>>
      %dma_start3A_308 = arith.constant 0 : i32
      %dma_start3A_309 = tpu.memref_slice %arg14[%add3A_18, %dma_start3A_308] : memref<10240x16xf32, #tpu.memory_space<vmem_shared>> -> memref<80x16xf32, #tpu.memory_space<vmem_shared>>
      tpu.enqueue_dma source(%arg13 : memref<80x16xf32, #tpu.memory_space<vmem>>) target(%dma_start3A_309 : memref<80x16xf32, #tpu.memory_space<vmem_shared>>) target_semaphore(%run_scoped3A : memref<!tpu.dma_semaphore, #tpu.memory_space<semaphore_mem>>)
      %dma_wait3A_310 = arith.constant 0 : i32
      %dma_wait3A_311 = tpu.memref_slice %arg14[%add3A_18, %dma_wait3A_310] : memref<10240x16xf32, #tpu.memory_space<vmem_shared>> -> memref<80x16xf32, #tpu.memory_space<vmem_shared>>
      %dma_wait3A_312 = arith.constant 0 : i32
      %dma_wait3A_313 = tpu.memref_slice %arg14[%add3A_18, %dma_wait3A_312] : memref<10240x16xf32, #tpu.memory_space<vmem_shared>> -> memref<80x16xf32, #tpu.memory_space<vmem_shared>>
      tpu.wait_dma2 semaphore(%run_scoped3A : memref<!tpu.dma_semaphore, #tpu.memory_space<semaphore_mem>>) src(%arg13 : memref<80x16xf32, #tpu.memory_space<vmem>>) dst(%dma_wait3A_313 : memref<80x16xf32, #tpu.memory_space<vmem_shared>>)
      tpu.yield
    }) : () -> ()
    %add3A_19 = arith.constant 400 : i32
    %add3A_20 = arith.addi %mul3A_2, %add3A_19 : i32
    "tpu.region"() ({
      %run_scoped3A = tpu.sem_alloc : memref<!tpu.dma_semaphore, #tpu.memory_space<semaphore_mem>>
      %dma_start3A_306 = arith.constant 0 : i32
      %dma_start3A_307 = tpu.memref_slice %arg14[%add3A_20, %dma_start3A_306] : memref<10240x16xf32, #tpu.memory_space<vmem_shared>> -> memref<80x16xf32, #tpu.memory_space<vmem_shared>>
      %dma_start3A_308 = arith.constant 0 : i32
      %dma_start3A_309 = tpu.memref_slice %arg14[%add3A_20, %dma_start3A_308] : memref<10240x16xf32, #tpu.memory_space<vmem_shared>> -> memref<80x16xf32, #tpu.memory_space<vmem_shared>>
      tpu.enqueue_dma source(%arg13 : memref<80x16xf32, #tpu.memory_space<vmem>>) target(%dma_start3A_309 : memref<80x16xf32, #tpu.memory_space<vmem_shared>>) target_semaphore(%run_scoped3A : memref<!tpu.dma_semaphore, #tpu.memory_space<semaphore_mem>>)
      %dma_wait3A_310 = arith.constant 0 : i32
      %dma_wait3A_311 = tpu.memref_slice %arg14[%add3A_20, %dma_wait3A_310] : memref<10240x16xf32, #tpu.memory_space<vmem_shared>> -> memref<80x16xf32, #tpu.memory_space<vmem_shared>>
      %dma_wait3A_312 = arith.constant 0 : i32
      %dma_wait3A_313 = tpu.memref_slice %arg14[%add3A_20, %dma_wait3A_312] : memref<10240x16xf32, #tpu.memory_space<vmem_shared>> -> memref<80x16xf32, #tpu.memory_space<vmem_shared>>
      tpu.wait_dma2 semaphore(%run_scoped3A : memref<!tpu.dma_semaphore, #tpu.memory_space<semaphore_mem>>) src(%arg13 : memref<80x16xf32, #tpu.memory_space<vmem>>) dst(%dma_wait3A_313 : memref<80x16xf32, #tpu.memory_space<vmem_shared>>)
      tpu.yield
    }) : () -> ()
    %add3A_21 = arith.constant 480 : i32
    %add3A_22 = arith.addi %mul3A_2, %add3A_21 : i32
    "tpu.region"() ({
      %run_scoped3A = tpu.sem_alloc : memref<!tpu.dma_semaphore, #tpu.memory_space<semaphore_mem>>
      %dma_start3A_306 = arith.constant 0 : i32
      %dma_start3A_307 = tpu.memref_slice %arg14[%add3A_22, %dma_start3A_306] : memref<10240x16xf32, #tpu.memory_space<vmem_shared>> -> memref<80x16xf32, #tpu.memory_space<vmem_shared>>
      %dma_start3A_308 = arith.constant 0 : i32
      %dma_start3A_309 = tpu.memref_slice %arg14[%add3A_22, %dma_start3A_308] : memref<10240x16xf32, #tpu.memory_space<vmem_shared>> -> memref<80x16xf32, #tpu.memory_space<vmem_shared>>
      tpu.enqueue_dma source(%arg13 : memref<80x16xf32, #tpu.memory_space<vmem>>) target(%dma_start3A_309 : memref<80x16xf32, #tpu.memory_space<vmem_shared>>) target_semaphore(%run_scoped3A : memref<!tpu.dma_semaphore, #tpu.memory_space<semaphore_mem>>)
      %dma_wait3A_310 = arith.constant 0 : i32
      %dma_wait3A_311 = tpu.memref_slice %arg14[%add3A_22, %dma_wait3A_310] : memref<10240x16xf32, #tpu.memory_space<vmem_shared>> -> memref<80x16xf32, #tpu.memory_space<vmem_shared>>
      %dma_wait3A_312 = arith.constant 0 : i32
      %dma_wait3A_313 = tpu.memref_slice %arg14[%add3A_22, %dma_wait3A_312] : memref<10240x16xf32, #tpu.memory_space<vmem_shared>> -> memref<80x16xf32, #tpu.memory_space<vmem_shared>>
      tpu.wait_dma2 semaphore(%run_scoped3A : memref<!tpu.dma_semaphore, #tpu.memory_space<semaphore_mem>>) src(%arg13 : memref<80x16xf32, #tpu.memory_space<vmem>>) dst(%dma_wait3A_313 : memref<80x16xf32, #tpu.memory_space<vmem_shared>>)
      tpu.yield
    }) : () -> ()
    %add3A_23 = arith.constant 560 : i32
    %add3A_24 = arith.addi %mul3A_2, %add3A_23 : i32
    "tpu.region"() ({
      %run_scoped3A = tpu.sem_alloc : memref<!tpu.dma_semaphore, #tpu.memory_space<semaphore_mem>>
      %dma_start3A_306 = arith.constant 0 : i32
      %dma_start3A_307 = tpu.memref_slice %arg14[%add3A_24, %dma_start3A_306] : memref<10240x16xf32, #tpu.memory_space<vmem_shared>> -> memref<80x16xf32, #tpu.memory_space<vmem_shared>>
      %dma_start3A_308 = arith.constant 0 : i32
      %dma_start3A_309 = tpu.memref_slice %arg14[%add3A_24, %dma_start3A_308] : memref<10240x16xf32, #tpu.memory_space<vmem_shared>> -> memref<80x16xf32, #tpu.memory_space<vmem_shared>>
      tpu.enqueue_dma source(%arg13 : memref<80x16xf32, #tpu.memory_space<vmem>>) target(%dma_start3A_309 : memref<80x16xf32, #tpu.memory_space<vmem_shared>>) target_semaphore(%run_scoped3A : memref<!tpu.dma_semaphore, #tpu.memory_space<semaphore_mem>>)
      %dma_wait3A_310 = arith.constant 0 : i32
      %dma_wait3A_311 = tpu.memref_slice %arg14[%add3A_24, %dma_wait3A_310] : memref<10240x16xf32, #tpu.memory_space<vmem_shared>> -> memref<80x16xf32, #tpu.memory_space<vmem_shared>>
      %dma_wait3A_312 = arith.constant 0 : i32
      %dma_wait3A_313 = tpu.memref_slice %arg14[%add3A_24, %dma_wait3A_312] : memref<10240x16xf32, #tpu.memory_space<vmem_shared>> -> memref<80x16xf32, #tpu.memory_space<vmem_shared>>
      tpu.wait_dma2 semaphore(%run_scoped3A : memref<!tpu.dma_semaphore, #tpu.memory_space<semaphore_mem>>) src(%arg13 : memref<80x16xf32, #tpu.memory_space<vmem>>) dst(%dma_wait3A_313 : memref<80x16xf32, #tpu.memory_space<vmem_shared>>)
      tpu.yield
    }) : () -> ()
    %barrier3A = arith.constant 0 : index
    tpu.barrier barrier_id(%barrier3A)
    "tpu.region"() ({
      %run_scoped3A = tpu.sem_alloc : memref<!tpu.dma_semaphore, #tpu.memory_space<semaphore_mem>>
      %dma_start3A_306 = arith.constant 0 : i32
      %dma_start3A_307 = arith.constant 0 : i32
      %dma_start3A_308 = tpu.memref_slice %arg3[%add3A, %dma_start3A_306, %dma_start3A_307] : memref<32x125x80xi32, #tpu.memory_space<hbm>> -> memref<1x125x80xi32, #tpu.memory_space<hbm>>
      %dma_start3A_309 = tpu.memref_squeeze %dma_start3A_308 : memref<1x125x80xi32, #tpu.memory_space<hbm>> -> memref<125x80xi32, #tpu.memory_space<hbm>>
      %dma_start3A_310 = arith.constant 0 : i32
      %dma_start3A_311 = arith.constant 0 : i32
      %dma_start3A_312 = tpu.memref_slice %arg3[%add3A, %dma_start3A_310, %dma_start3A_311] : memref<32x125x80xi32, #tpu.memory_space<hbm>> -> memref<1x125x80xi32, #tpu.memory_space<hbm>>
      %dma_start3A_313 = tpu.memref_squeeze %dma_start3A_312 : memref<1x125x80xi32, #tpu.memory_space<hbm>> -> memref<125x80xi32, #tpu.memory_space<hbm>>
      tpu.enqueue_dma source(%dma_start3A_313 : memref<125x80xi32, #tpu.memory_space<hbm>>) target(%arg8 : memref<125x80xi32, #tpu.memory_space<vmem>>) target_semaphore(%run_scoped3A : memref<!tpu.dma_semaphore, #tpu.memory_space<semaphore_mem>>)
      %dma_wait3A_314 = arith.constant 0 : i32
      %dma_wait3A_315 = arith.constant 0 : i32
      %dma_wait3A_316 = tpu.memref_slice %arg3[%add3A, %dma_wait3A_314, %dma_wait3A_315] : memref<32x125x80xi32, #tpu.memory_space<hbm>> -> memref<1x125x80xi32, #tpu.memory_space<hbm>>
      %dma_wait3A_317 = tpu.memref_squeeze %dma_wait3A_316 : memref<1x125x80xi32, #tpu.memory_space<hbm>> -> memref<125x80xi32, #tpu.memory_space<hbm>>
      %dma_wait3A_318 = arith.constant 0 : i32
      %dma_wait3A_319 = arith.constant 0 : i32
      %dma_wait3A_320 = tpu.memref_slice %arg3[%add3A, %dma_wait3A_318, %dma_wait3A_319] : memref<32x125x80xi32, #tpu.memory_space<hbm>> -> memref<1x125x80xi32, #tpu.memory_space<hbm>>
      %dma_wait3A_321 = tpu.memref_squeeze %dma_wait3A_320 : memref<1x125x80xi32, #tpu.memory_space<hbm>> -> memref<125x80xi32, #tpu.memory_space<hbm>>
      tpu.wait_dma2 semaphore(%run_scoped3A : memref<!tpu.dma_semaphore, #tpu.memory_space<semaphore_mem>>) src(%dma_wait3A_321 : memref<125x80xi32, #tpu.memory_space<hbm>>) dst(%arg8 : memref<125x80xi32, #tpu.memory_space<vmem>>)
      tpu.yield
    }) : () -> ()
    "tpu.region"() ({
      %run_scoped3A = tpu.sem_alloc : memref<!tpu.dma_semaphore, #tpu.memory_space<semaphore_mem>>
      %dma_start3A_306 = arith.constant 0 : i32
      %dma_start3A_307 = arith.constant 0 : i32
      %dma_start3A_308 = tpu.memref_slice %arg4[%add3A, %dma_start3A_306, %dma_start3A_307] : memref<32x125x80xi32, #tpu.memory_space<hbm>> -> memref<1x125x80xi32, #tpu.memory_space<hbm>>
      %dma_start3A_309 = tpu.memref_squeeze %dma_start3A_308 : memref<1x125x80xi32, #tpu.memory_space<hbm>> -> memref<125x80xi32, #tpu.memory_space<hbm>>
      %dma_start3A_310 = arith.constant 0 : i32
      %dma_start3A_311 = arith.constant 0 : i32
      %dma_start3A_312 = tpu.memref_slice %arg4[%add3A, %dma_start3A_310, %dma_start3A_311] : memref<32x125x80xi32, #tpu.memory_space<hbm>> -> memref<1x125x80xi32, #tpu.memory_space<hbm>>
      %dma_start3A_313 = tpu.memref_squeeze %dma_start3A_312 : memref<1x125x80xi32, #tpu.memory_space<hbm>> -> memref<125x80xi32, #tpu.memory_space<hbm>>
      tpu.enqueue_dma source(%dma_start3A_313 : memref<125x80xi32, #tpu.memory_space<hbm>>) target(%arg9 : memref<125x80xi32, #tpu.memory_space<vmem>>) target_semaphore(%run_scoped3A : memref<!tpu.dma_semaphore, #tpu.memory_space<semaphore_mem>>)
      %dma_wait3A_314 = arith.constant 0 : i32
      %dma_wait3A_315 = arith.constant 0 : i32
      %dma_wait3A_316 = tpu.memref_slice %arg4[%add3A, %dma_wait3A_314, %dma_wait3A_315] : memref<32x125x80xi32, #tpu.memory_space<hbm>> -> memref<1x125x80xi32, #tpu.memory_space<hbm>>
      %dma_wait3A_317 = tpu.memref_squeeze %dma_wait3A_316 : memref<1x125x80xi32, #tpu.memory_space<hbm>> -> memref<125x80xi32, #tpu.memory_space<hbm>>
      %dma_wait3A_318 = arith.constant 0 : i32
      %dma_wait3A_319 = arith.constant 0 : i32
      %dma_wait3A_320 = tpu.memref_slice %arg4[%add3A, %dma_wait3A_318, %dma_wait3A_319] : memref<32x125x80xi32, #tpu.memory_space<hbm>> -> memref<1x125x80xi32, #tpu.memory_space<hbm>>
      %dma_wait3A_321 = tpu.memref_squeeze %dma_wait3A_320 : memref<1x125x80xi32, #tpu.memory_space<hbm>> -> memref<125x80xi32, #tpu.memory_space<hbm>>
      tpu.wait_dma2 semaphore(%run_scoped3A : memref<!tpu.dma_semaphore, #tpu.memory_space<semaphore_mem>>) src(%dma_wait3A_321 : memref<125x80xi32, #tpu.memory_space<hbm>>) dst(%arg9 : memref<125x80xi32, #tpu.memory_space<vmem>>)
      tpu.yield
    }) : () -> ()
    "tpu.region"() ({
      %run_scoped3A = tpu.sem_alloc : memref<!tpu.dma_semaphore, #tpu.memory_space<semaphore_mem>>
      %dma_start3A_306 = arith.constant 0 : i32
      %dma_start3A_307 = arith.constant 0 : i32
      %dma_start3A_308 = tpu.memref_slice %arg5[%add3A, %dma_start3A_306, %dma_start3A_307] : memref<32x125x80xf32, #tpu.memory_space<hbm>> -> memref<1x125x80xf32, #tpu.memory_space<hbm>>
      %dma_start3A_309 = tpu.memref_squeeze %dma_start3A_308 : memref<1x125x80xf32, #tpu.memory_space<hbm>> -> memref<125x80xf32, #tpu.memory_space<hbm>>
      %dma_start3A_310 = arith.constant 0 : i32
      %dma_start3A_311 = arith.constant 0 : i32
      %dma_start3A_312 = tpu.memref_slice %arg5[%add3A, %dma_start3A_310, %dma_start3A_311] : memref<32x125x80xf32, #tpu.memory_space<hbm>> -> memref<1x125x80xf32, #tpu.memory_space<hbm>>
      %dma_start3A_313 = tpu.memref_squeeze %dma_start3A_312 : memref<1x125x80xf32, #tpu.memory_space<hbm>> -> memref<125x80xf32, #tpu.memory_space<hbm>>
      tpu.enqueue_dma source(%dma_start3A_313 : memref<125x80xf32, #tpu.memory_space<hbm>>) target(%arg10 : memref<125x80xf32, #tpu.memory_space<vmem>>) target_semaphore(%run_scoped3A : memref<!tpu.dma_semaphore, #tpu.memory_space<semaphore_mem>>)
      %dma_wait3A_314 = arith.constant 0 : i32
      %dma_wait3A_315 = arith.constant 0 : i32
      %dma_wait3A_316 = tpu.memref_slice %arg5[%add3A, %dma_wait3A_314, %dma_wait3A_315] : memref<32x125x80xf32, #tpu.memory_space<hbm>> -> memref<1x125x80xf32, #tpu.memory_space<hbm>>
      %dma_wait3A_317 = tpu.memref_squeeze %dma_wait3A_316 : memref<1x125x80xf32, #tpu.memory_space<hbm>> -> memref<125x80xf32, #tpu.memory_space<hbm>>
      %dma_wait3A_318 = arith.constant 0 : i32
      %dma_wait3A_319 = arith.constant 0 : i32
      %dma_wait3A_320 = tpu.memref_slice %arg5[%add3A, %dma_wait3A_318, %dma_wait3A_319] : memref<32x125x80xf32, #tpu.memory_space<hbm>> -> memref<1x125x80xf32, #tpu.memory_space<hbm>>
      %dma_wait3A_321 = tpu.memref_squeeze %dma_wait3A_320 : memref<1x125x80xf32, #tpu.memory_space<hbm>> -> memref<125x80xf32, #tpu.memory_space<hbm>>
      tpu.wait_dma2 semaphore(%run_scoped3A : memref<!tpu.dma_semaphore, #tpu.memory_space<semaphore_mem>>) src(%dma_wait3A_321 : memref<125x80xf32, #tpu.memory_space<hbm>>) dst(%arg10 : memref<125x80xf32, #tpu.memory_space<vmem>>)
      tpu.yield
    }) : () -> ()
    "tpu.region"() ({
      %run_scoped3A = tpu.sem_alloc : memref<!tpu.dma_semaphore, #tpu.memory_space<semaphore_mem>>
      tpu.enqueue_dma source(%arg6 : memref<10240xf32, #tpu.memory_space<hbm>>) target(%arg11 : memref<10240xf32, #tpu.memory_space<vmem>>) target_semaphore(%run_scoped3A : memref<!tpu.dma_semaphore, #tpu.memory_space<semaphore_mem>>)
      tpu.wait_dma2 semaphore(%run_scoped3A : memref<!tpu.dma_semaphore, #tpu.memory_space<semaphore_mem>>) src(%arg6 : memref<10240xf32, #tpu.memory_space<hbm>>) dst(%arg11 : memref<10240xf32, #tpu.memory_space<vmem>>)
      tpu.yield
    }) : () -> ()
    %scan3A_25 = arith.constant 0 : i32
    %scan3A_26 = arith.constant 0 : i32
    %scan3A_27 = arith.constant 125 : i32
    %scan3A_28 = arith.addi %scan3A_26, %scan3A_27 : i32
    %scan3A_29 = arith.constant 1 : i32
    %scan3A_30 = scf.for %scan3A_306 = %scan3A_26 to %scan3A_28 step %scan3A_29 iter_args(%scan3A_307 = %scan3A_25) -> (i32)  : i32 {
      %dma_start3A_308 = arith.constant 0 : i32
      %dma_start3A_309 = tpu.memref_slice %arg8[%scan3A_306, %dma_start3A_308] : memref<125x80xi32, #tpu.memory_space<vmem>> -> memref<1x80xi32, #tpu.memory_space<vmem>>
      %dma_start3A_310 = tpu.memref_squeeze %dma_start3A_309 : memref<1x80xi32, #tpu.memory_space<vmem>> -> memref<80xi32, #tpu.memory_space<vmem>>
      %dma_start3A_311 = arith.constant 0 : i32
      %dma_start3A_312 = arith.constant 0 : i32
      %dma_start3A_313 = tpu.memref_slice %arg2[%dma_start3A_311, %dma_start3A_312] : memref<10240x16xf32, #tpu.memory_space<hbm>> -> memref<10240x16xf32, #tpu.memory_space<hbm>>
      tpu.enqueue_indirect_dma source(%dma_start3A_313 : memref<10240x16xf32, #tpu.memory_space<hbm>>) target(%arg12 : memref<80x16xf32, #tpu.memory_space<vmem>>) offsets(%dma_start3A_310 : memref<80xi32, #tpu.memory_space<vmem>>) semaphore(%arg15 : memref<!tpu.dma_semaphore, #tpu.memory_space<semaphore_mem>>)
      %dma_wait3A_314 = arith.constant 0 : i32
      %dma_wait3A_315 = tpu.memref_slice %arg8[%scan3A_306, %dma_wait3A_314] : memref<125x80xi32, #tpu.memory_space<vmem>> -> memref<1x80xi32, #tpu.memory_space<vmem>>
      %dma_wait3A_316 = tpu.memref_squeeze %dma_wait3A_315 : memref<1x80xi32, #tpu.memory_space<vmem>> -> memref<80xi32, #tpu.memory_space<vmem>>
      %dma_wait3A_317 = arith.constant 0 : i32
      %dma_wait3A_318 = arith.constant 0 : i32
      %dma_wait3A_319 = tpu.memref_slice %arg2[%dma_wait3A_317, %dma_wait3A_318] : memref<10240x16xf32, #tpu.memory_space<hbm>> -> memref<10240x16xf32, #tpu.memory_space<hbm>>
      tpu.wait_indirect_dma semaphore(%arg15 : memref<!tpu.dma_semaphore, #tpu.memory_space<semaphore_mem>>) src(%dma_wait3A_319 : memref<10240x16xf32, #tpu.memory_space<hbm>>) dst(%arg12 : memref<80x16xf32, #tpu.memory_space<vmem>>)
      %scan3A_320 = arith.constant 0 : i32
      %scan3A_321 = arith.constant 0 : i32
      %scan3A_322 = arith.constant 80 : i32
      %scan3A_323 = arith.addi %scan3A_321, %scan3A_322 : i32
      %scan3A_324 = arith.constant 1 : i32
      %scan3A_325 = scf.for %scan3A_340 = %scan3A_321 to %scan3A_323 step %scan3A_324 iter_args(%scan3A_341 = %scan3A_320) -> (i32)  : i32 {
        %broadcast_in_dim3A = vector.broadcast %scan3A_306 : i32 to vector<16xi32>
        %broadcast_in_dim3A_342 = vector.broadcast %scan3A_340 : i32 to vector<16xi32>
        %gather3A = tpu.vector_load_idx %arg10[%broadcast_in_dim3A, %broadcast_in_dim3A_342] : memref<125x80xf32, #tpu.memory_space<vmem>>[vector<16xi32>, vector<16xi32>], vector<16xf32>,
        %get3A = arith.index_cast %scan3A_340 : i32 to index
        %get3A_343 = arith.constant 0 : index
        %get3A_344 = tpu.vector_load %arg12[%get3A, %get3A_343] {strides = array<i32>} : memref<80x16xf32, #tpu.memory_space<vmem>>, vector<16xf32>,
        %mul3A_345 = arith.mulf %get3A_344, %gather3A : vector<16xf32>
        %swap3A_346 = arith.index_cast %scan3A_340 : i32 to index
        %swap3A_347 = arith.constant 0 : index
        %swap3A_348 = tpu.vector_load %arg12[%swap3A_346, %swap3A_347] {strides = array<i32>} : memref<80x16xf32, #tpu.memory_space<vmem>>, vector<16xf32>,
        tpu.vector_store %arg12[%swap3A_346, %swap3A_347], %mul3A_345 {strides = array<i32>} : memref<80x16xf32, #tpu.memory_space<vmem>>, vector<16xf32>,
        %scan3A_349 = arith.constant 0 : i32
        scf.yield %scan3A_349 : i32
      }
      %scan3A_326 = arith.constant 80 : i32
      %dma_start3A_327 = arith.constant 0 : i32
      %dma_start3A_328 = tpu.memref_slice %arg9[%scan3A_306, %dma_start3A_327] : memref<125x80xi32, #tpu.memory_space<vmem>> -> memref<1x80xi32, #tpu.memory_space<vmem>>
      %dma_start3A_329 = tpu.memref_squeeze %dma_start3A_328 : memref<1x80xi32, #tpu.memory_space<vmem>> -> memref<80xi32, #tpu.memory_space<vmem>>
      %dma_start3A_330 = arith.constant 0 : i32
      %dma_start3A_331 = arith.constant 0 : i32
      %dma_start3A_332 = tpu.memref_slice %arg14[%dma_start3A_330, %dma_start3A_331] : memref<10240x16xf32, #tpu.memory_space<vmem_shared>> -> memref<10240x16xf32, #tpu.memory_space<vmem_shared>>
      tpu.enqueue_indirect_dma source(%arg12 : memref<80x16xf32, #tpu.memory_space<vmem>>) target(%dma_start3A_332 : memref<10240x16xf32, #tpu.memory_space<vmem_shared>>) offsets(%dma_start3A_329 : memref<80xi32, #tpu.memory_space<vmem>>) semaphore(%arg16 : memref<!tpu.dma_semaphore, #tpu.memory_space<semaphore_mem>>) {add = true}
      %dma_wait3A_333 = arith.constant 0 : i32
      %dma_wait3A_334 = tpu.memref_slice %arg9[%scan3A_306, %dma_wait3A_333] : memref<125x80xi32, #tpu.memory_space<vmem>> -> memref<1x80xi32, #tpu.memory_space<vmem>>
      %dma_wait3A_335 = tpu.memref_squeeze %dma_wait3A_334 : memref<1x80xi32, #tpu.memory_space<vmem>> -> memref<80xi32, #tpu.memory_space<vmem>>
      %dma_wait3A_336 = arith.constant 0 : i32
      %dma_wait3A_337 = arith.constant 0 : i32
      %dma_wait3A_338 = tpu.memref_slice %arg14[%dma_wait3A_336, %dma_wait3A_337] : memref<10240x16xf32, #tpu.memory_space<vmem_shared>> -> memref<10240x16xf32, #tpu.memory_space<vmem_shared>>
      tpu.wait_indirect_dma semaphore(%arg16 : memref<!tpu.dma_semaphore, #tpu.memory_space<semaphore_mem>>) src(%arg12 : memref<80x16xf32, #tpu.memory_space<vmem>>) dst(%dma_wait3A_338 : memref<10240x16xf32, #tpu.memory_space<vmem_shared>>)
      %scan3A_339 = arith.constant 0 : i32
      scf.yield %scan3A_339 : i32
    }
    %scan3A_31 = arith.constant 125 : i32
    %mul3A_32 = arith.constant 5120 : i32
    %mul3A_33 = arith.muli %arg0, %mul3A_32 : i32
    %mul3A_34 = arith.constant 320 : i32
    %mul3A_35 = arith.muli %arg1, %mul3A_34 : i32
    %add3A_36 = arith.addi %mul3A_33, %mul3A_35 : i32
    %add3A_37 = arith.constant 0 : i32
    %add3A_38 = arith.addi %add3A_36, %add3A_37 : i32
    "tpu.region"() ({
      %run_scoped3A = tpu.sem_alloc : memref<!tpu.dma_semaphore, #tpu.memory_space<semaphore_mem>>
      %dma_start3A_306 = arith.constant 0 : i32
      %dma_start3A_307 = tpu.memref_slice %arg2[%add3A_38, %dma_start3A_306] : memref<10240x16xf32, #tpu.memory_space<hbm>> -> memref<80x16xf32, #tpu.memory_space<hbm>>
      %dma_start3A_308 = arith.constant 0 : i32
      %dma_start3A_309 = tpu.memref_slice %arg2[%add3A_38, %dma_start3A_308] : memref<10240x16xf32, #tpu.memory_space<hbm>> -> memref<80x16xf32, #tpu.memory_space<hbm>>
      tpu.enqueue_dma source(%dma_start3A_309 : memref<80x16xf32, #tpu.memory_space<hbm>>) target(%arg12 : memref<80x16xf32, #tpu.memory_space<vmem>>) target_semaphore(%run_scoped3A : memref<!tpu.dma_semaphore, #tpu.memory_space<semaphore_mem>>)
      %dma_wait3A_310 = arith.constant 0 : i32
      %dma_wait3A_311 = tpu.memref_slice %arg2[%add3A_38, %dma_wait3A_310] : memref<10240x16xf32, #tpu.memory_space<hbm>> -> memref<80x16xf32, #tpu.memory_space<hbm>>
      %dma_wait3A_312 = arith.constant 0 : i32
      %dma_wait3A_313 = tpu.memref_slice %arg2[%add3A_38, %dma_wait3A_312] : memref<10240x16xf32, #tpu.memory_space<hbm>> -> memref<80x16xf32, #tpu.memory_space<hbm>>
      tpu.wait_dma2 semaphore(%run_scoped3A : memref<!tpu.dma_semaphore, #tpu.memory_space<semaphore_mem>>) src(%dma_wait3A_313 : memref<80x16xf32, #tpu.memory_space<hbm>>) dst(%arg12 : memref<80x16xf32, #tpu.memory_space<vmem>>)
      tpu.yield
    }) : () -> ()
    %iota3A = tpu.iota {dimensions = array<i32: 0>} : vector<16xi32>
    %add3A_39 = arith.constant 0 : i32
    %add3A_40 = arith.addi %add3A_38, %add3A_39 : i32
    %add3A_41 = vector.broadcast %add3A_40 : i32 to vector<16xi32>
    %add3A_42 = arith.addi %iota3A, %add3A_41 : vector<16xi32>
    %swap3A = arith.constant 0 : i32
    %swap3A_43 = arith.index_cast %swap3A : i32 to index
    %swap3A_44 = arith.constant 0 : index
    %swap3A_45 = tpu.vector_load %arg8[%swap3A_43, %swap3A_44] {strides = array<i32>} : memref<125x80xi32, #tpu.memory_space<vmem>>, vector<16xi32>,
    tpu.vector_store %arg8[%swap3A_43, %swap3A_44], %add3A_42 {strides = array<i32>} : memref<125x80xi32, #tpu.memory_space<vmem>>, vector<16xi32>,
    %iota3A_46 = tpu.iota {dimensions = array<i32: 0>} : vector<16xi32>
    %add3A_47 = arith.constant 16 : i32
    %add3A_48 = arith.addi %add3A_38, %add3A_47 : i32
    %add3A_49 = vector.broadcast %add3A_48 : i32 to vector<16xi32>
    %add3A_50 = arith.addi %iota3A_46, %add3A_49 : vector<16xi32>
    %swap3A_51 = arith.constant 0 : i32
    %swap3A_52 = arith.index_cast %swap3A_51 : i32 to index
    %swap3A_53 = arith.constant 16 : index
    %swap3A_54 = tpu.vector_load %arg8[%swap3A_52, %swap3A_53] {strides = array<i32>} : memref<125x80xi32, #tpu.memory_space<vmem>>, vector<16xi32>,
    tpu.vector_store %arg8[%swap3A_52, %swap3A_53], %add3A_50 {strides = array<i32>} : memref<125x80xi32, #tpu.memory_space<vmem>>, vector<16xi32>,
    %iota3A_55 = tpu.iota {dimensions = array<i32: 0>} : vector<16xi32>
    %add3A_56 = arith.constant 32 : i32
    %add3A_57 = arith.addi %add3A_38, %add3A_56 : i32
    %add3A_58 = vector.broadcast %add3A_57 : i32 to vector<16xi32>
    %add3A_59 = arith.addi %iota3A_55, %add3A_58 : vector<16xi32>
    %swap3A_60 = arith.constant 0 : i32
    %swap3A_61 = arith.index_cast %swap3A_60 : i32 to index
    %swap3A_62 = arith.constant 32 : index
    %swap3A_63 = tpu.vector_load %arg8[%swap3A_61, %swap3A_62] {strides = array<i32>} : memref<125x80xi32, #tpu.memory_space<vmem>>, vector<16xi32>,
    tpu.vector_store %arg8[%swap3A_61, %swap3A_62], %add3A_59 {strides = array<i32>} : memref<125x80xi32, #tpu.memory_space<vmem>>, vector<16xi32>,
    %iota3A_64 = tpu.iota {dimensions = array<i32: 0>} : vector<16xi32>
    %add3A_65 = arith.constant 48 : i32
    %add3A_66 = arith.addi %add3A_38, %add3A_65 : i32
    %add3A_67 = vector.broadcast %add3A_66 : i32 to vector<16xi32>
    %add3A_68 = arith.addi %iota3A_64, %add3A_67 : vector<16xi32>
    %swap3A_69 = arith.constant 0 : i32
    %swap3A_70 = arith.index_cast %swap3A_69 : i32 to index
    %swap3A_71 = arith.constant 48 : index
    %swap3A_72 = tpu.vector_load %arg8[%swap3A_70, %swap3A_71] {strides = array<i32>} : memref<125x80xi32, #tpu.memory_space<vmem>>, vector<16xi32>,
    tpu.vector_store %arg8[%swap3A_70, %swap3A_71], %add3A_68 {strides = array<i32>} : memref<125x80xi32, #tpu.memory_space<vmem>>, vector<16xi32>,
    %iota3A_73 = tpu.iota {dimensions = array<i32: 0>} : vector<16xi32>
    %add3A_74 = arith.constant 64 : i32
    %add3A_75 = arith.addi %add3A_38, %add3A_74 : i32
    %add3A_76 = vector.broadcast %add3A_75 : i32 to vector<16xi32>
    %add3A_77 = arith.addi %iota3A_73, %add3A_76 : vector<16xi32>
    %swap3A_78 = arith.constant 0 : i32
    %swap3A_79 = arith.index_cast %swap3A_78 : i32 to index
    %swap3A_80 = arith.constant 64 : index
    %swap3A_81 = tpu.vector_load %arg8[%swap3A_79, %swap3A_80] {strides = array<i32>} : memref<125x80xi32, #tpu.memory_space<vmem>>, vector<16xi32>,
    tpu.vector_store %arg8[%swap3A_79, %swap3A_80], %add3A_77 {strides = array<i32>} : memref<125x80xi32, #tpu.memory_space<vmem>>, vector<16xi32>,
    %scan3A_82 = arith.constant 0 : i32
    %scan3A_83 = arith.constant 0 : i32
    %scan3A_84 = arith.constant 80 : i32
    %scan3A_85 = arith.addi %scan3A_83, %scan3A_84 : i32
    %scan3A_86 = arith.constant 1 : i32
    %scan3A_87 = scf.for %scan3A_306 = %scan3A_83 to %scan3A_85 step %scan3A_86 iter_args(%scan3A_307 = %scan3A_82) -> (i32)  : i32 {
      %add3A_308 = arith.addi %add3A_38, %scan3A_306 : i32
      %broadcast_in_dim3A = vector.broadcast %add3A_308 : i32 to vector<16xi32>
      %gather3A = tpu.vector_load_idx %arg11[%broadcast_in_dim3A] : memref<10240xf32, #tpu.memory_space<vmem>>[vector<16xi32>], vector<16xf32>,
      %get3A = arith.index_cast %scan3A_306 : i32 to index
      %get3A_309 = arith.constant 0 : index
      %get3A_310 = tpu.vector_load %arg12[%get3A, %get3A_309] {strides = array<i32>} : memref<80x16xf32, #tpu.memory_space<vmem>>, vector<16xf32>,
      %mul3A_311 = arith.mulf %get3A_310, %gather3A : vector<16xf32>
      %swap3A_312 = arith.index_cast %scan3A_306 : i32 to index
      %swap3A_313 = arith.constant 0 : index
      %swap3A_314 = tpu.vector_load %arg12[%swap3A_312, %swap3A_313] {strides = array<i32>} : memref<80x16xf32, #tpu.memory_space<vmem>>, vector<16xf32>,
      tpu.vector_store %arg12[%swap3A_312, %swap3A_313], %mul3A_311 {strides = array<i32>} : memref<80x16xf32, #tpu.memory_space<vmem>>, vector<16xf32>,
      %scan3A_315 = arith.constant 0 : i32
      scf.yield %scan3A_315 : i32
    }
    %scan3A_88 = arith.constant 80 : i32
    %dma_start3A = arith.constant 0 : i32
    %dma_start3A_89 = arith.constant 0 : i32
    %dma_start3A_90 = tpu.memref_slice %arg8[%dma_start3A, %dma_start3A_89] : memref<125x80xi32, #tpu.memory_space<vmem>> -> memref<1x80xi32, #tpu.memory_space<vmem>>
    %dma_start3A_91 = tpu.memref_squeeze %dma_start3A_90 : memref<1x80xi32, #tpu.memory_space<vmem>> -> memref<80xi32, #tpu.memory_space<vmem>>
    %dma_start3A_92 = arith.constant 0 : i32
    %dma_start3A_93 = arith.constant 0 : i32
    %dma_start3A_94 = tpu.memref_slice %arg14[%dma_start3A_92, %dma_start3A_93] : memref<10240x16xf32, #tpu.memory_space<vmem_shared>> -> memref<10240x16xf32, #tpu.memory_space<vmem_shared>>
    tpu.enqueue_indirect_dma source(%arg12 : memref<80x16xf32, #tpu.memory_space<vmem>>) target(%dma_start3A_94 : memref<10240x16xf32, #tpu.memory_space<vmem_shared>>) offsets(%dma_start3A_91 : memref<80xi32, #tpu.memory_space<vmem>>) semaphore(%arg16 : memref<!tpu.dma_semaphore, #tpu.memory_space<semaphore_mem>>) {add = true}
    %dma_wait3A = arith.constant 0 : i32
    %dma_wait3A_95 = arith.constant 0 : i32
    %dma_wait3A_96 = tpu.memref_slice %arg8[%dma_wait3A, %dma_wait3A_95] : memref<125x80xi32, #tpu.memory_space<vmem>> -> memref<1x80xi32, #tpu.memory_space<vmem>>
    %dma_wait3A_97 = tpu.memref_squeeze %dma_wait3A_96 : memref<1x80xi32, #tpu.memory_space<vmem>> -> memref<80xi32, #tpu.memory_space<vmem>>
    %dma_wait3A_98 = arith.constant 0 : i32
    %dma_wait3A_99 = arith.constant 0 : i32
    %dma_wait3A_100 = tpu.memref_slice %arg14[%dma_wait3A_98, %dma_wait3A_99] : memref<10240x16xf32, #tpu.memory_space<vmem_shared>> -> memref<10240x16xf32, #tpu.memory_space<vmem_shared>>
    tpu.wait_indirect_dma semaphore(%arg16 : memref<!tpu.dma_semaphore, #tpu.memory_space<semaphore_mem>>) src(%arg12 : memref<80x16xf32, #tpu.memory_space<vmem>>) dst(%dma_wait3A_100 : memref<10240x16xf32, #tpu.memory_space<vmem_shared>>)
    %add3A_101 = arith.constant 80 : i32
    %add3A_102 = arith.addi %add3A_36, %add3A_101 : i32
    "tpu.region"() ({
      %run_scoped3A = tpu.sem_alloc : memref<!tpu.dma_semaphore, #tpu.memory_space<semaphore_mem>>
      %dma_start3A_306 = arith.constant 0 : i32
      %dma_start3A_307 = tpu.memref_slice %arg2[%add3A_102, %dma_start3A_306] : memref<10240x16xf32, #tpu.memory_space<hbm>> -> memref<80x16xf32, #tpu.memory_space<hbm>>
      %dma_start3A_308 = arith.constant 0 : i32
      %dma_start3A_309 = tpu.memref_slice %arg2[%add3A_102, %dma_start3A_308] : memref<10240x16xf32, #tpu.memory_space<hbm>> -> memref<80x16xf32, #tpu.memory_space<hbm>>
      tpu.enqueue_dma source(%dma_start3A_309 : memref<80x16xf32, #tpu.memory_space<hbm>>) target(%arg12 : memref<80x16xf32, #tpu.memory_space<vmem>>) target_semaphore(%run_scoped3A : memref<!tpu.dma_semaphore, #tpu.memory_space<semaphore_mem>>)
      %dma_wait3A_310 = arith.constant 0 : i32
      %dma_wait3A_311 = tpu.memref_slice %arg2[%add3A_102, %dma_wait3A_310] : memref<10240x16xf32, #tpu.memory_space<hbm>> -> memref<80x16xf32, #tpu.memory_space<hbm>>
      %dma_wait3A_312 = arith.constant 0 : i32
      %dma_wait3A_313 = tpu.memref_slice %arg2[%add3A_102, %dma_wait3A_312] : memref<10240x16xf32, #tpu.memory_space<hbm>> -> memref<80x16xf32, #tpu.memory_space<hbm>>
      tpu.wait_dma2 semaphore(%run_scoped3A : memref<!tpu.dma_semaphore, #tpu.memory_space<semaphore_mem>>) src(%dma_wait3A_313 : memref<80x16xf32, #tpu.memory_space<hbm>>) dst(%arg12 : memref<80x16xf32, #tpu.memory_space<vmem>>)
      tpu.yield
    }) : () -> ()
    %iota3A_103 = tpu.iota {dimensions = array<i32: 0>} : vector<16xi32>
    %add3A_104 = arith.constant 0 : i32
    %add3A_105 = arith.addi %add3A_102, %add3A_104 : i32
    %add3A_106 = vector.broadcast %add3A_105 : i32 to vector<16xi32>
    %add3A_107 = arith.addi %iota3A_103, %add3A_106 : vector<16xi32>
    %swap3A_108 = arith.constant 1 : i32
    %swap3A_109 = arith.index_cast %swap3A_108 : i32 to index
    %swap3A_110 = arith.constant 0 : index
    %swap3A_111 = tpu.vector_load %arg8[%swap3A_109, %swap3A_110] {strides = array<i32>} : memref<125x80xi32, #tpu.memory_space<vmem>>, vector<16xi32>,
    tpu.vector_store %arg8[%swap3A_109, %swap3A_110], %add3A_107 {strides = array<i32>} : memref<125x80xi32, #tpu.memory_space<vmem>>, vector<16xi32>,
    %iota3A_112 = tpu.iota {dimensions = array<i32: 0>} : vector<16xi32>
    %add3A_113 = arith.constant 16 : i32
    %add3A_114 = arith.addi %add3A_102, %add3A_113 : i32
    %add3A_115 = vector.broadcast %add3A_114 : i32 to vector<16xi32>
    %add3A_116 = arith.addi %iota3A_112, %add3A_115 : vector<16xi32>
    %swap3A_117 = arith.constant 1 : i32
    %swap3A_118 = arith.index_cast %swap3A_117 : i32 to index
    %swap3A_119 = arith.constant 16 : index
    %swap3A_120 = tpu.vector_load %arg8[%swap3A_118, %swap3A_119] {strides = array<i32>} : memref<125x80xi32, #tpu.memory_space<vmem>>, vector<16xi32>,
    tpu.vector_store %arg8[%swap3A_118, %swap3A_119], %add3A_116 {strides = array<i32>} : memref<125x80xi32, #tpu.memory_space<vmem>>, vector<16xi32>,
    %iota3A_121 = tpu.iota {dimensions = array<i32: 0>} : vector<16xi32>
    %add3A_122 = arith.constant 32 : i32
    %add3A_123 = arith.addi %add3A_102, %add3A_122 : i32
    %add3A_124 = vector.broadcast %add3A_123 : i32 to vector<16xi32>
    %add3A_125 = arith.addi %iota3A_121, %add3A_124 : vector<16xi32>
    %swap3A_126 = arith.constant 1 : i32
    %swap3A_127 = arith.index_cast %swap3A_126 : i32 to index
    %swap3A_128 = arith.constant 32 : index
    %swap3A_129 = tpu.vector_load %arg8[%swap3A_127, %swap3A_128] {strides = array<i32>} : memref<125x80xi32, #tpu.memory_space<vmem>>, vector<16xi32>,
    tpu.vector_store %arg8[%swap3A_127, %swap3A_128], %add3A_125 {strides = array<i32>} : memref<125x80xi32, #tpu.memory_space<vmem>>, vector<16xi32>,
    %iota3A_130 = tpu.iota {dimensions = array<i32: 0>} : vector<16xi32>
    %add3A_131 = arith.constant 48 : i32
    %add3A_132 = arith.addi %add3A_102, %add3A_131 : i32
    %add3A_133 = vector.broadcast %add3A_132 : i32 to vector<16xi32>
    %add3A_134 = arith.addi %iota3A_130, %add3A_133 : vector<16xi32>
    %swap3A_135 = arith.constant 1 : i32
    %swap3A_136 = arith.index_cast %swap3A_135 : i32 to index
    %swap3A_137 = arith.constant 48 : index
    %swap3A_138 = tpu.vector_load %arg8[%swap3A_136, %swap3A_137] {strides = array<i32>} : memref<125x80xi32, #tpu.memory_space<vmem>>, vector<16xi32>,
    tpu.vector_store %arg8[%swap3A_136, %swap3A_137], %add3A_134 {strides = array<i32>} : memref<125x80xi32, #tpu.memory_space<vmem>>, vector<16xi32>,
    %iota3A_139 = tpu.iota {dimensions = array<i32: 0>} : vector<16xi32>
    %add3A_140 = arith.constant 64 : i32
    %add3A_141 = arith.addi %add3A_102, %add3A_140 : i32
    %add3A_142 = vector.broadcast %add3A_141 : i32 to vector<16xi32>
    %add3A_143 = arith.addi %iota3A_139, %add3A_142 : vector<16xi32>
    %swap3A_144 = arith.constant 1 : i32
    %swap3A_145 = arith.index_cast %swap3A_144 : i32 to index
    %swap3A_146 = arith.constant 64 : index
    %swap3A_147 = tpu.vector_load %arg8[%swap3A_145, %swap3A_146] {strides = array<i32>} : memref<125x80xi32, #tpu.memory_space<vmem>>, vector<16xi32>,
    tpu.vector_store %arg8[%swap3A_145, %swap3A_146], %add3A_143 {strides = array<i32>} : memref<125x80xi32, #tpu.memory_space<vmem>>, vector<16xi32>,
    %scan3A_148 = arith.constant 0 : i32
    %scan3A_149 = arith.constant 0 : i32
    %scan3A_150 = arith.constant 80 : i32
    %scan3A_151 = arith.addi %scan3A_149, %scan3A_150 : i32
    %scan3A_152 = arith.constant 1 : i32
    %scan3A_153 = scf.for %scan3A_306 = %scan3A_149 to %scan3A_151 step %scan3A_152 iter_args(%scan3A_307 = %scan3A_148) -> (i32)  : i32 {
      %add3A_308 = arith.addi %add3A_102, %scan3A_306 : i32
      %broadcast_in_dim3A = vector.broadcast %add3A_308 : i32 to vector<16xi32>
      %gather3A = tpu.vector_load_idx %arg11[%broadcast_in_dim3A] : memref<10240xf32, #tpu.memory_space<vmem>>[vector<16xi32>], vector<16xf32>,
      %get3A = arith.index_cast %scan3A_306 : i32 to index
      %get3A_309 = arith.constant 0 : index
      %get3A_310 = tpu.vector_load %arg12[%get3A, %get3A_309] {strides = array<i32>} : memref<80x16xf32, #tpu.memory_space<vmem>>, vector<16xf32>,
      %mul3A_311 = arith.mulf %get3A_310, %gather3A : vector<16xf32>
      %swap3A_312 = arith.index_cast %scan3A_306 : i32 to index
      %swap3A_313 = arith.constant 0 : index
      %swap3A_314 = tpu.vector_load %arg12[%swap3A_312, %swap3A_313] {strides = array<i32>} : memref<80x16xf32, #tpu.memory_space<vmem>>, vector<16xf32>,
      tpu.vector_store %arg12[%swap3A_312, %swap3A_313], %mul3A_311 {strides = array<i32>} : memref<80x16xf32, #tpu.memory_space<vmem>>, vector<16xf32>,
      %scan3A_315 = arith.constant 0 : i32
      scf.yield %scan3A_315 : i32
    }
    %scan3A_154 = arith.constant 80 : i32
    %dma_start3A_155 = arith.constant 1 : i32
    %dma_start3A_156 = arith.constant 0 : i32
    %dma_start3A_157 = tpu.memref_slice %arg8[%dma_start3A_155, %dma_start3A_156] : memref<125x80xi32, #tpu.memory_space<vmem>> -> memref<1x80xi32, #tpu.memory_space<vmem>>
    %dma_start3A_158 = tpu.memref_squeeze %dma_start3A_157 : memref<1x80xi32, #tpu.memory_space<vmem>> -> memref<80xi32, #tpu.memory_space<vmem>>
    %dma_start3A_159 = arith.constant 0 : i32
    %dma_start3A_160 = arith.constant 0 : i32
    %dma_start3A_161 = tpu.memref_slice %arg14[%dma_start3A_159, %dma_start3A_160] : memref<10240x16xf32, #tpu.memory_space<vmem_shared>> -> memref<10240x16xf32, #tpu.memory_space<vmem_shared>>
    tpu.enqueue_indirect_dma source(%arg12 : memref<80x16xf32, #tpu.memory_space<vmem>>) target(%dma_start3A_161 : memref<10240x16xf32, #tpu.memory_space<vmem_shared>>) offsets(%dma_start3A_158 : memref<80xi32, #tpu.memory_space<vmem>>) semaphore(%arg16 : memref<!tpu.dma_semaphore, #tpu.memory_space<semaphore_mem>>) {add = true}
    %dma_wait3A_162 = arith.constant 1 : i32
    %dma_wait3A_163 = arith.constant 0 : i32
    %dma_wait3A_164 = tpu.memref_slice %arg8[%dma_wait3A_162, %dma_wait3A_163] : memref<125x80xi32, #tpu.memory_space<vmem>> -> memref<1x80xi32, #tpu.memory_space<vmem>>
    %dma_wait3A_165 = tpu.memref_squeeze %dma_wait3A_164 : memref<1x80xi32, #tpu.memory_space<vmem>> -> memref<80xi32, #tpu.memory_space<vmem>>
    %dma_wait3A_166 = arith.constant 0 : i32
    %dma_wait3A_167 = arith.constant 0 : i32
    %dma_wait3A_168 = tpu.memref_slice %arg14[%dma_wait3A_166, %dma_wait3A_167] : memref<10240x16xf32, #tpu.memory_space<vmem_shared>> -> memref<10240x16xf32, #tpu.memory_space<vmem_shared>>
    tpu.wait_indirect_dma semaphore(%arg16 : memref<!tpu.dma_semaphore, #tpu.memory_space<semaphore_mem>>) src(%arg12 : memref<80x16xf32, #tpu.memory_space<vmem>>) dst(%dma_wait3A_168 : memref<10240x16xf32, #tpu.memory_space<vmem_shared>>)
    %add3A_169 = arith.constant 160 : i32
    %add3A_170 = arith.addi %add3A_36, %add3A_169 : i32
    "tpu.region"() ({
      %run_scoped3A = tpu.sem_alloc : memref<!tpu.dma_semaphore, #tpu.memory_space<semaphore_mem>>
      %dma_start3A_306 = arith.constant 0 : i32
      %dma_start3A_307 = tpu.memref_slice %arg2[%add3A_170, %dma_start3A_306] : memref<10240x16xf32, #tpu.memory_space<hbm>> -> memref<80x16xf32, #tpu.memory_space<hbm>>
      %dma_start3A_308 = arith.constant 0 : i32
      %dma_start3A_309 = tpu.memref_slice %arg2[%add3A_170, %dma_start3A_308] : memref<10240x16xf32, #tpu.memory_space<hbm>> -> memref<80x16xf32, #tpu.memory_space<hbm>>
      tpu.enqueue_dma source(%dma_start3A_309 : memref<80x16xf32, #tpu.memory_space<hbm>>) target(%arg12 : memref<80x16xf32, #tpu.memory_space<vmem>>) target_semaphore(%run_scoped3A : memref<!tpu.dma_semaphore, #tpu.memory_space<semaphore_mem>>)
      %dma_wait3A_310 = arith.constant 0 : i32
      %dma_wait3A_311 = tpu.memref_slice %arg2[%add3A_170, %dma_wait3A_310] : memref<10240x16xf32, #tpu.memory_space<hbm>> -> memref<80x16xf32, #tpu.memory_space<hbm>>
      %dma_wait3A_312 = arith.constant 0 : i32
      %dma_wait3A_313 = tpu.memref_slice %arg2[%add3A_170, %dma_wait3A_312] : memref<10240x16xf32, #tpu.memory_space<hbm>> -> memref<80x16xf32, #tpu.memory_space<hbm>>
      tpu.wait_dma2 semaphore(%run_scoped3A : memref<!tpu.dma_semaphore, #tpu.memory_space<semaphore_mem>>) src(%dma_wait3A_313 : memref<80x16xf32, #tpu.memory_space<hbm>>) dst(%arg12 : memref<80x16xf32, #tpu.memory_space<vmem>>)
      tpu.yield
    }) : () -> ()
    %iota3A_171 = tpu.iota {dimensions = array<i32: 0>} : vector<16xi32>
    %add3A_172 = arith.constant 0 : i32
    %add3A_173 = arith.addi %add3A_170, %add3A_172 : i32
    %add3A_174 = vector.broadcast %add3A_173 : i32 to vector<16xi32>
    %add3A_175 = arith.addi %iota3A_171, %add3A_174 : vector<16xi32>
    %swap3A_176 = arith.constant 2 : i32
    %swap3A_177 = arith.index_cast %swap3A_176 : i32 to index
    %swap3A_178 = arith.constant 0 : index
    %swap3A_179 = tpu.vector_load %arg8[%swap3A_177, %swap3A_178] {strides = array<i32>} : memref<125x80xi32, #tpu.memory_space<vmem>>, vector<16xi32>,
    tpu.vector_store %arg8[%swap3A_177, %swap3A_178], %add3A_175 {strides = array<i32>} : memref<125x80xi32, #tpu.memory_space<vmem>>, vector<16xi32>,
    %iota3A_180 = tpu.iota {dimensions = array<i32: 0>} : vector<16xi32>
    %add3A_181 = arith.constant 16 : i32
    %add3A_182 = arith.addi %add3A_170, %add3A_181 : i32
    %add3A_183 = vector.broadcast %add3A_182 : i32 to vector<16xi32>
    %add3A_184 = arith.addi %iota3A_180, %add3A_183 : vector<16xi32>
    %swap3A_185 = arith.constant 2 : i32
    %swap3A_186 = arith.index_cast %swap3A_185 : i32 to index
    %swap3A_187 = arith.constant 16 : index
    %swap3A_188 = tpu.vector_load %arg8[%swap3A_186, %swap3A_187] {strides = array<i32>} : memref<125x80xi32, #tpu.memory_space<vmem>>, vector<16xi32>,
    tpu.vector_store %arg8[%swap3A_186, %swap3A_187], %add3A_184 {strides = array<i32>} : memref<125x80xi32, #tpu.memory_space<vmem>>, vector<16xi32>,
    %iota3A_189 = tpu.iota {dimensions = array<i32: 0>} : vector<16xi32>
    %add3A_190 = arith.constant 32 : i32
    %add3A_191 = arith.addi %add3A_170, %add3A_190 : i32
    %add3A_192 = vector.broadcast %add3A_191 : i32 to vector<16xi32>
    %add3A_193 = arith.addi %iota3A_189, %add3A_192 : vector<16xi32>
    %swap3A_194 = arith.constant 2 : i32
    %swap3A_195 = arith.index_cast %swap3A_194 : i32 to index
    %swap3A_196 = arith.constant 32 : index
    %swap3A_197 = tpu.vector_load %arg8[%swap3A_195, %swap3A_196] {strides = array<i32>} : memref<125x80xi32, #tpu.memory_space<vmem>>, vector<16xi32>,
    tpu.vector_store %arg8[%swap3A_195, %swap3A_196], %add3A_193 {strides = array<i32>} : memref<125x80xi32, #tpu.memory_space<vmem>>, vector<16xi32>,
    %iota3A_198 = tpu.iota {dimensions = array<i32: 0>} : vector<16xi32>
    %add3A_199 = arith.constant 48 : i32
    %add3A_200 = arith.addi %add3A_170, %add3A_199 : i32
    %add3A_201 = vector.broadcast %add3A_200 : i32 to vector<16xi32>
    %add3A_202 = arith.addi %iota3A_198, %add3A_201 : vector<16xi32>
    %swap3A_203 = arith.constant 2 : i32
    %swap3A_204 = arith.index_cast %swap3A_203 : i32 to index
    %swap3A_205 = arith.constant 48 : index
    %swap3A_206 = tpu.vector_load %arg8[%swap3A_204, %swap3A_205] {strides = array<i32>} : memref<125x80xi32, #tpu.memory_space<vmem>>, vector<16xi32>,
    tpu.vector_store %arg8[%swap3A_204, %swap3A_205], %add3A_202 {strides = array<i32>} : memref<125x80xi32, #tpu.memory_space<vmem>>, vector<16xi32>,
    %iota3A_207 = tpu.iota {dimensions = array<i32: 0>} : vector<16xi32>
    %add3A_208 = arith.constant 64 : i32
    %add3A_209 = arith.addi %add3A_170, %add3A_208 : i32
    %add3A_210 = vector.broadcast %add3A_209 : i32 to vector<16xi32>
    %add3A_211 = arith.addi %iota3A_207, %add3A_210 : vector<16xi32>
    %swap3A_212 = arith.constant 2 : i32
    %swap3A_213 = arith.index_cast %swap3A_212 : i32 to index
    %swap3A_214 = arith.constant 64 : index
    %swap3A_215 = tpu.vector_load %arg8[%swap3A_213, %swap3A_214] {strides = array<i32>} : memref<125x80xi32, #tpu.memory_space<vmem>>, vector<16xi32>,
    tpu.vector_store %arg8[%swap3A_213, %swap3A_214], %add3A_211 {strides = array<i32>} : memref<125x80xi32, #tpu.memory_space<vmem>>, vector<16xi32>,
    %scan3A_216 = arith.constant 0 : i32
    %scan3A_217 = arith.constant 0 : i32
    %scan3A_218 = arith.constant 80 : i32
    %scan3A_219 = arith.addi %scan3A_217, %scan3A_218 : i32
    %scan3A_220 = arith.constant 1 : i32
    %scan3A_221 = scf.for %scan3A_306 = %scan3A_217 to %scan3A_219 step %scan3A_220 iter_args(%scan3A_307 = %scan3A_216) -> (i32)  : i32 {
      %add3A_308 = arith.addi %add3A_170, %scan3A_306 : i32
      %broadcast_in_dim3A = vector.broadcast %add3A_308 : i32 to vector<16xi32>
      %gather3A = tpu.vector_load_idx %arg11[%broadcast_in_dim3A] : memref<10240xf32, #tpu.memory_space<vmem>>[vector<16xi32>], vector<16xf32>,
      %get3A = arith.index_cast %scan3A_306 : i32 to index
      %get3A_309 = arith.constant 0 : index
      %get3A_310 = tpu.vector_load %arg12[%get3A, %get3A_309] {strides = array<i32>} : memref<80x16xf32, #tpu.memory_space<vmem>>, vector<16xf32>,
      %mul3A_311 = arith.mulf %get3A_310, %gather3A : vector<16xf32>
      %swap3A_312 = arith.index_cast %scan3A_306 : i32 to index
      %swap3A_313 = arith.constant 0 : index
      %swap3A_314 = tpu.vector_load %arg12[%swap3A_312, %swap3A_313] {strides = array<i32>} : memref<80x16xf32, #tpu.memory_space<vmem>>, vector<16xf32>,
      tpu.vector_store %arg12[%swap3A_312, %swap3A_313], %mul3A_311 {strides = array<i32>} : memref<80x16xf32, #tpu.memory_space<vmem>>, vector<16xf32>,
      %scan3A_315 = arith.constant 0 : i32
      scf.yield %scan3A_315 : i32
    }
    %scan3A_222 = arith.constant 80 : i32
    %dma_start3A_223 = arith.constant 2 : i32
    %dma_start3A_224 = arith.constant 0 : i32
    %dma_start3A_225 = tpu.memref_slice %arg8[%dma_start3A_223, %dma_start3A_224] : memref<125x80xi32, #tpu.memory_space<vmem>> -> memref<1x80xi32, #tpu.memory_space<vmem>>
    %dma_start3A_226 = tpu.memref_squeeze %dma_start3A_225 : memref<1x80xi32, #tpu.memory_space<vmem>> -> memref<80xi32, #tpu.memory_space<vmem>>
    %dma_start3A_227 = arith.constant 0 : i32
    %dma_start3A_228 = arith.constant 0 : i32
    %dma_start3A_229 = tpu.memref_slice %arg14[%dma_start3A_227, %dma_start3A_228] : memref<10240x16xf32, #tpu.memory_space<vmem_shared>> -> memref<10240x16xf32, #tpu.memory_space<vmem_shared>>
    tpu.enqueue_indirect_dma source(%arg12 : memref<80x16xf32, #tpu.memory_space<vmem>>) target(%dma_start3A_229 : memref<10240x16xf32, #tpu.memory_space<vmem_shared>>) offsets(%dma_start3A_226 : memref<80xi32, #tpu.memory_space<vmem>>) semaphore(%arg16 : memref<!tpu.dma_semaphore, #tpu.memory_space<semaphore_mem>>) {add = true}
    %dma_wait3A_230 = arith.constant 2 : i32
    %dma_wait3A_231 = arith.constant 0 : i32
    %dma_wait3A_232 = tpu.memref_slice %arg8[%dma_wait3A_230, %dma_wait3A_231] : memref<125x80xi32, #tpu.memory_space<vmem>> -> memref<1x80xi32, #tpu.memory_space<vmem>>
    %dma_wait3A_233 = tpu.memref_squeeze %dma_wait3A_232 : memref<1x80xi32, #tpu.memory_space<vmem>> -> memref<80xi32, #tpu.memory_space<vmem>>
    %dma_wait3A_234 = arith.constant 0 : i32
    %dma_wait3A_235 = arith.constant 0 : i32
    %dma_wait3A_236 = tpu.memref_slice %arg14[%dma_wait3A_234, %dma_wait3A_235] : memref<10240x16xf32, #tpu.memory_space<vmem_shared>> -> memref<10240x16xf32, #tpu.memory_space<vmem_shared>>
    tpu.wait_indirect_dma semaphore(%arg16 : memref<!tpu.dma_semaphore, #tpu.memory_space<semaphore_mem>>) src(%arg12 : memref<80x16xf32, #tpu.memory_space<vmem>>) dst(%dma_wait3A_236 : memref<10240x16xf32, #tpu.memory_space<vmem_shared>>)
    %add3A_237 = arith.constant 240 : i32
    %add3A_238 = arith.addi %add3A_36, %add3A_237 : i32
    "tpu.region"() ({
      %run_scoped3A = tpu.sem_alloc : memref<!tpu.dma_semaphore, #tpu.memory_space<semaphore_mem>>
      %dma_start3A_306 = arith.constant 0 : i32
      %dma_start3A_307 = tpu.memref_slice %arg2[%add3A_238, %dma_start3A_306] : memref<10240x16xf32, #tpu.memory_space<hbm>> -> memref<80x16xf32, #tpu.memory_space<hbm>>
      %dma_start3A_308 = arith.constant 0 : i32
      %dma_start3A_309 = tpu.memref_slice %arg2[%add3A_238, %dma_start3A_308] : memref<10240x16xf32, #tpu.memory_space<hbm>> -> memref<80x16xf32, #tpu.memory_space<hbm>>
      tpu.enqueue_dma source(%dma_start3A_309 : memref<80x16xf32, #tpu.memory_space<hbm>>) target(%arg12 : memref<80x16xf32, #tpu.memory_space<vmem>>) target_semaphore(%run_scoped3A : memref<!tpu.dma_semaphore, #tpu.memory_space<semaphore_mem>>)
      %dma_wait3A_310 = arith.constant 0 : i32
      %dma_wait3A_311 = tpu.memref_slice %arg2[%add3A_238, %dma_wait3A_310] : memref<10240x16xf32, #tpu.memory_space<hbm>> -> memref<80x16xf32, #tpu.memory_space<hbm>>
      %dma_wait3A_312 = arith.constant 0 : i32
      %dma_wait3A_313 = tpu.memref_slice %arg2[%add3A_238, %dma_wait3A_312] : memref<10240x16xf32, #tpu.memory_space<hbm>> -> memref<80x16xf32, #tpu.memory_space<hbm>>
      tpu.wait_dma2 semaphore(%run_scoped3A : memref<!tpu.dma_semaphore, #tpu.memory_space<semaphore_mem>>) src(%dma_wait3A_313 : memref<80x16xf32, #tpu.memory_space<hbm>>) dst(%arg12 : memref<80x16xf32, #tpu.memory_space<vmem>>)
      tpu.yield
    }) : () -> ()
    %iota3A_239 = tpu.iota {dimensions = array<i32: 0>} : vector<16xi32>
    %add3A_240 = arith.constant 0 : i32
    %add3A_241 = arith.addi %add3A_238, %add3A_240 : i32
    %add3A_242 = vector.broadcast %add3A_241 : i32 to vector<16xi32>
    %add3A_243 = arith.addi %iota3A_239, %add3A_242 : vector<16xi32>
    %swap3A_244 = arith.constant 3 : i32
    %swap3A_245 = arith.index_cast %swap3A_244 : i32 to index
    %swap3A_246 = arith.constant 0 : index
    %swap3A_247 = tpu.vector_load %arg8[%swap3A_245, %swap3A_246] {strides = array<i32>} : memref<125x80xi32, #tpu.memory_space<vmem>>, vector<16xi32>,
    tpu.vector_store %arg8[%swap3A_245, %swap3A_246], %add3A_243 {strides = array<i32>} : memref<125x80xi32, #tpu.memory_space<vmem>>, vector<16xi32>,
    %iota3A_248 = tpu.iota {dimensions = array<i32: 0>} : vector<16xi32>
    %add3A_249 = arith.constant 16 : i32
    %add3A_250 = arith.addi %add3A_238, %add3A_249 : i32
    %add3A_251 = vector.broadcast %add3A_250 : i32 to vector<16xi32>
    %add3A_252 = arith.addi %iota3A_248, %add3A_251 : vector<16xi32>
    %swap3A_253 = arith.constant 3 : i32
    %swap3A_254 = arith.index_cast %swap3A_253 : i32 to index
    %swap3A_255 = arith.constant 16 : index
    %swap3A_256 = tpu.vector_load %arg8[%swap3A_254, %swap3A_255] {strides = array<i32>} : memref<125x80xi32, #tpu.memory_space<vmem>>, vector<16xi32>,
    tpu.vector_store %arg8[%swap3A_254, %swap3A_255], %add3A_252 {strides = array<i32>} : memref<125x80xi32, #tpu.memory_space<vmem>>, vector<16xi32>,
    %iota3A_257 = tpu.iota {dimensions = array<i32: 0>} : vector<16xi32>
    %add3A_258 = arith.constant 32 : i32
    %add3A_259 = arith.addi %add3A_238, %add3A_258 : i32
    %add3A_260 = vector.broadcast %add3A_259 : i32 to vector<16xi32>
    %add3A_261 = arith.addi %iota3A_257, %add3A_260 : vector<16xi32>
    %swap3A_262 = arith.constant 3 : i32
    %swap3A_263 = arith.index_cast %swap3A_262 : i32 to index
    %swap3A_264 = arith.constant 32 : index
    %swap3A_265 = tpu.vector_load %arg8[%swap3A_263, %swap3A_264] {strides = array<i32>} : memref<125x80xi32, #tpu.memory_space<vmem>>, vector<16xi32>,
    tpu.vector_store %arg8[%swap3A_263, %swap3A_264], %add3A_261 {strides = array<i32>} : memref<125x80xi32, #tpu.memory_space<vmem>>, vector<16xi32>,
    %iota3A_266 = tpu.iota {dimensions = array<i32: 0>} : vector<16xi32>
    %add3A_267 = arith.constant 48 : i32
    %add3A_268 = arith.addi %add3A_238, %add3A_267 : i32
    %add3A_269 = vector.broadcast %add3A_268 : i32 to vector<16xi32>
    %add3A_270 = arith.addi %iota3A_266, %add3A_269 : vector<16xi32>
    %swap3A_271 = arith.constant 3 : i32
    %swap3A_272 = arith.index_cast %swap3A_271 : i32 to index
    %swap3A_273 = arith.constant 48 : index
    %swap3A_274 = tpu.vector_load %arg8[%swap3A_272, %swap3A_273] {strides = array<i32>} : memref<125x80xi32, #tpu.memory_space<vmem>>, vector<16xi32>,
    tpu.vector_store %arg8[%swap3A_272, %swap3A_273], %add3A_270 {strides = array<i32>} : memref<125x80xi32, #tpu.memory_space<vmem>>, vector<16xi32>,
    %iota3A_275 = tpu.iota {dimensions = array<i32: 0>} : vector<16xi32>
    %add3A_276 = arith.constant 64 : i32
    %add3A_277 = arith.addi %add3A_238, %add3A_276 : i32
    %add3A_278 = vector.broadcast %add3A_277 : i32 to vector<16xi32>
    %add3A_279 = arith.addi %iota3A_275, %add3A_278 : vector<16xi32>
    %swap3A_280 = arith.constant 3 : i32
    %swap3A_281 = arith.index_cast %swap3A_280 : i32 to index
    %swap3A_282 = arith.constant 64 : index
    %swap3A_283 = tpu.vector_load %arg8[%swap3A_281, %swap3A_282] {strides = array<i32>} : memref<125x80xi32, #tpu.memory_space<vmem>>, vector<16xi32>,
    tpu.vector_store %arg8[%swap3A_281, %swap3A_282], %add3A_279 {strides = array<i32>} : memref<125x80xi32, #tpu.memory_space<vmem>>, vector<16xi32>,
    %scan3A_284 = arith.constant 0 : i32
    %scan3A_285 = arith.constant 0 : i32
    %scan3A_286 = arith.constant 80 : i32
    %scan3A_287 = arith.addi %scan3A_285, %scan3A_286 : i32
    %scan3A_288 = arith.constant 1 : i32
    %scan3A_289 = scf.for %scan3A_306 = %scan3A_285 to %scan3A_287 step %scan3A_288 iter_args(%scan3A_307 = %scan3A_284) -> (i32)  : i32 {
      %add3A_308 = arith.addi %add3A_238, %scan3A_306 : i32
      %broadcast_in_dim3A = vector.broadcast %add3A_308 : i32 to vector<16xi32>
      %gather3A = tpu.vector_load_idx %arg11[%broadcast_in_dim3A] : memref<10240xf32, #tpu.memory_space<vmem>>[vector<16xi32>], vector<16xf32>,
      %get3A = arith.index_cast %scan3A_306 : i32 to index
      %get3A_309 = arith.constant 0 : index
      %get3A_310 = tpu.vector_load %arg12[%get3A, %get3A_309] {strides = array<i32>} : memref<80x16xf32, #tpu.memory_space<vmem>>, vector<16xf32>,
      %mul3A_311 = arith.mulf %get3A_310, %gather3A : vector<16xf32>
      %swap3A_312 = arith.index_cast %scan3A_306 : i32 to index
      %swap3A_313 = arith.constant 0 : index
      %swap3A_314 = tpu.vector_load %arg12[%swap3A_312, %swap3A_313] {strides = array<i32>} : memref<80x16xf32, #tpu.memory_space<vmem>>, vector<16xf32>,
      tpu.vector_store %arg12[%swap3A_312, %swap3A_313], %mul3A_311 {strides = array<i32>} : memref<80x16xf32, #tpu.memory_space<vmem>>, vector<16xf32>,
      %scan3A_315 = arith.constant 0 : i32
      scf.yield %scan3A_315 : i32
    }
    %scan3A_290 = arith.constant 80 : i32
    %dma_start3A_291 = arith.constant 3 : i32
    %dma_start3A_292 = arith.constant 0 : i32
    %dma_start3A_293 = tpu.memref_slice %arg8[%dma_start3A_291, %dma_start3A_292] : memref<125x80xi32, #tpu.memory_space<vmem>> -> memref<1x80xi32, #tpu.memory_space<vmem>>
    %dma_start3A_294 = tpu.memref_squeeze %dma_start3A_293 : memref<1x80xi32, #tpu.memory_space<vmem>> -> memref<80xi32, #tpu.memory_space<vmem>>
    %dma_start3A_295 = arith.constant 0 : i32
    %dma_start3A_296 = arith.constant 0 : i32
    %dma_start3A_297 = tpu.memref_slice %arg14[%dma_start3A_295, %dma_start3A_296] : memref<10240x16xf32, #tpu.memory_space<vmem_shared>> -> memref<10240x16xf32, #tpu.memory_space<vmem_shared>>
    tpu.enqueue_indirect_dma source(%arg12 : memref<80x16xf32, #tpu.memory_space<vmem>>) target(%dma_start3A_297 : memref<10240x16xf32, #tpu.memory_space<vmem_shared>>) offsets(%dma_start3A_294 : memref<80xi32, #tpu.memory_space<vmem>>) semaphore(%arg16 : memref<!tpu.dma_semaphore, #tpu.memory_space<semaphore_mem>>) {add = true}
    %dma_wait3A_298 = arith.constant 3 : i32
    %dma_wait3A_299 = arith.constant 0 : i32
    %dma_wait3A_300 = tpu.memref_slice %arg8[%dma_wait3A_298, %dma_wait3A_299] : memref<125x80xi32, #tpu.memory_space<vmem>> -> memref<1x80xi32, #tpu.memory_space<vmem>>
    %dma_wait3A_301 = tpu.memref_squeeze %dma_wait3A_300 : memref<1x80xi32, #tpu.memory_space<vmem>> -> memref<80xi32, #tpu.memory_space<vmem>>
    %dma_wait3A_302 = arith.constant 0 : i32
    %dma_wait3A_303 = arith.constant 0 : i32
    %dma_wait3A_304 = tpu.memref_slice %arg14[%dma_wait3A_302, %dma_wait3A_303] : memref<10240x16xf32, #tpu.memory_space<vmem_shared>> -> memref<10240x16xf32, #tpu.memory_space<vmem_shared>>
    tpu.wait_indirect_dma semaphore(%arg16 : memref<!tpu.dma_semaphore, #tpu.memory_space<semaphore_mem>>) src(%arg12 : memref<80x16xf32, #tpu.memory_space<vmem>>) dst(%dma_wait3A_304 : memref<10240x16xf32, #tpu.memory_space<vmem_shared>>)
    %barrier3A_305 = arith.constant 0 : index
    tpu.barrier barrier_id(%barrier3A_305)
    "tpu.region"() ({
      %run_scoped3A = tpu.sem_alloc : memref<!tpu.dma_semaphore, #tpu.memory_space<semaphore_mem>>
      %dma_start3A_306 = arith.constant 0 : i32
      %dma_start3A_307 = tpu.memref_slice %arg7[%arg0, %mul3A_2, %dma_start3A_306] : memref<2x10240x16xf32, #tpu.memory_space<hbm>> -> memref<1x640x16xf32, #tpu.memory_space<hbm>>
      %dma_start3A_308 = tpu.memref_squeeze %dma_start3A_307 : memref<1x640x16xf32, #tpu.memory_space<hbm>> -> memref<640x16xf32, #tpu.memory_space<hbm>>
      %dma_start3A_309 = arith.constant 0 : i32
      %dma_start3A_310 = tpu.memref_slice %arg14[%mul3A_2, %dma_start3A_309] : memref<10240x16xf32, #tpu.memory_space<vmem_shared>> -> memref<640x16xf32, #tpu.memory_space<vmem_shared>>
      tpu.enqueue_dma source(%dma_start3A_310 : memref<640x16xf32, #tpu.memory_space<vmem_shared>>) target(%dma_start3A_308 : memref<640x16xf32, #tpu.memory_space<hbm>>) target_semaphore(%run_scoped3A : memref<!tpu.dma_semaphore, #tpu.memory_space<semaphore_mem>>)
      %dma_wait3A_311 = arith.constant 0 : i32
      %dma_wait3A_312 = tpu.memref_slice %arg7[%arg0, %mul3A_2, %dma_wait3A_311] : memref<2x10240x16xf32, #tpu.memory_space<hbm>> -> memref<1x640x16xf32, #tpu.memory_space<hbm>>
      %dma_wait3A_313 = tpu.memref_squeeze %dma_wait3A_312 : memref<1x640x16xf32, #tpu.memory_space<hbm>> -> memref<640x16xf32, #tpu.memory_space<hbm>>
      %dma_wait3A_314 = arith.constant 0 : i32
      %dma_wait3A_315 = tpu.memref_slice %arg14[%mul3A_2, %dma_wait3A_314] : memref<10240x16xf32, #tpu.memory_space<vmem_shared>> -> memref<640x16xf32, #tpu.memory_space<vmem_shared>>
      tpu.wait_dma2 semaphore(%run_scoped3A : memref<!tpu.dma_semaphore, #tpu.memory_space<semaphore_mem>>) src(%dma_wait3A_315 : memref<640x16xf32, #tpu.memory_space<vmem_shared>>) dst(%dma_wait3A_313 : memref<640x16xf32, #tpu.memory_space<hbm>>)
      tpu.yield
    }) : () -> ()
    return
  }
}

module attributes {stable_mosaic.version = 14 : i64} {
  func.func @_mm_body(%arg0: i32, %arg1: memref<512x128xf32, #tpu.memory_space<vmem>>, %arg2: memref<128x128xf32, #tpu.memory_space<vmem>>, %arg3: memref<512x64xf32, #tpu.memory_space<vmem>>, %arg4: memref<512x64xf32, #tpu.memory_space<vmem>>) attributes {dimension_semantics = [#tpu.dimension_semantics<arbitrary>], iteration_bounds = array<i64: 20>, scalar_prefetch = 0 : i64, scratch_operands = 0 : i64, tpu.core_type = #tpu.core_type<tc>, window_params = [{transform_indices = @transform_0, window_bounds = array<i64: 512, 128>}, {pipeline_mode = #tpu.pipeline_mode<synchronous>, transform_indices = @transform_1, window_bounds = array<i64: 128, 128>}, {transform_indices = @transform_2, window_bounds = array<i64: 512, 64>}, {transform_indices = @transform_3, window_bounds = array<i64: 512, 64>}]} {
    %get3A = arith.constant 0 : index
    %get3A_0 = arith.constant 0 : index
    %get3A_1 = vector.load %arg1[%get3A, %get3A_0] : memref<512x128xf32, #tpu.memory_space<vmem>>, vector<512x128xf32>
    %get3A_2 = arith.constant 0 : index
    %get3A_3 = arith.constant 0 : index
    %get3A_4 = vector.load %arg2[%get3A_2, %get3A_3] : memref<128x128xf32, #tpu.memory_space<vmem>>, vector<128x128xf32>
    %dot_general3A = arith.constant dense<0.000000e+00> : vector<512x128xf32>
    %dot_general3A_5 = tpu.matmul %get3A_1, %get3A_4, %dot_general3A {dimension_numbers = #tpu.dot_dimension_numbers<[1], [0], [0], [1], [0, 0, 1, 1], [], []>, transpose_lhs_hint = false} : vector<512x128xf32>, vector<128x128xf32>, vector<512x128xf32> -> vector<512x128xf32>
    %slice3A = vector.extract_strided_slice %dot_general3A_5 {offsets = [0, 0], sizes = [512, 64], strides = [1, 1]} : vector<512x128xf32> to vector<512x64xf32>
    %swap3A = arith.constant 0 : index
    %swap3A_6 = arith.constant 0 : index
    %swap3A_7 = vector.load %arg3[%swap3A, %swap3A_6] : memref<512x64xf32, #tpu.memory_space<vmem>>, vector<512x64xf32>
    tpu.vector_store %arg3[%swap3A, %swap3A_6], %slice3A {strides = array<i32>} : memref<512x64xf32, #tpu.memory_space<vmem>>, vector<512x64xf32>,
    %slice3A_8 = vector.extract_strided_slice %dot_general3A_5 {offsets = [0, 64], sizes = [512, 64], strides = [1, 1]} : vector<512x128xf32> to vector<512x64xf32>
    %swap3A_9 = arith.constant 0 : index
    %swap3A_10 = arith.constant 0 : index
    %swap3A_11 = vector.load %arg4[%swap3A_9, %swap3A_10] : memref<512x64xf32, #tpu.memory_space<vmem>>, vector<512x64xf32>
    tpu.vector_store %arg4[%swap3A_9, %swap3A_10], %slice3A_8 {strides = array<i32>} : memref<512x64xf32, #tpu.memory_space<vmem>>, vector<512x64xf32>,
    return
  }
  func.func @transform_0(%arg0: i32) -> (i32, i32) {
    %c0_i32 = arith.constant 0 : i32
    %c0_i32_0 = arith.constant 0 : i32
    return %arg0, %c0_i32 : i32, i32
  }
  func.func @transform_1(%arg0: i32) -> (i32, i32) {
    %c0_i32 = arith.constant 0 : i32
    %c0_i32_0 = arith.constant 0 : i32
    %c0_i32_1 = arith.constant 0 : i32
    return %c0_i32, %c0_i32_0 : i32, i32
  }
  func.func @transform_2(%arg0: i32) -> (i32, i32) {
    %c0_i32 = arith.constant 0 : i32
    %c0_i32_0 = arith.constant 0 : i32
    return %arg0, %c0_i32 : i32, i32
  }
  func.func @transform_3(%arg0: i32) -> (i32, i32) {
    %c0_i32 = arith.constant 0 : i32
    %c0_i32_0 = arith.constant 0 : i32
    return %arg0, %c0_i32 : i32, i32
  }
}

module attributes {stable_mosaic.version = 14 : i64} {
  func.func @_relu_mm_body(%arg0: i32, %arg1: memref<2x2x512x64xf32, #tpu.memory_space<vmem>>, %arg2: memref<1x128xf32, #tpu.memory_space<vmem>>, %arg3: memref<128x16xf32, #tpu.memory_space<vmem>>, %arg4: memref<512x16xf32, #tpu.memory_space<vmem>>) attributes {dimension_semantics = [#tpu.dimension_semantics<arbitrary>], iteration_bounds = array<i64: 20>, scalar_prefetch = 0 : i64, scratch_operands = 0 : i64, tpu.core_type = #tpu.core_type<tc>, window_params = [{transform_indices = @transform_0, window_bounds = array<i64: 2, 2, 512, 64>}, {pipeline_mode = #tpu.pipeline_mode<synchronous>, transform_indices = @transform_1, window_bounds = array<i64: 1, 128>}, {pipeline_mode = #tpu.pipeline_mode<synchronous>, transform_indices = @transform_2, window_bounds = array<i64: 128, 16>}, {transform_indices = @transform_3, window_bounds = array<i64: 512, 16>}]} {
    %get3A = arith.constant 0 : index
    %get3A_0 = arith.constant 0 : index
    %get3A_1 = arith.constant 0 : index
    %get3A_2 = arith.constant 0 : index
    %get3A_3 = vector.load %arg1[%get3A, %get3A_0, %get3A_1, %get3A_2] : memref<2x2x512x64xf32, #tpu.memory_space<vmem>>, vector<1x1x512x64xf32>
    %get3A_4 = vector.shape_cast %get3A_3 : vector<1x1x512x64xf32> to vector<512x64xf32>
    %get3A_5 = arith.constant 1 : index
    %get3A_6 = arith.constant 0 : index
    %get3A_7 = arith.constant 0 : index
    %get3A_8 = arith.constant 0 : index
    %get3A_9 = vector.load %arg1[%get3A_5, %get3A_6, %get3A_7, %get3A_8] : memref<2x2x512x64xf32, #tpu.memory_space<vmem>>, vector<1x1x512x64xf32>
    %get3A_10 = vector.shape_cast %get3A_9 : vector<1x1x512x64xf32> to vector<512x64xf32>
    %add3A = arith.addf %get3A_4, %get3A_10 : vector<512x64xf32>
    %get3A_11 = arith.constant 0 : index
    %get3A_12 = arith.constant 0 : index
    %get3A_13 = vector.load %arg2[%get3A_11, %get3A_12] : memref<1x128xf32, #tpu.memory_space<vmem>>, vector<1x64xf32>
    %add3A_14 = vector.broadcast %get3A_13 : vector<1x64xf32> to vector<512x64xf32>
    %add3A_15 = arith.addf %add3A, %add3A_14 : vector<512x64xf32>
    %max3A = arith.constant 0.000000e+00 : f32
    %max3A_16 = vector.broadcast %max3A : f32 to vector<512x64xf32>
    %max3A_17 = arith.maximumf %add3A_15, %max3A_16 : vector<512x64xf32>
    %get3A_18 = arith.constant 0 : index
    %get3A_19 = arith.constant 1 : index
    %get3A_20 = arith.constant 0 : index
    %get3A_21 = arith.constant 0 : index
    %get3A_22 = vector.load %arg1[%get3A_18, %get3A_19, %get3A_20, %get3A_21] : memref<2x2x512x64xf32, #tpu.memory_space<vmem>>, vector<1x1x512x64xf32>
    %get3A_23 = vector.shape_cast %get3A_22 : vector<1x1x512x64xf32> to vector<512x64xf32>
    %get3A_24 = arith.constant 1 : index
    %get3A_25 = arith.constant 1 : index
    %get3A_26 = arith.constant 0 : index
    %get3A_27 = arith.constant 0 : index
    %get3A_28 = vector.load %arg1[%get3A_24, %get3A_25, %get3A_26, %get3A_27] : memref<2x2x512x64xf32, #tpu.memory_space<vmem>>, vector<1x1x512x64xf32>
    %get3A_29 = vector.shape_cast %get3A_28 : vector<1x1x512x64xf32> to vector<512x64xf32>
    %add3A_30 = arith.addf %get3A_23, %get3A_29 : vector<512x64xf32>
    %get3A_31 = arith.constant 0 : index
    %get3A_32 = arith.constant 64 : index
    %get3A_33 = vector.load %arg2[%get3A_31, %get3A_32] : memref<1x128xf32, #tpu.memory_space<vmem>>, vector<1x64xf32>
    %add3A_34 = vector.broadcast %get3A_33 : vector<1x64xf32> to vector<512x64xf32>
    %add3A_35 = arith.addf %add3A_30, %add3A_34 : vector<512x64xf32>
    %max3A_36 = arith.constant 0.000000e+00 : f32
    %max3A_37 = vector.broadcast %max3A_36 : f32 to vector<512x64xf32>
    %max3A_38 = arith.maximumf %add3A_35, %max3A_37 : vector<512x64xf32>
    %get3A_39 = arith.constant 0 : index
    %get3A_40 = arith.constant 0 : index
    %get3A_41 = vector.load %arg3[%get3A_39, %get3A_40] : memref<128x16xf32, #tpu.memory_space<vmem>>, vector<64x16xf32>
    %dot_general3A = arith.constant dense<0.000000e+00> : vector<512x16xf32>
    %dot_general3A_42 = tpu.matmul %max3A_17, %get3A_41, %dot_general3A {dimension_numbers = #tpu.dot_dimension_numbers<[1], [0], [0], [1], [0, 0, 1, 1], [], []>, transpose_lhs_hint = false} : vector<512x64xf32>, vector<64x16xf32>, vector<512x16xf32> -> vector<512x16xf32>
    %get3A_43 = arith.constant 64 : index
    %get3A_44 = arith.constant 0 : index
    %get3A_45 = vector.load %arg3[%get3A_43, %get3A_44] : memref<128x16xf32, #tpu.memory_space<vmem>>, vector<64x16xf32>
    %dot_general3A_46 = arith.constant dense<0.000000e+00> : vector<512x16xf32>
    %dot_general3A_47 = tpu.matmul %max3A_38, %get3A_45, %dot_general3A_46 {dimension_numbers = #tpu.dot_dimension_numbers<[1], [0], [0], [1], [0, 0, 1, 1], [], []>, transpose_lhs_hint = false} : vector<512x64xf32>, vector<64x16xf32>, vector<512x16xf32> -> vector<512x16xf32>
    %add3A_48 = arith.addf %dot_general3A_42, %dot_general3A_47 : vector<512x16xf32>
    %swap3A = arith.constant 0 : index
    %swap3A_49 = arith.constant 0 : index
    %swap3A_50 = vector.load %arg4[%swap3A, %swap3A_49] : memref<512x16xf32, #tpu.memory_space<vmem>>, vector<512x16xf32>
    tpu.vector_store %arg4[%swap3A, %swap3A_49], %add3A_48 {strides = array<i32>} : memref<512x16xf32, #tpu.memory_space<vmem>>, vector<512x16xf32>,
    return
  }
  func.func @transform_0(%arg0: i32) -> (i32, i32, i32, i32) {
    %c0_i32 = arith.constant 0 : i32
    %c0_i32_0 = arith.constant 0 : i32
    %c0_i32_1 = arith.constant 0 : i32
    %c0_i32_2 = arith.constant 0 : i32
    return %c0_i32, %c0_i32_0, %arg0, %c0_i32_1 : i32, i32, i32, i32
  }
  func.func @transform_1(%arg0: i32) -> (i32, i32) {
    %c0_i32 = arith.constant 0 : i32
    %c0_i32_0 = arith.constant 0 : i32
    %c0_i32_1 = arith.constant 0 : i32
    return %c0_i32, %c0_i32_0 : i32, i32
  }
  func.func @transform_2(%arg0: i32) -> (i32, i32) {
    %c0_i32 = arith.constant 0 : i32
    %c0_i32_0 = arith.constant 0 : i32
    %c0_i32_1 = arith.constant 0 : i32
    return %c0_i32, %c0_i32_0 : i32, i32
  }
  func.func @transform_3(%arg0: i32) -> (i32, i32) {
    %c0_i32 = arith.constant 0 : i32
    %c0_i32_0 = arith.constant 0 : i32
    return %arg0, %c0_i32 : i32, i32
  }
}

module attributes {stable_mosaic.version = 14 : i64} {
  func.func @_sum_body(%arg0: i32, %arg1: memref<2x512x16xf32, #tpu.memory_space<vmem>>, %arg2: memref<1x16xf32, #tpu.memory_space<vmem>>, %arg3: memref<512x16xf32, #tpu.memory_space<vmem>>) attributes {dimension_semantics = [#tpu.dimension_semantics<arbitrary>], iteration_bounds = array<i64: 20>, scalar_prefetch = 0 : i64, scratch_operands = 0 : i64, tpu.core_type = #tpu.core_type<tc>, window_params = [{transform_indices = @transform_0, window_bounds = array<i64: 2, 512, 16>}, {pipeline_mode = #tpu.pipeline_mode<synchronous>, transform_indices = @transform_1, window_bounds = array<i64: 1, 16>}, {transform_indices = @transform_2, window_bounds = array<i64: 512, 16>}]} {
    %get3A = arith.constant 0 : index
    %get3A_0 = arith.constant 0 : index
    %get3A_1 = arith.constant 0 : index
    %get3A_2 = vector.load %arg1[%get3A, %get3A_0, %get3A_1] : memref<2x512x16xf32, #tpu.memory_space<vmem>>, vector<1x512x16xf32>
    %get3A_3 = vector.shape_cast %get3A_2 : vector<1x512x16xf32> to vector<512x16xf32>
    %get3A_4 = arith.constant 1 : index
    %get3A_5 = arith.constant 0 : index
    %get3A_6 = arith.constant 0 : index
    %get3A_7 = vector.load %arg1[%get3A_4, %get3A_5, %get3A_6] : memref<2x512x16xf32, #tpu.memory_space<vmem>>, vector<1x512x16xf32>
    %get3A_8 = vector.shape_cast %get3A_7 : vector<1x512x16xf32> to vector<512x16xf32>
    %add3A = arith.addf %get3A_3, %get3A_8 : vector<512x16xf32>
    %get3A_9 = arith.constant 0 : index
    %get3A_10 = arith.constant 0 : index
    %get3A_11 = vector.load %arg2[%get3A_9, %get3A_10] : memref<1x16xf32, #tpu.memory_space<vmem>>, vector<1x16xf32>
    %add3A_12 = vector.broadcast %get3A_11 : vector<1x16xf32> to vector<512x16xf32>
    %add3A_13 = arith.addf %add3A, %add3A_12 : vector<512x16xf32>
    %swap3A = arith.constant 0 : index
    %swap3A_14 = arith.constant 0 : index
    %swap3A_15 = vector.load %arg3[%swap3A, %swap3A_14] : memref<512x16xf32, #tpu.memory_space<vmem>>, vector<512x16xf32>
    tpu.vector_store %arg3[%swap3A, %swap3A_14], %add3A_13 {strides = array<i32>} : memref<512x16xf32, #tpu.memory_space<vmem>>, vector<512x16xf32>,
    return
  }
  func.func @transform_0(%arg0: i32) -> (i32, i32, i32) {
    %c0_i32 = arith.constant 0 : i32
    %c0_i32_0 = arith.constant 0 : i32
    %c0_i32_1 = arith.constant 0 : i32
    return %c0_i32, %arg0, %c0_i32_0 : i32, i32, i32
  }
  func.func @transform_1(%arg0: i32) -> (i32, i32) {
    %c0_i32 = arith.constant 0 : i32
    %c0_i32_0 = arith.constant 0 : i32
    %c0_i32_1 = arith.constant 0 : i32
    return %c0_i32, %c0_i32_0 : i32, i32
  }
  func.func @transform_2(%arg0: i32) -> (i32, i32) {
    %c0_i32 = arith.constant 0 : i32
    %c0_i32_0 = arith.constant 0 : i32
    return %arg0, %c0_i32 : i32, i32
  }
}

</mosaic_0001>

<sc_bundles>
// kernel: kernel.10.cloned.1.call-start
scs
__scs_entry_jumppad:
0x0: {  	(pc) =	sbr.rel $0x88, $3  }
0x1: {  	(tag) =	ssettag $0x0;
	lr =	simm.s32 $0x1  }
0x2: {  	[smem:$0x3F9A] =	sst lr;
	_ =	strace $0xD0000000  }
0x3: {  	_ = 	snop  }
0x4: {  	_ = 	snop  }
0x5: {  	_ = 	snop  }
0x6: {  	_ = 	snop  }
0x7: {  	_ = 	snop  }
__scs_overlays_trampoline_lowered:
0x8: {  	[smem:$0x3FA9] =	sst s0  }
0x9: {  	[smem:$0x3FAA] =	sst s1  }
0xa: {  	[smem:$0x3FAB] =	sst s2  }
0xb: {  	[smem:$0x3FAC] =	sst s3  }
0xc: {  	[smem:$0x3FAD] =	sst s4  }
0xd: {  	[smem:$0x3FAE] =	sst s5  }
0xe: {  	[smem:$0x3FAF] =	sst s6  }
0xf: {  	[smem:$0x3FB0] =	sst s7  }
0x10: {  	[smem:$0x3FB1] =	sst s8  }
0x11: {  	[smem:$0x3FB2] =	sst s9;
	s0 =	simm.s32 @!p0 $0x0  }
0x12: {  	s1 =	sld [smem:$0x3F98];
	s0 =	simm.s32 @p0 $0x1  }
0x13: {  	[smem:$0x3FB3] =	sst s0;
	s0 =	simm.s32 @!p1 $0x0  }
0x14: {  	s2 =	sld [smem:$0x3F97];
	s0 =	simm.s32 @p1 $0x1  }
0x15: {  	[smem:$0x3FB4] =	sst s0;
	s0 =	simm.s32 @!p2 $0x0  }
0x16: {  	s3 =	sld [smem:$0x3FDB];
	s0 =	simm.s32 @p2 $0x1  }
0x17: {  	s4 =	simm.s32 $0x1BF5;
	[smem:$0x3FB6] =	sst s0  }
0x18: {  	s0 =	sld [smem:$0x3F99];
	_ =	swait.ge [sflag:s4], $0x0  }
0x19: {  	s7 =	sld [smem:$0x3F9A]  }
0x1a: {  	s8 =	sadd.s32 $0xFFFFE003, lr  }
0x1b: {  	s9 =	sadd.s32 $0xFFFFFEF7, lr;
	s5 =	simm.s32 $0xFFFFFFFF;
	p2 =	slt.u32 s8, $0xFFFFF086  }
0x1c: {  	p1 =	slt.u32 s9, $0xF7A;
	s5 =	simm.s32 @!p2 $0x0  }
0x1d: {  	s5 =	simm.s32 @p1 $0x1;
	p0 =	seq.s32 s7, s2  }
0x1e: {  	s7 =	smul.u32 @!p0 $0xF7A, s2;
	p2 =	seq.s32 @!p0 s5, $0x0  }
0x1f: {  	s9 =	smul.u32 $0xF7A, s1;
	s8 =	simm.s32 @!p0 $0x1BF5;
	p2 =	por !p2, p0  }
0x20: {  	[sflag:s8] =	ssyncset.s32 @!p0 $0xFFFFF086;
	s6 =	sadd.s32 @!p0 s3, s7;
	s7 =	simm.s32 @!p0 $0x108  }
0x21: {  	s3 =	sadd.s32 s3, s9;
	s6 =	sadd.s32 @!p0 $0x88, s6;
	s7 =	simm.s32 @p2 $0x1082  }
0x22: {  	[simem:s7], [sflag:s8] =	dma.local @!p0 [hbm:s6], $0xF7A  }
0x23: {  	s9 =	sor.u32 $0xD0000000, s2;
	s6 =	simm.s32 $0x108;
	_ =	swait.ge @!p0 [sflag:s8], $0x0  }
0x24: {  	s3 =	sadd.s32 $0x88, s3;
	s6 =	simm.s32 @!p1 $0x1082;
	[sflag:s4] =	ssyncset.s32 $0xFFFFF086  }
0x25: {  	[simem:s6], [sflag:s4] =	dma.local [hbm:s3], $0xF7A  }
0x26: {  	[smem:$0x3F9A] =	sst s1;
	(tag) =	ssettag s2;
	_ =	strace s9  }
0x27: {  	s1 =	sld [smem:$0x3FAA]  }
0x28: {  	s2 =	sld [smem:$0x3FAB]  }
0x29: {  	s4 =	sld [smem:$0x3FAD]  }
0x2a: {  	p0 =	seq.s32 s5, $0x0;
	s5 =	sld [smem:$0x3FAE]  }
0x2b: {  	s6 =	sld [smem:$0x3FAF]  }
0x2c: {  	s7 =	sld [smem:$0x3FB0]  }
0x2d: {  	s3 =	simm.s32 $0x108;
	s8 =	sld [smem:$0x3FB1]  }
0x2e: {  	s3 =	simm.s32 @!p0 $0x1082;
	s9 =	sld [smem:$0x3FB2]  }
0x2f: {  	lr =	sadd.s32 s0, s3;
	s0 =	sld [smem:$0x3FA9]  }
0x30: {  	s3 =	sld [smem:$0x3FAC]  }
0x31: {  	[smem:$0x3FB5] =	sst s10  }
0x32: {  	s10 =	sld [smem:$0x3FB3];
	_ =	sdelay $0x3  }
0x33: {  	p0 =	seq.s32 s10, $0x1;
	s10 =	sld [smem:$0x3FB5];
	_ =	sdelay $0x3  }
0x34: {  	[smem:$0x3FB5] =	sst s10  }
0x35: {  	s10 =	sld [smem:$0x3FB4];
	_ =	sdelay $0x3  }
0x36: {  	p1 =	seq.s32 s10, $0x1;
	s10 =	sld [smem:$0x3FB5];
	_ =	sdelay $0x3  }
0x37: {  	[smem:$0x3FB5] =	sst s10  }
0x38: {  	s10 =	sld [smem:$0x3FB6]  }
0x39: {  	_ = 	snop;
	(pc) =	sbr.ind lr, $3  }
0x3a: {  	_ = 	snop  }
0x3b: {  	_ = 	snop  }
0x3c: {  	p2 =	seq.s32 s10, $0x1;
	s10 =	sld [smem:$0x3FB5]  }
0x3d: {  	_ =	shalt  }
0x3e: {  	_ =	shalt  }
0x3f: {  	_ =	shalt  }
0x40: {  	_ =	shalt  }
0x41: {  	_ =	shalt  }
0x42: {  	_ =	shalt  }
0x43: {  	_ =	shalt  }
0x44: {  	_ =	shalt  }
0x45: {  	_ =	shalt  }
0x46: {  	_ =	shalt  }
0x47: {  	_ =	shalt  }
0x48: {  	_ =	shalt  }
0x49: {  	_ =	shalt  }
0x4a: {  	_ =	shalt  }
0x4b: {  	_ =	shalt  }
0x4c: {  	_ =	shalt  }
0x4d: {  	_ =	shalt  }
0x4e: {  	_ =	shalt  }
0x4f: {  	_ =	shalt  }
0x50: {  	_ =	shalt  }
0x51: {  	_ =	shalt  }
0x52: {  	_ =	shalt  }
0x53: {  	_ =	shalt  }
0x54: {  	_ =	shalt  }
0x55: {  	_ =	shalt  }
0x56: {  	_ =	shalt  }
0x57: {  	_ =	shalt  }
0x58: {  	_ =	shalt  }
0x59: {  	_ =	shalt  }
0x5a: {  	_ =	shalt  }
0x5b: {  	_ =	shalt  }
0x5c: {  	_ =	shalt  }
0x5d: {  	_ =	shalt  }
0x5e: {  	_ =	shalt  }
0x5f: {  	_ =	shalt  }
0x60: {  	_ =	shalt  }
0x61: {  	_ =	shalt  }
0x62: {  	_ =	shalt  }
0x63: {  	_ =	shalt  }
0x64: {  	_ =	shalt  }
0x65: {  	_ =	shalt  }
0x66: {  	_ =	shalt  }
0x67: {  	_ =	shalt  }
0x68: {  	_ =	shalt  }
0x69: {  	_ =	shalt  }
0x6a: {  	_ =	shalt  }
0x6b: {  	_ =	shalt  }
0x6c: {  	_ =	shalt  }
0x6d: {  	_ =	shalt  }
0x6e: {  	_ =	shalt  }
0x6f: {  	_ =	shalt  }
0x70: {  	_ =	shalt  }
0x71: {  	_ =	shalt  }
0x72: {  	_ =	shalt  }
0x73: {  	_ =	shalt  }
0x74: {  	_ =	shalt  }
0x75: {  	_ =	shalt  }
0x76: {  	_ =	shalt  }
0x77: {  	_ =	shalt  }
0x78: {  	_ =	shalt  }
0x79: {  	_ =	shalt  }
0x7a: {  	_ =	shalt  }
0x7b: {  	_ =	shalt  }
0x7c: {  	_ =	shalt  }
0x7d: {  	_ =	shalt  }
0x7e: {  	_ =	shalt  }
0x7f: {  	_ =	shalt  }
0x80: {  	_ =	shalt  }
0x81: {  	_ =	shalt  }
0x82: {  	_ =	shalt  }
0x83: {  	_ =	shalt  }
0x84: {  	_ =	shalt  }
0x85: {  	_ =	shalt  }
0x86: {  	_ =	shalt  }
0x87: {  	_ =	shalt  }
.Lfunc_end0:
.L_simem_size_0:
called_computation.1_lowered:
.L_overlay_start_0:
0x88: {  	s2 =	sld [smem:$0x3FD9]  }
0x89: {  	s3 =	sld [smem:$0x3FFE];
	_ =	sdelay $0x1  }
0x8a: {  	s1 =	srdreg.scid  }
0x8b: {  	s0 =	sand.u32 $0x1, s1  }
0x8c: {  	s17 =	sshll.u32 s0, $0xA;
	s2 =	sadd.s32 s3, s2  }
0x8d: {  	s2 =	sadd.s32 s2, s17  }
0x8e: {  	[smem:$0x3FC1] =	sst s2  }
0x8f: {  	_ = 	snop  }
0x90: {  	s2 =	sld [smem:$0x3FD0];
	(tm) =	ssettm $0x1  }
0x91: {  	s18 =	sld [smem:$0x3FFB];
	_ =	sdelay $0x3  }
0x92: {  	_ =	strace s18  }
0x93: {  	s3 =	sld [smem:$0x3FFC];
	_ =	sdelay $0x3  }
0x94: {  	_ =	strace s3  }
0x95: {  	s3 =	sld [smem:$0x3FFD];
	_ =	sdelay $0x3  }
0x96: {  	_ =	strace s3  }
0x97: {  	_ =	strace $0x8FFFFFFF  }
0x98: {  	s19 =	sld [smem:$0x3FDB];
	_ =	sdelay $0x1  }
0x99: {  	s4 =	simm.s32 $_scs_section_size  }
0x9a: {  	s5 =	simm.s32 $_size__tile_overlayer_lowered;
	s6 =	simm.s32 $_tile_overlayer_lowered  }
0x9b: {  	s22 =	simm.s32 $0x1BFF;
	s21 =	sshll.u32 s6, $0x1;
	s3 =	sadd.s32 s4, s19  }
0x9c: {  	s7 =	simm.s32 $0x0;
	s20 =	sshll.u32 s5, $0x1;
	s5 =	sadd.s32 s21, s3  }
0x9d: {  	[timem:s7], [sflag:s22] =	dma.local [hbm:s5], s20  }
0x9e: {  	_ =	swait.ge [sflag:s22], s20  }
0x9f: {  	s4 =	ssub.s32 $0x0, s20;
	[sflag:s22] =	ssyncset.done $0x0  }
0xa0: {  	[sflag:s22] =	ssyncadd.s32 s4;
	_ =	sdelay $0x1  }
0xa1: {  	s23 =	simm.s32 $0x1B8B  }
0xa2: {  	_ =	swait.ge [sflag:s23], $0x1  }
0xa3: {  	[sflag:s23] =	ssyncset.done $0x0  }
0xa4: {  	s25 =	simm.s32 $0x1B8E;
	s24 =	sld [smem:$0x3FFE];
	[sflag:s23] =	ssyncadd.s32 $0xFFFFFFFF  }
0xa5: {  	s26 =	simm.s32 $execute0_lowered;
	[smem:$0x3FD2] =	sst s25  }
0xa6: {  	s5 =	sshll.u32 s26, $0x1;
	_ =	strace $0x80000049;
	[dreg:$0x1] =	wrdreg $0xFFFFFFFF  }
0xa7: {  	s28 =	simm.s32 $_size_execute0_lowered;
	s3 =	sadd.s32 s3, s5;
	[dreg:$0x0] =	wrdreg $0x0  }
0xa8: {  	s5 =	sshll.u32 s28, $0x1;
	[dreg:$0x2] =	wrdreg s3  }
0xa9: {  	[dreg:$0x3] =	wrdreg s5  }
0xaa: {  	[dreg:$0x4] =	wrdreg $0xC0  }
0xab: {  	_ =	task [dreg:s7], $0x5FFFF  }
0xac: {  	[dreg:$0x1] =	wrdreg $0xFFFFFFFF  }
0xad: {  	[dreg:$0x0] =	wrdreg $0x60  }
0xae: {  	[dreg:$0x2] =	wrdreg s24  }
0xaf: {  	[dreg:$0x3] =	wrdreg s2  }
0xb0: {  	[dreg:$0x4] =	wrdreg $0xA7300  }
0xb1: {  	[dreg:$0x5] =	wrdreg $0x9  }
0xb2: {  	_ =	task.clear_ibuf [dreg:s7], $0x6FFFF;
	_ =	strace $0x90000049  }
0xb3: {  	s29 =	simm.s32 $0x9;
	_ =	strace $0x8000004B  }
0xb4: {  	_ =	swait.ge [sflag:s29], $0x1  }
0xb5: {  	[sflag:s29] =	ssyncadd.s32 $0xFFFFFFFF  }
0xb6: {  	_ =	strace $0x9000004B  }
0xb7: {  	_ =	sfence  }
0xb8: {  	s30 =	sld [smem:$0x0];
	_ =	sdelay $0x2  }
0xb9: {  	s31 =	sshll.u32 s1, $0xD;
	s1 =	sshrl.u32 s1, $0x2  }
0xba: {  	s3 =	sand.u32 $0x4000, s31;
	s1 =	sadd.s32 s1, s30  }
0xbb: {  	s0 =	sor.u32 s3, s0;
	s1 =	sshll.u32 s1, $0x11  }
0xbc: {  	s0 =	sor.u32 s1, s0  }
0xbd: {  	s0 =	sadd.s32 $0x8F2B, s0  }
0xbe: {  	[sflag:s0] =	ssyncadd.remote.s32 $0x1  }
0xbf: {  	_ =	sfence.sel $0xFFFF  }
0xc0: {  	[dreg:$0x0] =	wrdreg $0xFFFFFFFF;
	(pc) =	sbr.abs _section_cstart, $3  }
0xc1: {  	[dreg:$0x1] =	wrdreg $0xFFFFFFFF  }
0xc2: {  	_ =	task.clear_ibuf [dreg:s7], $0x2FFFF;
	_ =	strace $0x9FFFFFFF  }
0xc3: {  	(tm) =	ssettm $0x7FFFFFFF  }
tec
execute0_lowered:
.L_overlay_start_1:
0x0: {  	(tag) =	ssettag $0x1  }
0x1: {  	s0 =	srdreg.scid  }
0x2: {  	s1 =	rddreg [dreg:$0x0];
	s11 =	stileid.u32  }
0x3: {  	s3 =	rddreg [dreg:$0x2];
	s4 =	simm.s32 $0x0;
	s28 =	simm.s32 $0xA230  }
0x4: {  	s29 =	simm.s32 $0x3;
	s31 =	simm.s32 $0x4E20;
	s6 =	smul.u32 $0x2800, s11  }
0x5: {  	s30 =	simm.s32 $0x9D30;
	s0 =	sand.u32 $0x1, s0;
	s8 =	smul.u32 $0xA000, s11  }
0x6: {  	[smem:$0x7FF] =	sst s4;
	s5 =	sadd.s32 $0x14C00, s1;
	s20 =	smul.u32 $0x140, s11  }
0x7: {  	s2 =	sshll.u32 s0, $0x4;
	s7 =	smul.u32 $0x28000, s0;
	_ =	strace $0x8000004A  }
0x8: {  	s9 =	ssub.s32 $0x2, s0;
	s0 =	smul.u32 $0x1400, s0;
	s2 =	sor.u32 s11, s2  }
0x9: {  	s10 =	sshrl.u32 s9, $0x1;
	s8 =	sshrl.u32 s8, $0x2;
	s2 =	smul.u32 $0x4E2, s2  }
0xa: {  	s7 =	sadd.s32 s6, s7;
	s12 =	ssub.s32 s9, s10;
	s8 =	sadd.s32 s8, s3  }
0xb: {  	s6 =	sadd.s32 s6, s3;
	s15 =	sadd.s32 s20, s0;
	s7 =	sshrl.u32 s7, $0x3  }
0xc: {  	s17 =	sadd.s32 $0x500, s8;
	s18 =	sadd.s32 $0xA00, s8;
	s19 =	sadd.s32 $0xF00, s8  }
0xd: {  	s21 =	sadd.s32 $0x1400, s8;
	s22 =	sadd.s32 $0x1900, s8;
	[dreg:$0x4] =	wrdreg s17  }
0xe: {  	s23 =	sadd.s32 $0x1E00, s8;
	s13 =	sadd.s32 $0x2300, s8;
	[dreg:$0x5] =	wrdreg s18  }
0xf: {  	s0 =	sshll.u32 s15, $0x1;
	s20 =	sadd.s32 $0xA0, s15;
	[dreg:$0x6] =	wrdreg s19  }
0x10: {  	s8 =	sadd.s32 $0x40, s15;
	s9 =	sadd.s32 $0x70, s15;
	[dreg:$0x7] =	wrdreg s21  }
0x11: {  	s10 =	sadd.s32 $0x90, s15;
	s11 =	sadd.s32 $0xB0, s15;
	[dreg:$0x8] =	wrdreg s22  }
0x12: {  	s2 =	sadd.s32 s2, s1;
	s1 =	sadd.s32 s7, s1;
	[dreg:$0x9] =	wrdreg s23  }
0x13: {  	v19 =	vlaneseq.u32;
	s18 =	sadd.s32 s5, s0;
	s19 =	sadd.s32 $0x50, s15;
	s25 =	sshll.u32 s20, $0x1  }
0x14: {  	s21 =	sadd.s32 $0xF0, s15;
	s7 =	sor.u32 $0x30, s15;
	v3 =	vor.u32 s8, v19;
	s8 =	sadd.s32 $0xC0, s15  }
0x15: {  	v5 =	vor.u32 s9, v19;
	s9 =	sadd.s32 $0xD0, s15;
	v7 =	vor.u32 s10, v19;
	v8 =	vor.u32 s11, v19;
	s10 =	sadd.s32 $0x110, s15;
	s11 =	sadd.s32 $0x120, s15  }
0x16: {  	s14 =	sadd.s32 $0xAE00, s2;
	s16 =	sadd.s32 $0x1000, s2;
	s17 =	sadd.s32 $0x8CC00, s2  }
0x17: {  	v20 =	vimm.f32 $0.0e+00;
	v16 =	vor.u32 s15, v19;
	s24 =	sshll.u32 s19, $0x1;
	s23 =	sadd.s32 s5, s25;
	s26 =	sshll.u32 s21, $0x1  }
0x18: {  	v18 =	vor.u32 s20, v19;
	s25 =	sadd.s32 $0x19C00, s1;
	s2 =	sor.u32 $0x20, s15;
	v2 =	vor.u32 s7, v19;
	v9 =	vor.u32 s8, v19;
	s22 =	sadd.s32 s5, s24  }
0x19: {  	v10 =	vor.u32 s9, v19;
	v13 =	vor.u32 s10, v19;
	v14 =	vor.u32 s11, v19;
	s24 =	sadd.s32 s5, s26;
	s26 =	smax.u32 s12, $0x1;
	s12 =	sadd.s32 $0x60, s15  }
0x1a: {  	s1 =	sor.u32 $0x10, s15;
	v17 =	vor.u32 s19, v19;
	v1 =	vor.u32 s2, v19;
	s2 =	sadd.s32 $0x80, s15;
	v4 =	vor.u32 s12, v19;
	s12 =	sadd.s32 $0xE0, s15  }
0x1b: {  	s0 =	simm.s32 $0x1;
	v0 =	vor.u32 s1, v19;
	v6 =	vor.u32 s2, v19;
	s2 =	sadd.s32 $0x100, s15;
	v11 =	vor.u32 s12, v19;
	s12 =	sadd.s32 $0x130, s15  }
0x1c: {  	s7 =	simm.s32 $0x2;
	s1 =	simm.s32 $0x7530;
	v12 =	vor.u32 s2, v19;
	s2 =	simm.s32 $0x50;
	v15 =	vor.u32 s12, v19;
	v19 =	vor.u32 s21, v19  }
.LBB2_1:
0x1d: {  	s8 =	simm.s32 $0x40;
	s9 =	simm.s32 $0x0  }
.LBB2_2:
0x1e: {  	p0 =	sne.s32 s8, $0x13C0;
	[tilespmem:s9+$0xA230] =	vst v20;
	s9 =	smov.u32 s8;
	s8 =	sadd.s32 $0x40, s8  }
.Ltmp0:
0x1f: {  	(pc) =	sbr.rel @p0 .LBB2_2-.Ltmp0, $2  }
0x20: {  	_ =	sdelay $0x2  }
0x21: {  	s9 =	sshra.s32 s9, $0x2  }
0x22: {  	[tilespmem:s9+$0xA230] =	vst v20  }
0x23: {  	[spmem:s6] =	stream.linear.scatter [tilespmem:s28], [sflag:$0x3], $0x500, $0x38;
	[tilespmem:$0xCF30] =	vst v63  }
0x24: {  	_ =	swait.ge [sflag:s29], $0x500  }
0x25: {  	[sflag:s29] =	ssyncset.done $0x0  }
0x26: {  	s8 =	rddreg [dreg:$0x4];
	[sflag:s29] =	ssyncadd.s32 $0xFFFFFB00  }
0x27: {  	[spmem:s8] =	stream.linear.scatter [tilespmem:s28], [sflag:$0x3], $0x500, $0x38;
	[tilespmem:$0xCF30] =	vst v63  }
0x28: {  	_ =	swait.ge [sflag:s29], $0x500  }
0x29: {  	[sflag:s29] =	ssyncset.done $0x0  }
0x2a: {  	s10 =	rddreg [dreg:$0x5];
	[sflag:s29] =	ssyncadd.s32 $0xFFFFFB00  }
0x2b: {  	[spmem:s10] =	stream.linear.scatter [tilespmem:s28], [sflag:$0x3], $0x500, $0x38;
	[tilespmem:$0xCF30] =	vst v63  }
0x2c: {  	_ =	swait.ge [sflag:s29], $0x500  }
0x2d: {  	[sflag:s29] =	ssyncset.done $0x0  }
0x2e: {  	s11 =	rddreg [dreg:$0x6];
	[sflag:s29] =	ssyncadd.s32 $0xFFFFFB00  }
0x2f: {  	[spmem:s11] =	stream.linear.scatter [tilespmem:s28], [sflag:$0x3], $0x500, $0x38;
	[tilespmem:$0xCF30] =	vst v63  }
0x30: {  	_ =	swait.ge [sflag:s29], $0x500  }
0x31: {  	[sflag:s29] =	ssyncset.done $0x0  }
0x32: {  	s12 =	rddreg [dreg:$0x7];
	[sflag:s29] =	ssyncadd.s32 $0xFFFFFB00  }
0x33: {  	[spmem:s12] =	stream.linear.scatter [tilespmem:s28], [sflag:$0x3], $0x500, $0x38;
	[tilespmem:$0xCF30] =	vst v63  }
0x34: {  	_ =	swait.ge [sflag:s29], $0x500  }
0x35: {  	[sflag:s29] =	ssyncset.done $0x0  }
0x36: {  	s9 =	rddreg [dreg:$0x8];
	[sflag:s29] =	ssyncadd.s32 $0xFFFFFB00  }
0x37: {  	[spmem:s9] =	stream.linear.scatter [tilespmem:s28], [sflag:$0x3], $0x500, $0x38;
	[tilespmem:$0xCF30] =	vst v63  }
0x38: {  	_ =	swait.ge [sflag:s29], $0x500  }
0x39: {  	[sflag:s29] =	ssyncset.done $0x0  }
0x3a: {  	s10 =	rddreg [dreg:$0x9];
	[sflag:s29] =	ssyncadd.s32 $0xFFFFFB00  }
0x3b: {  	[spmem:s10] =	stream.linear.scatter [tilespmem:s28], [sflag:$0x3], $0x500, $0x38;
	[tilespmem:$0xCF30] =	vst v63  }
0x3c: {  	_ =	swait.ge [sflag:s29], $0x500  }
0x3d: {  	[sflag:s29] =	ssyncset.done $0x0  }
0x3e: {  	[sflag:s29] =	ssyncadd.s32 $0xFFFFFB00  }
0x3f: {  	[spmem:s13] =	stream.linear.scatter [tilespmem:s28], [sflag:$0x3], $0x500, $0x38;
	[tilespmem:$0xCF30] =	vst v63  }
0x40: {  	_ =	swait.ge [sflag:s29], $0x500  }
0x41: {  	[sflag:s29] =	ssyncset.done $0x0  }
0x42: {  	[sflag:s29] =	ssyncadd.s32 $0xFFFFFB00  }
0x43: {  	s8 =	simm.s32 $0x0;
	[bflag:$0x0] =	sbarrier.arrive $0xFFFF  }
0x44: {  	[tilespmem:s8], [sflag:$0x3] =	stream.linear.gather [hbm4b:s14+s8], $0x2710, $0x38;
	[tilespmem:$0xCF30] =	vst v63  }
0x45: {  	_ =	swait.ge [sflag:s29], $0x2710  }
0x46: {  	[sflag:s29] =	ssyncset.done $0x0  }
0x47: {  	s11 =	simm.s32 $0x2710;
	[sflag:s29] =	ssyncadd.s32 $0xFFFFD8F0  }
0x48: {  	[tilespmem:s11], [sflag:$0x3] =	stream.linear.gather [hbm4b:s16+s8], $0x2710, $0x38;
	[tilespmem:$0xCF30] =	vst v63  }
0x49: {  	_ =	swait.ge [sflag:s29], $0x2710  }
0x4a: {  	[sflag:s29] =	ssyncset.done $0x0  }
0x4b: {  	[sflag:s29] =	ssyncadd.s32 $0xFFFFD8F0  }
0x4c: {  	[tilespmem:s31], [sflag:$0x3] =	stream.linear.gather [hbm4b:s17+s8], $0x2710, $0x38;
	[tilespmem:$0xCF30] =	vst v63  }
0x4d: {  	_ =	swait.ge [sflag:s29], $0x2710  }
0x4e: {  	[sflag:s29] =	ssyncset.done $0x0  }
0x4f: {  	[sflag:s29] =	ssyncadd.s32 $0xFFFFD8F0  }
0x50: {  	s12 =	rddreg [dreg:$0x1]  }
0x51: {  	[tilespmem:s1], [sflag:$0x3] =	stream.linear.gather [hbm4b:s12+s8], $0x2800, $0x38;
	[tilespmem:$0xCF30] =	vst v63  }
0x52: {  	_ =	swait.ge [sflag:s29], $0x2800  }
0x53: {  	[sflag:s29] =	ssyncset.done $0x0  }
0x54: {  	s9 =	simm.s32 $0x0;
	[sflag:s29] =	ssyncadd.s32 $0xFFFFD800  }
.LBB2_4:
0x55: {  	v21 =	vmov s9  }
0x56: {  	v21 =	vmul.u32 $0x50, v21;
	_ =	sdelay $0x1  }
0x57: {  	v22 =	vmov s8;
	v21 =	vbroadcast v21, $0x0  }
0x58: {  	s10 =	smul.u32 $0x50, s9;
	v23 =	vand.u32 $0x78, v22  }
0x59: {  	s11 =	simm.s32 $0x9D30;
	v22 =	vand.u32 $0x7, v22;
	v23 =	vadd.s32 v21, v23  }
0x5a: {  	[tilespmem:s11], [sflag:$0x1] =	stream.indirect.gather [hbm4b:s5+s2], $0x10, s10, s2, $0xb8;
	v22 =	vor.u32 v22, v23;
	[tilespmem:$0xCF30] =	vst v63  }
0x5b: {  	_ =	swait.ge [sflag:s0], $0x500  }
0x5c: {  	[sflag:s0] =	ssyncset.done $0x0  }
0x5d: {  	[sflag:s0] =	ssyncadd.s32 $0xFFFFFB00  }
0x5e: {  	s12 =	simm.s32 $0x1;
	v23 =	vld [tilespmem:s11+$0x0]  }
0x5f: {  	v24 =	vmov s12;
	s12 =	simm.s32 $0x2;
	v22 =	vld.idx.msk [tilespmem:v22+s31+$0x0], $0xffff  }
.LBB2_5:
0x60: {  	p0 =	sne.s32 s12, $0x4F;
	v25 =	vand.u32 $0x78, v24  }
0x61: {  	v24 =	vand.u32 $0x7, v24;
	v25 =	vadd.s32 v21, v25  }
0x62: {  	v24 =	vor.u32 v24, v25;
	_ =	sdelay $0x1  }
.Ltmp1:
0x63: {  	v22 =	vmul.f32 v23, v22;
	(pc) =	sbr.rel @p0 .LBB2_5-.Ltmp1, $4  }
0x64: {  	_ = 	snop  }
0x65: {  	[tilespmem:s11+$0x0] =	vst v22  }
0x66: {  	s11 =	sadd.s32 $0x10, s11;
	v22 =	vld.idx.msk [tilespmem:v24+s31+$0x0], $0xffff  }
0x67: {  	v24 =	vmov s12;
	s12 =	sadd.s32 $0x1, s12;
	v23 =	vld [tilespmem:s11+$0x0]  }
0x68: {  	v25 =	vand.u32 $0x78, v24  }
0x69: {  	v63 =	vand.u32 $0x7, v24;
	v21 =	vadd.s32 v21, v25  }
0x6a: {  	v21 =	vor.u32 v63, v21;
	_ =	sdelay $0x1  }
0x6b: {  	v22 =	vmul.f32 v23, v22;
	_ =	sdelay $0x1  }
0x6c: {  	[tilespmem:s11+$0x0] =	vst v22  }
0x6d: {  	s12 =	sadd.s32 $0x10, s11;
	v21 =	vld.idx.msk [tilespmem:v21+s31+$0x0], $0xffff  }
0x6e: {  	v22 =	vld [tilespmem:s12+$0x0];
	_ =	sdelay $0x4  }
0x6f: {  	s9 =	sadd.s32 $0x1, s9;
	v21 =	vmul.f32 v22, v21  }
0x70: {  	p0 =	sne.s32 s9, $0x7D  }
.Ltmp2:
0x71: {  	s10 =	sadd.s32 $0x2710, s10;
	[tilespmem:s12+$0x0] =	vst v21;
	(pc) =	sbr.rel @p0 .LBB2_4-.Ltmp2, $4  }
0x72: {  	[spmem:s3] =	stream.indirect.scatter.add.f32 [tilespmem:s30], [sflag:$0x2], $0x10, s10, s2, $0xb8;
	[tilespmem:$0xCF30] =	vst v63  }
0x73: {  	_ =	swait.ge [sflag:s7], $0x500  }
0x74: {  	[sflag:s7] =	ssyncset.done $0x0  }
0x75: {  	[sflag:s7] =	ssyncadd.s32 $0xFFFFFB00  }
0x76: {  	s8 =	simm.s32 $0x0  }
0x77: {  	[tilespmem:s30], [sflag:$0x3] =	stream.linear.gather [hbm4b:s18+s8], $0x500, $0x38;
	[tilespmem:$0xCF30] =	vst v63  }
0x78: {  	_ =	swait.ge [sflag:s29], $0x500  }
0x79: {  	[sflag:s29] =	ssyncset.done $0x0  }
0x7a: {  	[sflag:s29] =	ssyncadd.s32 $0xFFFFFB00  }
0x7b: {  	v21 =	vmov s15;
	[tilespmem:$0x0] =	vst v16  }
0x7c: {  	[tilespmem:$0x10] =	vst v0  }
0x7d: {  	[tilespmem:$0x20] =	vst v1  }
0x7e: {  	[tilespmem:$0x30] =	vst v2  }
0x7f: {  	[tilespmem:$0x40] =	vst v3  }
0x80: {  	s9 =	simm.s32 $0x0;
	v21 =	vld.idx.msk [tilespmem:v21+s1+$0x0], $0xffff  }
0x81: {  	v23 =	vld [tilespmem:s9+$0x9D30];
	_ =	sdelay $0x1  }
0x82: {  	s10 =	sadd.s32 $0x1, s15  }
0x83: {  	s11 =	simm.s32 $0x80;
	s8 =	simm.s32 $0x40;
	v22 =	vmov s10  }
.LBB2_8:
0x84: {  	p0 =	sne.s32 s11, $0x13C0  }
0x85: {  	v21 =	vmul.f32 v23, v21;
	_ =	sdelay $0x1  }
0x86: {  	[tilespmem:s9+$0x9D30] =	vst v21  }
.Ltmp3:
0x87: {  	s9 =	sshra.s32 s8, $0x2;
	s8 =	smov.u32 s11;
	v21 =	vld.idx.msk [tilespmem:v22+s1+$0x0], $0xffff;
	(pc) =	sbr.rel @p0 .LBB2_8-.Ltmp3, $3  }
0x88: {  	v23 =	vld [tilespmem:s9+$0x9D30];
	_ =	sdelay $0x1  }
0x89: {  	s10 =	sadd.s32 $0x1, s10  }
0x8a: {  	s11 =	sadd.s32 $0x40, s11;
	v22 =	vmov s10  }
0x8b: {  	_ = 	snop  }
0x8c: {  	v21 =	vmul.f32 v23, v21;
	_ =	sdelay $0x1  }
0x8d: {  	[tilespmem:s9+$0x9D30] =	vst v21  }
0x8e: {  	s8 =	sshra.s32 s8, $0x2;
	v21 =	vld.idx.msk [tilespmem:v22+s1+$0x0], $0xffff  }
0x8f: {  	v22 =	vld [tilespmem:s8+$0x9D30];
	_ =	sdelay $0x4  }
0x90: {  	v21 =	vmul.f32 v22, v21;
	_ =	sdelay $0x1  }
0x91: {  	s12 =	simm.s32 $0x0;
	[tilespmem:s8+$0x9D30] =	vst v21  }
0x92: {  	[spmem:s3] =	stream.indirect.scatter.add.f32 [tilespmem:s30], [sflag:$0x2], $0x10, s12, s2, $0xb8;
	[tilespmem:$0xCF30] =	vst v63  }
0x93: {  	_ =	swait.ge [sflag:s7], $0x500  }
0x94: {  	[sflag:s7] =	ssyncset.done $0x0  }
0x95: {  	[sflag:s7] =	ssyncadd.s32 $0xFFFFFB00  }
0x96: {  	[tilespmem:s30], [sflag:$0x3] =	stream.linear.gather [hbm4b:s22+s12], $0x500, $0x38;
	[tilespmem:$0xCF30] =	vst v63  }
0x97: {  	_ =	swait.ge [sflag:s29], $0x500  }
0x98: {  	[sflag:s29] =	ssyncset.done $0x0  }
0x99: {  	[sflag:s29] =	ssyncadd.s32 $0xFFFFFB00  }
0x9a: {  	v21 =	vmov s19;
	[tilespmem:$0x50] =	vst v17  }
0x9b: {  	[tilespmem:$0x60] =	vst v4  }
0x9c: {  	[tilespmem:$0x70] =	vst v5  }
0x9d: {  	[tilespmem:$0x80] =	vst v6  }
0x9e: {  	[tilespmem:$0x90] =	vst v7  }
0x9f: {  	s9 =	simm.s32 $0x0;
	v21 =	vld.idx.msk [tilespmem:v21+s1+$0x0], $0xffff  }
0xa0: {  	v23 =	vld [tilespmem:s9+$0x9D30];
	_ =	sdelay $0x1  }
0xa1: {  	s10 =	sadd.s32 $0x1, s19  }
0xa2: {  	s11 =	simm.s32 $0x80;
	v22 =	vmov s10;
	s8 =	simm.s32 $0x40  }
.LBB2_10:
0xa3: {  	p0 =	sne.s32 s11, $0x13C0  }
0xa4: {  	v21 =	vmul.f32 v23, v21;
	_ =	sdelay $0x1  }
0xa5: {  	[tilespmem:s9+$0x9D30] =	vst v21  }
.Ltmp4:
0xa6: {  	s9 =	sshra.s32 s8, $0x2;
	s8 =	smov.u32 s11;
	v21 =	vld.idx.msk [tilespmem:v22+s1+$0x0], $0xffff;
	(pc) =	sbr.rel @p0 .LBB2_10-.Ltmp4, $3  }
0xa7: {  	v23 =	vld [tilespmem:s9+$0x9D30];
	_ =	sdelay $0x1  }
0xa8: {  	s10 =	sadd.s32 $0x1, s10  }
0xa9: {  	s11 =	sadd.s32 $0x40, s11;
	v22 =	vmov s10  }
0xaa: {  	_ = 	snop  }
0xab: {  	v21 =	vmul.f32 v23, v21;
	_ =	sdelay $0x1  }
0xac: {  	[tilespmem:s9+$0x9D30] =	vst v21  }
0xad: {  	s8 =	sshra.s32 s8, $0x2;
	v21 =	vld.idx.msk [tilespmem:v22+s1+$0x0], $0xffff  }
0xae: {  	v22 =	vld [tilespmem:s8+$0x9D30];
	_ =	sdelay $0x4  }
0xaf: {  	v21 =	vmul.f32 v22, v21;
	_ =	sdelay $0x1  }
0xb0: {  	[tilespmem:s8+$0x9D30] =	vst v21  }
0xb1: {  	[spmem:s3] =	stream.indirect.scatter.add.f32 [tilespmem:s30], [sflag:$0x2], $0x10, s2, s2, $0xb8;
	[tilespmem:$0xCF30] =	vst v63  }
0xb2: {  	_ =	swait.ge [sflag:s7], $0x500  }
0xb3: {  	[sflag:s7] =	ssyncset.done $0x0  }
0xb4: {  	s12 =	simm.s32 $0x0;
	[sflag:s7] =	ssyncadd.s32 $0xFFFFFB00  }
0xb5: {  	[tilespmem:s30], [sflag:$0x3] =	stream.linear.gather [hbm4b:s23+s12], $0x500, $0x38;
	[tilespmem:$0xCF30] =	vst v63  }
0xb6: {  	_ =	swait.ge [sflag:s29], $0x500  }
0xb7: {  	[sflag:s29] =	ssyncset.done $0x0  }
0xb8: {  	[sflag:s29] =	ssyncadd.s32 $0xFFFFFB00  }
0xb9: {  	v21 =	vmov s20;
	[tilespmem:$0xA0] =	vst v18  }
0xba: {  	[tilespmem:$0xB0] =	vst v8  }
0xbb: {  	[tilespmem:$0xC0] =	vst v9  }
0xbc: {  	[tilespmem:$0xD0] =	vst v10  }
0xbd: {  	[tilespmem:$0xE0] =	vst v11  }
0xbe: {  	s9 =	simm.s32 $0x0;
	v21 =	vld.idx.msk [tilespmem:v21+s1+$0x0], $0xffff  }
0xbf: {  	v23 =	vld [tilespmem:s9+$0x9D30];
	_ =	sdelay $0x1  }
0xc0: {  	s10 =	sadd.s32 $0x1, s20  }
0xc1: {  	s11 =	simm.s32 $0x80;
	v22 =	vmov s10;
	s8 =	simm.s32 $0x40  }
.LBB2_12:
0xc2: {  	p0 =	sne.s32 s11, $0x13C0  }
0xc3: {  	v21 =	vmul.f32 v23, v21;
	_ =	sdelay $0x1  }
0xc4: {  	[tilespmem:s9+$0x9D30] =	vst v21  }
.Ltmp5:
0xc5: {  	s9 =	sshra.s32 s8, $0x2;
	s8 =	smov.u32 s11;
	v21 =	vld.idx.msk [tilespmem:v22+s1+$0x0], $0xffff;
	(pc) =	sbr.rel @p0 .LBB2_12-.Ltmp5, $3  }
0xc6: {  	v23 =	vld [tilespmem:s9+$0x9D30];
	_ =	sdelay $0x1  }
0xc7: {  	s10 =	sadd.s32 $0x1, s10  }
0xc8: {  	s11 =	sadd.s32 $0x40, s11;
	v22 =	vmov s10  }
0xc9: {  	_ = 	snop  }
0xca: {  	v21 =	vmul.f32 v23, v21;
	_ =	sdelay $0x1  }
0xcb: {  	[tilespmem:s9+$0x9D30] =	vst v21  }
0xcc: {  	s8 =	sshra.s32 s8, $0x2;
	v21 =	vld.idx.msk [tilespmem:v22+s1+$0x0], $0xffff  }
0xcd: {  	v22 =	vld [tilespmem:s8+$0x9D30];
	_ =	sdelay $0x4  }
0xce: {  	v21 =	vmul.f32 v22, v21;
	_ =	sdelay $0x1  }
0xcf: {  	s11 =	simm.s32 $0xA0;
	[tilespmem:s8+$0x9D30] =	vst v21  }
0xd0: {  	[spmem:s3] =	stream.indirect.scatter.add.f32 [tilespmem:s30], [sflag:$0x2], $0x10, s11, s2, $0xb8;
	[tilespmem:$0xCF30] =	vst v63  }
0xd1: {  	_ =	swait.ge [sflag:s7], $0x500  }
0xd2: {  	[sflag:s7] =	ssyncset.done $0x0  }
0xd3: {  	s12 =	simm.s32 $0x0;
	[sflag:s7] =	ssyncadd.s32 $0xFFFFFB00  }
0xd4: {  	[tilespmem:s30], [sflag:$0x3] =	stream.linear.gather [hbm4b:s24+s12], $0x500, $0x38;
	[tilespmem:$0xCF30] =	vst v63  }
0xd5: {  	_ =	swait.ge [sflag:s29], $0x500  }
0xd6: {  	[sflag:s29] =	ssyncset.done $0x0  }
0xd7: {  	[sflag:s29] =	ssyncadd.s32 $0xFFFFFB00  }
0xd8: {  	v21 =	vmov s21;
	[tilespmem:$0xF0] =	vst v19  }
0xd9: {  	[tilespmem:$0x100] =	vst v12  }
0xda: {  	[tilespmem:$0x110] =	vst v13  }
0xdb: {  	[tilespmem:$0x120] =	vst v14  }
0xdc: {  	[tilespmem:$0x130] =	vst v15  }
0xdd: {  	s9 =	simm.s32 $0x0;
	v21 =	vld.idx.msk [tilespmem:v21+s1+$0x0], $0xffff  }
0xde: {  	v23 =	vld [tilespmem:s9+$0x9D30];
	_ =	sdelay $0x1  }
0xdf: {  	s10 =	sadd.s32 $0x1, s21  }
0xe0: {  	v22 =	vmov s10;
	s8 =	simm.s32 $0x40;
	s11 =	simm.s32 $0x80  }
.LBB2_14:
0xe1: {  	p0 =	sne.s32 s11, $0x13C0  }
0xe2: {  	v21 =	vmul.f32 v23, v21;
	_ =	sdelay $0x1  }
0xe3: {  	[tilespmem:s9+$0x9D30] =	vst v21  }
.Ltmp6:
0xe4: {  	s9 =	sshra.s32 s8, $0x2;
	s8 =	smov.u32 s11;
	v21 =	vld.idx.msk [tilespmem:v22+s1+$0x0], $0xffff;
	(pc) =	sbr.rel @p0 .LBB2_14-.Ltmp6, $3  }
0xe5: {  	v23 =	vld [tilespmem:s9+$0x9D30];
	_ =	sdelay $0x1  }
0xe6: {  	s10 =	sadd.s32 $0x1, s10  }
0xe7: {  	s11 =	sadd.s32 $0x40, s11;
	v22 =	vmov s10  }
0xe8: {  	_ = 	snop  }
0xe9: {  	v21 =	vmul.f32 v23, v21;
	_ =	sdelay $0x1  }
0xea: {  	[tilespmem:s9+$0x9D30] =	vst v21  }
0xeb: {  	s8 =	sshra.s32 s8, $0x2;
	v21 =	vld.idx.msk [tilespmem:v22+s1+$0x0], $0xffff  }
0xec: {  	v22 =	vld [tilespmem:s8+$0x9D30];
	_ =	sdelay $0x4  }
0xed: {  	v21 =	vmul.f32 v22, v21;
	_ =	sdelay $0x1  }
0xee: {  	s10 =	simm.s32 $0xF0;
	[tilespmem:s8+$0x9D30] =	vst v21  }
0xef: {  	[spmem:s3] =	stream.indirect.scatter.add.f32 [tilespmem:s30], [sflag:$0x2], $0x10, s10, s2, $0xb8;
	[tilespmem:$0xCF30] =	vst v63  }
0xf0: {  	s11 =	stileid.u32;
	_ =	swait.ge [sflag:s7], $0x500  }
0xf1: {  	s12 =	sshrl.u32 s6, $0x3;
	s4 =	sadd.s32 $0x1, s4;
	[sflag:s7] =	ssyncset.done $0x0  }
0xf2: {  	p0 =	sne.s32 s4, s26;
	s8 =	sshll.u32 s11, $0x6;
	[sflag:s7] =	ssyncadd.s32 $0xFFFFFB00  }
.Ltmp7:
0xf3: {  	s8 =	sor.u32 $0x1C03, s8;
	[bflag:$0x0] =	sbarrier.arrive $0xFFFF;
	(pc) =	sbr.rel @p0 .LBB2_1-.Ltmp7, $4  }
0xf4: {  	[hbm:s25], [sflag:s8] =	dma.local [spmem:s12], $0x500  }
0xf5: {  	_ =	swait.ge [sflag:s29], $0x500  }
0xf6: {  	[sflag:s29] =	ssyncset.done $0x0  }
0xf7: {  	[sflag:s29] =	ssyncadd.s32 $0xFFFFFB00  }
0xf8: {  	_ =	sfence.sel $0x180000  }
0xf9: {  	[bflag:$0x0] =	sbarrier.arrive $0xFFFF  }
0xfa: {  	_ =	strace $0x9000004A  }
0xfb: {  	s0 =	stileid.u32;
	[bflag:$0x2] =	sbarrier.arrive $0xFFFF  }
0xfc: {  	p0 =	sne.s32 s0, $0x0;
	s0 =	rddreg [dreg:$0x3]  }
0xfd: {  	s0 =	sadd.s32 @!p0 $0x100000, s0  }
0xfe: {  	[sflag:s0] =	ssyncadd.tile.s32 @!p0 $0x1;
	_ =	shalt  }
.Lfunc_end2:
_tile_overlayer_lowered:
.L_overlay_start_2:
0xff: {  	(tag) =	ssettag $0x2  }
0x100: {  	s0 =	rddreg [dreg:$0x0];
	s2 =	stileid.u32  }
0x101: {  	s1 =	rddreg [dreg:$0x1];
	p0 =	sne.s32 s2, $0x0  }
0x102: {  	s3 =	rddreg [dreg:$0x2];
	[bflag:$0x3] =	sbarrier.arrive $0xFFFF;
	s2 =	simm.s32 @!p0 $0x1C03  }
0x103: {  	[timem:s3], [sflag:s2] =	dma.local @!p0 [hbm:s0], s1  }
0x104: {  	s0 =	simm.s32 @!p0 $0x3  }
0x105: {  	_ =	swait.ge @!p0 [sflag:s0], s1  }
0x106: {  	s1 =	ssub.s32 @!p0 $0x0, s1;
	[sflag:s0] =	ssyncset.done @!p0 $0x0  }
0x107: {  	[sflag:s0] =	ssyncadd.s32 @!p0 s1  }
0x108: {  	[bflag:$0x3] =	sbarrier.arrive $0xFFFF  }
0x109: {  	_ =	shalt  }

// kernel: kernel.7.cloned.1.call-start
scs
__scs_entry_jumppad:
0x0: {  	(pc) =	sbr.rel $0x88, $3  }
0x1: {  	(tag) =	ssettag $0x0;
	lr =	simm.s32 $0x1  }
0x2: {  	[smem:$0x3F9A] =	sst lr;
	_ =	strace $0xD0000000  }
0x3: {  	_ = 	snop  }
0x4: {  	_ = 	snop  }
0x5: {  	_ = 	snop  }
0x6: {  	_ = 	snop  }
0x7: {  	_ = 	snop  }
__scs_overlays_trampoline_lowered:
0x8: {  	[smem:$0x3FA9] =	sst s0  }
0x9: {  	[smem:$0x3FAA] =	sst s1  }
0xa: {  	[smem:$0x3FAB] =	sst s2  }
0xb: {  	[smem:$0x3FAC] =	sst s3  }
0xc: {  	[smem:$0x3FAD] =	sst s4  }
0xd: {  	[smem:$0x3FAE] =	sst s5  }
0xe: {  	[smem:$0x3FAF] =	sst s6  }
0xf: {  	[smem:$0x3FB0] =	sst s7  }
0x10: {  	[smem:$0x3FB1] =	sst s8  }
0x11: {  	[smem:$0x3FB2] =	sst s9;
	s0 =	simm.s32 @!p0 $0x0  }
0x12: {  	s1 =	sld [smem:$0x3F98];
	s0 =	simm.s32 @p0 $0x1  }
0x13: {  	[smem:$0x3FB3] =	sst s0;
	s0 =	simm.s32 @!p1 $0x0  }
0x14: {  	s2 =	sld [smem:$0x3F97];
	s0 =	simm.s32 @p1 $0x1  }
0x15: {  	[smem:$0x3FB4] =	sst s0;
	s0 =	simm.s32 @!p2 $0x0  }
0x16: {  	s3 =	sld [smem:$0x3FDB];
	s0 =	simm.s32 @p2 $0x1  }
0x17: {  	s4 =	simm.s32 $0x1BF5;
	[smem:$0x3FB6] =	sst s0  }
0x18: {  	s0 =	sld [smem:$0x3F99];
	_ =	swait.ge [sflag:s4], $0x0  }
0x19: {  	s7 =	sld [smem:$0x3F9A]  }
0x1a: {  	s8 =	sadd.s32 $0xFFFFE003, lr  }
0x1b: {  	s9 =	sadd.s32 $0xFFFFFEF7, lr;
	s5 =	simm.s32 $0xFFFFFFFF;
	p2 =	slt.u32 s8, $0xFFFFF086  }
0x1c: {  	p1 =	slt.u32 s9, $0xF7A;
	s5 =	simm.s32 @!p2 $0x0  }
0x1d: {  	s5 =	simm.s32 @p1 $0x1;
	p0 =	seq.s32 s7, s2  }
0x1e: {  	s7 =	smul.u32 @!p0 $0xF7A, s2;
	p2 =	seq.s32 @!p0 s5, $0x0  }
0x1f: {  	s9 =	smul.u32 $0xF7A, s1;
	s8 =	simm.s32 @!p0 $0x1BF5;
	p2 =	por !p2, p0  }
0x20: {  	[sflag:s8] =	ssyncset.s32 @!p0 $0xFFFFF086;
	s6 =	sadd.s32 @!p0 s3, s7;
	s7 =	simm.s32 @!p0 $0x108  }
0x21: {  	s3 =	sadd.s32 s3, s9;
	s6 =	sadd.s32 @!p0 $0x88, s6;
	s7 =	simm.s32 @p2 $0x1082  }
0x22: {  	[simem:s7], [sflag:s8] =	dma.local @!p0 [hbm:s6], $0xF7A  }
0x23: {  	s9 =	sor.u32 $0xD0000000, s2;
	s6 =	simm.s32 $0x108;
	_ =	swait.ge @!p0 [sflag:s8], $0x0  }
0x24: {  	s3 =	sadd.s32 $0x88, s3;
	s6 =	simm.s32 @!p1 $0x1082;
	[sflag:s4] =	ssyncset.s32 $0xFFFFF086  }
0x25: {  	[simem:s6], [sflag:s4] =	dma.local [hbm:s3], $0xF7A  }
0x26: {  	[smem:$0x3F9A] =	sst s1;
	(tag) =	ssettag s2;
	_ =	strace s9  }
0x27: {  	s1 =	sld [smem:$0x3FAA]  }
0x28: {  	s2 =	sld [smem:$0x3FAB]  }
0x29: {  	s4 =	sld [smem:$0x3FAD]  }
0x2a: {  	p0 =	seq.s32 s5, $0x0;
	s5 =	sld [smem:$0x3FAE]  }
0x2b: {  	s6 =	sld [smem:$0x3FAF]  }
0x2c: {  	s7 =	sld [smem:$0x3FB0]  }
0x2d: {  	s3 =	simm.s32 $0x108;
	s8 =	sld [smem:$0x3FB1]  }
0x2e: {  	s3 =	simm.s32 @!p0 $0x1082;
	s9 =	sld [smem:$0x3FB2]  }
0x2f: {  	lr =	sadd.s32 s0, s3;
	s0 =	sld [smem:$0x3FA9]  }
0x30: {  	s3 =	sld [smem:$0x3FAC]  }
0x31: {  	[smem:$0x3FB5] =	sst s10  }
0x32: {  	s10 =	sld [smem:$0x3FB3];
	_ =	sdelay $0x3  }
0x33: {  	p0 =	seq.s32 s10, $0x1;
	s10 =	sld [smem:$0x3FB5];
	_ =	sdelay $0x3  }
0x34: {  	[smem:$0x3FB5] =	sst s10  }
0x35: {  	s10 =	sld [smem:$0x3FB4];
	_ =	sdelay $0x3  }
0x36: {  	p1 =	seq.s32 s10, $0x1;
	s10 =	sld [smem:$0x3FB5];
	_ =	sdelay $0x3  }
0x37: {  	[smem:$0x3FB5] =	sst s10  }
0x38: {  	s10 =	sld [smem:$0x3FB6]  }
0x39: {  	_ = 	snop;
	(pc) =	sbr.ind lr, $3  }
0x3a: {  	_ = 	snop  }
0x3b: {  	_ = 	snop  }
0x3c: {  	p2 =	seq.s32 s10, $0x1;
	s10 =	sld [smem:$0x3FB5]  }
0x3d: {  	_ =	shalt  }
0x3e: {  	_ =	shalt  }
0x3f: {  	_ =	shalt  }
0x40: {  	_ =	shalt  }
0x41: {  	_ =	shalt  }
0x42: {  	_ =	shalt  }
0x43: {  	_ =	shalt  }
0x44: {  	_ =	shalt  }
0x45: {  	_ =	shalt  }
0x46: {  	_ =	shalt  }
0x47: {  	_ =	shalt  }
0x48: {  	_ =	shalt  }
0x49: {  	_ =	shalt  }
0x4a: {  	_ =	shalt  }
0x4b: {  	_ =	shalt  }
0x4c: {  	_ =	shalt  }
0x4d: {  	_ =	shalt  }
0x4e: {  	_ =	shalt  }
0x4f: {  	_ =	shalt  }
0x50: {  	_ =	shalt  }
0x51: {  	_ =	shalt  }
0x52: {  	_ =	shalt  }
0x53: {  	_ =	shalt  }
0x54: {  	_ =	shalt  }
0x55: {  	_ =	shalt  }
0x56: {  	_ =	shalt  }
0x57: {  	_ =	shalt  }
0x58: {  	_ =	shalt  }
0x59: {  	_ =	shalt  }
0x5a: {  	_ =	shalt  }
0x5b: {  	_ =	shalt  }
0x5c: {  	_ =	shalt  }
0x5d: {  	_ =	shalt  }
0x5e: {  	_ =	shalt  }
0x5f: {  	_ =	shalt  }
0x60: {  	_ =	shalt  }
0x61: {  	_ =	shalt  }
0x62: {  	_ =	shalt  }
0x63: {  	_ =	shalt  }
0x64: {  	_ =	shalt  }
0x65: {  	_ =	shalt  }
0x66: {  	_ =	shalt  }
0x67: {  	_ =	shalt  }
0x68: {  	_ =	shalt  }
0x69: {  	_ =	shalt  }
0x6a: {  	_ =	shalt  }
0x6b: {  	_ =	shalt  }
0x6c: {  	_ =	shalt  }
0x6d: {  	_ =	shalt  }
0x6e: {  	_ =	shalt  }
0x6f: {  	_ =	shalt  }
0x70: {  	_ =	shalt  }
0x71: {  	_ =	shalt  }
0x72: {  	_ =	shalt  }
0x73: {  	_ =	shalt  }
0x74: {  	_ =	shalt  }
0x75: {  	_ =	shalt  }
0x76: {  	_ =	shalt  }
0x77: {  	_ =	shalt  }
0x78: {  	_ =	shalt  }
0x79: {  	_ =	shalt  }
0x7a: {  	_ =	shalt  }
0x7b: {  	_ =	shalt  }
0x7c: {  	_ =	shalt  }
0x7d: {  	_ =	shalt  }
0x7e: {  	_ =	shalt  }
0x7f: {  	_ =	shalt  }
0x80: {  	_ =	shalt  }
0x81: {  	_ =	shalt  }
0x82: {  	_ =	shalt  }
0x83: {  	_ =	shalt  }
0x84: {  	_ =	shalt  }
0x85: {  	_ =	shalt  }
0x86: {  	_ =	shalt  }
0x87: {  	_ =	shalt  }
.Lfunc_end0:
.L_simem_size_0:
called_computation_lowered:
.L_overlay_start_0:
0x88: {  	s2 =	sld [smem:$0x3FD9]  }
0x89: {  	s3 =	sld [smem:$0x3FFE];
	_ =	sdelay $0x1  }
0x8a: {  	s1 =	srdreg.scid  }
0x8b: {  	s0 =	sand.u32 $0x1, s1  }
0x8c: {  	s17 =	sshll.u32 s0, $0xA;
	s2 =	sadd.s32 s3, s2  }
0x8d: {  	s2 =	sadd.s32 s2, s17  }
0x8e: {  	[smem:$0x3FC1] =	sst s2  }
0x8f: {  	_ = 	snop  }
0x90: {  	s2 =	sld [smem:$0x3FC7]  }
0x91: {  	s18 =	sld [smem:$0x3FD0];
	(tm) =	ssettm $0x1  }
0x92: {  	s4 =	sld [smem:$0x3FFB];
	_ =	sdelay $0x3  }
0x93: {  	_ =	strace s4  }
0x94: {  	s4 =	sld [smem:$0x3FFC];
	_ =	sdelay $0x3  }
0x95: {  	_ =	strace s4  }
0x96: {  	s4 =	sld [smem:$0x3FFD];
	_ =	sdelay $0x3  }
0x97: {  	_ =	strace s4  }
0x98: {  	_ =	strace $0x8FFFFFFF  }
0x99: {  	s19 =	sld [smem:$0x3FDB];
	_ =	sdelay $0x1  }
0x9a: {  	s5 =	simm.s32 $_scs_section_size  }
0x9b: {  	s6 =	simm.s32 $_size__tile_overlayer_lowered;
	s7 =	simm.s32 $_tile_overlayer_lowered  }
0x9c: {  	s22 =	simm.s32 $0x1BFF;
	s21 =	sshll.u32 s7, $0x1;
	s4 =	sadd.s32 s5, s19  }
0x9d: {  	s8 =	simm.s32 $0x0;
	s20 =	sshll.u32 s6, $0x1;
	s6 =	sadd.s32 s21, s4  }
0x9e: {  	[timem:s8], [sflag:s22] =	dma.local [hbm:s6], s20  }
0x9f: {  	_ =	swait.ge [sflag:s22], s20  }
0xa0: {  	s5 =	ssub.s32 $0x0, s20;
	[sflag:s22] =	ssyncset.done $0x0  }
0xa1: {  	[sflag:s22] =	ssyncadd.s32 s5;
	_ =	sdelay $0x1  }
0xa2: {  	s23 =	simm.s32 $0x1B8B  }
0xa3: {  	_ =	swait.ge [sflag:s23], $0x1  }
0xa4: {  	[sflag:s23] =	ssyncset.done $0x0  }
0xa5: {  	s25 =	simm.s32 $0x1B8E;
	s24 =	sld [smem:$0x3FFE];
	[sflag:s23] =	ssyncadd.s32 $0xFFFFFFFF  }
0xa6: {  	s26 =	simm.s32 $execute0_lowered;
	[smem:$0x3FD2] =	sst s25  }
0xa7: {  	s6 =	sshll.u32 s26, $0x1;
	_ =	strace $0x80000046;
	[dreg:$0x1] =	wrdreg $0xFFFFFFFF  }
0xa8: {  	s28 =	simm.s32 $_size_execute0_lowered;
	s4 =	sadd.s32 s4, s6;
	[dreg:$0x0] =	wrdreg $0x0  }
0xa9: {  	s6 =	sshll.u32 s28, $0x1;
	[dreg:$0x2] =	wrdreg s4  }
0xaa: {  	[dreg:$0x3] =	wrdreg s6  }
0xab: {  	[dreg:$0x4] =	wrdreg $0xC0  }
0xac: {  	_ =	task [dreg:s8], $0x5FFFF  }
0xad: {  	[dreg:$0x1] =	wrdreg $0xFFFFFFFF  }
0xae: {  	[dreg:$0x0] =	wrdreg $0x60  }
0xaf: {  	[dreg:$0x2] =	wrdreg s24  }
0xb0: {  	[dreg:$0x3] =	wrdreg s2  }
0xb1: {  	[dreg:$0x4] =	wrdreg s18  }
0xb2: {  	[dreg:$0x5] =	wrdreg $0x19C000  }
0xb3: {  	[dreg:$0x6] =	wrdreg $0x19E800  }
0xb4: {  	[dreg:$0x7] =	wrdreg $0xFC000  }
0xb5: {  	[dreg:$0x8] =	wrdreg $0x9  }
0xb6: {  	_ =	task.clear_ibuf [dreg:s8], $0x9FFFF;
	_ =	strace $0x90000046  }
0xb7: {  	s29 =	simm.s32 $0x9;
	_ =	strace $0x80000048  }
0xb8: {  	_ =	swait.ge [sflag:s29], $0x1  }
0xb9: {  	[sflag:s29] =	ssyncadd.s32 $0xFFFFFFFF  }
0xba: {  	_ =	strace $0x90000048  }
0xbb: {  	_ =	sfence  }
0xbc: {  	s30 =	sld [smem:$0x0];
	_ =	sdelay $0x2  }
0xbd: {  	s31 =	sshll.u32 s1, $0xD;
	s1 =	sshrl.u32 s1, $0x2  }
0xbe: {  	s3 =	sand.u32 $0x4000, s31;
	s1 =	sadd.s32 s1, s30  }
0xbf: {  	s0 =	sor.u32 s3, s0;
	s1 =	sshll.u32 s1, $0x11  }
0xc0: {  	s0 =	sor.u32 s1, s0  }
0xc1: {  	s0 =	sadd.s32 $0x8F2B, s0  }
0xc2: {  	[sflag:s0] =	ssyncadd.remote.s32 $0x1  }
0xc3: {  	_ =	sfence.sel $0xFFFF  }
0xc4: {  	[dreg:$0x0] =	wrdreg $0xFFFFFFFF;
	(pc) =	sbr.abs _section_cstart, $3  }
0xc5: {  	[dreg:$0x1] =	wrdreg $0xFFFFFFFF  }
0xc6: {  	_ =	task.clear_ibuf [dreg:s8], $0x2FFFF;
	_ =	strace $0x9FFFFFFF  }
0xc7: {  	(tm) =	ssettm $0x7FFFFFFF  }
tec
execute0_lowered:
.L_overlay_start_1:
0x0: {  	(tag) =	ssettag $0x1  }
0x1: {  	s0 =	rddreg [dreg:$0x0]  }
0x2: {  	s2 =	rddreg [dreg:$0x1]  }
0x3: {  	s3 =	rddreg [dreg:$0x2]  }
0x4: {  	s1 =	rddreg [dreg:$0x3];
	s19 =	stileid.u32  }
0x5: {  	s20 =	rddreg [dreg:$0x4];
	s9 =	smul.u32 $0xA000, s19  }
0x6: {  	s4 =	rddreg [dreg:$0x5];
	s13 =	smul.u32 $0x280, s19  }
0x7: {  	s5 =	srdreg.scid;
	s15 =	smul.u32 $0x9C4, s19  }
0x8: {  	s8 =	sand.u32 $0x1, s5;
	s5 =	simm.s32 $0x0;
	s17 =	smul.u32 $0x4E20, s19  }
0x9: {  	s12 =	sadd.s32 $0x1000, s0;
	s18 =	smul.u32 $0x140, s19;
	s6 =	sshll.u32 s8, $0x4  }
0xa: {  	[smem:$0x7FF] =	sst s5;
	s10 =	smul.u32 $0x140000, s8;
	s14 =	ssub.s32 $0x2, s8  }
0xb: {  	s25 =	smul.u32 $0x1400, s8;
	p0 =	sne.s32 s8, $0x0;
	s7 =	sor.u32 s19, s6  }
0xc: {  	_ =	strace $0x80000047;
	s6 =	sadd.s32 $0x28C00, s0;
	s16 =	sshrl.u32 s14, $0x1  }
0xd: {  	s21 =	sadd.s32 s13, s1;
	s22 =	sadd.s32 s12, s15;
	s23 =	sshrl.u32 s17, $0x3  }
0xe: {  	s15 =	sadd.s32 s2, s15;
	s19 =	smul.u32 $0x28000, s19;
	[dreg:$0x7] =	wrdreg s21  }
0xf: {  	s29 =	sshrl.u32 s13, $0x3;
	s11 =	smul.u32 $0x4E2, s7;
	[dreg:$0x8] =	wrdreg s22  }
0x10: {  	s7 =	sadd.s32 $0x14C00, s0;
	[dreg:$0x9] =	wrdreg s15;
	s3 =	sadd.s32 s3, s29  }
0x11: {  	s10 =	sadd.s32 s9, s10;
	s21 =	sadd.s32 s13, s20;
	[dreg:$0xc] =	wrdreg s3  }
0x12: {  	s24 =	sadd.s32 $0x4E2, s23;
	s22 =	sadd.s32 $0x9C40, s13;
	[dreg:$0x10] =	wrdreg s21  }
0x13: {  	s14 =	ssub.s32 s14, s16;
	s26 =	sadd.s32 s12, s24;
	[dreg:$0xf] =	wrdreg s22  }
0x14: {  	s18 =	sadd.s32 s18, s25;
	s15 =	sadd.s32 s2, s24;
	[dreg:$0xa] =	wrdreg s26  }
0x15: {  	s23 =	sshrl.u32 s19, $0x2;
	s19 =	sadd.s32 s9, s4;
	[dreg:$0xb] =	wrdreg s15  }
0x16: {  	s10 =	sshrl.u32 s10, $0x3;
	s12 =	sadd.s32 s12, s11;
	[smem:$0x7FB] =	sst s19  }
0x17: {  	s29 =	sshll.u32 s18, $0x3;
	s2 =	sadd.s32 s2, s11;
	[dreg:$0xd] =	wrdreg s12  }
0x18: {  	s10 =	sadd.s32 s10, s0;
	s3 =	sadd.s32 s6, s29;
	[dreg:$0xe] =	wrdreg s2  }
0x19: {  	s0 =	sadd.s32 s11, s0;
	s8 =	sadd.s32 s7, s29;
	[dreg:$0x15] =	wrdreg s3  }
0x1a: {  	s25 =	sadd.s32 s23, s4;
	s23 =	smax.u32 s14, $0x1;
	[dreg:$0x16] =	wrdreg s8  }
0x1b: {  	s24 =	sadd.s32 $0xAE00, s0;
	[dreg:$0x1f] =	wrdreg s23  }
0x1c: {  	s0 =	sadd.s32 $0x8CC00, s0;
	[dreg:$0x11] =	wrdreg s24  }
0x1d: {  	s28 =	sadd.s32 $0x50, s18;
	s2 =	sadd.s32 $0x4000, s25;
	[dreg:$0x12] =	wrdreg s0  }
0x1e: {  	s9 =	sshll.u32 s28, $0x3;
	s26 =	sadd.s32 $0x6000, s25;
	[dreg:$0x13] =	wrdreg s2  }
0x1f: {  	s11 =	sadd.s32 s6, s9;
	[dreg:$0x14] =	wrdreg s26  }
0x20: {  	s17 =	sadd.s32 $0x3CC00, s10;
	[dreg:$0x17] =	wrdreg s11  }
0x21: {  	s21 =	sadd.s32 $0x50C00, s10;
	[dreg:$0x1d] =	wrdreg s17  }
0x22: {  	s8 =	sadd.s32 $0xB0, s18;
	[dreg:$0x1e] =	wrdreg s21  }
0x23: {  	s10 =	sadd.s32 $0x100, s18;
	[smem:$0x7F8] =	sst s8  }
0x24: {  	s30 =	sadd.s32 $0xA0, s18;
	s20 =	sadd.s32 $0x8000, s25;
	[smem:$0x7FA] =	sst s10  }
0x25: {  	s12 =	sshll.u32 s30, $0x3;
	s2 =	sadd.s32 s7, s9;
	[smem:$0x7FC] =	sst s20  }
0x26: {  	s13 =	sadd.s32 s6, s12;
	[dreg:$0x18] =	wrdreg s2  }
0x27: {  	s24 =	sadd.s32 $0x2000, s25;
	s25 =	sadd.s32 $0x60, s18;
	[dreg:$0x19] =	wrdreg s13  }
0x28: {  	s26 =	sadd.s32 $0x90, s18;
	[smem:$0x7F6] =	sst s25  }
0x29: {  	s31 =	simm.s32 $0xC440;
	s9 =	sadd.s32 $0xC0, s18;
	[smem:$0x7F7] =	sst s26  }
0x2a: {  	v19 =	vlaneseq.u32;
	s14 =	sor.u32 $0x20, s18;
	s29 =	sadd.s32 $0x80, s18;
	[smem:$0x7F9] =	sst s9  }
0x2b: {  	s23 =	sadd.s32 $0xD0, s18;
	v1 =	vor.u32 s14, v19;
	s0 =	sadd.s32 $0xF0, s18;
	s14 =	sld [smem:$0x7F8]  }
0x2c: {  	v6 =	vor.u32 s29, v19;
	s3 =	sadd.s32 s7, s12;
	s11 =	sor.u32 $0x30, s18;
	s29 =	sld [smem:$0x7FA]  }
0x2d: {  	s12 =	sadd.s32 $0x40, s18;
	s15 =	sshll.u32 s0, $0x3;
	v2 =	vor.u32 s11, v19;
	s11 =	sld [smem:$0x7F6]  }
0x2e: {  	s8 =	sadd.s32 $0x110, s18;
	v3 =	vor.u32 s12, v19;
	s16 =	sadd.s32 s6, s15;
	s12 =	sld [smem:$0x7F7]  }
0x2f: {  	v20 =	vimm.f32 $0.0e+00;
	v16 =	vor.u32 s18, v19;
	v21 =	vmov s22;
	s21 =	sadd.s32 $0x130, s18;
	s2 =	sadd.s32 s7, s15;
	[dreg:$0x1b] =	wrdreg s16  }
0x30: {  	v17 =	vor.u32 s28, v19;
	v18 =	vor.u32 s30, v19;
	v10 =	vor.u32 s23, v19;
	s25 =	sadd.s32 $0xE0, s18;
	[dreg:$0x1c] =	wrdreg s2;
	s16 =	sadd.s32 $0x70, s18  }
0x31: {  	s9 =	sadd.s32 $0x120, s18;
	v13 =	vor.u32 s8, v19;
	v15 =	vor.u32 s21, v19;
	s2 =	sor.u32 $0x10, s18;
	v5 =	vor.u32 s16, v19;
	s16 =	sld [smem:$0x7F9]  }
0x32: {  	s17 =	simm.s32 $0x3;
	s10 =	simm.s32 $0x9C40;
	[dreg:$0x1a] =	wrdreg s3;
	v11 =	vor.u32 s25, v19;
	v14 =	vor.u32 s9, v19;
	v0 =	vor.u32 s2, v19  }
0x33: {  	s26 =	simm.s32 $0x2;
	s13 =	simm.s32 $0x1;
	s3 =	simm.s32 $0x7530;
	v8 =	vor.u32 s14, v19;
	v12 =	vor.u32 s29, v19;
	v4 =	vor.u32 s11, v19  }
0x34: {  	[smem:$0x7FD] =	sst s24;
	s24 =	simm.s32 $0x4EC0;
	s15 =	simm.s32 $0x50;
	v7 =	vor.u32 s12, v19;
	v9 =	vor.u32 s16, v19;
	v19 =	vor.u32 s0, v19  }
.LBB2_1:
0x35: {  	[smem:$0x7F5] =	sst s5;
	s8 =	simm.s32 $0x100;
	s2 =	simm.s32 $0x0  }
.LBB2_2:
0x36: {  	p1 =	sne.s32 s8, $0x7F00;
	[tilespmem:s2+$0xD870] =	vst v20;
	s11 =	smov.u32 s8;
	s8 =	sadd.s32 $0x100, s8  }
.Ltmp0:
0x37: {  	[tilespmem:s2+$0xD860] =	vst v20;
	(pc) =	sbr.rel @p1 .LBB2_2-.Ltmp0, $3  }
0x38: {  	[tilespmem:s2+$0xD840] =	vst v20  }
0x39: {  	[tilespmem:s2+$0xD850] =	vst v20;
	_ =	sdelay $0x1  }
0x3a: {  	s2 =	sshra.s32 s11, $0x2  }
0x3b: {  	[tilespmem:s2+$0xD870] =	vst v20  }
0x3c: {  	[tilespmem:s2+$0xD860] =	vst v20  }
0x3d: {  	[tilespmem:s2+$0xD840] =	vst v20  }
0x3e: {  	[tilespmem:s2+$0xD850] =	vst v20  }
0x3f: {  	[tilespmem:$0xF840] =	vst v20  }
0x40: {  	[tilespmem:$0xF850] =	vst v20  }
0x41: {  	[tilespmem:$0xF860] =	vst v20  }
0x42: {  	[tilespmem:$0xF870] =	vst v20  }
0x43: {  	[tilespmem:$0xF880] =	vst v20  }
0x44: {  	[tilespmem:$0xF890] =	vst v20  }
0x45: {  	[tilespmem:$0xF8A0] =	vst v20  }
0x46: {  	[tilespmem:$0xF8B0] =	vst v20  }
0x47: {  	[tilespmem:$0xF8C0] =	vst v20  }
0x48: {  	[tilespmem:$0xF8D0] =	vst v20  }
0x49: {  	[tilespmem:$0xF8E0] =	vst v20  }
0x4a: {  	[tilespmem:$0xF8F0] =	vst v20  }
0x4b: {  	[tilespmem:$0xF900] =	vst v20  }
0x4c: {  	[tilespmem:$0xF910] =	vst v20  }
0x4d: {  	[tilespmem:$0xF920] =	vst v20  }
0x4e: {  	[tilespmem:$0xF930] =	vst v20  }
0x4f: {  	[tilespmem:$0xF940] =	vst v20  }
0x50: {  	[tilespmem:$0xF950] =	vst v20  }
0x51: {  	[tilespmem:$0xF960] =	vst v20  }
0x52: {  	[tilespmem:$0xF970] =	vst v20  }
0x53: {  	[tilespmem:$0xF980] =	vst v20  }
0x54: {  	[tilespmem:$0xF990] =	vst v20  }
0x55: {  	[tilespmem:$0xF9A0] =	vst v20  }
0x56: {  	[tilespmem:$0xF9B0] =	vst v20  }
0x57: {  	[tilespmem:$0xF9C0] =	vst v20  }
0x58: {  	[tilespmem:$0xF9D0] =	vst v20  }
0x59: {  	[tilespmem:$0xF9E0] =	vst v20  }
0x5a: {  	[tilespmem:$0xF9F0] =	vst v20  }
0x5b: {  	[tilespmem:$0xFA00] =	vst v20  }
0x5c: {  	[tilespmem:$0xFA10] =	vst v20  }
0x5d: {  	[tilespmem:$0xFA20] =	vst v20  }
0x5e: {  	[tilespmem:$0xFA30] =	vst v20  }
0x5f: {  	[tilespmem:$0xFA40] =	vst v20  }
0x60: {  	[tilespmem:$0xFA50] =	vst v20  }
0x61: {  	[tilespmem:$0xFA60] =	vst v20  }
0x62: {  	[tilespmem:$0xFA70] =	vst v20  }
0x63: {  	[tilespmem:$0xFA80] =	vst v20  }
0x64: {  	[tilespmem:$0xFA90] =	vst v20  }
0x65: {  	[tilespmem:$0xFAA0] =	vst v20  }
0x66: {  	s2 =	rddreg [dreg:$0x7];
	s5 =	simm.s32 $0xF840;
	[tilespmem:$0xFAB0] =	vst v20  }
0x67: {  	[spmem:s2] =	stream.linear.scatter [tilespmem:s5], [sflag:$0x3], $0x280, $0x38;
	[tilespmem:$0x1A100] =	vst v63  }
0x68: {  	_ =	swait.ge [sflag:s17], $0x280  }
0x69: {  	[sflag:s17] =	ssyncset.done $0x0  }
0x6a: {  	[sflag:s17] =	ssyncadd.s32 $0xFFFFFD80  }
0x6b: {  	[bflag:$0x0] =	sbarrier.arrive $0xFFFF  }
0x6c: {  	s14 =	simm.s32 $0x0;
	s20 =	simm.s32 $0x2710;
	s8 =	rddreg [dreg:$0x8]  }
0x6d: {  	[tilespmem:s20], [sflag:$0x3] =	stream.linear.gather [hbm4b:s8+s14], $0x2710, $0x38;
	[tilespmem:$0x1A100] =	vst v63  }
0x6e: {  	_ =	swait.ge [sflag:s17], $0x2710  }
0x6f: {  	[sflag:s17] =	ssyncset.done $0x0  }
0x70: {  	s21 =	simm.s32 $0x4E20;
	s16 =	rddreg [dreg:$0x9];
	[sflag:s17] =	ssyncadd.s32 $0xFFFFD8F0  }
0x71: {  	[tilespmem:s21], [sflag:$0x3] =	stream.linear.gather [hbm4b:s16+s14], $0x2710, $0x38;
	[tilespmem:$0x1A100] =	vst v63  }
0x72: {  	_ =	swait.ge [sflag:s17], $0x2710  }
0x73: {  	[sflag:s17] =	ssyncset.done $0x0  }
0x74: {  	[sflag:s17] =	ssyncadd.s32 $0xFFFFD8F0  }
0x75: {  	[spmem:s1] =	stream.indirect.scatter.add.f32 [tilespmem:s21], [sflag:$0x2], $0x1, s20, s15, $0xb8;
	[tilespmem:$0x1A100] =	vst v63  }
0x76: {  	s19 =	simm.s32 $0x2760;
	s16 =	simm.s32 $0x4E70  }
0x77: {  	[spmem:s1] =	stream.indirect.scatter.add.f32 [tilespmem:s16], [sflag:$0x2], $0x1, s19, s15, $0xb8;
	[tilespmem:$0x1A100] =	vst v63  }
0x78: {  	s22 =	simm.s32 $0x27B0  }
0x79: {  	[spmem:s1] =	stream.indirect.scatter.add.f32 [tilespmem:s24], [sflag:$0x2], $0x1, s22, s15, $0xb8;
	[tilespmem:$0x1A100] =	vst v63  }
0x7a: {  	s23 =	simm.s32 $0x2800;
	s25 =	simm.s32 $0x4F10  }
0x7b: {  	[spmem:s1] =	stream.indirect.scatter.add.f32 [tilespmem:s25], [sflag:$0x2], $0x1, s23, s15, $0xb8;
	[tilespmem:$0x1A100] =	vst v63  }
0x7c: {  	s29 =	simm.s32 $0x2850;
	s23 =	simm.s32 $0x4F60  }
0x7d: {  	[spmem:s1] =	stream.indirect.scatter.add.f32 [tilespmem:s23], [sflag:$0x2], $0x1, s29, s15, $0xb8;
	[tilespmem:$0x1A100] =	vst v63  }
0x7e: {  	s9 =	simm.s32 $0x4FB0;
	s5 =	simm.s32 $0x28A0  }
0x7f: {  	[spmem:s1] =	stream.indirect.scatter.add.f32 [tilespmem:s9], [sflag:$0x2], $0x1, s5, s15, $0xb8;
	[tilespmem:$0x1A100] =	vst v63  }
0x80: {  	s11 =	simm.s32 $0x28F0;
	s9 =	simm.s32 $0x5000  }
0x81: {  	[spmem:s1] =	stream.indirect.scatter.add.f32 [tilespmem:s9], [sflag:$0x2], $0x1, s11, s15, $0xb8;
	[tilespmem:$0x1A100] =	vst v63  }
0x82: {  	s12 =	simm.s32 $0x2940;
	s11 =	simm.s32 $0x5050  }
0x83: {  	[spmem:s1] =	stream.indirect.scatter.add.f32 [tilespmem:s11], [sflag:$0x2], $0x1, s12, s15, $0xb8;
	[tilespmem:$0x1A100] =	vst v63  }
0x84: {  	s19 =	simm.s32 $0x2990;
	s12 =	simm.s32 $0x50A0  }
0x85: {  	[spmem:s1] =	stream.indirect.scatter.add.f32 [tilespmem:s12], [sflag:$0x2], $0x1, s19, s15, $0xb8;
	[tilespmem:$0x1A100] =	vst v63  }
0x86: {  	s22 =	simm.s32 $0x29E0;
	s19 =	simm.s32 $0x50F0  }
0x87: {  	[spmem:s1] =	stream.indirect.scatter.add.f32 [tilespmem:s19], [sflag:$0x2], $0x1, s22, s15, $0xb8;
	[tilespmem:$0x1A100] =	vst v63  }
0x88: {  	s29 =	simm.s32 $0x2A30;
	s22 =	simm.s32 $0x5140  }
0x89: {  	[spmem:s1] =	stream.indirect.scatter.add.f32 [tilespmem:s22], [sflag:$0x2], $0x1, s29, s15, $0xb8;
	[tilespmem:$0x1A100] =	vst v63  }
0x8a: {  	s5 =	simm.s32 $0x2A80;
	s29 =	simm.s32 $0x5190  }
0x8b: {  	[spmem:s1] =	stream.indirect.scatter.add.f32 [tilespmem:s29], [sflag:$0x2], $0x1, s5, s15, $0xb8;
	[tilespmem:$0x1A100] =	vst v63  }
0x8c: {  	s8 =	simm.s32 $0x2AD0;
	s5 =	simm.s32 $0x51E0  }
0x8d: {  	[spmem:s1] =	stream.indirect.scatter.add.f32 [tilespmem:s5], [sflag:$0x2], $0x1, s8, s15, $0xb8;
	[tilespmem:$0x1A100] =	vst v63  }
0x8e: {  	s8 =	simm.s32 $0x2B20;
	s5 =	simm.s32 $0x5230  }
0x8f: {  	[spmem:s1] =	stream.indirect.scatter.add.f32 [tilespmem:s5], [sflag:$0x2], $0x1, s8, s15, $0xb8;
	[tilespmem:$0x1A100] =	vst v63  }
0x90: {  	s8 =	simm.s32 $0x2B70;
	s5 =	simm.s32 $0x5280  }
0x91: {  	[spmem:s1] =	stream.indirect.scatter.add.f32 [tilespmem:s5], [sflag:$0x2], $0x1, s8, s15, $0xb8;
	[tilespmem:$0x1A100] =	vst v63  }
0x92: {  	s8 =	simm.s32 $0x2BC0;
	s5 =	simm.s32 $0x52D0  }
0x93: {  	[spmem:s1] =	stream.indirect.scatter.add.f32 [tilespmem:s5], [sflag:$0x2], $0x1, s8, s15, $0xb8;
	[tilespmem:$0x1A100] =	vst v63  }
0x94: {  	s8 =	simm.s32 $0x2C10;
	s5 =	simm.s32 $0x5320  }
0x95: {  	[spmem:s1] =	stream.indirect.scatter.add.f32 [tilespmem:s5], [sflag:$0x2], $0x1, s8, s15, $0xb8;
	[tilespmem:$0x1A100] =	vst v63  }
0x96: {  	s8 =	simm.s32 $0x2C60;
	s5 =	simm.s32 $0x5370  }
0x97: {  	[spmem:s1] =	stream.indirect.scatter.add.f32 [tilespmem:s5], [sflag:$0x2], $0x1, s8, s15, $0xb8;
	[tilespmem:$0x1A100] =	vst v63  }
0x98: {  	s8 =	simm.s32 $0x2CB0;
	s5 =	simm.s32 $0x53C0  }
0x99: {  	[spmem:s1] =	stream.indirect.scatter.add.f32 [tilespmem:s5], [sflag:$0x2], $0x1, s8, s15, $0xb8;
	[tilespmem:$0x1A100] =	vst v63  }
0x9a: {  	s8 =	simm.s32 $0x2D00;
	s5 =	simm.s32 $0x5410  }
0x9b: {  	[spmem:s1] =	stream.indirect.scatter.add.f32 [tilespmem:s5], [sflag:$0x2], $0x1, s8, s15, $0xb8;
	[tilespmem:$0x1A100] =	vst v63  }
0x9c: {  	s8 =	simm.s32 $0x2D50;
	s5 =	simm.s32 $0x5460  }
0x9d: {  	[spmem:s1] =	stream.indirect.scatter.add.f32 [tilespmem:s5], [sflag:$0x2], $0x1, s8, s15, $0xb8;
	[tilespmem:$0x1A100] =	vst v63  }
0x9e: {  	s8 =	simm.s32 $0x2DA0;
	s5 =	simm.s32 $0x54B0  }
0x9f: {  	[spmem:s1] =	stream.indirect.scatter.add.f32 [tilespmem:s5], [sflag:$0x2], $0x1, s8, s15, $0xb8;
	[tilespmem:$0x1A100] =	vst v63  }
0xa0: {  	s8 =	simm.s32 $0x2DF0;
	s5 =	simm.s32 $0x5500  }
0xa1: {  	[spmem:s1] =	stream.indirect.scatter.add.f32 [tilespmem:s5], [sflag:$0x2], $0x1, s8, s15, $0xb8;
	[tilespmem:$0x1A100] =	vst v63  }
0xa2: {  	s8 =	simm.s32 $0x2E40;
	s5 =	simm.s32 $0x5550  }
0xa3: {  	[spmem:s1] =	stream.indirect.scatter.add.f32 [tilespmem:s5], [sflag:$0x2], $0x1, s8, s15, $0xb8;
	[tilespmem:$0x1A100] =	vst v63  }
0xa4: {  	s8 =	simm.s32 $0x2E90;
	s5 =	simm.s32 $0x55A0  }
0xa5: {  	[spmem:s1] =	stream.indirect.scatter.add.f32 [tilespmem:s5], [sflag:$0x2], $0x1, s8, s15, $0xb8;
	[tilespmem:$0x1A100] =	vst v63  }
0xa6: {  	_ =	swait.ge [sflag:s26], $0x50  }
0xa7: {  	[sflag:s26] =	ssyncset.done $0x0  }
0xa8: {  	[sflag:s26] =	ssyncadd.s32 $0xFFFFFFB0  }
0xa9: {  	_ =	swait.ge [sflag:s26], $0x50  }
0xaa: {  	[sflag:s26] =	ssyncset.done $0x0  }
0xab: {  	[sflag:s26] =	ssyncadd.s32 $0xFFFFFFB0  }
0xac: {  	_ =	swait.ge [sflag:s26], $0x50  }
0xad: {  	[sflag:s26] =	ssyncset.done $0x0  }
0xae: {  	[sflag:s26] =	ssyncadd.s32 $0xFFFFFFB0  }
0xaf: {  	_ =	swait.ge [sflag:s26], $0x50  }
0xb0: {  	[sflag:s26] =	ssyncset.done $0x0  }
0xb1: {  	[sflag:s26] =	ssyncadd.s32 $0xFFFFFFB0  }
0xb2: {  	_ =	swait.ge [sflag:s26], $0x50  }
0xb3: {  	[sflag:s26] =	ssyncset.done $0x0  }
0xb4: {  	[sflag:s26] =	ssyncadd.s32 $0xFFFFFFB0  }
0xb5: {  	_ =	swait.ge [sflag:s26], $0x50  }
0xb6: {  	[sflag:s26] =	ssyncset.done $0x0  }
0xb7: {  	[sflag:s26] =	ssyncadd.s32 $0xFFFFFFB0  }
0xb8: {  	_ =	swait.ge [sflag:s26], $0x50  }
0xb9: {  	[sflag:s26] =	ssyncset.done $0x0  }
0xba: {  	[sflag:s26] =	ssyncadd.s32 $0xFFFFFFB0  }
0xbb: {  	_ =	swait.ge [sflag:s26], $0x50  }
0xbc: {  	[sflag:s26] =	ssyncset.done $0x0  }
0xbd: {  	[sflag:s26] =	ssyncadd.s32 $0xFFFFFFB0  }
0xbe: {  	_ =	swait.ge [sflag:s26], $0x50  }
0xbf: {  	[sflag:s26] =	ssyncset.done $0x0  }
0xc0: {  	[sflag:s26] =	ssyncadd.s32 $0xFFFFFFB0  }
0xc1: {  	_ =	swait.ge [sflag:s26], $0x50  }
0xc2: {  	[sflag:s26] =	ssyncset.done $0x0  }
0xc3: {  	[sflag:s26] =	ssyncadd.s32 $0xFFFFFFB0  }
0xc4: {  	_ =	swait.ge [sflag:s26], $0x50  }
0xc5: {  	[sflag:s26] =	ssyncset.done $0x0  }
0xc6: {  	[sflag:s26] =	ssyncadd.s32 $0xFFFFFFB0  }
0xc7: {  	_ =	swait.ge [sflag:s26], $0x50  }
0xc8: {  	[sflag:s26] =	ssyncset.done $0x0  }
0xc9: {  	[sflag:s26] =	ssyncadd.s32 $0xFFFFFFB0  }
0xca: {  	_ =	swait.ge [sflag:s26], $0x50  }
0xcb: {  	[sflag:s26] =	ssyncset.done $0x0  }
0xcc: {  	[sflag:s26] =	ssyncadd.s32 $0xFFFFFFB0  }
0xcd: {  	_ =	swait.ge [sflag:s26], $0x50  }
0xce: {  	[sflag:s26] =	ssyncset.done $0x0  }
0xcf: {  	[sflag:s26] =	ssyncadd.s32 $0xFFFFFFB0  }
0xd0: {  	_ =	swait.ge [sflag:s26], $0x50  }
0xd1: {  	[sflag:s26] =	ssyncset.done $0x0  }
0xd2: {  	[sflag:s26] =	ssyncadd.s32 $0xFFFFFFB0  }
0xd3: {  	_ =	swait.ge [sflag:s26], $0x50  }
0xd4: {  	[sflag:s26] =	ssyncset.done $0x0  }
0xd5: {  	[sflag:s26] =	ssyncadd.s32 $0xFFFFFFB0  }
0xd6: {  	_ =	swait.ge [sflag:s26], $0x50  }
0xd7: {  	[sflag:s26] =	ssyncset.done $0x0  }
0xd8: {  	[sflag:s26] =	ssyncadd.s32 $0xFFFFFFB0  }
0xd9: {  	_ =	swait.ge [sflag:s26], $0x50  }
0xda: {  	[sflag:s26] =	ssyncset.done $0x0  }
0xdb: {  	[sflag:s26] =	ssyncadd.s32 $0xFFFFFFB0  }
0xdc: {  	_ =	swait.ge [sflag:s26], $0x50  }
0xdd: {  	[sflag:s26] =	ssyncset.done $0x0  }
0xde: {  	[sflag:s26] =	ssyncadd.s32 $0xFFFFFFB0  }
0xdf: {  	_ =	swait.ge [sflag:s26], $0x50  }
0xe0: {  	[sflag:s26] =	ssyncset.done $0x0  }
0xe1: {  	[sflag:s26] =	ssyncadd.s32 $0xFFFFFFB0  }
0xe2: {  	_ =	swait.ge [sflag:s26], $0x50  }
0xe3: {  	[sflag:s26] =	ssyncset.done $0x0  }
0xe4: {  	[sflag:s26] =	ssyncadd.s32 $0xFFFFFFB0  }
0xe5: {  	_ =	swait.ge [sflag:s26], $0x50  }
0xe6: {  	[sflag:s26] =	ssyncset.done $0x0  }
0xe7: {  	[sflag:s26] =	ssyncadd.s32 $0xFFFFFFB0  }
0xe8: {  	_ =	swait.ge [sflag:s26], $0x50  }
0xe9: {  	[sflag:s26] =	ssyncset.done $0x0  }
0xea: {  	[sflag:s26] =	ssyncadd.s32 $0xFFFFFFB0  }
0xeb: {  	_ =	swait.ge [sflag:s26], $0x50  }
0xec: {  	[sflag:s26] =	ssyncset.done $0x0  }
0xed: {  	[sflag:s26] =	ssyncadd.s32 $0xFFFFFFB0  }
0xee: {  	_ =	swait.ge [sflag:s26], $0x50  }
0xef: {  	[sflag:s26] =	ssyncset.done $0x0  }
0xf0: {  	s8 =	simm.s32 $0x2EE0;
	s5 =	simm.s32 $0x55F0;
	[sflag:s26] =	ssyncadd.s32 $0xFFFFFFB0  }
0xf1: {  	[spmem:s1] =	stream.indirect.scatter.add.f32 [tilespmem:s5], [sflag:$0x2], $0x1, s8, s15, $0xb8;
	[tilespmem:$0x1A100] =	vst v63  }
0xf2: {  	s8 =	simm.s32 $0x2F30;
	s5 =	simm.s32 $0x5640  }
0xf3: {  	[spmem:s1] =	stream.indirect.scatter.add.f32 [tilespmem:s5], [sflag:$0x2], $0x1, s8, s15, $0xb8;
	[tilespmem:$0x1A100] =	vst v63  }
0xf4: {  	s8 =	simm.s32 $0x2F80;
	s5 =	simm.s32 $0x5690  }
0xf5: {  	[spmem:s1] =	stream.indirect.scatter.add.f32 [tilespmem:s5], [sflag:$0x2], $0x1, s8, s15, $0xb8;
	[tilespmem:$0x1A100] =	vst v63  }
0xf6: {  	s8 =	simm.s32 $0x2FD0;
	s5 =	simm.s32 $0x56E0  }
0xf7: {  	[spmem:s1] =	stream.indirect.scatter.add.f32 [tilespmem:s5], [sflag:$0x2], $0x1, s8, s15, $0xb8;
	[tilespmem:$0x1A100] =	vst v63  }
0xf8: {  	s8 =	simm.s32 $0x3020;
	s5 =	simm.s32 $0x5730  }
0xf9: {  	[spmem:s1] =	stream.indirect.scatter.add.f32 [tilespmem:s5], [sflag:$0x2], $0x1, s8, s15, $0xb8;
	[tilespmem:$0x1A100] =	vst v63  }
0xfa: {  	s8 =	simm.s32 $0x3070;
	s5 =	simm.s32 $0x5780  }
0xfb: {  	[spmem:s1] =	stream.indirect.scatter.add.f32 [tilespmem:s5], [sflag:$0x2], $0x1, s8, s15, $0xb8;
	[tilespmem:$0x1A100] =	vst v63  }
0xfc: {  	s8 =	simm.s32 $0x30C0;
	s5 =	simm.s32 $0x57D0  }
0xfd: {  	[spmem:s1] =	stream.indirect.scatter.add.f32 [tilespmem:s5], [sflag:$0x2], $0x1, s8, s15, $0xb8;
	[tilespmem:$0x1A100] =	vst v63  }
0xfe: {  	s8 =	simm.s32 $0x3110;
	s5 =	simm.s32 $0x5820  }
0xff: {  	[spmem:s1] =	stream.indirect.scatter.add.f32 [tilespmem:s5], [sflag:$0x2], $0x1, s8, s15, $0xb8;
	[tilespmem:$0x1A100] =	vst v63  }
0x100: {  	s8 =	simm.s32 $0x3160;
	s5 =	simm.s32 $0x5870  }
0x101: {  	[spmem:s1] =	stream.indirect.scatter.add.f32 [tilespmem:s5], [sflag:$0x2], $0x1, s8, s15, $0xb8;
	[tilespmem:$0x1A100] =	vst v63  }
0x102: {  	s8 =	simm.s32 $0x31B0;
	s5 =	simm.s32 $0x58C0  }
0x103: {  	[spmem:s1] =	stream.indirect.scatter.add.f32 [tilespmem:s5], [sflag:$0x2], $0x1, s8, s15, $0xb8;
	[tilespmem:$0x1A100] =	vst v63  }
0x104: {  	s8 =	simm.s32 $0x3200;
	s5 =	simm.s32 $0x5910  }
0x105: {  	[spmem:s1] =	stream.indirect.scatter.add.f32 [tilespmem:s5], [sflag:$0x2], $0x1, s8, s15, $0xb8;
	[tilespmem:$0x1A100] =	vst v63  }
0x106: {  	s8 =	simm.s32 $0x3250;
	s5 =	simm.s32 $0x5960  }
0x107: {  	[spmem:s1] =	stream.indirect.scatter.add.f32 [tilespmem:s5], [sflag:$0x2], $0x1, s8, s15, $0xb8;
	[tilespmem:$0x1A100] =	vst v63  }
0x108: {  	s8 =	simm.s32 $0x32A0;
	s5 =	simm.s32 $0x59B0  }
0x109: {  	[spmem:s1] =	stream.indirect.scatter.add.f32 [tilespmem:s5], [sflag:$0x2], $0x1, s8, s15, $0xb8;
	[tilespmem:$0x1A100] =	vst v63  }
0x10a: {  	s8 =	simm.s32 $0x32F0;
	s5 =	simm.s32 $0x5A00  }
0x10b: {  	[spmem:s1] =	stream.indirect.scatter.add.f32 [tilespmem:s5], [sflag:$0x2], $0x1, s8, s15, $0xb8;
	[tilespmem:$0x1A100] =	vst v63  }
0x10c: {  	s8 =	simm.s32 $0x3340;
	s5 =	simm.s32 $0x5A50  }
0x10d: {  	[spmem:s1] =	stream.indirect.scatter.add.f32 [tilespmem:s5], [sflag:$0x2], $0x1, s8, s15, $0xb8;
	[tilespmem:$0x1A100] =	vst v63  }
0x10e: {  	s8 =	simm.s32 $0x3390;
	s5 =	simm.s32 $0x5AA0  }
0x10f: {  	[spmem:s1] =	stream.indirect.scatter.add.f32 [tilespmem:s5], [sflag:$0x2], $0x1, s8, s15, $0xb8;
	[tilespmem:$0x1A100] =	vst v63  }
0x110: {  	s8 =	simm.s32 $0x33E0;
	s5 =	simm.s32 $0x5AF0  }
0x111: {  	[spmem:s1] =	stream.indirect.scatter.add.f32 [tilespmem:s5], [sflag:$0x2], $0x1, s8, s15, $0xb8;
	[tilespmem:$0x1A100] =	vst v63  }
0x112: {  	s8 =	simm.s32 $0x3430;
	s5 =	simm.s32 $0x5B40  }
0x113: {  	[spmem:s1] =	stream.indirect.scatter.add.f32 [tilespmem:s5], [sflag:$0x2], $0x1, s8, s15, $0xb8;
	[tilespmem:$0x1A100] =	vst v63  }
0x114: {  	s8 =	simm.s32 $0x3480;
	s5 =	simm.s32 $0x5B90  }
0x115: {  	[spmem:s1] =	stream.indirect.scatter.add.f32 [tilespmem:s5], [sflag:$0x2], $0x1, s8, s15, $0xb8;
	[tilespmem:$0x1A100] =	vst v63  }
0x116: {  	s8 =	simm.s32 $0x34D0;
	s5 =	simm.s32 $0x5BE0  }
0x117: {  	[spmem:s1] =	stream.indirect.scatter.add.f32 [tilespmem:s5], [sflag:$0x2], $0x1, s8, s15, $0xb8;
	[tilespmem:$0x1A100] =	vst v63  }
0x118: {  	s8 =	simm.s32 $0x3520;
	s5 =	simm.s32 $0x5C30  }
0x119: {  	[spmem:s1] =	stream.indirect.scatter.add.f32 [tilespmem:s5], [sflag:$0x2], $0x1, s8, s15, $0xb8;
	[tilespmem:$0x1A100] =	vst v63  }
0x11a: {  	s8 =	simm.s32 $0x3570;
	s5 =	simm.s32 $0x5C80  }
0x11b: {  	[spmem:s1] =	stream.indirect.scatter.add.f32 [tilespmem:s5], [sflag:$0x2], $0x1, s8, s15, $0xb8;
	[tilespmem:$0x1A100] =	vst v63  }
0x11c: {  	s8 =	simm.s32 $0x35C0;
	s5 =	simm.s32 $0x5CD0  }
0x11d: {  	[spmem:s1] =	stream.indirect.scatter.add.f32 [tilespmem:s5], [sflag:$0x2], $0x1, s8, s15, $0xb8;
	[tilespmem:$0x1A100] =	vst v63  }
0x11e: {  	s8 =	simm.s32 $0x3610;
	s5 =	simm.s32 $0x5D20  }
0x11f: {  	[spmem:s1] =	stream.indirect.scatter.add.f32 [tilespmem:s5], [sflag:$0x2], $0x1, s8, s15, $0xb8;
	[tilespmem:$0x1A100] =	vst v63  }
0x120: {  	s8 =	simm.s32 $0x3660;
	s5 =	simm.s32 $0x5D70  }
0x121: {  	[spmem:s1] =	stream.indirect.scatter.add.f32 [tilespmem:s5], [sflag:$0x2], $0x1, s8, s15, $0xb8;
	[tilespmem:$0x1A100] =	vst v63  }
0x122: {  	_ =	swait.ge [sflag:s26], $0x50  }
0x123: {  	[sflag:s26] =	ssyncset.done $0x0  }
0x124: {  	[sflag:s26] =	ssyncadd.s32 $0xFFFFFFB0  }
0x125: {  	_ =	swait.ge [sflag:s26], $0x50  }
0x126: {  	[sflag:s26] =	ssyncset.done $0x0  }
0x127: {  	[sflag:s26] =	ssyncadd.s32 $0xFFFFFFB0  }
0x128: {  	_ =	swait.ge [sflag:s26], $0x50  }
0x129: {  	[sflag:s26] =	ssyncset.done $0x0  }
0x12a: {  	[sflag:s26] =	ssyncadd.s32 $0xFFFFFFB0  }
0x12b: {  	_ =	swait.ge [sflag:s26], $0x50  }
0x12c: {  	[sflag:s26] =	ssyncset.done $0x0  }
0x12d: {  	[sflag:s26] =	ssyncadd.s32 $0xFFFFFFB0  }
0x12e: {  	_ =	swait.ge [sflag:s26], $0x50  }
0x12f: {  	[sflag:s26] =	ssyncset.done $0x0  }
0x130: {  	[sflag:s26] =	ssyncadd.s32 $0xFFFFFFB0  }
0x131: {  	_ =	swait.ge [sflag:s26], $0x50  }
0x132: {  	[sflag:s26] =	ssyncset.done $0x0  }
0x133: {  	[sflag:s26] =	ssyncadd.s32 $0xFFFFFFB0  }
0x134: {  	_ =	swait.ge [sflag:s26], $0x50  }
0x135: {  	[sflag:s26] =	ssyncset.done $0x0  }
0x136: {  	[sflag:s26] =	ssyncadd.s32 $0xFFFFFFB0  }
0x137: {  	_ =	swait.ge [sflag:s26], $0x50  }
0x138: {  	[sflag:s26] =	ssyncset.done $0x0  }
0x139: {  	[sflag:s26] =	ssyncadd.s32 $0xFFFFFFB0  }
0x13a: {  	_ =	swait.ge [sflag:s26], $0x50  }
0x13b: {  	[sflag:s26] =	ssyncset.done $0x0  }
0x13c: {  	[sflag:s26] =	ssyncadd.s32 $0xFFFFFFB0  }
0x13d: {  	_ =	swait.ge [sflag:s26], $0x50  }
0x13e: {  	[sflag:s26] =	ssyncset.done $0x0  }
0x13f: {  	[sflag:s26] =	ssyncadd.s32 $0xFFFFFFB0  }
0x140: {  	_ =	swait.ge [sflag:s26], $0x50  }
0x141: {  	[sflag:s26] =	ssyncset.done $0x0  }
0x142: {  	[sflag:s26] =	ssyncadd.s32 $0xFFFFFFB0  }
0x143: {  	_ =	swait.ge [sflag:s26], $0x50  }
0x144: {  	[sflag:s26] =	ssyncset.done $0x0  }
0x145: {  	[sflag:s26] =	ssyncadd.s32 $0xFFFFFFB0  }
0x146: {  	_ =	swait.ge [sflag:s26], $0x50  }
0x147: {  	[sflag:s26] =	ssyncset.done $0x0  }
0x148: {  	[sflag:s26] =	ssyncadd.s32 $0xFFFFFFB0  }
0x149: {  	_ =	swait.ge [sflag:s26], $0x50  }
0x14a: {  	[sflag:s26] =	ssyncset.done $0x0  }
0x14b: {  	[sflag:s26] =	ssyncadd.s32 $0xFFFFFFB0  }
0x14c: {  	_ =	swait.ge [sflag:s26], $0x50  }
0x14d: {  	[sflag:s26] =	ssyncset.done $0x0  }
0x14e: {  	[sflag:s26] =	ssyncadd.s32 $0xFFFFFFB0  }
0x14f: {  	_ =	swait.ge [sflag:s26], $0x50  }
0x150: {  	[sflag:s26] =	ssyncset.done $0x0  }
0x151: {  	[sflag:s26] =	ssyncadd.s32 $0xFFFFFFB0  }
0x152: {  	_ =	swait.ge [sflag:s26], $0x50  }
0x153: {  	[sflag:s26] =	ssyncset.done $0x0  }
0x154: {  	[sflag:s26] =	ssyncadd.s32 $0xFFFFFFB0  }
0x155: {  	_ =	swait.ge [sflag:s26], $0x50  }
0x156: {  	[sflag:s26] =	ssyncset.done $0x0  }
0x157: {  	[sflag:s26] =	ssyncadd.s32 $0xFFFFFFB0  }
0x158: {  	_ =	swait.ge [sflag:s26], $0x50  }
0x159: {  	[sflag:s26] =	ssyncset.done $0x0  }
0x15a: {  	[sflag:s26] =	ssyncadd.s32 $0xFFFFFFB0  }
0x15b: {  	_ =	swait.ge [sflag:s26], $0x50  }
0x15c: {  	[sflag:s26] =	ssyncset.done $0x0  }
0x15d: {  	[sflag:s26] =	ssyncadd.s32 $0xFFFFFFB0  }
0x15e: {  	_ =	swait.ge [sflag:s26], $0x50  }
0x15f: {  	[sflag:s26] =	ssyncset.done $0x0  }
0x160: {  	[sflag:s26] =	ssyncadd.s32 $0xFFFFFFB0  }
0x161: {  	_ =	swait.ge [sflag:s26], $0x50  }
0x162: {  	[sflag:s26] =	ssyncset.done $0x0  }
0x163: {  	[sflag:s26] =	ssyncadd.s32 $0xFFFFFFB0  }
0x164: {  	_ =	swait.ge [sflag:s26], $0x50  }
0x165: {  	[sflag:s26] =	ssyncset.done $0x0  }
0x166: {  	[sflag:s26] =	ssyncadd.s32 $0xFFFFFFB0  }
0x167: {  	_ =	swait.ge [sflag:s26], $0x50  }
0x168: {  	[sflag:s26] =	ssyncset.done $0x0  }
0x169: {  	[sflag:s26] =	ssyncadd.s32 $0xFFFFFFB0  }
0x16a: {  	_ =	swait.ge [sflag:s26], $0x50  }
0x16b: {  	[sflag:s26] =	ssyncset.done $0x0  }
0x16c: {  	s8 =	simm.s32 $0x36B0;
	s5 =	simm.s32 $0x5DC0;
	[sflag:s26] =	ssyncadd.s32 $0xFFFFFFB0  }
0x16d: {  	[spmem:s1] =	stream.indirect.scatter.add.f32 [tilespmem:s5], [sflag:$0x2], $0x1, s8, s15, $0xb8;
	[tilespmem:$0x1A100] =	vst v63  }
0x16e: {  	s8 =	simm.s32 $0x3700;
	s5 =	simm.s32 $0x5E10  }
0x16f: {  	[spmem:s1] =	stream.indirect.scatter.add.f32 [tilespmem:s5], [sflag:$0x2], $0x1, s8, s15, $0xb8;
	[tilespmem:$0x1A100] =	vst v63  }
0x170: {  	s8 =	simm.s32 $0x3750;
	s5 =	simm.s32 $0x5E60  }
0x171: {  	[spmem:s1] =	stream.indirect.scatter.add.f32 [tilespmem:s5], [sflag:$0x2], $0x1, s8, s15, $0xb8;
	[tilespmem:$0x1A100] =	vst v63  }
0x172: {  	s8 =	simm.s32 $0x37A0;
	s5 =	simm.s32 $0x5EB0  }
0x173: {  	[spmem:s1] =	stream.indirect.scatter.add.f32 [tilespmem:s5], [sflag:$0x2], $0x1, s8, s15, $0xb8;
	[tilespmem:$0x1A100] =	vst v63  }
0x174: {  	s8 =	simm.s32 $0x37F0;
	s5 =	simm.s32 $0x5F00  }
0x175: {  	[spmem:s1] =	stream.indirect.scatter.add.f32 [tilespmem:s5], [sflag:$0x2], $0x1, s8, s15, $0xb8;
	[tilespmem:$0x1A100] =	vst v63  }
0x176: {  	s8 =	simm.s32 $0x3840;
	s5 =	simm.s32 $0x5F50  }
0x177: {  	[spmem:s1] =	stream.indirect.scatter.add.f32 [tilespmem:s5], [sflag:$0x2], $0x1, s8, s15, $0xb8;
	[tilespmem:$0x1A100] =	vst v63  }
0x178: {  	s8 =	simm.s32 $0x3890;
	s5 =	simm.s32 $0x5FA0  }
0x179: {  	[spmem:s1] =	stream.indirect.scatter.add.f32 [tilespmem:s5], [sflag:$0x2], $0x1, s8, s15, $0xb8;
	[tilespmem:$0x1A100] =	vst v63  }
0x17a: {  	s8 =	simm.s32 $0x38E0;
	s5 =	simm.s32 $0x5FF0  }
0x17b: {  	[spmem:s1] =	stream.indirect.scatter.add.f32 [tilespmem:s5], [sflag:$0x2], $0x1, s8, s15, $0xb8;
	[tilespmem:$0x1A100] =	vst v63  }
0x17c: {  	s8 =	simm.s32 $0x3930;
	s5 =	simm.s32 $0x6040  }
0x17d: {  	[spmem:s1] =	stream.indirect.scatter.add.f32 [tilespmem:s5], [sflag:$0x2], $0x1, s8, s15, $0xb8;
	[tilespmem:$0x1A100] =	vst v63  }
0x17e: {  	s8 =	simm.s32 $0x3980;
	s5 =	simm.s32 $0x6090  }
0x17f: {  	[spmem:s1] =	stream.indirect.scatter.add.f32 [tilespmem:s5], [sflag:$0x2], $0x1, s8, s15, $0xb8;
	[tilespmem:$0x1A100] =	vst v63  }
0x180: {  	s8 =	simm.s32 $0x39D0;
	s5 =	simm.s32 $0x60E0  }
0x181: {  	[spmem:s1] =	stream.indirect.scatter.add.f32 [tilespmem:s5], [sflag:$0x2], $0x1, s8, s15, $0xb8;
	[tilespmem:$0x1A100] =	vst v63  }
0x182: {  	s8 =	simm.s32 $0x3A20;
	s5 =	simm.s32 $0x6130  }
0x183: {  	[spmem:s1] =	stream.indirect.scatter.add.f32 [tilespmem:s5], [sflag:$0x2], $0x1, s8, s15, $0xb8;
	[tilespmem:$0x1A100] =	vst v63  }
0x184: {  	s8 =	simm.s32 $0x3A70;
	s5 =	simm.s32 $0x6180  }
0x185: {  	[spmem:s1] =	stream.indirect.scatter.add.f32 [tilespmem:s5], [sflag:$0x2], $0x1, s8, s15, $0xb8;
	[tilespmem:$0x1A100] =	vst v63  }
0x186: {  	s8 =	simm.s32 $0x3AC0;
	s5 =	simm.s32 $0x61D0  }
0x187: {  	[spmem:s1] =	stream.indirect.scatter.add.f32 [tilespmem:s5], [sflag:$0x2], $0x1, s8, s15, $0xb8;
	[tilespmem:$0x1A100] =	vst v63  }
0x188: {  	s8 =	simm.s32 $0x3B10;
	s5 =	simm.s32 $0x6220  }
0x189: {  	[spmem:s1] =	stream.indirect.scatter.add.f32 [tilespmem:s5], [sflag:$0x2], $0x1, s8, s15, $0xb8;
	[tilespmem:$0x1A100] =	vst v63  }
0x18a: {  	s8 =	simm.s32 $0x3B60;
	s5 =	simm.s32 $0x6270  }
0x18b: {  	[spmem:s1] =	stream.indirect.scatter.add.f32 [tilespmem:s5], [sflag:$0x2], $0x1, s8, s15, $0xb8;
	[tilespmem:$0x1A100] =	vst v63  }
0x18c: {  	s8 =	simm.s32 $0x3BB0;
	s5 =	simm.s32 $0x62C0  }
0x18d: {  	[spmem:s1] =	stream.indirect.scatter.add.f32 [tilespmem:s5], [sflag:$0x2], $0x1, s8, s15, $0xb8;
	[tilespmem:$0x1A100] =	vst v63  }
0x18e: {  	s8 =	simm.s32 $0x3C00;
	s5 =	simm.s32 $0x6310  }
0x18f: {  	[spmem:s1] =	stream.indirect.scatter.add.f32 [tilespmem:s5], [sflag:$0x2], $0x1, s8, s15, $0xb8;
	[tilespmem:$0x1A100] =	vst v63  }
0x190: {  	s8 =	simm.s32 $0x3C50;
	s5 =	simm.s32 $0x6360  }
0x191: {  	[spmem:s1] =	stream.indirect.scatter.add.f32 [tilespmem:s5], [sflag:$0x2], $0x1, s8, s15, $0xb8;
	[tilespmem:$0x1A100] =	vst v63  }
0x192: {  	s8 =	simm.s32 $0x3CA0;
	s5 =	simm.s32 $0x63B0  }
0x193: {  	[spmem:s1] =	stream.indirect.scatter.add.f32 [tilespmem:s5], [sflag:$0x2], $0x1, s8, s15, $0xb8;
	[tilespmem:$0x1A100] =	vst v63  }
0x194: {  	s8 =	simm.s32 $0x3CF0;
	s5 =	simm.s32 $0x6400  }
0x195: {  	[spmem:s1] =	stream.indirect.scatter.add.f32 [tilespmem:s5], [sflag:$0x2], $0x1, s8, s15, $0xb8;
	[tilespmem:$0x1A100] =	vst v63  }
0x196: {  	s8 =	simm.s32 $0x3D40;
	s5 =	simm.s32 $0x6450  }
0x197: {  	[spmem:s1] =	stream.indirect.scatter.add.f32 [tilespmem:s5], [sflag:$0x2], $0x1, s8, s15, $0xb8;
	[tilespmem:$0x1A100] =	vst v63  }
0x198: {  	s8 =	simm.s32 $0x3D90;
	s5 =	simm.s32 $0x64A0  }
0x199: {  	[spmem:s1] =	stream.indirect.scatter.add.f32 [tilespmem:s5], [sflag:$0x2], $0x1, s8, s15, $0xb8;
	[tilespmem:$0x1A100] =	vst v63  }
0x19a: {  	s8 =	simm.s32 $0x3DE0;
	s5 =	simm.s32 $0x64F0  }
0x19b: {  	[spmem:s1] =	stream.indirect.scatter.add.f32 [tilespmem:s5], [sflag:$0x2], $0x1, s8, s15, $0xb8;
	[tilespmem:$0x1A100] =	vst v63  }
0x19c: {  	s8 =	simm.s32 $0x3E30;
	s5 =	simm.s32 $0x6540  }
0x19d: {  	[spmem:s1] =	stream.indirect.scatter.add.f32 [tilespmem:s5], [sflag:$0x2], $0x1, s8, s15, $0xb8;
	[tilespmem:$0x1A100] =	vst v63  }
0x19e: {  	_ =	swait.ge [sflag:s26], $0x50  }
0x19f: {  	[sflag:s26] =	ssyncset.done $0x0  }
0x1a0: {  	[sflag:s26] =	ssyncadd.s32 $0xFFFFFFB0  }
0x1a1: {  	_ =	swait.ge [sflag:s26], $0x50  }
0x1a2: {  	[sflag:s26] =	ssyncset.done $0x0  }
0x1a3: {  	[sflag:s26] =	ssyncadd.s32 $0xFFFFFFB0  }
0x1a4: {  	_ =	swait.ge [sflag:s26], $0x50  }
0x1a5: {  	[sflag:s26] =	ssyncset.done $0x0  }
0x1a6: {  	[sflag:s26] =	ssyncadd.s32 $0xFFFFFFB0  }
0x1a7: {  	_ =	swait.ge [sflag:s26], $0x50  }
0x1a8: {  	[sflag:s26] =	ssyncset.done $0x0  }
0x1a9: {  	[sflag:s26] =	ssyncadd.s32 $0xFFFFFFB0  }
0x1aa: {  	_ =	swait.ge [sflag:s26], $0x50  }
0x1ab: {  	[sflag:s26] =	ssyncset.done $0x0  }
0x1ac: {  	[sflag:s26] =	ssyncadd.s32 $0xFFFFFFB0  }
0x1ad: {  	_ =	swait.ge [sflag:s26], $0x50  }
0x1ae: {  	[sflag:s26] =	ssyncset.done $0x0  }
0x1af: {  	[sflag:s26] =	ssyncadd.s32 $0xFFFFFFB0  }
0x1b0: {  	_ =	swait.ge [sflag:s26], $0x50  }
0x1b1: {  	[sflag:s26] =	ssyncset.done $0x0  }
0x1b2: {  	[sflag:s26] =	ssyncadd.s32 $0xFFFFFFB0  }
0x1b3: {  	_ =	swait.ge [sflag:s26], $0x50  }
0x1b4: {  	[sflag:s26] =	ssyncset.done $0x0  }
0x1b5: {  	[sflag:s26] =	ssyncadd.s32 $0xFFFFFFB0  }
0x1b6: {  	_ =	swait.ge [sflag:s26], $0x50  }
0x1b7: {  	[sflag:s26] =	ssyncset.done $0x0  }
0x1b8: {  	[sflag:s26] =	ssyncadd.s32 $0xFFFFFFB0  }
0x1b9: {  	_ =	swait.ge [sflag:s26], $0x50  }
0x1ba: {  	[sflag:s26] =	ssyncset.done $0x0  }
0x1bb: {  	[sflag:s26] =	ssyncadd.s32 $0xFFFFFFB0  }
0x1bc: {  	_ =	swait.ge [sflag:s26], $0x50  }
0x1bd: {  	[sflag:s26] =	ssyncset.done $0x0  }
0x1be: {  	[sflag:s26] =	ssyncadd.s32 $0xFFFFFFB0  }
0x1bf: {  	_ =	swait.ge [sflag:s26], $0x50  }
0x1c0: {  	[sflag:s26] =	ssyncset.done $0x0  }
0x1c1: {  	[sflag:s26] =	ssyncadd.s32 $0xFFFFFFB0  }
0x1c2: {  	_ =	swait.ge [sflag:s26], $0x50  }
0x1c3: {  	[sflag:s26] =	ssyncset.done $0x0  }
0x1c4: {  	[sflag:s26] =	ssyncadd.s32 $0xFFFFFFB0  }
0x1c5: {  	_ =	swait.ge [sflag:s26], $0x50  }
0x1c6: {  	[sflag:s26] =	ssyncset.done $0x0  }
0x1c7: {  	[sflag:s26] =	ssyncadd.s32 $0xFFFFFFB0  }
0x1c8: {  	_ =	swait.ge [sflag:s26], $0x50  }
0x1c9: {  	[sflag:s26] =	ssyncset.done $0x0  }
0x1ca: {  	[sflag:s26] =	ssyncadd.s32 $0xFFFFFFB0  }
0x1cb: {  	_ =	swait.ge [sflag:s26], $0x50  }
0x1cc: {  	[sflag:s26] =	ssyncset.done $0x0  }
0x1cd: {  	[sflag:s26] =	ssyncadd.s32 $0xFFFFFFB0  }
0x1ce: {  	_ =	swait.ge [sflag:s26], $0x50  }
0x1cf: {  	[sflag:s26] =	ssyncset.done $0x0  }
0x1d0: {  	[sflag:s26] =	ssyncadd.s32 $0xFFFFFFB0  }
0x1d1: {  	_ =	swait.ge [sflag:s26], $0x50  }
0x1d2: {  	[sflag:s26] =	ssyncset.done $0x0  }
0x1d3: {  	[sflag:s26] =	ssyncadd.s32 $0xFFFFFFB0  }
0x1d4: {  	_ =	swait.ge [sflag:s26], $0x50  }
0x1d5: {  	[sflag:s26] =	ssyncset.done $0x0  }
0x1d6: {  	[sflag:s26] =	ssyncadd.s32 $0xFFFFFFB0  }
0x1d7: {  	_ =	swait.ge [sflag:s26], $0x50  }
0x1d8: {  	[sflag:s26] =	ssyncset.done $0x0  }
0x1d9: {  	[sflag:s26] =	ssyncadd.s32 $0xFFFFFFB0  }
0x1da: {  	_ =	swait.ge [sflag:s26], $0x50  }
0x1db: {  	[sflag:s26] =	ssyncset.done $0x0  }
0x1dc: {  	[sflag:s26] =	ssyncadd.s32 $0xFFFFFFB0  }
0x1dd: {  	_ =	swait.ge [sflag:s26], $0x50  }
0x1de: {  	[sflag:s26] =	ssyncset.done $0x0  }
0x1df: {  	[sflag:s26] =	ssyncadd.s32 $0xFFFFFFB0  }
0x1e0: {  	_ =	swait.ge [sflag:s26], $0x50  }
0x1e1: {  	[sflag:s26] =	ssyncset.done $0x0  }
0x1e2: {  	[sflag:s26] =	ssyncadd.s32 $0xFFFFFFB0  }
0x1e3: {  	_ =	swait.ge [sflag:s26], $0x50  }
0x1e4: {  	[sflag:s26] =	ssyncset.done $0x0  }
0x1e5: {  	[sflag:s26] =	ssyncadd.s32 $0xFFFFFFB0  }
0x1e6: {  	_ =	swait.ge [sflag:s26], $0x50  }
0x1e7: {  	[sflag:s26] =	ssyncset.done $0x0  }
0x1e8: {  	s8 =	simm.s32 $0x3E80;
	s5 =	simm.s32 $0x6590;
	[sflag:s26] =	ssyncadd.s32 $0xFFFFFFB0  }
0x1e9: {  	[spmem:s1] =	stream.indirect.scatter.add.f32 [tilespmem:s5], [sflag:$0x2], $0x1, s8, s15, $0xb8;
	[tilespmem:$0x1A100] =	vst v63  }
0x1ea: {  	s8 =	simm.s32 $0x3ED0;
	s5 =	simm.s32 $0x65E0  }
0x1eb: {  	[spmem:s1] =	stream.indirect.scatter.add.f32 [tilespmem:s5], [sflag:$0x2], $0x1, s8, s15, $0xb8;
	[tilespmem:$0x1A100] =	vst v63  }
0x1ec: {  	s8 =	simm.s32 $0x3F20;
	s5 =	simm.s32 $0x6630  }
0x1ed: {  	[spmem:s1] =	stream.indirect.scatter.add.f32 [tilespmem:s5], [sflag:$0x2], $0x1, s8, s15, $0xb8;
	[tilespmem:$0x1A100] =	vst v63  }
0x1ee: {  	s8 =	simm.s32 $0x3F70;
	s5 =	simm.s32 $0x6680  }
0x1ef: {  	[spmem:s1] =	stream.indirect.scatter.add.f32 [tilespmem:s5], [sflag:$0x2], $0x1, s8, s15, $0xb8;
	[tilespmem:$0x1A100] =	vst v63  }
0x1f0: {  	s8 =	simm.s32 $0x3FC0;
	s5 =	simm.s32 $0x66D0  }
0x1f1: {  	[spmem:s1] =	stream.indirect.scatter.add.f32 [tilespmem:s5], [sflag:$0x2], $0x1, s8, s15, $0xb8;
	[tilespmem:$0x1A100] =	vst v63  }
0x1f2: {  	s8 =	simm.s32 $0x4010;
	s5 =	simm.s32 $0x6720  }
0x1f3: {  	[spmem:s1] =	stream.indirect.scatter.add.f32 [tilespmem:s5], [sflag:$0x2], $0x1, s8, s15, $0xb8;
	[tilespmem:$0x1A100] =	vst v63  }
0x1f4: {  	s8 =	simm.s32 $0x4060;
	s5 =	simm.s32 $0x6770  }
0x1f5: {  	[spmem:s1] =	stream.indirect.scatter.add.f32 [tilespmem:s5], [sflag:$0x2], $0x1, s8, s15, $0xb8;
	[tilespmem:$0x1A100] =	vst v63  }
0x1f6: {  	s8 =	simm.s32 $0x40B0;
	s5 =	simm.s32 $0x67C0  }
0x1f7: {  	[spmem:s1] =	stream.indirect.scatter.add.f32 [tilespmem:s5], [sflag:$0x2], $0x1, s8, s15, $0xb8;
	[tilespmem:$0x1A100] =	vst v63  }
0x1f8: {  	s8 =	simm.s32 $0x4100;
	s5 =	simm.s32 $0x6810  }
0x1f9: {  	[spmem:s1] =	stream.indirect.scatter.add.f32 [tilespmem:s5], [sflag:$0x2], $0x1, s8, s15, $0xb8;
	[tilespmem:$0x1A100] =	vst v63  }
0x1fa: {  	s8 =	simm.s32 $0x4150;
	s5 =	simm.s32 $0x6860  }
0x1fb: {  	[spmem:s1] =	stream.indirect.scatter.add.f32 [tilespmem:s5], [sflag:$0x2], $0x1, s8, s15, $0xb8;
	[tilespmem:$0x1A100] =	vst v63  }
0x1fc: {  	s8 =	simm.s32 $0x41A0;
	s5 =	simm.s32 $0x68B0  }
0x1fd: {  	[spmem:s1] =	stream.indirect.scatter.add.f32 [tilespmem:s5], [sflag:$0x2], $0x1, s8, s15, $0xb8;
	[tilespmem:$0x1A100] =	vst v63  }
0x1fe: {  	s8 =	simm.s32 $0x41F0;
	s5 =	simm.s32 $0x6900  }
0x1ff: {  	[spmem:s1] =	stream.indirect.scatter.add.f32 [tilespmem:s5], [sflag:$0x2], $0x1, s8, s15, $0xb8;
	[tilespmem:$0x1A100] =	vst v63  }
0x200: {  	s8 =	simm.s32 $0x4240;
	s5 =	simm.s32 $0x6950  }
0x201: {  	[spmem:s1] =	stream.indirect.scatter.add.f32 [tilespmem:s5], [sflag:$0x2], $0x1, s8, s15, $0xb8;
	[tilespmem:$0x1A100] =	vst v63  }
0x202: {  	s8 =	simm.s32 $0x4290;
	s5 =	simm.s32 $0x69A0  }
0x203: {  	[spmem:s1] =	stream.indirect.scatter.add.f32 [tilespmem:s5], [sflag:$0x2], $0x1, s8, s15, $0xb8;
	[tilespmem:$0x1A100] =	vst v63  }
0x204: {  	s8 =	simm.s32 $0x42E0;
	s5 =	simm.s32 $0x69F0  }
0x205: {  	[spmem:s1] =	stream.indirect.scatter.add.f32 [tilespmem:s5], [sflag:$0x2], $0x1, s8, s15, $0xb8;
	[tilespmem:$0x1A100] =	vst v63  }
0x206: {  	s8 =	simm.s32 $0x4330;
	s5 =	simm.s32 $0x6A40  }
0x207: {  	[spmem:s1] =	stream.indirect.scatter.add.f32 [tilespmem:s5], [sflag:$0x2], $0x1, s8, s15, $0xb8;
	[tilespmem:$0x1A100] =	vst v63  }
0x208: {  	s8 =	simm.s32 $0x4380;
	s5 =	simm.s32 $0x6A90  }
0x209: {  	[spmem:s1] =	stream.indirect.scatter.add.f32 [tilespmem:s5], [sflag:$0x2], $0x1, s8, s15, $0xb8;
	[tilespmem:$0x1A100] =	vst v63  }
0x20a: {  	s8 =	simm.s32 $0x43D0;
	s5 =	simm.s32 $0x6AE0  }
0x20b: {  	[spmem:s1] =	stream.indirect.scatter.add.f32 [tilespmem:s5], [sflag:$0x2], $0x1, s8, s15, $0xb8;
	[tilespmem:$0x1A100] =	vst v63  }
0x20c: {  	s8 =	simm.s32 $0x4420;
	s5 =	simm.s32 $0x6B30  }
0x20d: {  	[spmem:s1] =	stream.indirect.scatter.add.f32 [tilespmem:s5], [sflag:$0x2], $0x1, s8, s15, $0xb8;
	[tilespmem:$0x1A100] =	vst v63  }
0x20e: {  	s8 =	simm.s32 $0x4470;
	s5 =	simm.s32 $0x6B80  }
0x20f: {  	[spmem:s1] =	stream.indirect.scatter.add.f32 [tilespmem:s5], [sflag:$0x2], $0x1, s8, s15, $0xb8;
	[tilespmem:$0x1A100] =	vst v63  }
0x210: {  	s8 =	simm.s32 $0x44C0;
	s5 =	simm.s32 $0x6BD0  }
0x211: {  	[spmem:s1] =	stream.indirect.scatter.add.f32 [tilespmem:s5], [sflag:$0x2], $0x1, s8, s15, $0xb8;
	[tilespmem:$0x1A100] =	vst v63  }
0x212: {  	s8 =	simm.s32 $0x4510;
	s5 =	simm.s32 $0x6C20  }
0x213: {  	[spmem:s1] =	stream.indirect.scatter.add.f32 [tilespmem:s5], [sflag:$0x2], $0x1, s8, s15, $0xb8;
	[tilespmem:$0x1A100] =	vst v63  }
0x214: {  	s8 =	simm.s32 $0x4560;
	s5 =	simm.s32 $0x6C70  }
0x215: {  	[spmem:s1] =	stream.indirect.scatter.add.f32 [tilespmem:s5], [sflag:$0x2], $0x1, s8, s15, $0xb8;
	[tilespmem:$0x1A100] =	vst v63  }
0x216: {  	s8 =	simm.s32 $0x45B0;
	s5 =	simm.s32 $0x6CC0  }
0x217: {  	[spmem:s1] =	stream.indirect.scatter.add.f32 [tilespmem:s5], [sflag:$0x2], $0x1, s8, s15, $0xb8;
	[tilespmem:$0x1A100] =	vst v63  }
0x218: {  	s8 =	simm.s32 $0x4600;
	s5 =	simm.s32 $0x6D10  }
0x219: {  	[spmem:s1] =	stream.indirect.scatter.add.f32 [tilespmem:s5], [sflag:$0x2], $0x1, s8, s15, $0xb8;
	[tilespmem:$0x1A100] =	vst v63  }
0x21a: {  	_ =	swait.ge [sflag:s26], $0x50  }
0x21b: {  	[sflag:s26] =	ssyncset.done $0x0  }
0x21c: {  	[sflag:s26] =	ssyncadd.s32 $0xFFFFFFB0  }
0x21d: {  	_ =	swait.ge [sflag:s26], $0x50  }
0x21e: {  	[sflag:s26] =	ssyncset.done $0x0  }
0x21f: {  	[sflag:s26] =	ssyncadd.s32 $0xFFFFFFB0  }
0x220: {  	_ =	swait.ge [sflag:s26], $0x50  }
0x221: {  	[sflag:s26] =	ssyncset.done $0x0  }
0x222: {  	[sflag:s26] =	ssyncadd.s32 $0xFFFFFFB0  }
0x223: {  	_ =	swait.ge [sflag:s26], $0x50  }
0x224: {  	[sflag:s26] =	ssyncset.done $0x0  }
0x225: {  	[sflag:s26] =	ssyncadd.s32 $0xFFFFFFB0  }
0x226: {  	_ =	swait.ge [sflag:s26], $0x50  }
0x227: {  	[sflag:s26] =	ssyncset.done $0x0  }
0x228: {  	[sflag:s26] =	ssyncadd.s32 $0xFFFFFFB0  }
0x229: {  	_ =	swait.ge [sflag:s26], $0x50  }
0x22a: {  	[sflag:s26] =	ssyncset.done $0x0  }
0x22b: {  	[sflag:s26] =	ssyncadd.s32 $0xFFFFFFB0  }
0x22c: {  	_ =	swait.ge [sflag:s26], $0x50  }
0x22d: {  	[sflag:s26] =	ssyncset.done $0x0  }
0x22e: {  	[sflag:s26] =	ssyncadd.s32 $0xFFFFFFB0  }
0x22f: {  	_ =	swait.ge [sflag:s26], $0x50  }
0x230: {  	[sflag:s26] =	ssyncset.done $0x0  }
0x231: {  	[sflag:s26] =	ssyncadd.s32 $0xFFFFFFB0  }
0x232: {  	_ =	swait.ge [sflag:s26], $0x50  }
0x233: {  	[sflag:s26] =	ssyncset.done $0x0  }
0x234: {  	[sflag:s26] =	ssyncadd.s32 $0xFFFFFFB0  }
0x235: {  	_ =	swait.ge [sflag:s26], $0x50  }
0x236: {  	[sflag:s26] =	ssyncset.done $0x0  }
0x237: {  	[sflag:s26] =	ssyncadd.s32 $0xFFFFFFB0  }
0x238: {  	_ =	swait.ge [sflag:s26], $0x50  }
0x239: {  	[sflag:s26] =	ssyncset.done $0x0  }
0x23a: {  	[sflag:s26] =	ssyncadd.s32 $0xFFFFFFB0  }
0x23b: {  	_ =	swait.ge [sflag:s26], $0x50  }
0x23c: {  	[sflag:s26] =	ssyncset.done $0x0  }
0x23d: {  	[sflag:s26] =	ssyncadd.s32 $0xFFFFFFB0  }
0x23e: {  	_ =	swait.ge [sflag:s26], $0x50  }
0x23f: {  	[sflag:s26] =	ssyncset.done $0x0  }
0x240: {  	[sflag:s26] =	ssyncadd.s32 $0xFFFFFFB0  }
0x241: {  	_ =	swait.ge [sflag:s26], $0x50  }
0x242: {  	[sflag:s26] =	ssyncset.done $0x0  }
0x243: {  	[sflag:s26] =	ssyncadd.s32 $0xFFFFFFB0  }
0x244: {  	_ =	swait.ge [sflag:s26], $0x50  }
0x245: {  	[sflag:s26] =	ssyncset.done $0x0  }
0x246: {  	[sflag:s26] =	ssyncadd.s32 $0xFFFFFFB0  }
0x247: {  	_ =	swait.ge [sflag:s26], $0x50  }
0x248: {  	[sflag:s26] =	ssyncset.done $0x0  }
0x249: {  	[sflag:s26] =	ssyncadd.s32 $0xFFFFFFB0  }
0x24a: {  	_ =	swait.ge [sflag:s26], $0x50  }
0x24b: {  	[sflag:s26] =	ssyncset.done $0x0  }
0x24c: {  	[sflag:s26] =	ssyncadd.s32 $0xFFFFFFB0  }
0x24d: {  	_ =	swait.ge [sflag:s26], $0x50  }
0x24e: {  	[sflag:s26] =	ssyncset.done $0x0  }
0x24f: {  	[sflag:s26] =	ssyncadd.s32 $0xFFFFFFB0  }
0x250: {  	_ =	swait.ge [sflag:s26], $0x50  }
0x251: {  	[sflag:s26] =	ssyncset.done $0x0  }
0x252: {  	[sflag:s26] =	ssyncadd.s32 $0xFFFFFFB0  }
0x253: {  	_ =	swait.ge [sflag:s26], $0x50  }
0x254: {  	[sflag:s26] =	ssyncset.done $0x0  }
0x255: {  	[sflag:s26] =	ssyncadd.s32 $0xFFFFFFB0  }
0x256: {  	_ =	swait.ge [sflag:s26], $0x50  }
0x257: {  	[sflag:s26] =	ssyncset.done $0x0  }
0x258: {  	[sflag:s26] =	ssyncadd.s32 $0xFFFFFFB0  }
0x259: {  	_ =	swait.ge [sflag:s26], $0x50  }
0x25a: {  	[sflag:s26] =	ssyncset.done $0x0  }
0x25b: {  	[sflag:s26] =	ssyncadd.s32 $0xFFFFFFB0  }
0x25c: {  	_ =	swait.ge [sflag:s26], $0x50  }
0x25d: {  	[sflag:s26] =	ssyncset.done $0x0  }
0x25e: {  	[sflag:s26] =	ssyncadd.s32 $0xFFFFFFB0  }
0x25f: {  	_ =	swait.ge [sflag:s26], $0x50  }
0x260: {  	[sflag:s26] =	ssyncset.done $0x0  }
0x261: {  	[sflag:s26] =	ssyncadd.s32 $0xFFFFFFB0  }
0x262: {  	_ =	swait.ge [sflag:s26], $0x50  }
0x263: {  	[sflag:s26] =	ssyncset.done $0x0  }
0x264: {  	s8 =	simm.s32 $0x4650;
	s5 =	simm.s32 $0x6D60;
	[sflag:s26] =	ssyncadd.s32 $0xFFFFFFB0  }
0x265: {  	[spmem:s1] =	stream.indirect.scatter.add.f32 [tilespmem:s5], [sflag:$0x2], $0x1, s8, s15, $0xb8;
	[tilespmem:$0x1A100] =	vst v63  }
0x266: {  	s8 =	simm.s32 $0x46A0;
	s5 =	simm.s32 $0x6DB0  }
0x267: {  	[spmem:s1] =	stream.indirect.scatter.add.f32 [tilespmem:s5], [sflag:$0x2], $0x1, s8, s15, $0xb8;
	[tilespmem:$0x1A100] =	vst v63  }
0x268: {  	s8 =	simm.s32 $0x46F0;
	s5 =	simm.s32 $0x6E00  }
0x269: {  	[spmem:s1] =	stream.indirect.scatter.add.f32 [tilespmem:s5], [sflag:$0x2], $0x1, s8, s15, $0xb8;
	[tilespmem:$0x1A100] =	vst v63  }
0x26a: {  	s8 =	simm.s32 $0x4740;
	s5 =	simm.s32 $0x6E50  }
0x26b: {  	[spmem:s1] =	stream.indirect.scatter.add.f32 [tilespmem:s5], [sflag:$0x2], $0x1, s8, s15, $0xb8;
	[tilespmem:$0x1A100] =	vst v63  }
0x26c: {  	s8 =	simm.s32 $0x4790;
	s5 =	simm.s32 $0x6EA0  }
0x26d: {  	[spmem:s1] =	stream.indirect.scatter.add.f32 [tilespmem:s5], [sflag:$0x2], $0x1, s8, s15, $0xb8;
	[tilespmem:$0x1A100] =	vst v63  }
0x26e: {  	s8 =	simm.s32 $0x47E0;
	s5 =	simm.s32 $0x6EF0  }
0x26f: {  	[spmem:s1] =	stream.indirect.scatter.add.f32 [tilespmem:s5], [sflag:$0x2], $0x1, s8, s15, $0xb8;
	[tilespmem:$0x1A100] =	vst v63  }
0x270: {  	s8 =	simm.s32 $0x4830;
	s5 =	simm.s32 $0x6F40  }
0x271: {  	[spmem:s1] =	stream.indirect.scatter.add.f32 [tilespmem:s5], [sflag:$0x2], $0x1, s8, s15, $0xb8;
	[tilespmem:$0x1A100] =	vst v63  }
0x272: {  	s8 =	simm.s32 $0x4880;
	s5 =	simm.s32 $0x6F90  }
0x273: {  	[spmem:s1] =	stream.indirect.scatter.add.f32 [tilespmem:s5], [sflag:$0x2], $0x1, s8, s15, $0xb8;
	[tilespmem:$0x1A100] =	vst v63  }
0x274: {  	s8 =	simm.s32 $0x48D0;
	s5 =	simm.s32 $0x6FE0  }
0x275: {  	[spmem:s1] =	stream.indirect.scatter.add.f32 [tilespmem:s5], [sflag:$0x2], $0x1, s8, s15, $0xb8;
	[tilespmem:$0x1A100] =	vst v63  }
0x276: {  	s8 =	simm.s32 $0x4920;
	s5 =	simm.s32 $0x7030  }
0x277: {  	[spmem:s1] =	stream.indirect.scatter.add.f32 [tilespmem:s5], [sflag:$0x2], $0x1, s8, s15, $0xb8;
	[tilespmem:$0x1A100] =	vst v63  }
0x278: {  	s8 =	simm.s32 $0x4970;
	s5 =	simm.s32 $0x7080  }
0x279: {  	[spmem:s1] =	stream.indirect.scatter.add.f32 [tilespmem:s5], [sflag:$0x2], $0x1, s8, s15, $0xb8;
	[tilespmem:$0x1A100] =	vst v63  }
0x27a: {  	s8 =	simm.s32 $0x49C0;
	s5 =	simm.s32 $0x70D0  }
0x27b: {  	[spmem:s1] =	stream.indirect.scatter.add.f32 [tilespmem:s5], [sflag:$0x2], $0x1, s8, s15, $0xb8;
	[tilespmem:$0x1A100] =	vst v63  }
0x27c: {  	s8 =	simm.s32 $0x4A10;
	s5 =	simm.s32 $0x7120  }
0x27d: {  	[spmem:s1] =	stream.indirect.scatter.add.f32 [tilespmem:s5], [sflag:$0x2], $0x1, s8, s15, $0xb8;
	[tilespmem:$0x1A100] =	vst v63  }
0x27e: {  	s8 =	simm.s32 $0x4A60;
	s5 =	simm.s32 $0x7170  }
0x27f: {  	[spmem:s1] =	stream.indirect.scatter.add.f32 [tilespmem:s5], [sflag:$0x2], $0x1, s8, s15, $0xb8;
	[tilespmem:$0x1A100] =	vst v63  }
0x280: {  	s8 =	simm.s32 $0x4AB0;
	s5 =	simm.s32 $0x71C0  }
0x281: {  	[spmem:s1] =	stream.indirect.scatter.add.f32 [tilespmem:s5], [sflag:$0x2], $0x1, s8, s15, $0xb8;
	[tilespmem:$0x1A100] =	vst v63  }
0x282: {  	s8 =	simm.s32 $0x4B00;
	s5 =	simm.s32 $0x7210  }
0x283: {  	[spmem:s1] =	stream.indirect.scatter.add.f32 [tilespmem:s5], [sflag:$0x2], $0x1, s8, s15, $0xb8;
	[tilespmem:$0x1A100] =	vst v63  }
0x284: {  	s8 =	simm.s32 $0x4B50;
	s5 =	simm.s32 $0x7260  }
0x285: {  	[spmem:s1] =	stream.indirect.scatter.add.f32 [tilespmem:s5], [sflag:$0x2], $0x1, s8, s15, $0xb8;
	[tilespmem:$0x1A100] =	vst v63  }
0x286: {  	s8 =	simm.s32 $0x4BA0;
	s5 =	simm.s32 $0x72B0  }
0x287: {  	[spmem:s1] =	stream.indirect.scatter.add.f32 [tilespmem:s5], [sflag:$0x2], $0x1, s8, s15, $0xb8;
	[tilespmem:$0x1A100] =	vst v63  }
0x288: {  	s8 =	simm.s32 $0x4BF0;
	s5 =	simm.s32 $0x7300  }
0x289: {  	[spmem:s1] =	stream.indirect.scatter.add.f32 [tilespmem:s5], [sflag:$0x2], $0x1, s8, s15, $0xb8;
	[tilespmem:$0x1A100] =	vst v63  }
0x28a: {  	s8 =	simm.s32 $0x7350;
	s5 =	simm.s32 $0x4C40  }
0x28b: {  	[spmem:s1] =	stream.indirect.scatter.add.f32 [tilespmem:s8], [sflag:$0x2], $0x1, s5, s15, $0xb8;
	[tilespmem:$0x1A100] =	vst v63  }
0x28c: {  	s8 =	simm.s32 $0x73A0;
	s5 =	simm.s32 $0x4C90  }
0x28d: {  	[spmem:s1] =	stream.indirect.scatter.add.f32 [tilespmem:s8], [sflag:$0x2], $0x1, s5, s15, $0xb8;
	[tilespmem:$0x1A100] =	vst v63  }
0x28e: {  	s8 =	simm.s32 $0x73F0;
	s5 =	simm.s32 $0x4CE0  }
0x28f: {  	[spmem:s1] =	stream.indirect.scatter.add.f32 [tilespmem:s8], [sflag:$0x2], $0x1, s5, s15, $0xb8;
	[tilespmem:$0x1A100] =	vst v63  }
0x290: {  	s8 =	simm.s32 $0x7440;
	s5 =	simm.s32 $0x4D30  }
0x291: {  	[spmem:s1] =	stream.indirect.scatter.add.f32 [tilespmem:s8], [sflag:$0x2], $0x1, s5, s15, $0xb8;
	[tilespmem:$0x1A100] =	vst v63  }
0x292: {  	s8 =	simm.s32 $0x7490;
	s5 =	simm.s32 $0x4D80  }
0x293: {  	[spmem:s1] =	stream.indirect.scatter.add.f32 [tilespmem:s8], [sflag:$0x2], $0x1, s5, s15, $0xb8;
	[tilespmem:$0x1A100] =	vst v63  }
0x294: {  	s8 =	simm.s32 $0x74E0;
	s5 =	simm.s32 $0x4DD0  }
0x295: {  	[spmem:s1] =	stream.indirect.scatter.add.f32 [tilespmem:s8], [sflag:$0x2], $0x1, s5, s15, $0xb8;
	[tilespmem:$0x1A100] =	vst v63  }
0x296: {  	_ =	swait.ge [sflag:s26], $0x50  }
0x297: {  	[sflag:s26] =	ssyncset.done $0x0  }
0x298: {  	[sflag:s26] =	ssyncadd.s32 $0xFFFFFFB0  }
0x299: {  	_ =	swait.ge [sflag:s26], $0x50  }
0x29a: {  	[sflag:s26] =	ssyncset.done $0x0  }
0x29b: {  	[sflag:s26] =	ssyncadd.s32 $0xFFFFFFB0  }
0x29c: {  	_ =	swait.ge [sflag:s26], $0x50  }
0x29d: {  	[sflag:s26] =	ssyncset.done $0x0  }
0x29e: {  	[sflag:s26] =	ssyncadd.s32 $0xFFFFFFB0  }
0x29f: {  	_ =	swait.ge [sflag:s26], $0x50  }
0x2a0: {  	[sflag:s26] =	ssyncset.done $0x0  }
0x2a1: {  	[sflag:s26] =	ssyncadd.s32 $0xFFFFFFB0  }
0x2a2: {  	_ =	swait.ge [sflag:s26], $0x50  }
0x2a3: {  	[sflag:s26] =	ssyncset.done $0x0  }
0x2a4: {  	[sflag:s26] =	ssyncadd.s32 $0xFFFFFFB0  }
0x2a5: {  	_ =	swait.ge [sflag:s26], $0x50  }
0x2a6: {  	[sflag:s26] =	ssyncset.done $0x0  }
0x2a7: {  	[sflag:s26] =	ssyncadd.s32 $0xFFFFFFB0  }
0x2a8: {  	_ =	swait.ge [sflag:s26], $0x50  }
0x2a9: {  	[sflag:s26] =	ssyncset.done $0x0  }
0x2aa: {  	[sflag:s26] =	ssyncadd.s32 $0xFFFFFFB0  }
0x2ab: {  	_ =	swait.ge [sflag:s26], $0x50  }
0x2ac: {  	[sflag:s26] =	ssyncset.done $0x0  }
0x2ad: {  	[sflag:s26] =	ssyncadd.s32 $0xFFFFFFB0  }
0x2ae: {  	_ =	swait.ge [sflag:s26], $0x50  }
0x2af: {  	[sflag:s26] =	ssyncset.done $0x0  }
0x2b0: {  	[sflag:s26] =	ssyncadd.s32 $0xFFFFFFB0  }
0x2b1: {  	_ =	swait.ge [sflag:s26], $0x50  }
0x2b2: {  	[sflag:s26] =	ssyncset.done $0x0  }
0x2b3: {  	[sflag:s26] =	ssyncadd.s32 $0xFFFFFFB0  }
0x2b4: {  	_ =	swait.ge [sflag:s26], $0x50  }
0x2b5: {  	[sflag:s26] =	ssyncset.done $0x0  }
0x2b6: {  	[sflag:s26] =	ssyncadd.s32 $0xFFFFFFB0  }
0x2b7: {  	_ =	swait.ge [sflag:s26], $0x50  }
0x2b8: {  	[sflag:s26] =	ssyncset.done $0x0  }
0x2b9: {  	[sflag:s26] =	ssyncadd.s32 $0xFFFFFFB0  }
0x2ba: {  	_ =	swait.ge [sflag:s26], $0x50  }
0x2bb: {  	[sflag:s26] =	ssyncset.done $0x0  }
0x2bc: {  	[sflag:s26] =	ssyncadd.s32 $0xFFFFFFB0  }
0x2bd: {  	_ =	swait.ge [sflag:s26], $0x50  }
0x2be: {  	[sflag:s26] =	ssyncset.done $0x0  }
0x2bf: {  	[sflag:s26] =	ssyncadd.s32 $0xFFFFFFB0  }
0x2c0: {  	_ =	swait.ge [sflag:s26], $0x50  }
0x2c1: {  	[sflag:s26] =	ssyncset.done $0x0  }
0x2c2: {  	[sflag:s26] =	ssyncadd.s32 $0xFFFFFFB0  }
0x2c3: {  	_ =	swait.ge [sflag:s26], $0x50  }
0x2c4: {  	[sflag:s26] =	ssyncset.done $0x0  }
0x2c5: {  	[sflag:s26] =	ssyncadd.s32 $0xFFFFFFB0  }
0x2c6: {  	_ =	swait.ge [sflag:s26], $0x50  }
0x2c7: {  	[sflag:s26] =	ssyncset.done $0x0  }
0x2c8: {  	[sflag:s26] =	ssyncadd.s32 $0xFFFFFFB0  }
0x2c9: {  	_ =	swait.ge [sflag:s26], $0x50  }
0x2ca: {  	[sflag:s26] =	ssyncset.done $0x0  }
0x2cb: {  	[sflag:s26] =	ssyncadd.s32 $0xFFFFFFB0  }
0x2cc: {  	_ =	swait.ge [sflag:s26], $0x50  }
0x2cd: {  	[sflag:s26] =	ssyncset.done $0x0  }
0x2ce: {  	[sflag:s26] =	ssyncadd.s32 $0xFFFFFFB0  }
0x2cf: {  	_ =	swait.ge [sflag:s26], $0x50  }
0x2d0: {  	[sflag:s26] =	ssyncset.done $0x0  }
0x2d1: {  	[sflag:s26] =	ssyncadd.s32 $0xFFFFFFB0  }
0x2d2: {  	_ =	swait.ge [sflag:s26], $0x50  }
0x2d3: {  	[sflag:s26] =	ssyncset.done $0x0  }
0x2d4: {  	[sflag:s26] =	ssyncadd.s32 $0xFFFFFFB0  }
0x2d5: {  	_ =	swait.ge [sflag:s26], $0x50  }
0x2d6: {  	[sflag:s26] =	ssyncset.done $0x0  }
0x2d7: {  	[sflag:s26] =	ssyncadd.s32 $0xFFFFFFB0  }
0x2d8: {  	_ =	swait.ge [sflag:s26], $0x50  }
0x2d9: {  	[sflag:s26] =	ssyncset.done $0x0  }
0x2da: {  	[sflag:s26] =	ssyncadd.s32 $0xFFFFFFB0  }
0x2db: {  	_ =	swait.ge [sflag:s26], $0x50  }
0x2dc: {  	[sflag:s26] =	ssyncset.done $0x0  }
0x2dd: {  	[sflag:s26] =	ssyncadd.s32 $0xFFFFFFB0  }
0x2de: {  	_ =	swait.ge [sflag:s26], $0x50  }
0x2df: {  	[sflag:s26] =	ssyncset.done $0x0  }
0x2e0: {  	s5 =	rddreg [dreg:$0xa];
	[sflag:s26] =	ssyncadd.s32 $0xFFFFFFB0  }
0x2e1: {  	[tilespmem:s20], [sflag:$0x3] =	stream.linear.gather [hbm4b:s5+s14], $0x2710, $0x38;
	[tilespmem:$0x1A100] =	vst v63  }
0x2e2: {  	_ =	swait.ge [sflag:s17], $0x2710  }
0x2e3: {  	[sflag:s17] =	ssyncset.done $0x0  }
0x2e4: {  	s5 =	rddreg [dreg:$0xb];
	[sflag:s17] =	ssyncadd.s32 $0xFFFFD8F0  }
0x2e5: {  	[tilespmem:s21], [sflag:$0x3] =	stream.linear.gather [hbm4b:s5+s14], $0x2710, $0x38;
	[tilespmem:$0x1A100] =	vst v63  }
0x2e6: {  	_ =	swait.ge [sflag:s17], $0x2710  }
0x2e7: {  	[sflag:s17] =	ssyncset.done $0x0  }
0x2e8: {  	[sflag:s17] =	ssyncadd.s32 $0xFFFFD8F0  }
0x2e9: {  	[spmem:s1] =	stream.indirect.scatter.add.f32 [tilespmem:s21], [sflag:$0x2], $0x1, s20, s15, $0xb8;
	[tilespmem:$0x1A100] =	vst v63  }
0x2ea: {  	s8 =	simm.s32 $0x2760  }
0x2eb: {  	[spmem:s1] =	stream.indirect.scatter.add.f32 [tilespmem:s16], [sflag:$0x2], $0x1, s8, s15, $0xb8;
	[tilespmem:$0x1A100] =	vst v63  }
0x2ec: {  	s16 =	simm.s32 $0x27B0  }
0x2ed: {  	[spmem:s1] =	stream.indirect.scatter.add.f32 [tilespmem:s24], [sflag:$0x2], $0x1, s16, s15, $0xb8;
	[tilespmem:$0x1A100] =	vst v63  }
0x2ee: {  	s20 =	simm.s32 $0x2800  }
0x2ef: {  	[spmem:s1] =	stream.indirect.scatter.add.f32 [tilespmem:s25], [sflag:$0x2], $0x1, s20, s15, $0xb8;
	[tilespmem:$0x1A100] =	vst v63  }
0x2f0: {  	s21 =	simm.s32 $0x2850  }
0x2f1: {  	[spmem:s1] =	stream.indirect.scatter.add.f32 [tilespmem:s23], [sflag:$0x2], $0x1, s21, s15, $0xb8;
	[tilespmem:$0x1A100] =	vst v63  }
0x2f2: {  	s25 =	simm.s32 $0x4FB0;
	s23 =	simm.s32 $0x28A0  }
0x2f3: {  	[spmem:s1] =	stream.indirect.scatter.add.f32 [tilespmem:s25], [sflag:$0x2], $0x1, s23, s15, $0xb8;
	[tilespmem:$0x1A100] =	vst v63  }
0x2f4: {  	s8 =	simm.s32 $0x28F0  }
0x2f5: {  	[spmem:s1] =	stream.indirect.scatter.add.f32 [tilespmem:s9], [sflag:$0x2], $0x1, s8, s15, $0xb8;
	[tilespmem:$0x1A100] =	vst v63  }
0x2f6: {  	s16 =	simm.s32 $0x2940  }
0x2f7: {  	[spmem:s1] =	stream.indirect.scatter.add.f32 [tilespmem:s11], [sflag:$0x2], $0x1, s16, s15, $0xb8;
	[tilespmem:$0x1A100] =	vst v63  }
0x2f8: {  	s20 =	simm.s32 $0x2990  }
0x2f9: {  	[spmem:s1] =	stream.indirect.scatter.add.f32 [tilespmem:s12], [sflag:$0x2], $0x1, s20, s15, $0xb8;
	[tilespmem:$0x1A100] =	vst v63  }
0x2fa: {  	s21 =	simm.s32 $0x29E0  }
0x2fb: {  	[spmem:s1] =	stream.indirect.scatter.add.f32 [tilespmem:s19], [sflag:$0x2], $0x1, s21, s15, $0xb8;
	[tilespmem:$0x1A100] =	vst v63  }
0x2fc: {  	s23 =	simm.s32 $0x2A30  }
0x2fd: {  	[spmem:s1] =	stream.indirect.scatter.add.f32 [tilespmem:s22], [sflag:$0x2], $0x1, s23, s15, $0xb8;
	[tilespmem:$0x1A100] =	vst v63  }
0x2fe: {  	s25 =	simm.s32 $0x2A80  }
0x2ff: {  	[spmem:s1] =	stream.indirect.scatter.add.f32 [tilespmem:s29], [sflag:$0x2], $0x1, s25, s15, $0xb8;
	[tilespmem:$0x1A100] =	vst v63  }
0x300: {  	s8 =	simm.s32 $0x2AD0;
	s9 =	simm.s32 $0x51E0  }
0x301: {  	[spmem:s1] =	stream.indirect.scatter.add.f32 [tilespmem:s9], [sflag:$0x2], $0x1, s8, s15, $0xb8;
	[tilespmem:$0x1A100] =	vst v63  }
0x302: {  	s11 =	simm.s32 $0x2B20;
	s12 =	simm.s32 $0x5230  }
0x303: {  	[spmem:s1] =	stream.indirect.scatter.add.f32 [tilespmem:s12], [sflag:$0x2], $0x1, s11, s15, $0xb8;
	[tilespmem:$0x1A100] =	vst v63  }
0x304: {  	s16 =	simm.s32 $0x2B70;
	s19 =	simm.s32 $0x5280  }
0x305: {  	[spmem:s1] =	stream.indirect.scatter.add.f32 [tilespmem:s19], [sflag:$0x2], $0x1, s16, s15, $0xb8;
	[tilespmem:$0x1A100] =	vst v63  }
0x306: {  	s20 =	simm.s32 $0x2BC0;
	s21 =	simm.s32 $0x52D0  }
0x307: {  	[spmem:s1] =	stream.indirect.scatter.add.f32 [tilespmem:s21], [sflag:$0x2], $0x1, s20, s15, $0xb8;
	[tilespmem:$0x1A100] =	vst v63  }
0x308: {  	s22 =	simm.s32 $0x2C10;
	s23 =	simm.s32 $0x5320  }
0x309: {  	[spmem:s1] =	stream.indirect.scatter.add.f32 [tilespmem:s23], [sflag:$0x2], $0x1, s22, s15, $0xb8;
	[tilespmem:$0x1A100] =	vst v63  }
0x30a: {  	s25 =	simm.s32 $0x2C60;
	s29 =	simm.s32 $0x5370  }
0x30b: {  	[spmem:s1] =	stream.indirect.scatter.add.f32 [tilespmem:s29], [sflag:$0x2], $0x1, s25, s15, $0xb8;
	[tilespmem:$0x1A100] =	vst v63  }
0x30c: {  	s8 =	simm.s32 $0x2CB0;
	s9 =	simm.s32 $0x53C0  }
0x30d: {  	[spmem:s1] =	stream.indirect.scatter.add.f32 [tilespmem:s9], [sflag:$0x2], $0x1, s8, s15, $0xb8;
	[tilespmem:$0x1A100] =	vst v63  }
0x30e: {  	s11 =	simm.s32 $0x2D00;
	s12 =	simm.s32 $0x5410  }
0x30f: {  	[spmem:s1] =	stream.indirect.scatter.add.f32 [tilespmem:s12], [sflag:$0x2], $0x1, s11, s15, $0xb8;
	[tilespmem:$0x1A100] =	vst v63  }
0x310: {  	s16 =	simm.s32 $0x2D50;
	s19 =	simm.s32 $0x5460  }
0x311: {  	[spmem:s1] =	stream.indirect.scatter.add.f32 [tilespmem:s19], [sflag:$0x2], $0x1, s16, s15, $0xb8;
	[tilespmem:$0x1A100] =	vst v63  }
0x312: {  	s20 =	simm.s32 $0x2DA0;
	s21 =	simm.s32 $0x54B0  }
0x313: {  	[spmem:s1] =	stream.indirect.scatter.add.f32 [tilespmem:s21], [sflag:$0x2], $0x1, s20, s15, $0xb8;
	[tilespmem:$0x1A100] =	vst v63  }
0x314: {  	s22 =	simm.s32 $0x2DF0;
	s23 =	simm.s32 $0x5500  }
0x315: {  	[spmem:s1] =	stream.indirect.scatter.add.f32 [tilespmem:s23], [sflag:$0x2], $0x1, s22, s15, $0xb8;
	[tilespmem:$0x1A100] =	vst v63  }
0x316: {  	s25 =	simm.s32 $0x2E40;
	s29 =	simm.s32 $0x5550  }
0x317: {  	[spmem:s1] =	stream.indirect.scatter.add.f32 [tilespmem:s29], [sflag:$0x2], $0x1, s25, s15, $0xb8;
	[tilespmem:$0x1A100] =	vst v63  }
0x318: {  	s8 =	simm.s32 $0x2E90;
	s9 =	simm.s32 $0x55A0  }
0x319: {  	[spmem:s1] =	stream.indirect.scatter.add.f32 [tilespmem:s9], [sflag:$0x2], $0x1, s8, s15, $0xb8;
	[tilespmem:$0x1A100] =	vst v63  }
0x31a: {  	_ =	swait.ge [sflag:s26], $0x50  }
0x31b: {  	[sflag:s26] =	ssyncset.done $0x0  }
0x31c: {  	[sflag:s26] =	ssyncadd.s32 $0xFFFFFFB0  }
0x31d: {  	_ =	swait.ge [sflag:s26], $0x50  }
0x31e: {  	[sflag:s26] =	ssyncset.done $0x0  }
0x31f: {  	[sflag:s26] =	ssyncadd.s32 $0xFFFFFFB0  }
0x320: {  	_ =	swait.ge [sflag:s26], $0x50  }
0x321: {  	[sflag:s26] =	ssyncset.done $0x0  }
0x322: {  	[sflag:s26] =	ssyncadd.s32 $0xFFFFFFB0  }
0x323: {  	_ =	swait.ge [sflag:s26], $0x50  }
0x324: {  	[sflag:s26] =	ssyncset.done $0x0  }
0x325: {  	[sflag:s26] =	ssyncadd.s32 $0xFFFFFFB0  }
0x326: {  	_ =	swait.ge [sflag:s26], $0x50  }
0x327: {  	[sflag:s26] =	ssyncset.done $0x0  }
0x328: {  	[sflag:s26] =	ssyncadd.s32 $0xFFFFFFB0  }
0x329: {  	_ =	swait.ge [sflag:s26], $0x50  }
0x32a: {  	[sflag:s26] =	ssyncset.done $0x0  }
0x32b: {  	[sflag:s26] =	ssyncadd.s32 $0xFFFFFFB0  }
0x32c: {  	_ =	swait.ge [sflag:s26], $0x50  }
0x32d: {  	[sflag:s26] =	ssyncset.done $0x0  }
0x32e: {  	[sflag:s26] =	ssyncadd.s32 $0xFFFFFFB0  }
0x32f: {  	_ =	swait.ge [sflag:s26], $0x50  }
0x330: {  	[sflag:s26] =	ssyncset.done $0x0  }
0x331: {  	[sflag:s26] =	ssyncadd.s32 $0xFFFFFFB0  }
0x332: {  	_ =	swait.ge [sflag:s26], $0x50  }
0x333: {  	[sflag:s26] =	ssyncset.done $0x0  }
0x334: {  	[sflag:s26] =	ssyncadd.s32 $0xFFFFFFB0  }
0x335: {  	_ =	swait.ge [sflag:s26], $0x50  }
0x336: {  	[sflag:s26] =	ssyncset.done $0x0  }
0x337: {  	[sflag:s26] =	ssyncadd.s32 $0xFFFFFFB0  }
0x338: {  	_ =	swait.ge [sflag:s26], $0x50  }
0x339: {  	[sflag:s26] =	ssyncset.done $0x0  }
0x33a: {  	[sflag:s26] =	ssyncadd.s32 $0xFFFFFFB0  }
0x33b: {  	_ =	swait.ge [sflag:s26], $0x50  }
0x33c: {  	[sflag:s26] =	ssyncset.done $0x0  }
0x33d: {  	[sflag:s26] =	ssyncadd.s32 $0xFFFFFFB0  }
0x33e: {  	_ =	swait.ge [sflag:s26], $0x50  }
0x33f: {  	[sflag:s26] =	ssyncset.done $0x0  }
0x340: {  	[sflag:s26] =	ssyncadd.s32 $0xFFFFFFB0  }
0x341: {  	_ =	swait.ge [sflag:s26], $0x50  }
0x342: {  	[sflag:s26] =	ssyncset.done $0x0  }
0x343: {  	[sflag:s26] =	ssyncadd.s32 $0xFFFFFFB0  }
0x344: {  	_ =	swait.ge [sflag:s26], $0x50  }
0x345: {  	[sflag:s26] =	ssyncset.done $0x0  }
0x346: {  	[sflag:s26] =	ssyncadd.s32 $0xFFFFFFB0  }
0x347: {  	_ =	swait.ge [sflag:s26], $0x50  }
0x348: {  	[sflag:s26] =	ssyncset.done $0x0  }
0x349: {  	[sflag:s26] =	ssyncadd.s32 $0xFFFFFFB0  }
0x34a: {  	_ =	swait.ge [sflag:s26], $0x50  }
0x34b: {  	[sflag:s26] =	ssyncset.done $0x0  }
0x34c: {  	[sflag:s26] =	ssyncadd.s32 $0xFFFFFFB0  }
0x34d: {  	_ =	swait.ge [sflag:s26], $0x50  }
0x34e: {  	[sflag:s26] =	ssyncset.done $0x0  }
0x34f: {  	[sflag:s26] =	ssyncadd.s32 $0xFFFFFFB0  }
0x350: {  	_ =	swait.ge [sflag:s26], $0x50  }
0x351: {  	[sflag:s26] =	ssyncset.done $0x0  }
0x352: {  	[sflag:s26] =	ssyncadd.s32 $0xFFFFFFB0  }
0x353: {  	_ =	swait.ge [sflag:s26], $0x50  }
0x354: {  	[sflag:s26] =	ssyncset.done $0x0  }
0x355: {  	[sflag:s26] =	ssyncadd.s32 $0xFFFFFFB0  }
0x356: {  	_ =	swait.ge [sflag:s26], $0x50  }
0x357: {  	[sflag:s26] =	ssyncset.done $0x0  }
0x358: {  	[sflag:s26] =	ssyncadd.s32 $0xFFFFFFB0  }
0x359: {  	_ =	swait.ge [sflag:s26], $0x50  }
0x35a: {  	[sflag:s26] =	ssyncset.done $0x0  }
0x35b: {  	[sflag:s26] =	ssyncadd.s32 $0xFFFFFFB0  }
0x35c: {  	_ =	swait.ge [sflag:s26], $0x50  }
0x35d: {  	[sflag:s26] =	ssyncset.done $0x0  }
0x35e: {  	[sflag:s26] =	ssyncadd.s32 $0xFFFFFFB0  }
0x35f: {  	_ =	swait.ge [sflag:s26], $0x50  }
0x360: {  	[sflag:s26] =	ssyncset.done $0x0  }
0x361: {  	[sflag:s26] =	ssyncadd.s32 $0xFFFFFFB0  }
0x362: {  	_ =	swait.ge [sflag:s26], $0x50  }
0x363: {  	[sflag:s26] =	ssyncset.done $0x0  }
0x364: {  	s11 =	simm.s32 $0x2EE0;
	s12 =	simm.s32 $0x55F0;
	[sflag:s26] =	ssyncadd.s32 $0xFFFFFFB0  }
0x365: {  	[spmem:s1] =	stream.indirect.scatter.add.f32 [tilespmem:s12], [sflag:$0x2], $0x1, s11, s15, $0xb8;
	[tilespmem:$0x1A100] =	vst v63  }
0x366: {  	s16 =	simm.s32 $0x2F30;
	s19 =	simm.s32 $0x5640  }
0x367: {  	[spmem:s1] =	stream.indirect.scatter.add.f32 [tilespmem:s19], [sflag:$0x2], $0x1, s16, s15, $0xb8;
	[tilespmem:$0x1A100] =	vst v63  }
0x368: {  	s20 =	simm.s32 $0x2F80;
	s21 =	simm.s32 $0x5690  }
0x369: {  	[spmem:s1] =	stream.indirect.scatter.add.f32 [tilespmem:s21], [sflag:$0x2], $0x1, s20, s15, $0xb8;
	[tilespmem:$0x1A100] =	vst v63  }
0x36a: {  	s22 =	simm.s32 $0x2FD0;
	s23 =	simm.s32 $0x56E0  }
0x36b: {  	[spmem:s1] =	stream.indirect.scatter.add.f32 [tilespmem:s23], [sflag:$0x2], $0x1, s22, s15, $0xb8;
	[tilespmem:$0x1A100] =	vst v63  }
0x36c: {  	s25 =	simm.s32 $0x3020;
	s29 =	simm.s32 $0x5730  }
0x36d: {  	[spmem:s1] =	stream.indirect.scatter.add.f32 [tilespmem:s29], [sflag:$0x2], $0x1, s25, s15, $0xb8;
	[tilespmem:$0x1A100] =	vst v63  }
0x36e: {  	s8 =	simm.s32 $0x3070;
	s9 =	simm.s32 $0x5780  }
0x36f: {  	[spmem:s1] =	stream.indirect.scatter.add.f32 [tilespmem:s9], [sflag:$0x2], $0x1, s8, s15, $0xb8;
	[tilespmem:$0x1A100] =	vst v63  }
0x370: {  	s11 =	simm.s32 $0x30C0;
	s12 =	simm.s32 $0x57D0  }
0x371: {  	[spmem:s1] =	stream.indirect.scatter.add.f32 [tilespmem:s12], [sflag:$0x2], $0x1, s11, s15, $0xb8;
	[tilespmem:$0x1A100] =	vst v63  }
0x372: {  	s16 =	simm.s32 $0x3110;
	s19 =	simm.s32 $0x5820  }
0x373: {  	[spmem:s1] =	stream.indirect.scatter.add.f32 [tilespmem:s19], [sflag:$0x2], $0x1, s16, s15, $0xb8;
	[tilespmem:$0x1A100] =	vst v63  }
0x374: {  	s20 =	simm.s32 $0x3160;
	s21 =	simm.s32 $0x5870  }
0x375: {  	[spmem:s1] =	stream.indirect.scatter.add.f32 [tilespmem:s21], [sflag:$0x2], $0x1, s20, s15, $0xb8;
	[tilespmem:$0x1A100] =	vst v63  }
0x376: {  	s22 =	simm.s32 $0x31B0;
	s23 =	simm.s32 $0x58C0  }
0x377: {  	[spmem:s1] =	stream.indirect.scatter.add.f32 [tilespmem:s23], [sflag:$0x2], $0x1, s22, s15, $0xb8;
	[tilespmem:$0x1A100] =	vst v63  }
0x378: {  	s25 =	simm.s32 $0x3200;
	s29 =	simm.s32 $0x5910  }
0x379: {  	[spmem:s1] =	stream.indirect.scatter.add.f32 [tilespmem:s29], [sflag:$0x2], $0x1, s25, s15, $0xb8;
	[tilespmem:$0x1A100] =	vst v63  }
0x37a: {  	s8 =	simm.s32 $0x3250;
	s9 =	simm.s32 $0x5960  }
0x37b: {  	[spmem:s1] =	stream.indirect.scatter.add.f32 [tilespmem:s9], [sflag:$0x2], $0x1, s8, s15, $0xb8;
	[tilespmem:$0x1A100] =	vst v63  }
0x37c: {  	s11 =	simm.s32 $0x32A0;
	s12 =	simm.s32 $0x59B0  }
0x37d: {  	[spmem:s1] =	stream.indirect.scatter.add.f32 [tilespmem:s12], [sflag:$0x2], $0x1, s11, s15, $0xb8;
	[tilespmem:$0x1A100] =	vst v63  }
0x37e: {  	s16 =	simm.s32 $0x32F0;
	s19 =	simm.s32 $0x5A00  }
0x37f: {  	[spmem:s1] =	stream.indirect.scatter.add.f32 [tilespmem:s19], [sflag:$0x2], $0x1, s16, s15, $0xb8;
	[tilespmem:$0x1A100] =	vst v63  }
0x380: {  	s20 =	simm.s32 $0x3340;
	s21 =	simm.s32 $0x5A50  }
0x381: {  	[spmem:s1] =	stream.indirect.scatter.add.f32 [tilespmem:s21], [sflag:$0x2], $0x1, s20, s15, $0xb8;
	[tilespmem:$0x1A100] =	vst v63  }
0x382: {  	s22 =	simm.s32 $0x3390;
	s23 =	simm.s32 $0x5AA0  }
0x383: {  	[spmem:s1] =	stream.indirect.scatter.add.f32 [tilespmem:s23], [sflag:$0x2], $0x1, s22, s15, $0xb8;
	[tilespmem:$0x1A100] =	vst v63  }
0x384: {  	s25 =	simm.s32 $0x33E0;
	s29 =	simm.s32 $0x5AF0  }
0x385: {  	[spmem:s1] =	stream.indirect.scatter.add.f32 [tilespmem:s29], [sflag:$0x2], $0x1, s25, s15, $0xb8;
	[tilespmem:$0x1A100] =	vst v63  }
0x386: {  	s8 =	simm.s32 $0x3430;
	s9 =	simm.s32 $0x5B40  }
0x387: {  	[spmem:s1] =	stream.indirect.scatter.add.f32 [tilespmem:s9], [sflag:$0x2], $0x1, s8, s15, $0xb8;
	[tilespmem:$0x1A100] =	vst v63  }
0x388: {  	s11 =	simm.s32 $0x3480;
	s12 =	simm.s32 $0x5B90  }
0x389: {  	[spmem:s1] =	stream.indirect.scatter.add.f32 [tilespmem:s12], [sflag:$0x2], $0x1, s11, s15, $0xb8;
	[tilespmem:$0x1A100] =	vst v63  }
0x38a: {  	s16 =	simm.s32 $0x34D0;
	s19 =	simm.s32 $0x5BE0  }
0x38b: {  	[spmem:s1] =	stream.indirect.scatter.add.f32 [tilespmem:s19], [sflag:$0x2], $0x1, s16, s15, $0xb8;
	[tilespmem:$0x1A100] =	vst v63  }
0x38c: {  	s20 =	simm.s32 $0x3520;
	s21 =	simm.s32 $0x5C30  }
0x38d: {  	[spmem:s1] =	stream.indirect.scatter.add.f32 [tilespmem:s21], [sflag:$0x2], $0x1, s20, s15, $0xb8;
	[tilespmem:$0x1A100] =	vst v63  }
0x38e: {  	s22 =	simm.s32 $0x3570;
	s23 =	simm.s32 $0x5C80  }
0x38f: {  	[spmem:s1] =	stream.indirect.scatter.add.f32 [tilespmem:s23], [sflag:$0x2], $0x1, s22, s15, $0xb8;
	[tilespmem:$0x1A100] =	vst v63  }
0x390: {  	s25 =	simm.s32 $0x35C0;
	s29 =	simm.s32 $0x5CD0  }
0x391: {  	[spmem:s1] =	stream.indirect.scatter.add.f32 [tilespmem:s29], [sflag:$0x2], $0x1, s25, s15, $0xb8;
	[tilespmem:$0x1A100] =	vst v63  }
0x392: {  	s8 =	simm.s32 $0x3610;
	s9 =	simm.s32 $0x5D20  }
0x393: {  	[spmem:s1] =	stream.indirect.scatter.add.f32 [tilespmem:s9], [sflag:$0x2], $0x1, s8, s15, $0xb8;
	[tilespmem:$0x1A100] =	vst v63  }
0x394: {  	s11 =	simm.s32 $0x3660;
	s12 =	simm.s32 $0x5D70  }
0x395: {  	[spmem:s1] =	stream.indirect.scatter.add.f32 [tilespmem:s12], [sflag:$0x2], $0x1, s11, s15, $0xb8;
	[tilespmem:$0x1A100] =	vst v63  }
0x396: {  	_ =	swait.ge [sflag:s26], $0x50  }
0x397: {  	[sflag:s26] =	ssyncset.done $0x0  }
0x398: {  	[sflag:s26] =	ssyncadd.s32 $0xFFFFFFB0  }
0x399: {  	_ =	swait.ge [sflag:s26], $0x50  }
0x39a: {  	[sflag:s26] =	ssyncset.done $0x0  }
0x39b: {  	[sflag:s26] =	ssyncadd.s32 $0xFFFFFFB0  }
0x39c: {  	_ =	swait.ge [sflag:s26], $0x50  }
0x39d: {  	[sflag:s26] =	ssyncset.done $0x0  }
0x39e: {  	[sflag:s26] =	ssyncadd.s32 $0xFFFFFFB0  }
0x39f: {  	_ =	swait.ge [sflag:s26], $0x50  }
0x3a0: {  	[sflag:s26] =	ssyncset.done $0x0  }
0x3a1: {  	[sflag:s26] =	ssyncadd.s32 $0xFFFFFFB0  }
0x3a2: {  	_ =	swait.ge [sflag:s26], $0x50  }
0x3a3: {  	[sflag:s26] =	ssyncset.done $0x0  }
0x3a4: {  	[sflag:s26] =	ssyncadd.s32 $0xFFFFFFB0  }
0x3a5: {  	_ =	swait.ge [sflag:s26], $0x50  }
0x3a6: {  	[sflag:s26] =	ssyncset.done $0x0  }
0x3a7: {  	[sflag:s26] =	ssyncadd.s32 $0xFFFFFFB0  }
0x3a8: {  	_ =	swait.ge [sflag:s26], $0x50  }
0x3a9: {  	[sflag:s26] =	ssyncset.done $0x0  }
0x3aa: {  	[sflag:s26] =	ssyncadd.s32 $0xFFFFFFB0  }
0x3ab: {  	_ =	swait.ge [sflag:s26], $0x50  }
0x3ac: {  	[sflag:s26] =	ssyncset.done $0x0  }
0x3ad: {  	[sflag:s26] =	ssyncadd.s32 $0xFFFFFFB0  }
0x3ae: {  	_ =	swait.ge [sflag:s26], $0x50  }
0x3af: {  	[sflag:s26] =	ssyncset.done $0x0  }
0x3b0: {  	[sflag:s26] =	ssyncadd.s32 $0xFFFFFFB0  }
0x3b1: {  	_ =	swait.ge [sflag:s26], $0x50  }
0x3b2: {  	[sflag:s26] =	ssyncset.done $0x0  }
0x3b3: {  	[sflag:s26] =	ssyncadd.s32 $0xFFFFFFB0  }
0x3b4: {  	_ =	swait.ge [sflag:s26], $0x50  }
0x3b5: {  	[sflag:s26] =	ssyncset.done $0x0  }
0x3b6: {  	[sflag:s26] =	ssyncadd.s32 $0xFFFFFFB0  }
0x3b7: {  	_ =	swait.ge [sflag:s26], $0x50  }
0x3b8: {  	[sflag:s26] =	ssyncset.done $0x0  }
0x3b9: {  	[sflag:s26] =	ssyncadd.s32 $0xFFFFFFB0  }
0x3ba: {  	_ =	swait.ge [sflag:s26], $0x50  }
0x3bb: {  	[sflag:s26] =	ssyncset.done $0x0  }
0x3bc: {  	[sflag:s26] =	ssyncadd.s32 $0xFFFFFFB0  }
0x3bd: {  	_ =	swait.ge [sflag:s26], $0x50  }
0x3be: {  	[sflag:s26] =	ssyncset.done $0x0  }
0x3bf: {  	[sflag:s26] =	ssyncadd.s32 $0xFFFFFFB0  }
0x3c0: {  	_ =	swait.ge [sflag:s26], $0x50  }
0x3c1: {  	[sflag:s26] =	ssyncset.done $0x0  }
0x3c2: {  	[sflag:s26] =	ssyncadd.s32 $0xFFFFFFB0  }
0x3c3: {  	_ =	swait.ge [sflag:s26], $0x50  }
0x3c4: {  	[sflag:s26] =	ssyncset.done $0x0  }
0x3c5: {  	[sflag:s26] =	ssyncadd.s32 $0xFFFFFFB0  }
0x3c6: {  	_ =	swait.ge [sflag:s26], $0x50  }
0x3c7: {  	[sflag:s26] =	ssyncset.done $0x0  }
0x3c8: {  	[sflag:s26] =	ssyncadd.s32 $0xFFFFFFB0  }
0x3c9: {  	_ =	swait.ge [sflag:s26], $0x50  }
0x3ca: {  	[sflag:s26] =	ssyncset.done $0x0  }
0x3cb: {  	[sflag:s26] =	ssyncadd.s32 $0xFFFFFFB0  }
0x3cc: {  	_ =	swait.ge [sflag:s26], $0x50  }
0x3cd: {  	[sflag:s26] =	ssyncset.done $0x0  }
0x3ce: {  	[sflag:s26] =	ssyncadd.s32 $0xFFFFFFB0  }
0x3cf: {  	_ =	swait.ge [sflag:s26], $0x50  }
0x3d0: {  	[sflag:s26] =	ssyncset.done $0x0  }
0x3d1: {  	[sflag:s26] =	ssyncadd.s32 $0xFFFFFFB0  }
0x3d2: {  	_ =	swait.ge [sflag:s26], $0x50  }
0x3d3: {  	[sflag:s26] =	ssyncset.done $0x0  }
0x3d4: {  	[sflag:s26] =	ssyncadd.s32 $0xFFFFFFB0  }
0x3d5: {  	_ =	swait.ge [sflag:s26], $0x50  }
0x3d6: {  	[sflag:s26] =	ssyncset.done $0x0  }
0x3d7: {  	[sflag:s26] =	ssyncadd.s32 $0xFFFFFFB0  }
0x3d8: {  	_ =	swait.ge [sflag:s26], $0x50  }
0x3d9: {  	[sflag:s26] =	ssyncset.done $0x0  }
0x3da: {  	[sflag:s26] =	ssyncadd.s32 $0xFFFFFFB0  }
0x3db: {  	_ =	swait.ge [sflag:s26], $0x50  }
0x3dc: {  	[sflag:s26] =	ssyncset.done $0x0  }
0x3dd: {  	[sflag:s26] =	ssyncadd.s32 $0xFFFFFFB0  }
0x3de: {  	_ =	swait.ge [sflag:s26], $0x50  }
0x3df: {  	[sflag:s26] =	ssyncset.done $0x0  }
0x3e0: {  	s16 =	simm.s32 $0x36B0;
	s19 =	simm.s32 $0x5DC0;
	[sflag:s26] =	ssyncadd.s32 $0xFFFFFFB0  }
0x3e1: {  	[spmem:s1] =	stream.indirect.scatter.add.f32 [tilespmem:s19], [sflag:$0x2], $0x1, s16, s15, $0xb8;
	[tilespmem:$0x1A100] =	vst v63  }
0x3e2: {  	s20 =	simm.s32 $0x3700;
	s21 =	simm.s32 $0x5E10  }
0x3e3: {  	[spmem:s1] =	stream.indirect.scatter.add.f32 [tilespmem:s21], [sflag:$0x2], $0x1, s20, s15, $0xb8;
	[tilespmem:$0x1A100] =	vst v63  }
0x3e4: {  	s22 =	simm.s32 $0x3750;
	s23 =	simm.s32 $0x5E60  }
0x3e5: {  	[spmem:s1] =	stream.indirect.scatter.add.f32 [tilespmem:s23], [sflag:$0x2], $0x1, s22, s15, $0xb8;
	[tilespmem:$0x1A100] =	vst v63  }
0x3e6: {  	s25 =	simm.s32 $0x37A0;
	s29 =	simm.s32 $0x5EB0  }
0x3e7: {  	[spmem:s1] =	stream.indirect.scatter.add.f32 [tilespmem:s29], [sflag:$0x2], $0x1, s25, s15, $0xb8;
	[tilespmem:$0x1A100] =	vst v63  }
0x3e8: {  	s8 =	simm.s32 $0x37F0;
	s9 =	simm.s32 $0x5F00  }
0x3e9: {  	[spmem:s1] =	stream.indirect.scatter.add.f32 [tilespmem:s9], [sflag:$0x2], $0x1, s8, s15, $0xb8;
	[tilespmem:$0x1A100] =	vst v63  }
0x3ea: {  	s11 =	simm.s32 $0x3840;
	s12 =	simm.s32 $0x5F50  }
0x3eb: {  	[spmem:s1] =	stream.indirect.scatter.add.f32 [tilespmem:s12], [sflag:$0x2], $0x1, s11, s15, $0xb8;
	[tilespmem:$0x1A100] =	vst v63  }
0x3ec: {  	s16 =	simm.s32 $0x3890;
	s19 =	simm.s32 $0x5FA0  }
0x3ed: {  	[spmem:s1] =	stream.indirect.scatter.add.f32 [tilespmem:s19], [sflag:$0x2], $0x1, s16, s15, $0xb8;
	[tilespmem:$0x1A100] =	vst v63  }
0x3ee: {  	s20 =	simm.s32 $0x38E0;
	s21 =	simm.s32 $0x5FF0  }
0x3ef: {  	[spmem:s1] =	stream.indirect.scatter.add.f32 [tilespmem:s21], [sflag:$0x2], $0x1, s20, s15, $0xb8;
	[tilespmem:$0x1A100] =	vst v63  }
0x3f0: {  	s22 =	simm.s32 $0x3930;
	s23 =	simm.s32 $0x6040  }
0x3f1: {  	[spmem:s1] =	stream.indirect.scatter.add.f32 [tilespmem:s23], [sflag:$0x2], $0x1, s22, s15, $0xb8;
	[tilespmem:$0x1A100] =	vst v63  }
0x3f2: {  	s25 =	simm.s32 $0x3980;
	s29 =	simm.s32 $0x6090  }
0x3f3: {  	[spmem:s1] =	stream.indirect.scatter.add.f32 [tilespmem:s29], [sflag:$0x2], $0x1, s25, s15, $0xb8;
	[tilespmem:$0x1A100] =	vst v63  }
0x3f4: {  	s8 =	simm.s32 $0x39D0;
	s9 =	simm.s32 $0x60E0  }
0x3f5: {  	[spmem:s1] =	stream.indirect.scatter.add.f32 [tilespmem:s9], [sflag:$0x2], $0x1, s8, s15, $0xb8;
	[tilespmem:$0x1A100] =	vst v63  }
0x3f6: {  	s11 =	simm.s32 $0x3A20;
	s12 =	simm.s32 $0x6130  }
0x3f7: {  	[spmem:s1] =	stream.indirect.scatter.add.f32 [tilespmem:s12], [sflag:$0x2], $0x1, s11, s15, $0xb8;
	[tilespmem:$0x1A100] =	vst v63  }
0x3f8: {  	s16 =	simm.s32 $0x3A70;
	s19 =	simm.s32 $0x6180  }
0x3f9: {  	[spmem:s1] =	stream.indirect.scatter.add.f32 [tilespmem:s19], [sflag:$0x2], $0x1, s16, s15, $0xb8;
	[tilespmem:$0x1A100] =	vst v63  }
0x3fa: {  	s20 =	simm.s32 $0x3AC0;
	s21 =	simm.s32 $0x61D0  }
0x3fb: {  	[spmem:s1] =	stream.indirect.scatter.add.f32 [tilespmem:s21], [sflag:$0x2], $0x1, s20, s15, $0xb8;
	[tilespmem:$0x1A100] =	vst v63  }
0x3fc: {  	s22 =	simm.s32 $0x3B10;
	s23 =	simm.s32 $0x6220  }
0x3fd: {  	[spmem:s1] =	stream.indirect.scatter.add.f32 [tilespmem:s23], [sflag:$0x2], $0x1, s22, s15, $0xb8;
	[tilespmem:$0x1A100] =	vst v63  }
0x3fe: {  	s25 =	simm.s32 $0x3B60;
	s29 =	simm.s32 $0x6270  }
0x3ff: {  	[spmem:s1] =	stream.indirect.scatter.add.f32 [tilespmem:s29], [sflag:$0x2], $0x1, s25, s15, $0xb8;
	[tilespmem:$0x1A100] =	vst v63  }
0x400: {  	s8 =	simm.s32 $0x3BB0;
	s9 =	simm.s32 $0x62C0  }
0x401: {  	[spmem:s1] =	stream.indirect.scatter.add.f32 [tilespmem:s9], [sflag:$0x2], $0x1, s8, s15, $0xb8;
	[tilespmem:$0x1A100] =	vst v63  }
0x402: {  	s11 =	simm.s32 $0x3C00;
	s12 =	simm.s32 $0x6310  }
0x403: {  	[spmem:s1] =	stream.indirect.scatter.add.f32 [tilespmem:s12], [sflag:$0x2], $0x1, s11, s15, $0xb8;
	[tilespmem:$0x1A100] =	vst v63  }
0x404: {  	s16 =	simm.s32 $0x3C50;
	s19 =	simm.s32 $0x6360  }
0x405: {  	[spmem:s1] =	stream.indirect.scatter.add.f32 [tilespmem:s19], [sflag:$0x2], $0x1, s16, s15, $0xb8;
	[tilespmem:$0x1A100] =	vst v63  }
0x406: {  	s20 =	simm.s32 $0x3CA0;
	s21 =	simm.s32 $0x63B0  }
0x407: {  	[spmem:s1] =	stream.indirect.scatter.add.f32 [tilespmem:s21], [sflag:$0x2], $0x1, s20, s15, $0xb8;
	[tilespmem:$0x1A100] =	vst v63  }
0x408: {  	s22 =	simm.s32 $0x3CF0;
	s23 =	simm.s32 $0x6400  }
0x409: {  	[spmem:s1] =	stream.indirect.scatter.add.f32 [tilespmem:s23], [sflag:$0x2], $0x1, s22, s15, $0xb8;
	[tilespmem:$0x1A100] =	vst v63  }
0x40a: {  	s25 =	simm.s32 $0x3D40;
	s29 =	simm.s32 $0x6450  }
0x40b: {  	[spmem:s1] =	stream.indirect.scatter.add.f32 [tilespmem:s29], [sflag:$0x2], $0x1, s25, s15, $0xb8;
	[tilespmem:$0x1A100] =	vst v63  }
0x40c: {  	s8 =	simm.s32 $0x3D90;
	s9 =	simm.s32 $0x64A0  }
0x40d: {  	[spmem:s1] =	stream.indirect.scatter.add.f32 [tilespmem:s9], [sflag:$0x2], $0x1, s8, s15, $0xb8;
	[tilespmem:$0x1A100] =	vst v63  }
0x40e: {  	s11 =	simm.s32 $0x3DE0;
	s12 =	simm.s32 $0x64F0  }
0x40f: {  	[spmem:s1] =	stream.indirect.scatter.add.f32 [tilespmem:s12], [sflag:$0x2], $0x1, s11, s15, $0xb8;
	[tilespmem:$0x1A100] =	vst v63  }
0x410: {  	s16 =	simm.s32 $0x3E30;
	s19 =	simm.s32 $0x6540  }
0x411: {  	[spmem:s1] =	stream.indirect.scatter.add.f32 [tilespmem:s19], [sflag:$0x2], $0x1, s16, s15, $0xb8;
	[tilespmem:$0x1A100] =	vst v63  }
0x412: {  	_ =	swait.ge [sflag:s26], $0x50  }
0x413: {  	[sflag:s26] =	ssyncset.done $0x0  }
0x414: {  	[sflag:s26] =	ssyncadd.s32 $0xFFFFFFB0  }
0x415: {  	_ =	swait.ge [sflag:s26], $0x50  }
0x416: {  	[sflag:s26] =	ssyncset.done $0x0  }
0x417: {  	[sflag:s26] =	ssyncadd.s32 $0xFFFFFFB0  }
0x418: {  	_ =	swait.ge [sflag:s26], $0x50  }
0x419: {  	[sflag:s26] =	ssyncset.done $0x0  }
0x41a: {  	[sflag:s26] =	ssyncadd.s32 $0xFFFFFFB0  }
0x41b: {  	_ =	swait.ge [sflag:s26], $0x50  }
0x41c: {  	[sflag:s26] =	ssyncset.done $0x0  }
0x41d: {  	[sflag:s26] =	ssyncadd.s32 $0xFFFFFFB0  }
0x41e: {  	_ =	swait.ge [sflag:s26], $0x50  }
0x41f: {  	[sflag:s26] =	ssyncset.done $0x0  }
0x420: {  	[sflag:s26] =	ssyncadd.s32 $0xFFFFFFB0  }
0x421: {  	_ =	swait.ge [sflag:s26], $0x50  }
0x422: {  	[sflag:s26] =	ssyncset.done $0x0  }
0x423: {  	[sflag:s26] =	ssyncadd.s32 $0xFFFFFFB0  }
0x424: {  	_ =	swait.ge [sflag:s26], $0x50  }
0x425: {  	[sflag:s26] =	ssyncset.done $0x0  }
0x426: {  	[sflag:s26] =	ssyncadd.s32 $0xFFFFFFB0  }
0x427: {  	_ =	swait.ge [sflag:s26], $0x50  }
0x428: {  	[sflag:s26] =	ssyncset.done $0x0  }
0x429: {  	[sflag:s26] =	ssyncadd.s32 $0xFFFFFFB0  }
0x42a: {  	_ =	swait.ge [sflag:s26], $0x50  }
0x42b: {  	[sflag:s26] =	ssyncset.done $0x0  }
0x42c: {  	[sflag:s26] =	ssyncadd.s32 $0xFFFFFFB0  }
0x42d: {  	_ =	swait.ge [sflag:s26], $0x50  }
0x42e: {  	[sflag:s26] =	ssyncset.done $0x0  }
0x42f: {  	[sflag:s26] =	ssyncadd.s32 $0xFFFFFFB0  }
0x430: {  	_ =	swait.ge [sflag:s26], $0x50  }
0x431: {  	[sflag:s26] =	ssyncset.done $0x0  }
0x432: {  	[sflag:s26] =	ssyncadd.s32 $0xFFFFFFB0  }
0x433: {  	_ =	swait.ge [sflag:s26], $0x50  }
0x434: {  	[sflag:s26] =	ssyncset.done $0x0  }
0x435: {  	[sflag:s26] =	ssyncadd.s32 $0xFFFFFFB0  }
0x436: {  	_ =	swait.ge [sflag:s26], $0x50  }
0x437: {  	[sflag:s26] =	ssyncset.done $0x0  }
0x438: {  	[sflag:s26] =	ssyncadd.s32 $0xFFFFFFB0  }
0x439: {  	_ =	swait.ge [sflag:s26], $0x50  }
0x43a: {  	[sflag:s26] =	ssyncset.done $0x0  }
0x43b: {  	[sflag:s26] =	ssyncadd.s32 $0xFFFFFFB0  }
0x43c: {  	_ =	swait.ge [sflag:s26], $0x50  }
0x43d: {  	[sflag:s26] =	ssyncset.done $0x0  }
0x43e: {  	[sflag:s26] =	ssyncadd.s32 $0xFFFFFFB0  }
0x43f: {  	_ =	swait.ge [sflag:s26], $0x50  }
0x440: {  	[sflag:s26] =	ssyncset.done $0x0  }
0x441: {  	[sflag:s26] =	ssyncadd.s32 $0xFFFFFFB0  }
0x442: {  	_ =	swait.ge [sflag:s26], $0x50  }
0x443: {  	[sflag:s26] =	ssyncset.done $0x0  }
0x444: {  	[sflag:s26] =	ssyncadd.s32 $0xFFFFFFB0  }
0x445: {  	_ =	swait.ge [sflag:s26], $0x50  }
0x446: {  	[sflag:s26] =	ssyncset.done $0x0  }
0x447: {  	[sflag:s26] =	ssyncadd.s32 $0xFFFFFFB0  }
0x448: {  	_ =	swait.ge [sflag:s26], $0x50  }
0x449: {  	[sflag:s26] =	ssyncset.done $0x0  }
0x44a: {  	[sflag:s26] =	ssyncadd.s32 $0xFFFFFFB0  }
0x44b: {  	_ =	swait.ge [sflag:s26], $0x50  }
0x44c: {  	[sflag:s26] =	ssyncset.done $0x0  }
0x44d: {  	[sflag:s26] =	ssyncadd.s32 $0xFFFFFFB0  }
0x44e: {  	_ =	swait.ge [sflag:s26], $0x50  }
0x44f: {  	[sflag:s26] =	ssyncset.done $0x0  }
0x450: {  	[sflag:s26] =	ssyncadd.s32 $0xFFFFFFB0  }
0x451: {  	_ =	swait.ge [sflag:s26], $0x50  }
0x452: {  	[sflag:s26] =	ssyncset.done $0x0  }
0x453: {  	[sflag:s26] =	ssyncadd.s32 $0xFFFFFFB0  }
0x454: {  	_ =	swait.ge [sflag:s26], $0x50  }
0x455: {  	[sflag:s26] =	ssyncset.done $0x0  }
0x456: {  	[sflag:s26] =	ssyncadd.s32 $0xFFFFFFB0  }
0x457: {  	_ =	swait.ge [sflag:s26], $0x50  }
0x458: {  	[sflag:s26] =	ssyncset.done $0x0  }
0x459: {  	[sflag:s26] =	ssyncadd.s32 $0xFFFFFFB0  }
0x45a: {  	_ =	swait.ge [sflag:s26], $0x50  }
0x45b: {  	[sflag:s26] =	ssyncset.done $0x0  }
0x45c: {  	s20 =	simm.s32 $0x3E80;
	s21 =	simm.s32 $0x6590;
	[sflag:s26] =	ssyncadd.s32 $0xFFFFFFB0  }
0x45d: {  	[spmem:s1] =	stream.indirect.scatter.add.f32 [tilespmem:s21], [sflag:$0x2], $0x1, s20, s15, $0xb8;
	[tilespmem:$0x1A100] =	vst v63  }
0x45e: {  	s22 =	simm.s32 $0x3ED0;
	s23 =	simm.s32 $0x65E0  }
0x45f: {  	[spmem:s1] =	stream.indirect.scatter.add.f32 [tilespmem:s23], [sflag:$0x2], $0x1, s22, s15, $0xb8;
	[tilespmem:$0x1A100] =	vst v63  }
0x460: {  	s25 =	simm.s32 $0x3F20;
	s29 =	simm.s32 $0x6630  }
0x461: {  	[spmem:s1] =	stream.indirect.scatter.add.f32 [tilespmem:s29], [sflag:$0x2], $0x1, s25, s15, $0xb8;
	[tilespmem:$0x1A100] =	vst v63  }
0x462: {  	s8 =	simm.s32 $0x3F70;
	s9 =	simm.s32 $0x6680  }
0x463: {  	[spmem:s1] =	stream.indirect.scatter.add.f32 [tilespmem:s9], [sflag:$0x2], $0x1, s8, s15, $0xb8;
	[tilespmem:$0x1A100] =	vst v63  }
0x464: {  	s11 =	simm.s32 $0x3FC0;
	s12 =	simm.s32 $0x66D0  }
0x465: {  	[spmem:s1] =	stream.indirect.scatter.add.f32 [tilespmem:s12], [sflag:$0x2], $0x1, s11, s15, $0xb8;
	[tilespmem:$0x1A100] =	vst v63  }
0x466: {  	s16 =	simm.s32 $0x4010;
	s19 =	simm.s32 $0x6720  }
0x467: {  	[spmem:s1] =	stream.indirect.scatter.add.f32 [tilespmem:s19], [sflag:$0x2], $0x1, s16, s15, $0xb8;
	[tilespmem:$0x1A100] =	vst v63  }
0x468: {  	s20 =	simm.s32 $0x4060;
	s21 =	simm.s32 $0x6770  }
0x469: {  	[spmem:s1] =	stream.indirect.scatter.add.f32 [tilespmem:s21], [sflag:$0x2], $0x1, s20, s15, $0xb8;
	[tilespmem:$0x1A100] =	vst v63  }
0x46a: {  	s22 =	simm.s32 $0x40B0;
	s23 =	simm.s32 $0x67C0  }
0x46b: {  	[spmem:s1] =	stream.indirect.scatter.add.f32 [tilespmem:s23], [sflag:$0x2], $0x1, s22, s15, $0xb8;
	[tilespmem:$0x1A100] =	vst v63  }
0x46c: {  	s25 =	simm.s32 $0x4100;
	s29 =	simm.s32 $0x6810  }
0x46d: {  	[spmem:s1] =	stream.indirect.scatter.add.f32 [tilespmem:s29], [sflag:$0x2], $0x1, s25, s15, $0xb8;
	[tilespmem:$0x1A100] =	vst v63  }
0x46e: {  	s8 =	simm.s32 $0x4150;
	s9 =	simm.s32 $0x6860  }
0x46f: {  	[spmem:s1] =	stream.indirect.scatter.add.f32 [tilespmem:s9], [sflag:$0x2], $0x1, s8, s15, $0xb8;
	[tilespmem:$0x1A100] =	vst v63  }
0x470: {  	s11 =	simm.s32 $0x41A0;
	s12 =	simm.s32 $0x68B0  }
0x471: {  	[spmem:s1] =	stream.indirect.scatter.add.f32 [tilespmem:s12], [sflag:$0x2], $0x1, s11, s15, $0xb8;
	[tilespmem:$0x1A100] =	vst v63  }
0x472: {  	s16 =	simm.s32 $0x41F0;
	s19 =	simm.s32 $0x6900  }
0x473: {  	[spmem:s1] =	stream.indirect.scatter.add.f32 [tilespmem:s19], [sflag:$0x2], $0x1, s16, s15, $0xb8;
	[tilespmem:$0x1A100] =	vst v63  }
0x474: {  	s20 =	simm.s32 $0x4240;
	s21 =	simm.s32 $0x6950  }
0x475: {  	[spmem:s1] =	stream.indirect.scatter.add.f32 [tilespmem:s21], [sflag:$0x2], $0x1, s20, s15, $0xb8;
	[tilespmem:$0x1A100] =	vst v63  }
0x476: {  	s22 =	simm.s32 $0x4290;
	s23 =	simm.s32 $0x69A0  }
0x477: {  	[spmem:s1] =	stream.indirect.scatter.add.f32 [tilespmem:s23], [sflag:$0x2], $0x1, s22, s15, $0xb8;
	[tilespmem:$0x1A100] =	vst v63  }
0x478: {  	s25 =	simm.s32 $0x42E0;
	s29 =	simm.s32 $0x69F0  }
0x479: {  	[spmem:s1] =	stream.indirect.scatter.add.f32 [tilespmem:s29], [sflag:$0x2], $0x1, s25, s15, $0xb8;
	[tilespmem:$0x1A100] =	vst v63  }
0x47a: {  	s8 =	simm.s32 $0x4330;
	s9 =	simm.s32 $0x6A40  }
0x47b: {  	[spmem:s1] =	stream.indirect.scatter.add.f32 [tilespmem:s9], [sflag:$0x2], $0x1, s8, s15, $0xb8;
	[tilespmem:$0x1A100] =	vst v63  }
0x47c: {  	s11 =	simm.s32 $0x4380;
	s12 =	simm.s32 $0x6A90  }
0x47d: {  	[spmem:s1] =	stream.indirect.scatter.add.f32 [tilespmem:s12], [sflag:$0x2], $0x1, s11, s15, $0xb8;
	[tilespmem:$0x1A100] =	vst v63  }
0x47e: {  	s16 =	simm.s32 $0x43D0;
	s19 =	simm.s32 $0x6AE0  }
0x47f: {  	[spmem:s1] =	stream.indirect.scatter.add.f32 [tilespmem:s19], [sflag:$0x2], $0x1, s16, s15, $0xb8;
	[tilespmem:$0x1A100] =	vst v63  }
0x480: {  	s20 =	simm.s32 $0x4420;
	s21 =	simm.s32 $0x6B30  }
0x481: {  	[spmem:s1] =	stream.indirect.scatter.add.f32 [tilespmem:s21], [sflag:$0x2], $0x1, s20, s15, $0xb8;
	[tilespmem:$0x1A100] =	vst v63  }
0x482: {  	s22 =	simm.s32 $0x4470;
	s23 =	simm.s32 $0x6B80  }
0x483: {  	[spmem:s1] =	stream.indirect.scatter.add.f32 [tilespmem:s23], [sflag:$0x2], $0x1, s22, s15, $0xb8;
	[tilespmem:$0x1A100] =	vst v63  }
0x484: {  	s25 =	simm.s32 $0x44C0;
	s29 =	simm.s32 $0x6BD0  }
0x485: {  	[spmem:s1] =	stream.indirect.scatter.add.f32 [tilespmem:s29], [sflag:$0x2], $0x1, s25, s15, $0xb8;
	[tilespmem:$0x1A100] =	vst v63  }
0x486: {  	s8 =	simm.s32 $0x4510;
	s9 =	simm.s32 $0x6C20  }
0x487: {  	[spmem:s1] =	stream.indirect.scatter.add.f32 [tilespmem:s9], [sflag:$0x2], $0x1, s8, s15, $0xb8;
	[tilespmem:$0x1A100] =	vst v63  }
0x488: {  	s11 =	simm.s32 $0x4560;
	s12 =	simm.s32 $0x6C70  }
0x489: {  	[spmem:s1] =	stream.indirect.scatter.add.f32 [tilespmem:s12], [sflag:$0x2], $0x1, s11, s15, $0xb8;
	[tilespmem:$0x1A100] =	vst v63  }
0x48a: {  	s16 =	simm.s32 $0x45B0;
	s19 =	simm.s32 $0x6CC0  }
0x48b: {  	[spmem:s1] =	stream.indirect.scatter.add.f32 [tilespmem:s19], [sflag:$0x2], $0x1, s16, s15, $0xb8;
	[tilespmem:$0x1A100] =	vst v63  }
0x48c: {  	s20 =	simm.s32 $0x4600;
	s21 =	simm.s32 $0x6D10  }
0x48d: {  	[spmem:s1] =	stream.indirect.scatter.add.f32 [tilespmem:s21], [sflag:$0x2], $0x1, s20, s15, $0xb8;
	[tilespmem:$0x1A100] =	vst v63  }
0x48e: {  	_ =	swait.ge [sflag:s26], $0x50  }
0x48f: {  	[sflag:s26] =	ssyncset.done $0x0  }
0x490: {  	[sflag:s26] =	ssyncadd.s32 $0xFFFFFFB0  }
0x491: {  	_ =	swait.ge [sflag:s26], $0x50  }
0x492: {  	[sflag:s26] =	ssyncset.done $0x0  }
0x493: {  	[sflag:s26] =	ssyncadd.s32 $0xFFFFFFB0  }
0x494: {  	_ =	swait.ge [sflag:s26], $0x50  }
0x495: {  	[sflag:s26] =	ssyncset.done $0x0  }
0x496: {  	[sflag:s26] =	ssyncadd.s32 $0xFFFFFFB0  }
0x497: {  	_ =	swait.ge [sflag:s26], $0x50  }
0x498: {  	[sflag:s26] =	ssyncset.done $0x0  }
0x499: {  	[sflag:s26] =	ssyncadd.s32 $0xFFFFFFB0  }
0x49a: {  	_ =	swait.ge [sflag:s26], $0x50  }
0x49b: {  	[sflag:s26] =	ssyncset.done $0x0  }
0x49c: {  	[sflag:s26] =	ssyncadd.s32 $0xFFFFFFB0  }
0x49d: {  	_ =	swait.ge [sflag:s26], $0x50  }
0x49e: {  	[sflag:s26] =	ssyncset.done $0x0  }
0x49f: {  	[sflag:s26] =	ssyncadd.s32 $0xFFFFFFB0  }
0x4a0: {  	_ =	swait.ge [sflag:s26], $0x50  }
0x4a1: {  	[sflag:s26] =	ssyncset.done $0x0  }
0x4a2: {  	[sflag:s26] =	ssyncadd.s32 $0xFFFFFFB0  }
0x4a3: {  	_ =	swait.ge [sflag:s26], $0x50  }
0x4a4: {  	[sflag:s26] =	ssyncset.done $0x0  }
0x4a5: {  	[sflag:s26] =	ssyncadd.s32 $0xFFFFFFB0  }
0x4a6: {  	_ =	swait.ge [sflag:s26], $0x50  }
0x4a7: {  	[sflag:s26] =	ssyncset.done $0x0  }
0x4a8: {  	[sflag:s26] =	ssyncadd.s32 $0xFFFFFFB0  }
0x4a9: {  	_ =	swait.ge [sflag:s26], $0x50  }
0x4aa: {  	[sflag:s26] =	ssyncset.done $0x0  }
0x4ab: {  	[sflag:s26] =	ssyncadd.s32 $0xFFFFFFB0  }
0x4ac: {  	_ =	swait.ge [sflag:s26], $0x50  }
0x4ad: {  	[sflag:s26] =	ssyncset.done $0x0  }
0x4ae: {  	[sflag:s26] =	ssyncadd.s32 $0xFFFFFFB0  }
0x4af: {  	_ =	swait.ge [sflag:s26], $0x50  }
0x4b0: {  	[sflag:s26] =	ssyncset.done $0x0  }
0x4b1: {  	[sflag:s26] =	ssyncadd.s32 $0xFFFFFFB0  }
0x4b2: {  	_ =	swait.ge [sflag:s26], $0x50  }
0x4b3: {  	[sflag:s26] =	ssyncset.done $0x0  }
0x4b4: {  	[sflag:s26] =	ssyncadd.s32 $0xFFFFFFB0  }
0x4b5: {  	_ =	swait.ge [sflag:s26], $0x50  }
0x4b6: {  	[sflag:s26] =	ssyncset.done $0x0  }
0x4b7: {  	[sflag:s26] =	ssyncadd.s32 $0xFFFFFFB0  }
0x4b8: {  	_ =	swait.ge [sflag:s26], $0x50  }
0x4b9: {  	[sflag:s26] =	ssyncset.done $0x0  }
0x4ba: {  	[sflag:s26] =	ssyncadd.s32 $0xFFFFFFB0  }
0x4bb: {  	_ =	swait.ge [sflag:s26], $0x50  }
0x4bc: {  	[sflag:s26] =	ssyncset.done $0x0  }
0x4bd: {  	[sflag:s26] =	ssyncadd.s32 $0xFFFFFFB0  }
0x4be: {  	_ =	swait.ge [sflag:s26], $0x50  }
0x4bf: {  	[sflag:s26] =	ssyncset.done $0x0  }
0x4c0: {  	[sflag:s26] =	ssyncadd.s32 $0xFFFFFFB0  }
0x4c1: {  	_ =	swait.ge [sflag:s26], $0x50  }
0x4c2: {  	[sflag:s26] =	ssyncset.done $0x0  }
0x4c3: {  	[sflag:s26] =	ssyncadd.s32 $0xFFFFFFB0  }
0x4c4: {  	_ =	swait.ge [sflag:s26], $0x50  }
0x4c5: {  	[sflag:s26] =	ssyncset.done $0x0  }
0x4c6: {  	[sflag:s26] =	ssyncadd.s32 $0xFFFFFFB0  }
0x4c7: {  	_ =	swait.ge [sflag:s26], $0x50  }
0x4c8: {  	[sflag:s26] =	ssyncset.done $0x0  }
0x4c9: {  	[sflag:s26] =	ssyncadd.s32 $0xFFFFFFB0  }
0x4ca: {  	_ =	swait.ge [sflag:s26], $0x50  }
0x4cb: {  	[sflag:s26] =	ssyncset.done $0x0  }
0x4cc: {  	[sflag:s26] =	ssyncadd.s32 $0xFFFFFFB0  }
0x4cd: {  	_ =	swait.ge [sflag:s26], $0x50  }
0x4ce: {  	[sflag:s26] =	ssyncset.done $0x0  }
0x4cf: {  	[sflag:s26] =	ssyncadd.s32 $0xFFFFFFB0  }
0x4d0: {  	_ =	swait.ge [sflag:s26], $0x50  }
0x4d1: {  	[sflag:s26] =	ssyncset.done $0x0  }
0x4d2: {  	[sflag:s26] =	ssyncadd.s32 $0xFFFFFFB0  }
0x4d3: {  	_ =	swait.ge [sflag:s26], $0x50  }
0x4d4: {  	[sflag:s26] =	ssyncset.done $0x0  }
0x4d5: {  	[sflag:s26] =	ssyncadd.s32 $0xFFFFFFB0  }
0x4d6: {  	_ =	swait.ge [sflag:s26], $0x50  }
0x4d7: {  	[sflag:s26] =	ssyncset.done $0x0  }
0x4d8: {  	s22 =	simm.s32 $0x4650;
	s23 =	simm.s32 $0x6D60;
	[sflag:s26] =	ssyncadd.s32 $0xFFFFFFB0  }
0x4d9: {  	[spmem:s1] =	stream.indirect.scatter.add.f32 [tilespmem:s23], [sflag:$0x2], $0x1, s22, s15, $0xb8;
	[tilespmem:$0x1A100] =	vst v63  }
0x4da: {  	s25 =	simm.s32 $0x46A0;
	s29 =	simm.s32 $0x6DB0  }
0x4db: {  	[spmem:s1] =	stream.indirect.scatter.add.f32 [tilespmem:s29], [sflag:$0x2], $0x1, s25, s15, $0xb8;
	[tilespmem:$0x1A100] =	vst v63  }
0x4dc: {  	s8 =	simm.s32 $0x46F0;
	s9 =	simm.s32 $0x6E00  }
0x4dd: {  	[spmem:s1] =	stream.indirect.scatter.add.f32 [tilespmem:s9], [sflag:$0x2], $0x1, s8, s15, $0xb8;
	[tilespmem:$0x1A100] =	vst v63  }
0x4de: {  	s11 =	simm.s32 $0x4740;
	s12 =	simm.s32 $0x6E50  }
0x4df: {  	[spmem:s1] =	stream.indirect.scatter.add.f32 [tilespmem:s12], [sflag:$0x2], $0x1, s11, s15, $0xb8;
	[tilespmem:$0x1A100] =	vst v63  }
0x4e0: {  	s16 =	simm.s32 $0x4790;
	s19 =	simm.s32 $0x6EA0  }
0x4e1: {  	[spmem:s1] =	stream.indirect.scatter.add.f32 [tilespmem:s19], [sflag:$0x2], $0x1, s16, s15, $0xb8;
	[tilespmem:$0x1A100] =	vst v63  }
0x4e2: {  	s20 =	simm.s32 $0x47E0;
	s21 =	simm.s32 $0x6EF0  }
0x4e3: {  	[spmem:s1] =	stream.indirect.scatter.add.f32 [tilespmem:s21], [sflag:$0x2], $0x1, s20, s15, $0xb8;
	[tilespmem:$0x1A100] =	vst v63  }
0x4e4: {  	s22 =	simm.s32 $0x4830;
	s23 =	simm.s32 $0x6F40  }
0x4e5: {  	[spmem:s1] =	stream.indirect.scatter.add.f32 [tilespmem:s23], [sflag:$0x2], $0x1, s22, s15, $0xb8;
	[tilespmem:$0x1A100] =	vst v63  }
0x4e6: {  	s25 =	simm.s32 $0x4880;
	s29 =	simm.s32 $0x6F90  }
0x4e7: {  	[spmem:s1] =	stream.indirect.scatter.add.f32 [tilespmem:s29], [sflag:$0x2], $0x1, s25, s15, $0xb8;
	[tilespmem:$0x1A100] =	vst v63  }
0x4e8: {  	s8 =	simm.s32 $0x48D0;
	s9 =	simm.s32 $0x6FE0  }
0x4e9: {  	[spmem:s1] =	stream.indirect.scatter.add.f32 [tilespmem:s9], [sflag:$0x2], $0x1, s8, s15, $0xb8;
	[tilespmem:$0x1A100] =	vst v63  }
0x4ea: {  	s11 =	simm.s32 $0x4920;
	s12 =	simm.s32 $0x7030  }
0x4eb: {  	[spmem:s1] =	stream.indirect.scatter.add.f32 [tilespmem:s12], [sflag:$0x2], $0x1, s11, s15, $0xb8;
	[tilespmem:$0x1A100] =	vst v63  }
0x4ec: {  	s16 =	simm.s32 $0x4970;
	s19 =	simm.s32 $0x7080  }
0x4ed: {  	[spmem:s1] =	stream.indirect.scatter.add.f32 [tilespmem:s19], [sflag:$0x2], $0x1, s16, s15, $0xb8;
	[tilespmem:$0x1A100] =	vst v63  }
0x4ee: {  	s20 =	simm.s32 $0x49C0;
	s21 =	simm.s32 $0x70D0  }
0x4ef: {  	[spmem:s1] =	stream.indirect.scatter.add.f32 [tilespmem:s21], [sflag:$0x2], $0x1, s20, s15, $0xb8;
	[tilespmem:$0x1A100] =	vst v63  }
0x4f0: {  	s22 =	simm.s32 $0x4A10;
	s23 =	simm.s32 $0x7120  }
0x4f1: {  	[spmem:s1] =	stream.indirect.scatter.add.f32 [tilespmem:s23], [sflag:$0x2], $0x1, s22, s15, $0xb8;
	[tilespmem:$0x1A100] =	vst v63  }
0x4f2: {  	s25 =	simm.s32 $0x4A60;
	s29 =	simm.s32 $0x7170  }
0x4f3: {  	[spmem:s1] =	stream.indirect.scatter.add.f32 [tilespmem:s29], [sflag:$0x2], $0x1, s25, s15, $0xb8;
	[tilespmem:$0x1A100] =	vst v63  }
0x4f4: {  	s8 =	simm.s32 $0x4AB0;
	s9 =	simm.s32 $0x71C0  }
0x4f5: {  	[spmem:s1] =	stream.indirect.scatter.add.f32 [tilespmem:s9], [sflag:$0x2], $0x1, s8, s15, $0xb8;
	[tilespmem:$0x1A100] =	vst v63  }
0x4f6: {  	s11 =	simm.s32 $0x4B00;
	s12 =	simm.s32 $0x7210  }
0x4f7: {  	[spmem:s1] =	stream.indirect.scatter.add.f32 [tilespmem:s12], [sflag:$0x2], $0x1, s11, s15, $0xb8;
	[tilespmem:$0x1A100] =	vst v63  }
0x4f8: {  	s16 =	simm.s32 $0x4B50;
	s19 =	simm.s32 $0x7260  }
0x4f9: {  	[spmem:s1] =	stream.indirect.scatter.add.f32 [tilespmem:s19], [sflag:$0x2], $0x1, s16, s15, $0xb8;
	[tilespmem:$0x1A100] =	vst v63  }
0x4fa: {  	s20 =	simm.s32 $0x4BA0;
	s21 =	simm.s32 $0x72B0  }
0x4fb: {  	[spmem:s1] =	stream.indirect.scatter.add.f32 [tilespmem:s21], [sflag:$0x2], $0x1, s20, s15, $0xb8;
	[tilespmem:$0x1A100] =	vst v63  }
0x4fc: {  	s22 =	simm.s32 $0x4BF0;
	s23 =	simm.s32 $0x7300  }
0x4fd: {  	[spmem:s1] =	stream.indirect.scatter.add.f32 [tilespmem:s23], [sflag:$0x2], $0x1, s22, s15, $0xb8;
	[tilespmem:$0x1A100] =	vst v63  }
0x4fe: {  	s25 =	simm.s32 $0x7350;
	s29 =	simm.s32 $0x4C40  }
0x4ff: {  	[spmem:s1] =	stream.indirect.scatter.add.f32 [tilespmem:s25], [sflag:$0x2], $0x1, s29, s15, $0xb8;
	[tilespmem:$0x1A100] =	vst v63  }
0x500: {  	s9 =	simm.s32 $0x73A0;
	s11 =	simm.s32 $0x4C90  }
0x501: {  	[spmem:s1] =	stream.indirect.scatter.add.f32 [tilespmem:s9], [sflag:$0x2], $0x1, s11, s15, $0xb8;
	[tilespmem:$0x1A100] =	vst v63  }
0x502: {  	s12 =	simm.s32 $0x73F0;
	s16 =	simm.s32 $0x4CE0  }
0x503: {  	[spmem:s1] =	stream.indirect.scatter.add.f32 [tilespmem:s12], [sflag:$0x2], $0x1, s16, s15, $0xb8;
	[tilespmem:$0x1A100] =	vst v63  }
0x504: {  	s19 =	simm.s32 $0x7440;
	s20 =	simm.s32 $0x4D30  }
0x505: {  	[spmem:s1] =	stream.indirect.scatter.add.f32 [tilespmem:s19], [sflag:$0x2], $0x1, s20, s15, $0xb8;
	[tilespmem:$0x1A100] =	vst v63  }
0x506: {  	s21 =	simm.s32 $0x7490;
	s22 =	simm.s32 $0x4D80  }
0x507: {  	[spmem:s1] =	stream.indirect.scatter.add.f32 [tilespmem:s21], [sflag:$0x2], $0x1, s22, s15, $0xb8;
	[tilespmem:$0x1A100] =	vst v63  }
0x508: {  	s23 =	simm.s32 $0x74E0;
	s25 =	simm.s32 $0x4DD0  }
0x509: {  	[spmem:s1] =	stream.indirect.scatter.add.f32 [tilespmem:s23], [sflag:$0x2], $0x1, s25, s15, $0xb8;
	[tilespmem:$0x1A100] =	vst v63  }
0x50a: {  	_ =	swait.ge [sflag:s26], $0x50  }
0x50b: {  	[sflag:s26] =	ssyncset.done $0x0  }
0x50c: {  	[sflag:s26] =	ssyncadd.s32 $0xFFFFFFB0  }
0x50d: {  	_ =	swait.ge [sflag:s26], $0x50  }
0x50e: {  	[sflag:s26] =	ssyncset.done $0x0  }
0x50f: {  	[sflag:s26] =	ssyncadd.s32 $0xFFFFFFB0  }
0x510: {  	_ =	swait.ge [sflag:s26], $0x50  }
0x511: {  	[sflag:s26] =	ssyncset.done $0x0  }
0x512: {  	[sflag:s26] =	ssyncadd.s32 $0xFFFFFFB0  }
0x513: {  	_ =	swait.ge [sflag:s26], $0x50  }
0x514: {  	[sflag:s26] =	ssyncset.done $0x0  }
0x515: {  	[sflag:s26] =	ssyncadd.s32 $0xFFFFFFB0  }
0x516: {  	_ =	swait.ge [sflag:s26], $0x50  }
0x517: {  	[sflag:s26] =	ssyncset.done $0x0  }
0x518: {  	[sflag:s26] =	ssyncadd.s32 $0xFFFFFFB0  }
0x519: {  	_ =	swait.ge [sflag:s26], $0x50  }
0x51a: {  	[sflag:s26] =	ssyncset.done $0x0  }
0x51b: {  	[sflag:s26] =	ssyncadd.s32 $0xFFFFFFB0  }
0x51c: {  	_ =	swait.ge [sflag:s26], $0x50  }
0x51d: {  	[sflag:s26] =	ssyncset.done $0x0  }
0x51e: {  	[sflag:s26] =	ssyncadd.s32 $0xFFFFFFB0  }
0x51f: {  	_ =	swait.ge [sflag:s26], $0x50  }
0x520: {  	[sflag:s26] =	ssyncset.done $0x0  }
0x521: {  	[sflag:s26] =	ssyncadd.s32 $0xFFFFFFB0  }
0x522: {  	_ =	swait.ge [sflag:s26], $0x50  }
0x523: {  	[sflag:s26] =	ssyncset.done $0x0  }
0x524: {  	[sflag:s26] =	ssyncadd.s32 $0xFFFFFFB0  }
0x525: {  	_ =	swait.ge [sflag:s26], $0x50  }
0x526: {  	[sflag:s26] =	ssyncset.done $0x0  }
0x527: {  	[sflag:s26] =	ssyncadd.s32 $0xFFFFFFB0  }
0x528: {  	_ =	swait.ge [sflag:s26], $0x50  }
0x529: {  	[sflag:s26] =	ssyncset.done $0x0  }
0x52a: {  	[sflag:s26] =	ssyncadd.s32 $0xFFFFFFB0  }
0x52b: {  	_ =	swait.ge [sflag:s26], $0x50  }
0x52c: {  	[sflag:s26] =	ssyncset.done $0x0  }
0x52d: {  	[sflag:s26] =	ssyncadd.s32 $0xFFFFFFB0  }
0x52e: {  	_ =	swait.ge [sflag:s26], $0x50  }
0x52f: {  	[sflag:s26] =	ssyncset.done $0x0  }
0x530: {  	[sflag:s26] =	ssyncadd.s32 $0xFFFFFFB0  }
0x531: {  	_ =	swait.ge [sflag:s26], $0x50  }
0x532: {  	[sflag:s26] =	ssyncset.done $0x0  }
0x533: {  	[sflag:s26] =	ssyncadd.s32 $0xFFFFFFB0  }
0x534: {  	_ =	swait.ge [sflag:s26], $0x50  }
0x535: {  	[sflag:s26] =	ssyncset.done $0x0  }
0x536: {  	[sflag:s26] =	ssyncadd.s32 $0xFFFFFFB0  }
0x537: {  	_ =	swait.ge [sflag:s26], $0x50  }
0x538: {  	[sflag:s26] =	ssyncset.done $0x0  }
0x539: {  	[sflag:s26] =	ssyncadd.s32 $0xFFFFFFB0  }
0x53a: {  	_ =	swait.ge [sflag:s26], $0x50  }
0x53b: {  	[sflag:s26] =	ssyncset.done $0x0  }
0x53c: {  	[sflag:s26] =	ssyncadd.s32 $0xFFFFFFB0  }
0x53d: {  	_ =	swait.ge [sflag:s26], $0x50  }
0x53e: {  	[sflag:s26] =	ssyncset.done $0x0  }
0x53f: {  	[sflag:s26] =	ssyncadd.s32 $0xFFFFFFB0  }
0x540: {  	_ =	swait.ge [sflag:s26], $0x50  }
0x541: {  	[sflag:s26] =	ssyncset.done $0x0  }
0x542: {  	[sflag:s26] =	ssyncadd.s32 $0xFFFFFFB0  }
0x543: {  	_ =	swait.ge [sflag:s26], $0x50  }
0x544: {  	[sflag:s26] =	ssyncset.done $0x0  }
0x545: {  	[sflag:s26] =	ssyncadd.s32 $0xFFFFFFB0  }
0x546: {  	_ =	swait.ge [sflag:s26], $0x50  }
0x547: {  	[sflag:s26] =	ssyncset.done $0x0  }
0x548: {  	[sflag:s26] =	ssyncadd.s32 $0xFFFFFFB0  }
0x549: {  	_ =	swait.ge [sflag:s26], $0x50  }
0x54a: {  	[sflag:s26] =	ssyncset.done $0x0  }
0x54b: {  	[sflag:s26] =	ssyncadd.s32 $0xFFFFFFB0  }
0x54c: {  	_ =	swait.ge [sflag:s26], $0x50  }
0x54d: {  	[sflag:s26] =	ssyncset.done $0x0  }
0x54e: {  	[sflag:s26] =	ssyncadd.s32 $0xFFFFFFB0  }
0x54f: {  	_ =	swait.ge [sflag:s26], $0x50  }
0x550: {  	[sflag:s26] =	ssyncset.done $0x0  }
0x551: {  	[sflag:s26] =	ssyncadd.s32 $0xFFFFFFB0  }
0x552: {  	_ =	swait.ge [sflag:s26], $0x50  }
0x553: {  	[sflag:s26] =	ssyncset.done $0x0  }
0x554: {  	[sflag:s26] =	ssyncadd.s32 $0xFFFFFFB0  }
0x555: {  	s29 =	simm.s32 $0xF840;
	[bflag:$0x0] =	sbarrier.arrive $0xFFFF  }
0x556: {  	[tilespmem:s29], [sflag:$0x3] =	stream.linear.gather [spmem:s2], $0x280, $0x38;
	[tilespmem:$0x1A100] =	vst v63  }
0x557: {  	_ =	swait.ge [sflag:s17], $0x280  }
0x558: {  	s14 =	simm.s32 $0x2710;
	[sflag:s17] =	ssyncset.done $0x0  }
0x559: {  	s11 =	simm.s32 $0x40;
	s2 =	simm.s32 $0x0;
	[sflag:s17] =	ssyncadd.s32 $0xFFFFFD80  }
.LBB2_4:
0x55a: {  	p1 =	sne.s32 s11, $0x9C0;
	v22 =	vld [tilespmem:s2+$0xF840];
	_ =	sdelay $0x4  }
0x55b: {  	v22 =	vadd.f32 $1.000000000e+00, v22;
	_ =	sdelay $0x1  }
0x55c: {  	v23 =	vshra.s32 v22, $0x1;
	v22 =	vmul.f32 $5.000000000e-01, v22  }
0x55d: {  	v23 =	vsub.s32 $0x5F3759DF, v23  }
0x55e: {  	v24 =	vmul.f32 v23, v22;
	_ =	sdelay $0x1  }
0x55f: {  	v24 =	vmul.f32 v23, v24;
	_ =	sdelay $0x1  }
0x560: {  	v24 =	vsub.f32 $1.500000000e+00, v24;
	_ =	sdelay $0x1  }
0x561: {  	v23 =	vmul.f32 v23, v24;
	_ =	sdelay $0x1  }
0x562: {  	v24 =	vmul.f32 v23, v22;
	_ =	sdelay $0x1  }
0x563: {  	v24 =	vmul.f32 v24, v23;
	_ =	sdelay $0x1  }
0x564: {  	v24 =	vsub.f32 $1.500000000e+00, v24;
	_ =	sdelay $0x1  }
0x565: {  	v23 =	vmul.f32 v24, v23;
	_ =	sdelay $0x1  }
0x566: {  	v22 =	vmul.f32 v23, v22;
	_ =	sdelay $0x1  }
0x567: {  	v22 =	vmul.f32 v22, v23;
	_ =	sdelay $0x1  }
0x568: {  	v22 =	vsub.f32 $1.500000000e+00, v22;
	_ =	sdelay $0x1  }
.Ltmp1:
0x569: {  	v22 =	vmul.f32 v22, v23;
	(pc) =	sbr.rel @p1 .LBB2_4-.Ltmp1, $3  }
0x56a: {  	_ = 	snop  }
0x56b: {  	[tilespmem:v21+s2+$0x0 ss:$0x1] =	vst.idx.msk $0xffff, v22;
	v22 =	vmul.f32 v22, v22;
	_ =	sdelay $0x1  }
0x56c: {  	[tilespmem:s2+$0xF840] =	vst v22;
	s2 =	sshra.s32 s11, $0x2;
	s11 =	sadd.s32 $0x40, s11  }
0x56d: {  	v22 =	vld [tilespmem:s2+$0xF840];
	_ =	sdelay $0x4  }
0x56e: {  	v22 =	vadd.f32 $1.000000000e+00, v22;
	_ =	sdelay $0x1  }
0x56f: {  	v23 =	vshra.s32 v22, $0x1;
	v22 =	vmul.f32 $5.000000000e-01, v22  }
0x570: {  	v23 =	vsub.s32 $0x5F3759DF, v23  }
0x571: {  	v24 =	vmul.f32 v23, v22;
	_ =	sdelay $0x1  }
0x572: {  	v24 =	vmul.f32 v23, v24;
	_ =	sdelay $0x1  }
0x573: {  	v24 =	vsub.f32 $1.500000000e+00, v24;
	_ =	sdelay $0x1  }
0x574: {  	v23 =	vmul.f32 v23, v24;
	_ =	sdelay $0x1  }
0x575: {  	v24 =	vmul.f32 v23, v22;
	_ =	sdelay $0x1  }
0x576: {  	v24 =	vmul.f32 v24, v23;
	_ =	sdelay $0x1  }
0x577: {  	v24 =	vsub.f32 $1.500000000e+00, v24;
	_ =	sdelay $0x1  }
0x578: {  	v23 =	vmul.f32 v24, v23;
	_ =	sdelay $0x1  }
0x579: {  	v22 =	vmul.f32 v23, v22;
	_ =	sdelay $0x1  }
0x57a: {  	v22 =	vmul.f32 v22, v23;
	_ =	sdelay $0x1  }
0x57b: {  	v22 =	vsub.f32 $1.500000000e+00, v22;
	_ =	sdelay $0x1  }
0x57c: {  	v22 =	vmul.f32 v22, v23;
	_ =	sdelay $0x1  }
0x57d: {  	v23 =	vmul.f32 v22, v22  }
0x57e: {  	s16 =	rddreg [dreg:$0xf];
	[tilespmem:v21+s2+$0x0 ss:$0x1] =	vst.idx.msk $0xffff, v22  }
0x57f: {  	s8 =	rddreg [dreg:$0x10];
	[tilespmem:s2+$0xF840] =	vst v23  }
0x580: {  	[spmem:s8] =	stream.linear.scatter [tilespmem:s16], [sflag:$0x3], $0x280, $0x38;
	[tilespmem:$0x1A100] =	vst v63  }
0x581: {  	_ =	swait.ge [sflag:s17], $0x280  }
0x582: {  	s2 =	simm.s32 @!p0 $0x0;
	[sflag:s17] =	ssyncset.done $0x0  }
0x583: {  	s8 =	simm.s32 @!p0 $0xF840;
	s11 =	rddreg [dreg:$0xc];
	[sflag:s17] =	ssyncadd.s32 $0xFFFFFD80  }
0x584: {  	[hbm4b:s11+s2] =	stream.linear.scatter @!p0 [tilespmem:s8], [sflag:$0x3], $0x280, $0x38;
	[tilespmem:$0x1A100] =	vst v63  }
0x585: {  	s2 =	simm.s32 @!p0 $0x3  }
0x586: {  	_ =	swait.ge @!p0 [sflag:s2], $0x280  }
0x587: {  	[sflag:s2] =	ssyncset.done @!p0 $0x0  }
0x588: {  	[sflag:s2] =	ssyncadd.s32 @!p0 $0xFFFFFD80  }
0x589: {  	[bflag:$0x0] =	sbarrier.arrive $0xFFFF  }
0x58a: {  	s19 =	rddreg [dreg:$0x4]  }
0x58b: {  	[tilespmem:s10], [sflag:$0x3] =	stream.linear.gather [spmem:s19], $0x2800, $0x38;
	[tilespmem:$0x1A100] =	vst v63  }
0x58c: {  	_ =	swait.ge [sflag:s17], $0x2800  }
0x58d: {  	[sflag:s17] =	ssyncset.done $0x0  }
0x58e: {  	s20 =	simm.s32 $0x0;
	s21 =	rddreg [dreg:$0x11];
	[sflag:s17] =	ssyncadd.s32 $0xFFFFD800  }
0x58f: {  	[tilespmem:s20], [sflag:$0x3] =	stream.linear.gather [hbm4b:s21+s20], $0x2710, $0x38;
	[tilespmem:$0x1A100] =	vst v63  }
0x590: {  	_ =	swait.ge [sflag:s17], $0x2710  }
0x591: {  	[sflag:s17] =	ssyncset.done $0x0  }
0x592: {  	s22 =	rddreg [dreg:$0xd];
	[sflag:s17] =	ssyncadd.s32 $0xFFFFD8F0  }
0x593: {  	[tilespmem:s14], [sflag:$0x3] =	stream.linear.gather [hbm4b:s22+s20], $0x2710, $0x38;
	[tilespmem:$0x1A100] =	vst v63  }
0x594: {  	_ =	swait.ge [sflag:s17], $0x2710  }
0x595: {  	[sflag:s17] =	ssyncset.done $0x0  }
0x596: {  	s25 =	simm.s32 $0x4E20;
	s23 =	rddreg [dreg:$0xe];
	[sflag:s17] =	ssyncadd.s32 $0xFFFFD8F0  }
0x597: {  	[tilespmem:s25], [sflag:$0x3] =	stream.linear.gather [hbm4b:s23+s20], $0x2710, $0x38;
	[tilespmem:$0x1A100] =	vst v63  }
0x598: {  	_ =	swait.ge [sflag:s17], $0x2710  }
0x599: {  	[sflag:s17] =	ssyncset.done $0x0  }
0x59a: {  	s14 =	simm.s32 $0x0;
	[sflag:s17] =	ssyncadd.s32 $0xFFFFD8F0  }
0x59b: {  	v22 =	vld [tilespmem:s14+$0x0];
	_ =	sdelay $0x1  }
0x59c: {  	v23 =	vld [tilespmem:s14+$0x2710];
	_ =	sdelay $0x4  }
0x59d: {  	v24 =	vld [tilespmem:s14+$0x4E20]  }
0x59e: {  	v22 =	vld.idx.msk [tilespmem:v22+s10+$0x0], $0xffff  }
0x59f: {  	v25 =	vld [tilespmem:s14+$0x10]  }
0x5a0: {  	v23 =	vld.idx.msk [tilespmem:v23+s10+$0x0], $0xffff  }
0x5a1: {  	v26 =	vld [tilespmem:s14+$0x2720];
	_ =	sdelay $0x1  }
0x5a2: {  	v22 =	vmul.f32 v22, v24;
	_ =	sdelay $0x1  }
0x5a3: {  	v22 =	vmul.f32 v23, v22;
	_ =	sdelay $0x1  }
0x5a4: {  	v23 =	vld [tilespmem:s14+$0x4E30];
	[tilespmem:s14+$0x7530] =	vst v22  }
0x5a5: {  	v22 =	vld.idx.msk [tilespmem:v25+s10+$0x0], $0xffff  }
0x5a6: {  	v24 =	vld.idx.msk [tilespmem:v26+s10+$0x0], $0xffff  }
0x5a7: {  	v25 =	vld [tilespmem:s14+$0x20]  }
0x5a8: {  	v26 =	vld [tilespmem:s14+$0x2730];
	_ =	sdelay $0x1  }
0x5a9: {  	v22 =	vmul.f32 v22, v23;
	_ =	sdelay $0x1  }
0x5aa: {  	v22 =	vmul.f32 v24, v22;
	_ =	sdelay $0x1  }
0x5ab: {  	v23 =	vld [tilespmem:s14+$0x4E40];
	[tilespmem:s14+$0x7540] =	vst v22  }
0x5ac: {  	v22 =	vld.idx.msk [tilespmem:v25+s10+$0x0], $0xffff  }
0x5ad: {  	v24 =	vld.idx.msk [tilespmem:v26+s10+$0x0], $0xffff  }
0x5ae: {  	v25 =	vld [tilespmem:s14+$0x30]  }
0x5af: {  	v26 =	vld [tilespmem:s14+$0x2740];
	_ =	sdelay $0x1  }
0x5b0: {  	v22 =	vmul.f32 v22, v23;
	_ =	sdelay $0x1  }
0x5b1: {  	v22 =	vmul.f32 v24, v22;
	_ =	sdelay $0x1  }
0x5b2: {  	v23 =	vld [tilespmem:s14+$0x4E50];
	[tilespmem:s14+$0x7550] =	vst v22  }
0x5b3: {  	v22 =	vld.idx.msk [tilespmem:v25+s10+$0x0], $0xffff  }
0x5b4: {  	v24 =	vld.idx.msk [tilespmem:v26+s10+$0x0], $0xffff  }
0x5b5: {  	v25 =	vld [tilespmem:s14+$0x40]  }
0x5b6: {  	v26 =	vld [tilespmem:s14+$0x2750];
	_ =	sdelay $0x1  }
0x5b7: {  	v22 =	vmul.f32 v22, v23;
	_ =	sdelay $0x1  }
0x5b8: {  	v22 =	vmul.f32 v24, v22;
	_ =	sdelay $0x1  }
0x5b9: {  	[tilespmem:s14+$0x7560] =	vst v22;
	v22 =	vld [tilespmem:s14+$0x4E60]  }
0x5ba: {  	s29 =	simm.s32 $0x280;
	s20 =	sld [smem:$0x7FC];
	v24 =	vld.idx.msk [tilespmem:v25+s10+$0x0], $0xffff  }
0x5bb: {  	s2 =	simm.s32 $0x50;
	s23 =	simm.s32 $0xD840;
	s9 =	sld [smem:$0x7FD];
	v23 =	vld.idx.msk [tilespmem:v26+s10+$0x0], $0xffff  }
.LBB2_6:
0x5bc: {  	p1 =	sne.s32 s29, $0x9B00;
	v25 =	vld [tilespmem:s2+$0x0]  }
0x5bd: {  	v26 =	vld [tilespmem:s2+$0x2710];
	_ =	sdelay $0x1  }
0x5be: {  	v22 =	vmul.f32 v24, v22;
	_ =	sdelay $0x1  }
0x5bf: {  	v22 =	vmul.f32 v23, v22;
	_ =	sdelay $0x1  }
0x5c0: {  	v23 =	vld [tilespmem:s2+$0x4E20];
	[tilespmem:s14+$0x7570] =	vst v22;
	s14 =	smov.u32 s2  }
0x5c1: {  	v22 =	vld.idx.msk [tilespmem:v25+s10+$0x0], $0xffff  }
0x5c2: {  	v24 =	vld.idx.msk [tilespmem:v26+s10+$0x0], $0xffff;
	_ =	sdelay $0x1  }
0x5c3: {  	v25 =	vld [tilespmem:s14+$0x10];
	_ =	sdelay $0x1  }
0x5c4: {  	v26 =	vld [tilespmem:s14+$0x2720]  }
0x5c5: {  	v22 =	vmul.f32 v22, v23;
	_ =	sdelay $0x1  }
0x5c6: {  	v22 =	vmul.f32 v24, v22;
	_ =	sdelay $0x1  }
0x5c7: {  	[tilespmem:s14+$0x7530] =	vst v22  }
0x5c8: {  	v22 =	vld.idx.msk [tilespmem:v25+s10+$0x0], $0xffff  }
0x5c9: {  	v23 =	vld [tilespmem:s14+$0x4E30]  }
0x5ca: {  	v24 =	vld.idx.msk [tilespmem:v26+s10+$0x0], $0xffff  }
0x5cb: {  	v25 =	vld [tilespmem:s14+$0x20];
	_ =	sdelay $0x1  }
0x5cc: {  	v26 =	vld [tilespmem:s14+$0x2730]  }
0x5cd: {  	v22 =	vmul.f32 v22, v23;
	_ =	sdelay $0x1  }
0x5ce: {  	v22 =	vmul.f32 v24, v22;
	_ =	sdelay $0x1  }
0x5cf: {  	[tilespmem:s14+$0x7540] =	vst v22  }
0x5d0: {  	v22 =	vld.idx.msk [tilespmem:v25+s10+$0x0], $0xffff  }
0x5d1: {  	v23 =	vld [tilespmem:s14+$0x4E40]  }
0x5d2: {  	v24 =	vld.idx.msk [tilespmem:v26+s10+$0x0], $0xffff  }
0x5d3: {  	v25 =	vld [tilespmem:s14+$0x30];
	_ =	sdelay $0x1  }
0x5d4: {  	v26 =	vld [tilespmem:s14+$0x2740]  }
0x5d5: {  	v22 =	vmul.f32 v22, v23;
	_ =	sdelay $0x1  }
0x5d6: {  	v22 =	vmul.f32 v24, v22;
	_ =	sdelay $0x1  }
0x5d7: {  	[tilespmem:s14+$0x7550] =	vst v22  }
0x5d8: {  	v22 =	vld.idx.msk [tilespmem:v25+s10+$0x0], $0xffff  }
0x5d9: {  	v23 =	vld [tilespmem:s14+$0x4E50]  }
0x5da: {  	v24 =	vld.idx.msk [tilespmem:v26+s10+$0x0], $0xffff  }
0x5db: {  	v25 =	vld [tilespmem:s14+$0x40]  }
0x5dc: {  	v26 =	vld [tilespmem:s14+$0x2750];
	_ =	sdelay $0x1  }
0x5dd: {  	v22 =	vmul.f32 v22, v23;
	_ =	sdelay $0x1  }
0x5de: {  	v22 =	vmul.f32 v24, v22  }
.Ltmp2:
0x5df: {  	(pc) =	sbr.rel @p1 .LBB2_6-.Ltmp2, $4  }
0x5e0: {  	[tilespmem:s14+$0x7560] =	vst v22;
	v22 =	vld [tilespmem:s14+$0x4E60]  }
0x5e1: {  	v24 =	vld.idx.msk [tilespmem:v25+s10+$0x0], $0xffff  }
0x5e2: {  	v23 =	vld.idx.msk [tilespmem:v26+s10+$0x0], $0xffff  }
0x5e3: {  	s2 =	sshra.s32 s29, $0x2;
	s29 =	sadd.s32 $0x140, s29  }
0x5e4: {  	v25 =	vld [tilespmem:s2+$0x0];
	_ =	sdelay $0x1  }
0x5e5: {  	v26 =	vld [tilespmem:s2+$0x2710]  }
0x5e6: {  	v22 =	vmul.f32 v24, v22;
	_ =	sdelay $0x1  }
0x5e7: {  	v22 =	vmul.f32 v23, v22;
	_ =	sdelay $0x1  }
0x5e8: {  	v23 =	vld [tilespmem:s2+$0x4E20];
	[tilespmem:s14+$0x7570] =	vst v22  }
0x5e9: {  	v22 =	vld.idx.msk [tilespmem:v25+s10+$0x0], $0xffff  }
0x5ea: {  	v52 =	vld [tilespmem:s2+$0x10]  }
0x5eb: {  	v51 =	vld.idx.msk [tilespmem:v26+s10+$0x0], $0xffff;
	_ =	sdelay $0x1  }
0x5ec: {  	v53 =	vld [tilespmem:s2+$0x2720]  }
0x5ed: {  	v22 =	vmul.f32 v22, v23;
	_ =	sdelay $0x1  }
0x5ee: {  	v22 =	vmul.f32 v51, v22;
	_ =	sdelay $0x1  }
0x5ef: {  	v23 =	vld [tilespmem:s2+$0x4E30];
	[tilespmem:s2+$0x7530] =	vst v22  }
0x5f0: {  	v22 =	vld.idx.msk [tilespmem:v52+s10+$0x0], $0xffff  }
0x5f1: {  	v55 =	vld [tilespmem:s2+$0x20]  }
0x5f2: {  	v54 =	vld.idx.msk [tilespmem:v53+s10+$0x0], $0xffff;
	_ =	sdelay $0x1  }
0x5f3: {  	v56 =	vld [tilespmem:s2+$0x2730]  }
0x5f4: {  	v22 =	vmul.f32 v22, v23;
	_ =	sdelay $0x1  }
0x5f5: {  	v22 =	vmul.f32 v54, v22;
	_ =	sdelay $0x1  }
0x5f6: {  	v23 =	vld [tilespmem:s2+$0x4E40];
	[tilespmem:s2+$0x7540] =	vst v22  }
0x5f7: {  	v22 =	vld.idx.msk [tilespmem:v55+s10+$0x0], $0xffff  }
0x5f8: {  	v58 =	vld [tilespmem:s2+$0x30]  }
0x5f9: {  	v57 =	vld.idx.msk [tilespmem:v56+s10+$0x0], $0xffff;
	_ =	sdelay $0x1  }
0x5fa: {  	v59 =	vld [tilespmem:s2+$0x2740]  }
0x5fb: {  	v22 =	vmul.f32 v22, v23;
	_ =	sdelay $0x1  }
0x5fc: {  	v22 =	vmul.f32 v57, v22;
	_ =	sdelay $0x1  }
0x5fd: {  	v23 =	vld [tilespmem:s2+$0x4E50];
	[tilespmem:s2+$0x7550] =	vst v22  }
0x5fe: {  	v22 =	vld.idx.msk [tilespmem:v58+s10+$0x0], $0xffff  }
0x5ff: {  	v61 =	vld [tilespmem:s2+$0x40]  }
0x600: {  	v60 =	vld.idx.msk [tilespmem:v59+s10+$0x0], $0xffff;
	_ =	sdelay $0x1  }
0x601: {  	v62 =	vld [tilespmem:s2+$0x2750]  }
0x602: {  	v22 =	vmul.f32 v22, v23;
	_ =	sdelay $0x1  }
0x603: {  	v22 =	vmul.f32 v60, v22;
	_ =	sdelay $0x1  }
0x604: {  	[tilespmem:s2+$0x7560] =	vst v22;
	v22 =	vld [tilespmem:s2+$0x4E60]  }
0x605: {  	v23 =	vld.idx.msk [tilespmem:v61+s10+$0x0], $0xffff;
	_ =	sdelay $0x1  }
0x606: {  	v63 =	vld.idx.msk [tilespmem:v62+s10+$0x0], $0xffff;
	_ =	sdelay $0x2  }
0x607: {  	v22 =	vmul.f32 v23, v22;
	_ =	sdelay $0x1  }
0x608: {  	v22 =	vmul.f32 v63, v22;
	_ =	sdelay $0x1  }
0x609: {  	s22 =	rddreg [dreg:$0x12];
	s14 =	simm.s32 $0x0;
	[tilespmem:s2+$0x7570] =	vst v22  }
0x60a: {  	[hbm4b:s22+s14] =	stream.linear.scatter [tilespmem:s3], [sflag:$0x3], $0x2710, $0x38;
	[tilespmem:$0x1A100] =	vst v63  }
0x60b: {  	_ =	swait.ge [sflag:s17], $0x2710  }
0x60c: {  	s19 =	sld [smem:$0x7FB]  }
0x60d: {  	[sflag:s17] =	ssyncset.done $0x0  }
0x60e: {  	[sflag:s17] =	ssyncadd.s32 $0xFFFFD8F0  }
0x60f: {  	[spmem:s19] =	stream.linear.scatter [tilespmem:s23], [sflag:$0x3], $0x2000, $0x38;
	[tilespmem:$0x1A100] =	vst v63  }
0x610: {  	_ =	swait.ge [sflag:s17], $0x2000  }
0x611: {  	[sflag:s17] =	ssyncset.done $0x0  }
0x612: {  	[sflag:s17] =	ssyncadd.s32 $0xFFFFE000  }
0x613: {  	[spmem:s9] =	stream.linear.scatter [tilespmem:s23], [sflag:$0x3], $0x2000, $0x38;
	[tilespmem:$0x1A100] =	vst v63  }
0x614: {  	_ =	swait.ge [sflag:s17], $0x2000  }
0x615: {  	[sflag:s17] =	ssyncset.done $0x0  }
0x616: {  	s25 =	rddreg [dreg:$0x13];
	[sflag:s17] =	ssyncadd.s32 $0xFFFFE000  }
0x617: {  	[spmem:s25] =	stream.linear.scatter [tilespmem:s23], [sflag:$0x3], $0x2000, $0x38;
	[tilespmem:$0x1A100] =	vst v63  }
0x618: {  	_ =	swait.ge [sflag:s17], $0x2000  }
0x619: {  	[sflag:s17] =	ssyncset.done $0x0  }
0x61a: {  	s29 =	rddreg [dreg:$0x14];
	[sflag:s17] =	ssyncadd.s32 $0xFFFFE000  }
0x61b: {  	[spmem:s29] =	stream.linear.scatter [tilespmem:s23], [sflag:$0x3], $0x2000, $0x38;
	[tilespmem:$0x1A100] =	vst v63  }
0x61c: {  	_ =	swait.ge [sflag:s17], $0x2000  }
0x61d: {  	[sflag:s17] =	ssyncset.done $0x0  }
0x61e: {  	[sflag:s17] =	ssyncadd.s32 $0xFFFFE000  }
0x61f: {  	[spmem:s20] =	stream.linear.scatter [tilespmem:s23], [sflag:$0x3], $0x2000, $0x38;
	[tilespmem:$0x1A100] =	vst v63  }
0x620: {  	_ =	swait.ge [sflag:s17], $0x2000  }
0x621: {  	[sflag:s17] =	ssyncset.done $0x0  }
0x622: {  	[sflag:s17] =	ssyncadd.s32 $0xFFFFE000  }
0x623: {  	s11 =	simm.s32 $0x0;
	[bflag:$0x0] =	sbarrier.arrive $0xFFFF  }
0x624: {  	s21 =	simm.s32 $0xFAC0;
	s25 =	simm.s32 $0xFB10;
	s5 =	sld [smem:$0x7F5]  }
.LBB2_8:
0x625: {  	v22 =	vmov s11  }
0x626: {  	v22 =	vmul.u32 $0x50, v22;
	_ =	sdelay $0x1  }
0x627: {  	s2 =	smul.u32 $0x50, s11;
	v23 =	vmov s14;
	v22 =	vbroadcast v22, $0x0  }
0x628: {  	v24 =	vand.u32 $0x78, v23  }
0x629: {  	v23 =	vand.u32 $0x7, v23;
	[tilespmem:s31], [sflag:$0x1] =	stream.indirect.gather [hbm4b:s6+s15], $0x40, s2, s15, $0xb8;
	v24 =	vadd.s32 v22, v24;
	[tilespmem:$0x1A100] =	vst v63  }
0x62a: {  	_ =	swait.ge [sflag:s13], $0x1400;
	v23 =	vor.u32 v23, v24  }
0x62b: {  	[sflag:s13] =	ssyncset.done $0x0  }
0x62c: {  	s16 =	simm.s32 $0xC460;
	[sflag:s13] =	ssyncadd.s32 $0xFFFFEC00  }
0x62d: {  	v25 =	vld [tilespmem:s16+$0xFFFFFFF0]  }
0x62e: {  	v26 =	vld [tilespmem:s16+$0x10]  }
0x62f: {  	v28 =	vld.idx.msk [tilespmem:v23+s3+$0x0], $0xffff  }
0x630: {  	v23 =	vld [tilespmem:s16+$0xFFFFFFE0]  }
0x631: {  	v29 =	vld [tilespmem:s16+$0x0]  }
0x632: {  	s8 =	simm.s32 $0x1  }
0x633: {  	v24 =	vmov s8  }
0x634: {  	v27 =	vand.u32 $0x78, v24;
	v30 =	vand.u32 $0x7, v24  }
0x635: {  	v31 =	vadd.s32 v22, v27;
	v24 =	vmul.f32 v23, v28;
	v27 =	vmul.f32 v26, v28  }
0x636: {  	s12 =	simm.s32 $0x2;
	s8 =	simm.s32 $0xC460;
	v23 =	vor.u32 v30, v31;
	v26 =	vmul.f32 v25, v28;
	v25 =	vmul.f32 v29, v28  }
.LBB2_9:
0x637: {  	p1 =	sne.s32 s12, $0x4F  }
0x638: {  	[tilespmem:s16+$0x10] =	vst v27;
	s8 =	sadd.s32 $0x40, s8;
	s22 =	smov.u32 s12;
	s12 =	sadd.s32 $0x1, s12  }
0x639: {  	[tilespmem:s16+$0xFFFFFFE0] =	vst v24  }
0x63a: {  	v28 =	vld [tilespmem:s8+$0xFFFFFFF0];
	[tilespmem:s16+$0xFFFFFFF0] =	vst v26  }
0x63b: {  	v26 =	vld [tilespmem:s8+$0x10];
	[tilespmem:s16+$0x0] =	vst v25;
	s16 =	smov.u32 s8  }
0x63c: {  	v25 =	vld.idx.msk [tilespmem:v23+s3+$0x0], $0xffff  }
0x63d: {  	v23 =	vld [tilespmem:s8+$0xFFFFFFE0]  }
0x63e: {  	v29 =	vld [tilespmem:s8+$0x0]  }
.Ltmp3:
0x63f: {  	(pc) =	sbr.rel @p1 .LBB2_9-.Ltmp3, $4  }
0x640: {  	v24 =	vmov s22  }
0x641: {  	v27 =	vand.u32 $0x78, v24;
	v30 =	vand.u32 $0x7, v24  }
0x642: {  	v31 =	vadd.s32 v22, v27;
	v27 =	vmul.f32 v26, v25;
	v24 =	vmul.f32 v23, v25  }
0x643: {  	v26 =	vmul.f32 v28, v25;
	v23 =	vor.u32 v30, v31;
	v25 =	vmul.f32 v29, v25  }
0x644: {  	[tilespmem:s16+$0x10] =	vst v27  }
0x645: {  	s8 =	sadd.s32 $0x40, s8;
	[tilespmem:s16+$0xFFFFFFE0] =	vst v24  }
0x646: {  	v22 =	vld [tilespmem:s8+$0xFFFFFFF0];
	[tilespmem:s16+$0xFFFFFFF0] =	vst v26  }
0x647: {  	v24 =	vld [tilespmem:s8+$0x10];
	[tilespmem:s16+$0x0] =	vst v25  }
0x648: {  	v23 =	vld.idx.msk [tilespmem:v23+s3+$0x0], $0xffff  }
0x649: {  	v25 =	vld [tilespmem:s8+$0xFFFFFFE0];
	_ =	sdelay $0x1  }
0x64a: {  	v26 =	vld [tilespmem:s8+$0x0];
	_ =	sdelay $0x1  }
0x64b: {  	v24 =	vmul.f32 v24, v23  }
0x64c: {  	v25 =	vmul.f32 v25, v23  }
0x64d: {  	v22 =	vmul.f32 v22, v23;
	[tilespmem:s8+$0x10] =	vst v24  }
0x64e: {  	s11 =	sadd.s32 $0x1, s11;
	v23 =	vmul.f32 v26, v23;
	[tilespmem:s8+$0xFFFFFFE0] =	vst v25  }
0x64f: {  	p1 =	sne.s32 s11, $0x7D;
	[tilespmem:s8+$0xFFFFFFF0] =	vst v22  }
.Ltmp4:
0x650: {  	s2 =	sadd.s32 $0x2710, s2;
	[tilespmem:s8+$0x0] =	vst v23;
	(pc) =	sbr.rel @p1 .LBB2_8-.Ltmp4, $4  }
0x651: {  	[spmem:s4] =	stream.indirect.scatter.add.f32 [tilespmem:s31], [sflag:$0x2], $0x40, s2, s15, $0xb8;
	[tilespmem:$0x1A100] =	vst v63  }
0x652: {  	_ =	swait.ge [sflag:s26], $0x1400  }
0x653: {  	[sflag:s26] =	ssyncset.done $0x0  }
0x654: {  	[sflag:s26] =	ssyncadd.s32 $0xFFFFEC00  }
0x655: {  	s2 =	simm.s32 $0x0;
	s8 =	rddreg [dreg:$0x15]  }
0x656: {  	[tilespmem:s31], [sflag:$0x3] =	stream.linear.gather [hbm4b:s8+s2], $0x1400, $0x38;
	[tilespmem:$0x1A100] =	vst v63  }
0x657: {  	_ =	swait.ge [sflag:s17], $0x1400  }
0x658: {  	[sflag:s17] =	ssyncset.done $0x0  }
0x659: {  	s29 =	sadd.s32 $0x0, s18;
	[sflag:s17] =	ssyncadd.s32 $0xFFFFEC00  }
0x65a: {  	v22 =	vmov s29;
	[tilespmem:$0xFAC0] =	vst v16  }
0x65b: {  	[tilespmem:$0xFAD0] =	vst v0  }
0x65c: {  	[tilespmem:$0xFAE0] =	vst v1  }
0x65d: {  	[tilespmem:$0xFAF0] =	vst v2  }
0x65e: {  	[tilespmem:$0xFB00] =	vst v3  }
0x65f: {  	v22 =	vld.idx.msk [tilespmem:v22+s10+$0x0], $0xffff  }
0x660: {  	s2 =	simm.s32 $0xC460  }
0x661: {  	v25 =	vld [tilespmem:s2+$0xFFFFFFF0]  }
0x662: {  	v26 =	vld [tilespmem:s2+$0xFFFFFFE0]  }
0x663: {  	v24 =	vld [tilespmem:s2+$0x0]  }
0x664: {  	v23 =	vmul.f32 v22, v22;
	v22 =	vld [tilespmem:s2+$0x10];
	_ =	sdelay $0x3  }
0x665: {  	s11 =	sadd.s32 $0x1, s18;
	s8 =	simm.s32 $0x2;
	v26 =	vmul.f32 v23, v26;
	v25 =	vmul.f32 v25, v23  }
.LBB2_12:
0x666: {  	p1 =	sne.s32 s8, $0x4F;
	v27 =	vmov s11;
	v24 =	vmul.f32 v24, v23;
	v22 =	vmul.f32 v22, v23  }
0x667: {  	[tilespmem:s2+$0xFFFFFFE0] =	vst v26  }
0x668: {  	[tilespmem:s2+$0xFFFFFFF0] =	vst v25  }
0x669: {  	[tilespmem:s2+$0x0] =	vst v24  }
0x66a: {  	[tilespmem:s2+$0x10] =	vst v22  }
0x66b: {  	s2 =	sadd.s32 $0x40, s2;
	v23 =	vld.idx.msk [tilespmem:v27+s10+$0x0], $0xffff  }
0x66c: {  	v25 =	vld [tilespmem:s2+$0xFFFFFFF0]  }
0x66d: {  	v22 =	vld [tilespmem:s2+$0x10]  }
0x66e: {  	v26 =	vld [tilespmem:s2+$0xFFFFFFE0]  }
.Ltmp5:
0x66f: {  	v24 =	vld [tilespmem:s2+$0x0];
	(pc) =	sbr.rel @p1 .LBB2_12-.Ltmp5, $3  }
0x670: {  	_ = 	snop  }
0x671: {  	v23 =	vmul.f32 v23, v23;
	_ =	sdelay $0x1  }
0x672: {  	s11 =	sadd.s32 s8, s18;
	s8 =	sadd.s32 $0x1, s8;
	v25 =	vmul.f32 v25, v23;
	v26 =	vmul.f32 v23, v26  }
0x673: {  	v27 =	vmov s11  }
0x674: {  	v24 =	vmul.f32 v24, v23;
	[tilespmem:s2+$0xFFFFFFE0] =	vst v26  }
0x675: {  	v22 =	vmul.f32 v22, v23;
	[tilespmem:s2+$0xFFFFFFF0] =	vst v25  }
0x676: {  	[tilespmem:s2+$0x0] =	vst v24  }
0x677: {  	[tilespmem:s2+$0x10] =	vst v22  }
0x678: {  	v22 =	vld.idx.msk [tilespmem:v27+s10+$0x0], $0xffff  }
0x679: {  	s16 =	sadd.s32 $0x40, s2  }
0x67a: {  	v23 =	vld [tilespmem:s16+$0xFFFFFFE0]  }
0x67b: {  	v24 =	vld [tilespmem:s16+$0xFFFFFFF0]  }
0x67c: {  	v25 =	vld [tilespmem:s16+$0x0]  }
0x67d: {  	v26 =	vld [tilespmem:s16+$0x10];
	v22 =	vmul.f32 v22, v22;
	_ =	sdelay $0x1  }
0x67e: {  	v23 =	vmul.f32 v22, v23  }
0x67f: {  	v24 =	vmul.f32 v24, v22  }
0x680: {  	v25 =	vmul.f32 v25, v22;
	[tilespmem:s16+$0xFFFFFFE0] =	vst v23  }
0x681: {  	v22 =	vmul.f32 v26, v22;
	[tilespmem:s16+$0xFFFFFFF0] =	vst v24  }
0x682: {  	[tilespmem:s16+$0x0] =	vst v25  }
0x683: {  	[tilespmem:s16+$0x10] =	vst v22  }
0x684: {  	[spmem:s4] =	stream.indirect.scatter.add.f32 [tilespmem:s31], [sflag:$0x2], $0x40, s21, s15, $0xb8;
	[tilespmem:$0x1A100] =	vst v63  }
0x685: {  	_ =	swait.ge [sflag:s26], $0x1400  }
0x686: {  	[sflag:s26] =	ssyncset.done $0x0  }
0x687: {  	s22 =	simm.s32 $0x0;
	s8 =	rddreg [dreg:$0x17];
	[sflag:s26] =	ssyncadd.s32 $0xFFFFEC00  }
0x688: {  	[tilespmem:s31], [sflag:$0x3] =	stream.linear.gather [hbm4b:s8+s22], $0x1400, $0x38;
	[tilespmem:$0x1A100] =	vst v63  }
0x689: {  	_ =	swait.ge [sflag:s17], $0x1400  }
0x68a: {  	[sflag:s17] =	ssyncset.done $0x0  }
0x68b: {  	s29 =	sadd.s32 $0x0, s28;
	[sflag:s17] =	ssyncadd.s32 $0xFFFFEC00  }
0x68c: {  	v22 =	vmov s29;
	[tilespmem:$0xFB10] =	vst v17  }
0x68d: {  	[tilespmem:$0xFB20] =	vst v4  }
0x68e: {  	[tilespmem:$0xFB30] =	vst v5  }
0x68f: {  	[tilespmem:$0xFB40] =	vst v6  }
0x690: {  	[tilespmem:$0xFB50] =	vst v7  }
0x691: {  	v22 =	vld.idx.msk [tilespmem:v22+s10+$0x0], $0xffff  }
0x692: {  	s2 =	simm.s32 $0xC460  }
0x693: {  	v25 =	vld [tilespmem:s2+$0xFFFFFFF0]  }
0x694: {  	v26 =	vld [tilespmem:s2+$0xFFFFFFE0]  }
0x695: {  	v24 =	vld [tilespmem:s2+$0x0]  }
0x696: {  	v23 =	vmul.f32 v22, v22;
	v22 =	vld [tilespmem:s2+$0x10];
	_ =	sdelay $0x3  }
0x697: {  	s11 =	sadd.s32 $0x1, s28;
	s8 =	simm.s32 $0x2;
	v26 =	vmul.f32 v23, v26;
	v25 =	vmul.f32 v25, v23  }
.LBB2_14:
0x698: {  	p1 =	sne.s32 s8, $0x4F;
	v27 =	vmov s11;
	v24 =	vmul.f32 v24, v23;
	v22 =	vmul.f32 v22, v23  }
0x699: {  	[tilespmem:s2+$0xFFFFFFE0] =	vst v26  }
0x69a: {  	[tilespmem:s2+$0xFFFFFFF0] =	vst v25  }
0x69b: {  	[tilespmem:s2+$0x0] =	vst v24  }
0x69c: {  	[tilespmem:s2+$0x10] =	vst v22  }
0x69d: {  	s2 =	sadd.s32 $0x40, s2;
	v23 =	vld.idx.msk [tilespmem:v27+s10+$0x0], $0xffff  }
0x69e: {  	v25 =	vld [tilespmem:s2+$0xFFFFFFF0]  }
0x69f: {  	v22 =	vld [tilespmem:s2+$0x10]  }
0x6a0: {  	v26 =	vld [tilespmem:s2+$0xFFFFFFE0]  }
.Ltmp6:
0x6a1: {  	v24 =	vld [tilespmem:s2+$0x0];
	(pc) =	sbr.rel @p1 .LBB2_14-.Ltmp6, $3  }
0x6a2: {  	_ = 	snop  }
0x6a3: {  	v23 =	vmul.f32 v23, v23;
	_ =	sdelay $0x1  }
0x6a4: {  	s11 =	sadd.s32 s8, s28;
	s8 =	sadd.s32 $0x1, s8;
	v25 =	vmul.f32 v25, v23;
	v26 =	vmul.f32 v23, v26  }
0x6a5: {  	v27 =	vmov s11  }
0x6a6: {  	v24 =	vmul.f32 v24, v23;
	[tilespmem:s2+$0xFFFFFFE0] =	vst v26  }
0x6a7: {  	v22 =	vmul.f32 v22, v23;
	[tilespmem:s2+$0xFFFFFFF0] =	vst v25  }
0x6a8: {  	[tilespmem:s2+$0x0] =	vst v24  }
0x6a9: {  	[tilespmem:s2+$0x10] =	vst v22  }
0x6aa: {  	v22 =	vld.idx.msk [tilespmem:v27+s10+$0x0], $0xffff  }
0x6ab: {  	s16 =	sadd.s32 $0x40, s2  }
0x6ac: {  	v23 =	vld [tilespmem:s16+$0xFFFFFFE0]  }
0x6ad: {  	v24 =	vld [tilespmem:s16+$0xFFFFFFF0]  }
0x6ae: {  	v25 =	vld [tilespmem:s16+$0x0]  }
0x6af: {  	v26 =	vld [tilespmem:s16+$0x10];
	v22 =	vmul.f32 v22, v22;
	_ =	sdelay $0x1  }
0x6b0: {  	v23 =	vmul.f32 v22, v23  }
0x6b1: {  	v24 =	vmul.f32 v24, v22  }
0x6b2: {  	v25 =	vmul.f32 v25, v22;
	[tilespmem:s16+$0xFFFFFFE0] =	vst v23  }
0x6b3: {  	v22 =	vmul.f32 v26, v22;
	[tilespmem:s16+$0xFFFFFFF0] =	vst v24  }
0x6b4: {  	[tilespmem:s16+$0x0] =	vst v25  }
0x6b5: {  	[tilespmem:s16+$0x10] =	vst v22  }
0x6b6: {  	[spmem:s4] =	stream.indirect.scatter.add.f32 [tilespmem:s31], [sflag:$0x2], $0x40, s25, s15, $0xb8;
	[tilespmem:$0x1A100] =	vst v63  }
0x6b7: {  	_ =	swait.ge [sflag:s26], $0x1400  }
0x6b8: {  	[sflag:s26] =	ssyncset.done $0x0  }
0x6b9: {  	s22 =	simm.s32 $0x0;
	s8 =	rddreg [dreg:$0x19];
	[sflag:s26] =	ssyncadd.s32 $0xFFFFEC00  }
0x6ba: {  	[tilespmem:s31], [sflag:$0x3] =	stream.linear.gather [hbm4b:s8+s22], $0x1400, $0x38;
	[tilespmem:$0x1A100] =	vst v63  }
0x6bb: {  	_ =	swait.ge [sflag:s17], $0x1400  }
0x6bc: {  	[sflag:s17] =	ssyncset.done $0x0  }
0x6bd: {  	s29 =	sadd.s32 $0x0, s30;
	[sflag:s17] =	ssyncadd.s32 $0xFFFFEC00  }
0x6be: {  	v22 =	vmov s29;
	[tilespmem:$0xFB60] =	vst v18  }
0x6bf: {  	[tilespmem:$0xFB70] =	vst v8  }
0x6c0: {  	[tilespmem:$0xFB80] =	vst v9  }
0x6c1: {  	[tilespmem:$0xFB90] =	vst v10  }
0x6c2: {  	[tilespmem:$0xFBA0] =	vst v11  }
0x6c3: {  	v22 =	vld.idx.msk [tilespmem:v22+s10+$0x0], $0xffff  }
0x6c4: {  	s2 =	simm.s32 $0xC460  }
0x6c5: {  	v25 =	vld [tilespmem:s2+$0xFFFFFFF0]  }
0x6c6: {  	v26 =	vld [tilespmem:s2+$0xFFFFFFE0]  }
0x6c7: {  	v24 =	vld [tilespmem:s2+$0x0]  }
0x6c8: {  	v23 =	vmul.f32 v22, v22;
	v22 =	vld [tilespmem:s2+$0x10];
	_ =	sdelay $0x3  }
0x6c9: {  	s11 =	sadd.s32 $0x1, s30;
	s8 =	simm.s32 $0x2;
	v26 =	vmul.f32 v23, v26;
	v25 =	vmul.f32 v25, v23  }
.LBB2_16:
0x6ca: {  	p1 =	sne.s32 s8, $0x4F;
	v27 =	vmov s11;
	v24 =	vmul.f32 v24, v23;
	v22 =	vmul.f32 v22, v23  }
0x6cb: {  	[tilespmem:s2+$0xFFFFFFE0] =	vst v26  }
0x6cc: {  	[tilespmem:s2+$0xFFFFFFF0] =	vst v25  }
0x6cd: {  	[tilespmem:s2+$0x0] =	vst v24  }
0x6ce: {  	[tilespmem:s2+$0x10] =	vst v22  }
0x6cf: {  	s2 =	sadd.s32 $0x40, s2;
	v23 =	vld.idx.msk [tilespmem:v27+s10+$0x0], $0xffff  }
0x6d0: {  	v25 =	vld [tilespmem:s2+$0xFFFFFFF0]  }
0x6d1: {  	v22 =	vld [tilespmem:s2+$0x10]  }
0x6d2: {  	v26 =	vld [tilespmem:s2+$0xFFFFFFE0]  }
.Ltmp7:
0x6d3: {  	v24 =	vld [tilespmem:s2+$0x0];
	(pc) =	sbr.rel @p1 .LBB2_16-.Ltmp7, $3  }
0x6d4: {  	_ = 	snop  }
0x6d5: {  	v23 =	vmul.f32 v23, v23;
	_ =	sdelay $0x1  }
0x6d6: {  	s11 =	sadd.s32 s8, s30;
	s8 =	sadd.s32 $0x1, s8;
	v25 =	vmul.f32 v25, v23;
	v26 =	vmul.f32 v23, v26  }
0x6d7: {  	v27 =	vmov s11  }
0x6d8: {  	v24 =	vmul.f32 v24, v23;
	[tilespmem:s2+$0xFFFFFFE0] =	vst v26  }
0x6d9: {  	v22 =	vmul.f32 v22, v23;
	[tilespmem:s2+$0xFFFFFFF0] =	vst v25  }
0x6da: {  	[tilespmem:s2+$0x0] =	vst v24  }
0x6db: {  	[tilespmem:s2+$0x10] =	vst v22  }
0x6dc: {  	v22 =	vld.idx.msk [tilespmem:v27+s10+$0x0], $0xffff  }
0x6dd: {  	s14 =	sadd.s32 $0x40, s2  }
0x6de: {  	v23 =	vld [tilespmem:s14+$0xFFFFFFE0]  }
0x6df: {  	v24 =	vld [tilespmem:s14+$0xFFFFFFF0]  }
0x6e0: {  	v25 =	vld [tilespmem:s14+$0x0]  }
0x6e1: {  	v26 =	vld [tilespmem:s14+$0x10];
	v22 =	vmul.f32 v22, v22;
	_ =	sdelay $0x1  }
0x6e2: {  	v23 =	vmul.f32 v22, v23  }
0x6e3: {  	v24 =	vmul.f32 v24, v22  }
0x6e4: {  	v25 =	vmul.f32 v25, v22;
	[tilespmem:s14+$0xFFFFFFE0] =	vst v23  }
0x6e5: {  	v22 =	vmul.f32 v26, v22;
	[tilespmem:s14+$0xFFFFFFF0] =	vst v24  }
0x6e6: {  	[tilespmem:s14+$0x0] =	vst v25  }
0x6e7: {  	s16 =	simm.s32 $0xFB60;
	[tilespmem:s14+$0x10] =	vst v22  }
0x6e8: {  	[spmem:s4] =	stream.indirect.scatter.add.f32 [tilespmem:s31], [sflag:$0x2], $0x40, s16, s15, $0xb8;
	[tilespmem:$0x1A100] =	vst v63  }
0x6e9: {  	_ =	swait.ge [sflag:s26], $0x1400  }
0x6ea: {  	[sflag:s26] =	ssyncset.done $0x0  }
0x6eb: {  	s22 =	simm.s32 $0x0;
	s8 =	rddreg [dreg:$0x1b];
	[sflag:s26] =	ssyncadd.s32 $0xFFFFEC00  }
0x6ec: {  	[tilespmem:s31], [sflag:$0x3] =	stream.linear.gather [hbm4b:s8+s22], $0x1400, $0x38;
	[tilespmem:$0x1A100] =	vst v63  }
0x6ed: {  	_ =	swait.ge [sflag:s17], $0x1400  }
0x6ee: {  	[sflag:s17] =	ssyncset.done $0x0  }
0x6ef: {  	s29 =	sadd.s32 $0x0, s0;
	[sflag:s17] =	ssyncadd.s32 $0xFFFFEC00  }
0x6f0: {  	v22 =	vmov s29;
	[tilespmem:$0xFBB0] =	vst v19  }
0x6f1: {  	[tilespmem:$0xFBC0] =	vst v12  }
0x6f2: {  	[tilespmem:$0xFBD0] =	vst v13  }
0x6f3: {  	[tilespmem:$0xFBE0] =	vst v14  }
0x6f4: {  	[tilespmem:$0xFBF0] =	vst v15  }
0x6f5: {  	v22 =	vld.idx.msk [tilespmem:v22+s10+$0x0], $0xffff  }
0x6f6: {  	s2 =	simm.s32 $0xC460  }
0x6f7: {  	v25 =	vld [tilespmem:s2+$0xFFFFFFF0]  }
0x6f8: {  	v26 =	vld [tilespmem:s2+$0xFFFFFFE0]  }
0x6f9: {  	v24 =	vld [tilespmem:s2+$0x0]  }
0x6fa: {  	v23 =	vmul.f32 v22, v22;
	v22 =	vld [tilespmem:s2+$0x10];
	_ =	sdelay $0x3  }
0x6fb: {  	s11 =	sadd.s32 $0x1, s0;
	s8 =	simm.s32 $0x2;
	v26 =	vmul.f32 v23, v26;
	v25 =	vmul.f32 v25, v23  }
.LBB2_18:
0x6fc: {  	p1 =	sne.s32 s8, $0x4F;
	v27 =	vmov s11;
	v24 =	vmul.f32 v24, v23;
	v22 =	vmul.f32 v22, v23  }
0x6fd: {  	[tilespmem:s2+$0xFFFFFFE0] =	vst v26  }
0x6fe: {  	[tilespmem:s2+$0xFFFFFFF0] =	vst v25  }
0x6ff: {  	[tilespmem:s2+$0x0] =	vst v24  }
0x700: {  	[tilespmem:s2+$0x10] =	vst v22  }
0x701: {  	s2 =	sadd.s32 $0x40, s2;
	v23 =	vld.idx.msk [tilespmem:v27+s10+$0x0], $0xffff  }
0x702: {  	v25 =	vld [tilespmem:s2+$0xFFFFFFF0]  }
0x703: {  	v22 =	vld [tilespmem:s2+$0x10]  }
0x704: {  	v26 =	vld [tilespmem:s2+$0xFFFFFFE0]  }
.Ltmp8:
0x705: {  	v24 =	vld [tilespmem:s2+$0x0];
	(pc) =	sbr.rel @p1 .LBB2_18-.Ltmp8, $3  }
0x706: {  	_ = 	snop  }
0x707: {  	v23 =	vmul.f32 v23, v23;
	_ =	sdelay $0x1  }
0x708: {  	s11 =	sadd.s32 s8, s0;
	s8 =	sadd.s32 $0x1, s8;
	v25 =	vmul.f32 v25, v23;
	v26 =	vmul.f32 v23, v26  }
0x709: {  	v27 =	vmov s11  }
0x70a: {  	v24 =	vmul.f32 v24, v23;
	[tilespmem:s2+$0xFFFFFFE0] =	vst v26  }
0x70b: {  	v22 =	vmul.f32 v22, v23;
	[tilespmem:s2+$0xFFFFFFF0] =	vst v25  }
0x70c: {  	[tilespmem:s2+$0x0] =	vst v24  }
0x70d: {  	[tilespmem:s2+$0x10] =	vst v22  }
0x70e: {  	v22 =	vld.idx.msk [tilespmem:v27+s10+$0x0], $0xffff  }
0x70f: {  	s11 =	sadd.s32 $0x40, s2  }
0x710: {  	v23 =	vld [tilespmem:s11+$0xFFFFFFE0]  }
0x711: {  	v24 =	vld [tilespmem:s11+$0xFFFFFFF0]  }
0x712: {  	v25 =	vld [tilespmem:s11+$0x0]  }
0x713: {  	v26 =	vld [tilespmem:s11+$0x10];
	v22 =	vmul.f32 v22, v22;
	_ =	sdelay $0x1  }
0x714: {  	v23 =	vmul.f32 v22, v23  }
0x715: {  	v24 =	vmul.f32 v24, v22  }
0x716: {  	v25 =	vmul.f32 v25, v22;
	[tilespmem:s11+$0xFFFFFFE0] =	vst v23  }
0x717: {  	v22 =	vmul.f32 v26, v22;
	[tilespmem:s11+$0xFFFFFFF0] =	vst v24  }
0x718: {  	[tilespmem:s11+$0x0] =	vst v25  }
0x719: {  	s12 =	simm.s32 $0xFBB0;
	[tilespmem:s11+$0x10] =	vst v22  }
0x71a: {  	[spmem:s4] =	stream.indirect.scatter.add.f32 [tilespmem:s31], [sflag:$0x2], $0x40, s12, s15, $0xb8;
	[tilespmem:$0x1A100] =	vst v63  }
0x71b: {  	_ =	swait.ge [sflag:s26], $0x1400  }
0x71c: {  	[sflag:s26] =	ssyncset.done $0x0  }
0x71d: {  	s14 =	stileid.u32;
	[sflag:s26] =	ssyncadd.s32 $0xFFFFEC00  }
0x71e: {  	s2 =	sshll.u32 s14, $0x6;
	[bflag:$0x0] =	sbarrier.arrive $0xFFFF  }
0x71f: {  	s29 =	sshrl.u32 s19, $0x3;
	s14 =	sor.u32 $0x1C03, s2;
	s16 =	rddreg [dreg:$0x1d]  }
0x720: {  	[hbm:s16], [sflag:s14] =	dma.local [spmem:s29], $0x1400  }
0x721: {  	_ =	swait.ge [sflag:s17], $0x1400  }
0x722: {  	[sflag:s17] =	ssyncset.done $0x0  }
0x723: {  	[sflag:s17] =	ssyncadd.s32 $0xFFFFEC00  }
0x724: {  	[spmem:s19] =	stream.linear.scatter [tilespmem:s23], [sflag:$0x3], $0x2000, $0x38;
	[tilespmem:$0x1A100] =	vst v63  }
0x725: {  	_ =	swait.ge [sflag:s17], $0x2000  }
0x726: {  	[sflag:s17] =	ssyncset.done $0x0  }
0x727: {  	[sflag:s17] =	ssyncadd.s32 $0xFFFFE000  }
0x728: {  	[spmem:s9] =	stream.linear.scatter [tilespmem:s23], [sflag:$0x3], $0x2000, $0x38;
	[tilespmem:$0x1A100] =	vst v63  }
0x729: {  	_ =	swait.ge [sflag:s17], $0x2000  }
0x72a: {  	[sflag:s17] =	ssyncset.done $0x0  }
0x72b: {  	s19 =	rddreg [dreg:$0x13];
	[sflag:s17] =	ssyncadd.s32 $0xFFFFE000  }
0x72c: {  	[spmem:s19] =	stream.linear.scatter [tilespmem:s23], [sflag:$0x3], $0x2000, $0x38;
	[tilespmem:$0x1A100] =	vst v63  }
0x72d: {  	_ =	swait.ge [sflag:s17], $0x2000  }
0x72e: {  	[sflag:s17] =	ssyncset.done $0x0  }
0x72f: {  	s22 =	rddreg [dreg:$0x14];
	[sflag:s17] =	ssyncadd.s32 $0xFFFFE000  }
0x730: {  	[spmem:s22] =	stream.linear.scatter [tilespmem:s23], [sflag:$0x3], $0x2000, $0x38;
	[tilespmem:$0x1A100] =	vst v63  }
0x731: {  	_ =	swait.ge [sflag:s17], $0x2000  }
0x732: {  	[sflag:s17] =	ssyncset.done $0x0  }
0x733: {  	[sflag:s17] =	ssyncadd.s32 $0xFFFFE000  }
0x734: {  	[spmem:s20] =	stream.linear.scatter [tilespmem:s23], [sflag:$0x3], $0x2000, $0x38;
	[tilespmem:$0x1A100] =	vst v63  }
0x735: {  	_ =	swait.ge [sflag:s17], $0x2000  }
0x736: {  	[sflag:s17] =	ssyncset.done $0x0  }
0x737: {  	[sflag:s17] =	ssyncadd.s32 $0xFFFFE000  }
0x738: {  	s2 =	simm.s32 $0x0;
	s11 =	simm.s32 $0x0;
	[bflag:$0x0] =	sbarrier.arrive $0xFFFF  }
.LBB2_20:
0x739: {  	v22 =	vmov s2  }
0x73a: {  	v22 =	vmul.u32 $0x50, v22;
	_ =	sdelay $0x1  }
0x73b: {  	s16 =	smul.u32 $0x50, s2;
	v23 =	vmov s11;
	v22 =	vbroadcast v22, $0x0  }
0x73c: {  	v24 =	vand.u32 $0x78, v23  }
0x73d: {  	v23 =	vand.u32 $0x7, v23;
	[tilespmem:s31], [sflag:$0x1] =	stream.indirect.gather [hbm4b:s7+s15], $0x40, s16, s15, $0xb8;
	v24 =	vadd.s32 v22, v24;
	[tilespmem:$0x1A100] =	vst v63  }
0x73e: {  	_ =	swait.ge [sflag:s13], $0x1400;
	v23 =	vor.u32 v23, v24  }
0x73f: {  	[sflag:s13] =	ssyncset.done $0x0  }
0x740: {  	s12 =	simm.s32 $0xC460;
	[sflag:s13] =	ssyncadd.s32 $0xFFFFEC00  }
0x741: {  	v25 =	vld [tilespmem:s12+$0xFFFFFFF0]  }
0x742: {  	v26 =	vld [tilespmem:s12+$0x10]  }
0x743: {  	v28 =	vld.idx.msk [tilespmem:v23+s3+$0x0], $0xffff  }
0x744: {  	v23 =	vld [tilespmem:s12+$0xFFFFFFE0]  }
0x745: {  	v29 =	vld [tilespmem:s12+$0x0]  }
0x746: {  	s8 =	simm.s32 $0x1  }
0x747: {  	v24 =	vmov s8  }
0x748: {  	v27 =	vand.u32 $0x78, v24;
	v30 =	vand.u32 $0x7, v24  }
0x749: {  	v31 =	vadd.s32 v22, v27;
	v24 =	vmul.f32 v23, v28;
	v27 =	vmul.f32 v26, v28  }
0x74a: {  	s22 =	simm.s32 $0xC460;
	s8 =	simm.s32 $0x2;
	v23 =	vor.u32 v30, v31;
	v26 =	vmul.f32 v25, v28;
	v25 =	vmul.f32 v29, v28  }
.LBB2_21:
0x74b: {  	p1 =	sne.s32 s8, $0x4F  }
0x74c: {  	[tilespmem:s12+$0x10] =	vst v27;
	s22 =	sadd.s32 $0x40, s22;
	s23 =	smov.u32 s8;
	s8 =	sadd.s32 $0x1, s8  }
0x74d: {  	[tilespmem:s12+$0xFFFFFFE0] =	vst v24  }
0x74e: {  	v28 =	vld [tilespmem:s22+$0xFFFFFFF0];
	[tilespmem:s12+$0xFFFFFFF0] =	vst v26  }
0x74f: {  	v26 =	vld [tilespmem:s22+$0x10];
	[tilespmem:s12+$0x0] =	vst v25;
	s12 =	smov.u32 s22  }
0x750: {  	v25 =	vld.idx.msk [tilespmem:v23+s3+$0x0], $0xffff  }
0x751: {  	v23 =	vld [tilespmem:s22+$0xFFFFFFE0]  }
0x752: {  	v29 =	vld [tilespmem:s22+$0x0]  }
.Ltmp9:
0x753: {  	(pc) =	sbr.rel @p1 .LBB2_21-.Ltmp9, $4  }
0x754: {  	v24 =	vmov s23  }
0x755: {  	v27 =	vand.u32 $0x78, v24;
	v30 =	vand.u32 $0x7, v24  }
0x756: {  	v31 =	vadd.s32 v22, v27;
	v27 =	vmul.f32 v26, v25;
	v24 =	vmul.f32 v23, v25  }
0x757: {  	v26 =	vmul.f32 v28, v25;
	v23 =	vor.u32 v30, v31;
	v25 =	vmul.f32 v29, v25  }
0x758: {  	[tilespmem:s12+$0x10] =	vst v27  }
0x759: {  	s8 =	sadd.s32 $0x40, s22;
	[tilespmem:s12+$0xFFFFFFE0] =	vst v24  }
0x75a: {  	v22 =	vld [tilespmem:s8+$0xFFFFFFF0];
	[tilespmem:s12+$0xFFFFFFF0] =	vst v26  }
0x75b: {  	v24 =	vld [tilespmem:s8+$0x10];
	[tilespmem:s12+$0x0] =	vst v25  }
0x75c: {  	v23 =	vld.idx.msk [tilespmem:v23+s3+$0x0], $0xffff  }
0x75d: {  	v25 =	vld [tilespmem:s8+$0xFFFFFFE0];
	_ =	sdelay $0x1  }
0x75e: {  	v26 =	vld [tilespmem:s8+$0x0];
	_ =	sdelay $0x1  }
0x75f: {  	v24 =	vmul.f32 v24, v23  }
0x760: {  	v25 =	vmul.f32 v25, v23  }
0x761: {  	v22 =	vmul.f32 v22, v23;
	[tilespmem:s8+$0x10] =	vst v24  }
0x762: {  	s2 =	sadd.s32 $0x1, s2;
	v23 =	vmul.f32 v26, v23;
	[tilespmem:s8+$0xFFFFFFE0] =	vst v25  }
0x763: {  	p1 =	sne.s32 s2, $0x7D;
	[tilespmem:s8+$0xFFFFFFF0] =	vst v22  }
.Ltmp10:
0x764: {  	s23 =	sadd.s32 $0x2710, s16;
	[tilespmem:s8+$0x0] =	vst v23;
	(pc) =	sbr.rel @p1 .LBB2_20-.Ltmp10, $4  }
0x765: {  	[spmem:s4] =	stream.indirect.scatter.add.f32 [tilespmem:s31], [sflag:$0x2], $0x40, s23, s15, $0xb8;
	[tilespmem:$0x1A100] =	vst v63  }
0x766: {  	_ =	swait.ge [sflag:s26], $0x1400  }
0x767: {  	[sflag:s26] =	ssyncset.done $0x0  }
0x768: {  	[sflag:s26] =	ssyncadd.s32 $0xFFFFEC00  }
0x769: {  	s2 =	simm.s32 $0x0;
	s8 =	rddreg [dreg:$0x16]  }
0x76a: {  	[tilespmem:s31], [sflag:$0x3] =	stream.linear.gather [hbm4b:s8+s2], $0x1400, $0x38;
	[tilespmem:$0x1A100] =	vst v63  }
0x76b: {  	_ =	swait.ge [sflag:s17], $0x1400  }
0x76c: {  	[sflag:s17] =	ssyncset.done $0x0  }
0x76d: {  	s23 =	sadd.s32 $0x0, s18;
	[sflag:s17] =	ssyncadd.s32 $0xFFFFEC00  }
0x76e: {  	v22 =	vmov s23;
	[tilespmem:$0xFAC0] =	vst v16  }
0x76f: {  	[tilespmem:$0xFAD0] =	vst v0  }
0x770: {  	[tilespmem:$0xFAE0] =	vst v1  }
0x771: {  	[tilespmem:$0xFAF0] =	vst v2  }
0x772: {  	[tilespmem:$0xFB00] =	vst v3  }
0x773: {  	v22 =	vld.idx.msk [tilespmem:v22+s10+$0x0], $0xffff  }
0x774: {  	s2 =	simm.s32 $0xC460  }
0x775: {  	v25 =	vld [tilespmem:s2+$0xFFFFFFF0]  }
0x776: {  	v26 =	vld [tilespmem:s2+$0xFFFFFFE0]  }
0x777: {  	v24 =	vld [tilespmem:s2+$0x0]  }
0x778: {  	v23 =	vmul.f32 v22, v22;
	v22 =	vld [tilespmem:s2+$0x10];
	_ =	sdelay $0x3  }
0x779: {  	s11 =	sadd.s32 $0x1, s18;
	s8 =	simm.s32 $0x2;
	v26 =	vmul.f32 v23, v26;
	v25 =	vmul.f32 v25, v23  }
.LBB2_24:
0x77a: {  	p1 =	sne.s32 s8, $0x4F;
	v27 =	vmov s11;
	v24 =	vmul.f32 v24, v23;
	v22 =	vmul.f32 v22, v23  }
0x77b: {  	[tilespmem:s2+$0xFFFFFFE0] =	vst v26  }
0x77c: {  	[tilespmem:s2+$0xFFFFFFF0] =	vst v25  }
0x77d: {  	[tilespmem:s2+$0x0] =	vst v24  }
0x77e: {  	[tilespmem:s2+$0x10] =	vst v22  }
0x77f: {  	s2 =	sadd.s32 $0x40, s2;
	v23 =	vld.idx.msk [tilespmem:v27+s10+$0x0], $0xffff  }
0x780: {  	v25 =	vld [tilespmem:s2+$0xFFFFFFF0]  }
0x781: {  	v22 =	vld [tilespmem:s2+$0x10]  }
0x782: {  	v26 =	vld [tilespmem:s2+$0xFFFFFFE0]  }
.Ltmp11:
0x783: {  	v24 =	vld [tilespmem:s2+$0x0];
	(pc) =	sbr.rel @p1 .LBB2_24-.Ltmp11, $3  }
0x784: {  	_ = 	snop  }
0x785: {  	v23 =	vmul.f32 v23, v23;
	_ =	sdelay $0x1  }
0x786: {  	s11 =	sadd.s32 s8, s18;
	s8 =	sadd.s32 $0x1, s8;
	v25 =	vmul.f32 v25, v23;
	v26 =	vmul.f32 v23, v26  }
0x787: {  	v27 =	vmov s11  }
0x788: {  	v24 =	vmul.f32 v24, v23;
	[tilespmem:s2+$0xFFFFFFE0] =	vst v26  }
0x789: {  	v22 =	vmul.f32 v22, v23;
	[tilespmem:s2+$0xFFFFFFF0] =	vst v25  }
0x78a: {  	[tilespmem:s2+$0x0] =	vst v24  }
0x78b: {  	[tilespmem:s2+$0x10] =	vst v22  }
0x78c: {  	v22 =	vld.idx.msk [tilespmem:v27+s10+$0x0], $0xffff  }
0x78d: {  	s20 =	sadd.s32 $0x40, s2  }
0x78e: {  	v23 =	vld [tilespmem:s20+$0xFFFFFFE0]  }
0x78f: {  	v24 =	vld [tilespmem:s20+$0xFFFFFFF0]  }
0x790: {  	v25 =	vld [tilespmem:s20+$0x0]  }
0x791: {  	v26 =	vld [tilespmem:s20+$0x10];
	v22 =	vmul.f32 v22, v22;
	_ =	sdelay $0x1  }
0x792: {  	v23 =	vmul.f32 v22, v23  }
0x793: {  	v24 =	vmul.f32 v24, v22  }
0x794: {  	v25 =	vmul.f32 v25, v22;
	[tilespmem:s20+$0xFFFFFFE0] =	vst v23  }
0x795: {  	v22 =	vmul.f32 v26, v22;
	[tilespmem:s20+$0xFFFFFFF0] =	vst v24  }
0x796: {  	[tilespmem:s20+$0x0] =	vst v25  }
0x797: {  	[tilespmem:s20+$0x10] =	vst v22  }
0x798: {  	[spmem:s4] =	stream.indirect.scatter.add.f32 [tilespmem:s31], [sflag:$0x2], $0x40, s21, s15, $0xb8;
	[tilespmem:$0x1A100] =	vst v63  }
0x799: {  	_ =	swait.ge [sflag:s26], $0x1400  }
0x79a: {  	[sflag:s26] =	ssyncset.done $0x0  }
0x79b: {  	s22 =	simm.s32 $0x0;
	s8 =	rddreg [dreg:$0x18];
	[sflag:s26] =	ssyncadd.s32 $0xFFFFEC00  }
0x79c: {  	[tilespmem:s31], [sflag:$0x3] =	stream.linear.gather [hbm4b:s8+s22], $0x1400, $0x38;
	[tilespmem:$0x1A100] =	vst v63  }
0x79d: {  	_ =	swait.ge [sflag:s17], $0x1400  }
0x79e: {  	[sflag:s17] =	ssyncset.done $0x0  }
0x79f: {  	s23 =	sadd.s32 $0x0, s28;
	[sflag:s17] =	ssyncadd.s32 $0xFFFFEC00  }
0x7a0: {  	v22 =	vmov s23;
	[tilespmem:$0xFB10] =	vst v17  }
0x7a1: {  	[tilespmem:$0xFB20] =	vst v4  }
0x7a2: {  	[tilespmem:$0xFB30] =	vst v5  }
0x7a3: {  	[tilespmem:$0xFB40] =	vst v6  }
0x7a4: {  	[tilespmem:$0xFB50] =	vst v7  }
0x7a5: {  	v22 =	vld.idx.msk [tilespmem:v22+s10+$0x0], $0xffff  }
0x7a6: {  	s2 =	simm.s32 $0xC460  }
0x7a7: {  	v25 =	vld [tilespmem:s2+$0xFFFFFFF0]  }
0x7a8: {  	v26 =	vld [tilespmem:s2+$0xFFFFFFE0]  }
0x7a9: {  	v24 =	vld [tilespmem:s2+$0x0]  }
0x7aa: {  	v23 =	vmul.f32 v22, v22;
	v22 =	vld [tilespmem:s2+$0x10];
	_ =	sdelay $0x3  }
0x7ab: {  	s11 =	sadd.s32 $0x1, s28;
	s8 =	simm.s32 $0x2;
	v26 =	vmul.f32 v23, v26;
	v25 =	vmul.f32 v25, v23  }
.LBB2_26:
0x7ac: {  	p1 =	sne.s32 s8, $0x4F;
	v27 =	vmov s11;
	v24 =	vmul.f32 v24, v23;
	v22 =	vmul.f32 v22, v23  }
0x7ad: {  	[tilespmem:s2+$0xFFFFFFE0] =	vst v26  }
0x7ae: {  	[tilespmem:s2+$0xFFFFFFF0] =	vst v25  }
0x7af: {  	[tilespmem:s2+$0x0] =	vst v24  }
0x7b0: {  	[tilespmem:s2+$0x10] =	vst v22  }
0x7b1: {  	s2 =	sadd.s32 $0x40, s2;
	v23 =	vld.idx.msk [tilespmem:v27+s10+$0x0], $0xffff  }
0x7b2: {  	v25 =	vld [tilespmem:s2+$0xFFFFFFF0]  }
0x7b3: {  	v22 =	vld [tilespmem:s2+$0x10]  }
0x7b4: {  	v26 =	vld [tilespmem:s2+$0xFFFFFFE0]  }
.Ltmp12:
0x7b5: {  	v24 =	vld [tilespmem:s2+$0x0];
	(pc) =	sbr.rel @p1 .LBB2_26-.Ltmp12, $3  }
0x7b6: {  	_ = 	snop  }
0x7b7: {  	v23 =	vmul.f32 v23, v23;
	_ =	sdelay $0x1  }
0x7b8: {  	s11 =	sadd.s32 s8, s28;
	s8 =	sadd.s32 $0x1, s8;
	v25 =	vmul.f32 v25, v23;
	v26 =	vmul.f32 v23, v26  }
0x7b9: {  	v27 =	vmov s11  }
0x7ba: {  	v24 =	vmul.f32 v24, v23;
	[tilespmem:s2+$0xFFFFFFE0] =	vst v26  }
0x7bb: {  	v22 =	vmul.f32 v22, v23;
	[tilespmem:s2+$0xFFFFFFF0] =	vst v25  }
0x7bc: {  	[tilespmem:s2+$0x0] =	vst v24  }
0x7bd: {  	[tilespmem:s2+$0x10] =	vst v22  }
0x7be: {  	v22 =	vld.idx.msk [tilespmem:v27+s10+$0x0], $0xffff  }
0x7bf: {  	s22 =	sadd.s32 $0x40, s2  }
0x7c0: {  	v23 =	vld [tilespmem:s22+$0xFFFFFFE0]  }
0x7c1: {  	v24 =	vld [tilespmem:s22+$0xFFFFFFF0]  }
0x7c2: {  	v25 =	vld [tilespmem:s22+$0x0]  }
0x7c3: {  	v26 =	vld [tilespmem:s22+$0x10];
	v22 =	vmul.f32 v22, v22;
	_ =	sdelay $0x1  }
0x7c4: {  	v23 =	vmul.f32 v22, v23  }
0x7c5: {  	v24 =	vmul.f32 v24, v22  }
0x7c6: {  	v25 =	vmul.f32 v25, v22;
	[tilespmem:s22+$0xFFFFFFE0] =	vst v23  }
0x7c7: {  	v22 =	vmul.f32 v26, v22;
	[tilespmem:s22+$0xFFFFFFF0] =	vst v24  }
0x7c8: {  	[tilespmem:s22+$0x0] =	vst v25  }
0x7c9: {  	[tilespmem:s22+$0x10] =	vst v22  }
0x7ca: {  	[spmem:s4] =	stream.indirect.scatter.add.f32 [tilespmem:s31], [sflag:$0x2], $0x40, s25, s15, $0xb8;
	[tilespmem:$0x1A100] =	vst v63  }
0x7cb: {  	_ =	swait.ge [sflag:s26], $0x1400  }
0x7cc: {  	[sflag:s26] =	ssyncset.done $0x0  }
0x7cd: {  	s23 =	simm.s32 $0x0;
	s8 =	rddreg [dreg:$0x1a];
	[sflag:s26] =	ssyncadd.s32 $0xFFFFEC00  }
0x7ce: {  	[tilespmem:s31], [sflag:$0x3] =	stream.linear.gather [hbm4b:s8+s23], $0x1400, $0x38;
	[tilespmem:$0x1A100] =	vst v63  }
0x7cf: {  	_ =	swait.ge [sflag:s17], $0x1400  }
0x7d0: {  	[sflag:s17] =	ssyncset.done $0x0  }
0x7d1: {  	s25 =	sadd.s32 $0x0, s30;
	[sflag:s17] =	ssyncadd.s32 $0xFFFFEC00  }
0x7d2: {  	v22 =	vmov s25;
	[tilespmem:$0xFB60] =	vst v18  }
0x7d3: {  	[tilespmem:$0xFB70] =	vst v8  }
0x7d4: {  	[tilespmem:$0xFB80] =	vst v9  }
0x7d5: {  	[tilespmem:$0xFB90] =	vst v10  }
0x7d6: {  	[tilespmem:$0xFBA0] =	vst v11  }
0x7d7: {  	v22 =	vld.idx.msk [tilespmem:v22+s10+$0x0], $0xffff  }
0x7d8: {  	s2 =	simm.s32 $0xC460  }
0x7d9: {  	v25 =	vld [tilespmem:s2+$0xFFFFFFF0]  }
0x7da: {  	v26 =	vld [tilespmem:s2+$0xFFFFFFE0]  }
0x7db: {  	v24 =	vld [tilespmem:s2+$0x0]  }
0x7dc: {  	v23 =	vmul.f32 v22, v22;
	v22 =	vld [tilespmem:s2+$0x10];
	_ =	sdelay $0x3  }
0x7dd: {  	s11 =	sadd.s32 $0x1, s30;
	s8 =	simm.s32 $0x2;
	v26 =	vmul.f32 v23, v26;
	v25 =	vmul.f32 v25, v23  }
.LBB2_28:
0x7de: {  	p1 =	sne.s32 s8, $0x4F;
	v27 =	vmov s11;
	v24 =	vmul.f32 v24, v23;
	v22 =	vmul.f32 v22, v23  }
0x7df: {  	[tilespmem:s2+$0xFFFFFFE0] =	vst v26  }
0x7e0: {  	[tilespmem:s2+$0xFFFFFFF0] =	vst v25  }
0x7e1: {  	[tilespmem:s2+$0x0] =	vst v24  }
0x7e2: {  	[tilespmem:s2+$0x10] =	vst v22  }
0x7e3: {  	s2 =	sadd.s32 $0x40, s2;
	v23 =	vld.idx.msk [tilespmem:v27+s10+$0x0], $0xffff  }
0x7e4: {  	v25 =	vld [tilespmem:s2+$0xFFFFFFF0]  }
0x7e5: {  	v22 =	vld [tilespmem:s2+$0x10]  }
0x7e6: {  	v26 =	vld [tilespmem:s2+$0xFFFFFFE0]  }
.Ltmp13:
0x7e7: {  	v24 =	vld [tilespmem:s2+$0x0];
	(pc) =	sbr.rel @p1 .LBB2_28-.Ltmp13, $3  }
0x7e8: {  	_ = 	snop  }
0x7e9: {  	v23 =	vmul.f32 v23, v23;
	_ =	sdelay $0x1  }
0x7ea: {  	s11 =	sadd.s32 s8, s30;
	s8 =	sadd.s32 $0x1, s8;
	v25 =	vmul.f32 v25, v23;
	v26 =	vmul.f32 v23, v26  }
0x7eb: {  	v27 =	vmov s11  }
0x7ec: {  	v24 =	vmul.f32 v24, v23;
	[tilespmem:s2+$0xFFFFFFE0] =	vst v26  }
0x7ed: {  	v22 =	vmul.f32 v22, v23;
	[tilespmem:s2+$0xFFFFFFF0] =	vst v25  }
0x7ee: {  	[tilespmem:s2+$0x0] =	vst v24  }
0x7ef: {  	[tilespmem:s2+$0x10] =	vst v22  }
0x7f0: {  	v22 =	vld.idx.msk [tilespmem:v27+s10+$0x0], $0xffff  }
0x7f1: {  	s21 =	sadd.s32 $0x40, s2  }
0x7f2: {  	v23 =	vld [tilespmem:s21+$0xFFFFFFE0]  }
0x7f3: {  	v24 =	vld [tilespmem:s21+$0xFFFFFFF0]  }
0x7f4: {  	v25 =	vld [tilespmem:s21+$0x0]  }
0x7f5: {  	v26 =	vld [tilespmem:s21+$0x10];
	v22 =	vmul.f32 v22, v22;
	_ =	sdelay $0x1  }
0x7f6: {  	v23 =	vmul.f32 v22, v23  }
0x7f7: {  	v24 =	vmul.f32 v24, v22  }
0x7f8: {  	v25 =	vmul.f32 v25, v22;
	[tilespmem:s21+$0xFFFFFFE0] =	vst v23  }
0x7f9: {  	v22 =	vmul.f32 v26, v22;
	[tilespmem:s21+$0xFFFFFFF0] =	vst v24  }
0x7fa: {  	[tilespmem:s21+$0x0] =	vst v25  }
0x7fb: {  	s22 =	simm.s32 $0xFB60;
	[tilespmem:s21+$0x10] =	vst v22  }
0x7fc: {  	[spmem:s4] =	stream.indirect.scatter.add.f32 [tilespmem:s31], [sflag:$0x2], $0x40, s22, s15, $0xb8;
	[tilespmem:$0x1A100] =	vst v63  }
0x7fd: {  	_ =	swait.ge [sflag:s26], $0x1400  }
0x7fe: {  	[sflag:s26] =	ssyncset.done $0x0  }
0x7ff: {  	s23 =	simm.s32 $0x0;
	s8 =	rddreg [dreg:$0x1c];
	[sflag:s26] =	ssyncadd.s32 $0xFFFFEC00  }
0x800: {  	[tilespmem:s31], [sflag:$0x3] =	stream.linear.gather [hbm4b:s8+s23], $0x1400, $0x38;
	[tilespmem:$0x1A100] =	vst v63  }
0x801: {  	_ =	swait.ge [sflag:s17], $0x1400  }
0x802: {  	[sflag:s17] =	ssyncset.done $0x0  }
0x803: {  	s25 =	sadd.s32 $0x0, s0;
	[sflag:s17] =	ssyncadd.s32 $0xFFFFEC00  }
0x804: {  	v22 =	vmov s25;
	[tilespmem:$0xFBB0] =	vst v19  }
0x805: {  	[tilespmem:$0xFBC0] =	vst v12  }
0x806: {  	[tilespmem:$0xFBD0] =	vst v13  }
0x807: {  	[tilespmem:$0xFBE0] =	vst v14  }
0x808: {  	[tilespmem:$0xFBF0] =	vst v15  }
0x809: {  	v22 =	vld.idx.msk [tilespmem:v22+s10+$0x0], $0xffff  }
0x80a: {  	s2 =	simm.s32 $0xC460  }
0x80b: {  	v25 =	vld [tilespmem:s2+$0xFFFFFFF0]  }
0x80c: {  	v26 =	vld [tilespmem:s2+$0xFFFFFFE0]  }
0x80d: {  	v24 =	vld [tilespmem:s2+$0x0]  }
0x80e: {  	v23 =	vmul.f32 v22, v22;
	v22 =	vld [tilespmem:s2+$0x10];
	_ =	sdelay $0x3  }
0x80f: {  	s11 =	sadd.s32 $0x1, s0;
	s8 =	simm.s32 $0x2;
	v26 =	vmul.f32 v23, v26;
	v25 =	vmul.f32 v25, v23  }
.LBB2_30:
0x810: {  	p1 =	sne.s32 s8, $0x4F;
	v27 =	vmov s11;
	v24 =	vmul.f32 v24, v23;
	v22 =	vmul.f32 v22, v23  }
0x811: {  	[tilespmem:s2+$0xFFFFFFE0] =	vst v26  }
0x812: {  	[tilespmem:s2+$0xFFFFFFF0] =	vst v25  }
0x813: {  	[tilespmem:s2+$0x0] =	vst v24  }
0x814: {  	[tilespmem:s2+$0x10] =	vst v22  }
0x815: {  	s2 =	sadd.s32 $0x40, s2;
	v23 =	vld.idx.msk [tilespmem:v27+s10+$0x0], $0xffff  }
0x816: {  	v25 =	vld [tilespmem:s2+$0xFFFFFFF0]  }
0x817: {  	v22 =	vld [tilespmem:s2+$0x10]  }
0x818: {  	v26 =	vld [tilespmem:s2+$0xFFFFFFE0]  }
.Ltmp14:
0x819: {  	v24 =	vld [tilespmem:s2+$0x0];
	(pc) =	sbr.rel @p1 .LBB2_30-.Ltmp14, $3  }
0x81a: {  	_ = 	snop  }
0x81b: {  	v23 =	vmul.f32 v23, v23;
	_ =	sdelay $0x1  }
0x81c: {  	s11 =	sadd.s32 s8, s0;
	s8 =	sadd.s32 $0x1, s8;
	v25 =	vmul.f32 v25, v23;
	v26 =	vmul.f32 v23, v26  }
0x81d: {  	v27 =	vmov s11  }
0x81e: {  	v24 =	vmul.f32 v24, v23;
	[tilespmem:s2+$0xFFFFFFE0] =	vst v26  }
0x81f: {  	v22 =	vmul.f32 v22, v23;
	[tilespmem:s2+$0xFFFFFFF0] =	vst v25  }
0x820: {  	[tilespmem:s2+$0x0] =	vst v24  }
0x821: {  	[tilespmem:s2+$0x10] =	vst v22  }
0x822: {  	v22 =	vld.idx.msk [tilespmem:v27+s10+$0x0], $0xffff  }
0x823: {  	s22 =	sadd.s32 $0x40, s2  }
0x824: {  	v23 =	vld [tilespmem:s22+$0xFFFFFFE0]  }
0x825: {  	v24 =	vld [tilespmem:s22+$0xFFFFFFF0]  }
0x826: {  	v25 =	vld [tilespmem:s22+$0x0]  }
0x827: {  	v26 =	vld [tilespmem:s22+$0x10];
	v22 =	vmul.f32 v22, v22;
	_ =	sdelay $0x1  }
0x828: {  	v23 =	vmul.f32 v22, v23  }
0x829: {  	v24 =	vmul.f32 v24, v22  }
0x82a: {  	v25 =	vmul.f32 v25, v22;
	[tilespmem:s22+$0xFFFFFFE0] =	vst v23  }
0x82b: {  	v22 =	vmul.f32 v26, v22;
	[tilespmem:s22+$0xFFFFFFF0] =	vst v24  }
0x82c: {  	[tilespmem:s22+$0x0] =	vst v25  }
0x82d: {  	s23 =	simm.s32 $0xFBB0;
	[tilespmem:s22+$0x10] =	vst v22  }
0x82e: {  	[spmem:s4] =	stream.indirect.scatter.add.f32 [tilespmem:s31], [sflag:$0x2], $0x40, s23, s15, $0xb8;
	[tilespmem:$0x1A100] =	vst v63  }
0x82f: {  	_ =	swait.ge [sflag:s26], $0x1400  }
0x830: {  	[sflag:s26] =	ssyncset.done $0x0  }
0x831: {  	[sflag:s26] =	ssyncadd.s32 $0xFFFFEC00  }
0x832: {  	[bflag:$0x0] =	sbarrier.arrive $0xFFFF  }
0x833: {  	s25 =	rddreg [dreg:$0x1e]  }
0x834: {  	[hbm:s25], [sflag:s14] =	dma.local [spmem:s29], $0x1400  }
0x835: {  	_ =	swait.ge [sflag:s17], $0x1400  }
0x836: {  	s5 =	sadd.s32 $0x1, s5;
	s29 =	rddreg [dreg:$0x1f]  }
0x837: {  	p1 =	sne.s32 s5, s29  }
.Ltmp15:
0x838: {  	_ = 	snop;
	(pc) =	sbr.rel @p1 .LBB2_1-.Ltmp15, $3  }
0x839: {  	_ =	sdelay $0x1  }
0x83a: {  	[sflag:s17] =	ssyncset.done $0x0  }
0x83b: {  	[sflag:s17] =	ssyncadd.s32 $0xFFFFEC00  }
0x83c: {  	_ =	sfence.sel $0x180000  }
0x83d: {  	[bflag:$0x0] =	sbarrier.arrive $0xFFFF  }
0x83e: {  	_ =	strace $0x90000047  }
0x83f: {  	s0 =	stileid.u32;
	[bflag:$0x2] =	sbarrier.arrive $0xFFFF  }
0x840: {  	p0 =	sne.s32 s0, $0x0;
	s0 =	rddreg [dreg:$0x6]  }
0x841: {  	s0 =	sadd.s32 @!p0 $0x100000, s0  }
0x842: {  	[sflag:s0] =	ssyncadd.tile.s32 @!p0 $0x1;
	_ =	shalt  }
.Lfunc_end2:
_tile_overlayer_lowered:
.L_overlay_start_2:
0x843: {  	(tag) =	ssettag $0x2  }
0x844: {  	s0 =	rddreg [dreg:$0x0];
	s2 =	stileid.u32  }
0x845: {  	s1 =	rddreg [dreg:$0x1];
	p0 =	sne.s32 s2, $0x0  }
0x846: {  	s3 =	rddreg [dreg:$0x2];
	[bflag:$0x3] =	sbarrier.arrive $0xFFFF;
	s2 =	simm.s32 @!p0 $0x1C03  }
0x847: {  	[timem:s3], [sflag:s2] =	dma.local @!p0 [hbm:s0], s1  }
0x848: {  	s0 =	simm.s32 @!p0 $0x3  }
0x849: {  	_ =	swait.ge @!p0 [sflag:s0], s1  }
0x84a: {  	s1 =	ssub.s32 @!p0 $0x0, s1;
	[sflag:s0] =	ssyncset.done @!p0 $0x0  }
0x84b: {  	[sflag:s0] =	ssyncadd.s32 @!p0 s1  }
0x84c: {  	[bflag:$0x3] =	sbarrier.arrive $0xFFFF  }
0x84d: {  	_ =	shalt  }

</sc_bundles>
